<compile_context>
chip_gen: v7x
topology: tpu7x:2x2x1
jax: 0.10.2.dev20260603
libtpu: 0.0.44.dev20260713+nightly
codegen_flags: <defaults>
</compile_context>

<pallas_src>
import functools

import jax
import jax.numpy as jnp
from jax import lax
from jax.experimental import pallas as pl
from jax.experimental.pallas import tpu as pltpu
from jax.experimental.pallas import tpu_sc as plsc

N = 10000
E = 320000
D = 128

NC = 2
NS = 16
K = 128

R = ((E + K - 1) // K + NC * NS - 1) // (NC * NS) * (NC * NS)
EP = R * K
ROWS_PER_CORE = R // NC
STEPS = ROWS_PER_CORE // NS

NP = 10112
STRIPE = NP // NS

f32 = jnp.float32
i32 = jnp.int32

_sc_mesh = plsc.VectorSubcoreMesh(core_axis_name="c", subcore_axis_name="s")


@functools.partial(
    pl.kernel,
    out_type=jax.ShapeDtypeStruct((NC, NP, D), f32),
    mesh=_sc_mesh,
    scratch_types=[
        pltpu.VMEM((2, K), i32),
        pltpu.VMEM((K, D), f32),
        pltpu.VMEM_SHARED((NP, D), f32),
    ],
)
def _sc_degrees(srcc, dstc, srcr, dstr, zN, ones4, dpart, idx_v, ones_v,
                deg_s):
    c = lax.axis_index("c")
    s = lax.axis_index("s")

    pltpu.sync_copy(zN.at[pl.ds(s * STRIPE, STRIPE)],
                    deg_s.at[pl.ds(s * STRIPE, STRIPE)])
    plsc.subcore_barrier()

    for j, stream in enumerate((srcc, dstc, srcr, dstr)):
        pltpu.sync_copy(ones4.at[j], ones_v)

        def body(step, _, stream=stream):
            off = pl.multiple_of((c * ROWS_PER_CORE + step * NS + s) * K, K)
            pltpu.sync_copy(stream.at[pl.ds(off, K)], idx_v.at[0])
            pltpu.sync_copy(ones_v, deg_s.at[idx_v.at[0]], add=True)
            return 0

        lax.fori_loop(0, STEPS, body, 0)

    plsc.subcore_barrier()
    pltpu.sync_copy(deg_s.at[pl.ds(s * STRIPE, STRIPE)],
                    dpart.at[c, pl.ds(s * STRIPE, STRIPE)])


@functools.partial(
    pl.kernel,
    out_type=[jax.ShapeDtypeStruct((NC, NP, D), f32),
              jax.ShapeDtypeStruct((NC, NP, D), f32)],
    mesh=_sc_mesh,
    scratch_types=[
        pltpu.VMEM((2, 2, K), i32),
        pltpu.VMEM((2, K, D), f32),
        pltpu.VMEM_SHARED((NP, D), f32),
        pltpu.SemaphoreType.DMA,
        pltpu.SemaphoreType.DMA,
    ],
)
def _sc_aggregate(tc, tr, srcc, dstc, srcr, dstr, zN, aggc, aggr, idx_v,
                  rows_v, agg_s, sem0, sem1):
    c = lax.axis_index("c")
    s = lax.axis_index("s")
    sems = (sem0, sem1)

    for table, src, dst, out in ((tc, srcc, dstc, aggc),
                                 (tr, srcr, dstr, aggr)):
        def stage(step, buf, src=src, dst=dst):
            off = pl.multiple_of((c * ROWS_PER_CORE + step * NS + s) * K, K)
            pltpu.sync_copy(src.at[pl.ds(off, K)], idx_v.at[buf, 0])
            pltpu.sync_copy(dst.at[pl.ds(off, K)], idx_v.at[buf, 1])

        def gather(buf, table=table):
            pltpu.async_copy(table.at[idx_v.at[buf, 0]], rows_v.at[buf],
                             sems[buf])

        def wait(buf, table=table):
            pltpu.make_async_copy(table.at[idx_v.at[buf, 0]],
                                  rows_v.at[buf], sems[buf]).wait()

        def scatter(buf):
            pltpu.sync_copy(rows_v.at[buf], agg_s.at[idx_v.at[buf, 1]],
                            add=True)

        pltpu.sync_copy(zN.at[pl.ds(s * STRIPE, STRIPE)],
                        agg_s.at[pl.ds(s * STRIPE, STRIPE)])
        plsc.subcore_barrier()

        stage(0, 0)
        gather(0)

        def pair(p, _):
            stage(2 * p + 1, 1)
            gather(1)
            wait(0)
            scatter(0)
            stage(2 * p + 2, 0)
            gather(0)
            wait(1)
            scatter(1)
            return 0

        lax.fori_loop(0, (STEPS - 1) // 2, pair, 0)
        wait(0)
        scatter(0)
        plsc.subcore_barrier()
        pltpu.sync_copy(agg_s.at[pl.ds(s * STRIPE, STRIPE)],
                        out.at[c, pl.ds(s * STRIPE, STRIPE)])
        plsc.subcore_barrier()


BM = 2000


def _scale_body(x_ref, d_ref, xc_ref, xr_ref):
    d = d_ref[...]
    ds_ = d[:, :4] + d[:, 4:]
    so_c = lax.rsqrt(jnp.maximum(ds_[:, 0:1], 1.0))
    so_r = lax.rsqrt(jnp.maximum(ds_[:, 2:3], 1.0))
    xv = x_ref[...]
    xc_ref[...] = xv * so_c
    xr_ref[...] = xv * so_r


def _tc_scale(x, dT):
    grid = (N // BM,)
    return pl.pallas_call(
        _scale_body,
        grid=grid,
        in_specs=[
            pl.BlockSpec((BM, D), lambda i: (i, 0)),
            pl.BlockSpec((BM, 8), lambda i: (i, 0)),
        ],
        out_specs=[
            pl.BlockSpec((BM, D), lambda i: (i, 0)),
            pl.BlockSpec((BM, D), lambda i: (i, 0)),
        ],
        out_shape=[jax.ShapeDtypeStruct((N, D), f32),
                   jax.ShapeDtypeStruct((N, D), f32)],
    )(x, dT)


def _dense_body(relu_and_rescale, ac_ref, ar_ref, d_ref, wc_ref, wr_ref,
                bc_ref, br_ref, *out_refs):
    ac = ac_ref[0] + ac_ref[1]
    ar = ar_ref[0] + ar_ref[1]
    d = d_ref[...]
    ds_ = d[:, :4] + d[:, 4:]
    si_c = lax.rsqrt(jnp.maximum(ds_[:, 1:2], 1.0))
    si_r = lax.rsqrt(jnp.maximum(ds_[:, 3:4], 1.0))
    h = (jnp.dot(ac * si_c, wc_ref[...], preferred_element_type=f32)
         + jnp.dot(ar * si_r, wr_ref[...], preferred_element_type=f32)
         + bc_ref[...] + br_ref[...])
    if relu_and_rescale:
        h = jnp.maximum(h, 0.0)
        so_c = lax.rsqrt(jnp.maximum(ds_[:, 0:1], 1.0))
        so_r = lax.rsqrt(jnp.maximum(ds_[:, 2:3], 1.0))
        out_refs[0][...] = h * so_c
        out_refs[1][...] = h * so_r
    else:
        out_refs[0][...] = h


def _tc_dense(aggc, aggr, dT, wc, wr, bc, br, relu_and_rescale):
    grid = (N // BM,)
    n_out = 2 if relu_and_rescale else 1
    return pl.pallas_call(
        functools.partial(_dense_body, relu_and_rescale),
        grid=grid,
        in_specs=[
            pl.BlockSpec((NC, BM, D), lambda i: (0, i, 0)),
            pl.BlockSpec((NC, BM, D), lambda i: (0, i, 0)),
            pl.BlockSpec((BM, 8), lambda i: (i, 0)),
            pl.BlockSpec((D, D), lambda i: (0, 0)),
            pl.BlockSpec((D, D), lambda i: (0, 0)),
            pl.BlockSpec((1, D), lambda i: (0, 0)),
            pl.BlockSpec((1, D), lambda i: (0, 0)),
        ],
        out_specs=[pl.BlockSpec((BM, D), lambda i: (i, 0))] * n_out,
        out_shape=[jax.ShapeDtypeStruct((N, D), f32)] * n_out,
    )(aggc, aggr, dT, wc, wr, bc, br)


def _pad_idx(a):
    pad = EP - E
    return jnp.concatenate([a, jnp.full((pad,), N, i32)])


def _pad_table(t):
    return jnp.concatenate([t, jnp.zeros((NP - N, D), f32)], axis=0)


def kernel(x, edge_index_cites, edge_index_cited_by, W1_cites, b1_cites,
           W1_cited_by, b1_cited_by, W2_cites, b2_cites, W2_cited_by,
           b2_cited_by):
    srcc = _pad_idx(edge_index_cites[0])
    dstc = _pad_idx(edge_index_cites[1])
    srcr = _pad_idx(edge_index_cited_by[0])
    dstr = _pad_idx(edge_index_cited_by[1])

    zN = jnp.zeros((NP, D), f32)
    lane_group = jnp.arange(D, dtype=i32) // 32
    ones4 = jnp.broadcast_to(
        (lane_group[None, None, :] == jnp.arange(4, dtype=i32)[:, None, None])
        .astype(f32), (4, K, D))

    dpart = _sc_degrees(srcc, dstc, srcr, dstr, zN, ones4)
    lanes4 = dpart[:, :N, ::32]
    dT = jnp.concatenate([lanes4[0], lanes4[1]], axis=1)

    b1c = b1_cites.reshape(1, D)
    b1r = b1_cited_by.reshape(1, D)
    b2c = b2_cites.reshape(1, D)
    b2r = b2_cited_by.reshape(1, D)

    xc, xr = _tc_scale(x, dT)
    aggc, aggr = _sc_aggregate(_pad_table(xc), _pad_table(xr),
                               srcc, dstc, srcr, dstr, zN)
    h1c, h1r = _tc_dense(aggc[:, :N], aggr[:, :N], dT, W1_cites, W1_cited_by,
                         b1c, b1r, True)
    aggc2, aggr2 = _sc_aggregate(_pad_table(h1c), _pad_table(h1r),
                                 srcc, dstc, srcr, dstr, zN)
    (h2,) = _tc_dense(aggc2[:, :N], aggr2[:, :N], dT, W2_cites, W2_cited_by,
                      b2c, b2r, False)
    return h2

# --- scband reference (transcript-rebuilt; emitter-appended) ---
"""Pipeline reference for scband-hetero-gcnciteer-7318624272994 (READ-ONLY COPY).

The authoritative reference and input builder live on the scoring server;
editing this copy changes nothing except your own understanding.
"""

import jax, jax.numpy as jnp
import numpy as np

N = 10000
E = 320000
D_IN = 128
D_H = 128
D_OUT = 128


def setup_inputs(seed: int = 0) -> dict:
    key = jax.random.key(seed)
    ks = jax.random.split(key, 12)
    x = jax.random.normal(ks[0], (N, D_IN), dtype=jnp.float32)
    edge_index_cites = jax.random.randint(ks[1], (2, E), 0, N, dtype=jnp.int32)
    edge_index_cited_by = jax.random.randint(ks[2], (2, E), 0, N, dtype=jnp.int32)
    s1 = 1.0 / np.sqrt(D_IN)
    s2 = 1.0 / np.sqrt(D_H)
    W1_cites = jax.random.normal(ks[3], (D_IN, D_H), dtype=jnp.float32) * s1
    W1_cited_by = jax.random.normal(ks[4], (D_IN, D_H), dtype=jnp.float32) * s1
    W2_cites = jax.random.normal(ks[5], (D_H, D_OUT), dtype=jnp.float32) * s2
    W2_cited_by = jax.random.normal(ks[6], (D_H, D_OUT), dtype=jnp.float32) * s2
    b1_cites = jnp.zeros((D_H,), dtype=jnp.float32)
    b1_cited_by = jnp.zeros((D_H,), dtype=jnp.float32)
    b2_cites = jnp.zeros((D_OUT,), dtype=jnp.float32)
    b2_cited_by = jnp.zeros((D_OUT,), dtype=jnp.float32)
    return {
        "x": x,
        "edge_index_cites": edge_index_cites,
        "edge_index_cited_by": edge_index_cited_by,
        "W1_cites": W1_cites, "b1_cites": b1_cites,
        "W1_cited_by": W1_cited_by, "b1_cited_by": b1_cited_by,
        "W2_cites": W2_cites, "b2_cites": b2_cites,
        "W2_cited_by": W2_cited_by, "b2_cited_by": b2_cited_by,
    }


def graph_conv(x, src, dst, W, b, n_nodes):
    # DGL GraphConv with norm='both': h_src * deg_out^-1/2 -> scatter-add by dst -> * deg_in^-1/2 -> @W + b
    ones = jnp.ones(src.shape[0], dtype=x.dtype)
    deg_out = jnp.maximum(jnp.zeros(n_nodes, dtype=x.dtype).at[src].add(ones), 1.0)
    deg_in = jnp.maximum(jnp.zeros(n_nodes, dtype=x.dtype).at[dst].add(ones), 1.0)
    h = x * (deg_out ** -0.5)[:, None]
    agg = jnp.zeros((n_nodes, x.shape[1]), dtype=x.dtype).at[dst].add(h[src])
    agg = agg * (deg_in ** -0.5)[:, None]
    return agg @ W + b


def reference(x, edge_index_cites, edge_index_cited_by,
              W1_cites, b1_cites, W1_cited_by, b1_cited_by,
              W2_cites, b2_cites, W2_cited_by, b2_cited_by):
    src_c, dst_c = edge_index_cites[0], edge_index_cites[1]
    src_r, dst_r = edge_index_cited_by[0], edge_index_cited_by[1]
    # Layer 1: HeteroGraphConv with aggregate='sum' over relations
    h1 = graph_conv(x, src_c, dst_c, W1_cites, b1_cites, N) \
       + graph_conv(x, src_r, dst_r, W1_cited_by, b1_cited_by, N)
    h1 = jax.nn.relu(h1)
    # Layer 2
    h2 = graph_conv(h1, src_c, dst_c, W2_cites, b2_cites, N) \
       + graph_conv(h1, src_r, dst_r, W2_cited_by, b2_cited_by, N)
    return h2

if __name__ == "__main__":
    import jax
    _d = setup_inputs()
    print(jax.jit(kernel)(*tuple(_d.values())))

</pallas_src>

<mosaic_0001>
#map = affine_map<(d0, d1) -> (0, 0)>
#map1 = affine_map<(d0, d1) -> (0)>
#map2 = affine_map<(d0, d1) -> (0, 0, 0)>
module attributes {stable_mosaic.version = 14 : i64} {
  func.func @_sc_aggregate(%arg0: i32, %arg1: i32, %arg2: memref<10112x128xf32, #tpu.memory_space<hbm>>, %arg3: memref<10112x128xf32, #tpu.memory_space<hbm>>, %arg4: memref<323584xi32, #tpu.memory_space<hbm>>, %arg5: memref<323584xi32, #tpu.memory_space<hbm>>, %arg6: memref<323584xi32, #tpu.memory_space<hbm>>, %arg7: memref<323584xi32, #tpu.memory_space<hbm>>, %arg8: memref<10112x128xf32, #tpu.memory_space<hbm>>, %arg9: memref<2x10112x128xf32, #tpu.memory_space<hbm>>, %arg10: memref<2x10112x128xf32, #tpu.memory_space<hbm>>, %arg11: memref<2x2x128xi32, #tpu.memory_space<vmem>>, %arg12: memref<2x128x128xf32, #tpu.memory_space<vmem>>, %arg13: memref<10112x128xf32, #tpu.memory_space<vmem_shared>>, %arg14: memref<!tpu.dma_semaphore, #tpu.memory_space<semaphore_mem>>, %arg15: memref<!tpu.dma_semaphore, #tpu.memory_space<semaphore_mem>>) attributes {dimension_semantics = [#tpu.dimension_semantics<core_parallel>, #tpu.dimension_semantics<subcore_parallel>], iteration_bounds = array<i64: 2, 16>, scalar_prefetch = 0 : i64, scratch_operands = 5 : i64, tpu.core_type = #tpu.core_type<sc_vector_subcore>, window_params = [{transform_indices = #map}, {transform_indices = #map}, {transform_indices = #map1}, {transform_indices = #map1}, {transform_indices = #map1}, {transform_indices = #map1}, {transform_indices = #map}, {transform_indices = #map2}, {transform_indices = #map2}]} {
    %mul3A = arith.constant 632 : i32
    %mul3A_0 = arith.muli %arg1, %mul3A : i32
    %mul3A_1 = arith.constant 632 : i32
    %mul3A_2 = arith.muli %arg1, %mul3A_1 : i32
    "tpu.region"() ({
      %run_scoped3A_110 = tpu.sem_alloc : memref<!tpu.dma_semaphore, #tpu.memory_space<semaphore_mem>>
      %dma_start3A_111 = arith.constant 0 : i32
      %dma_start3A_112 = tpu.memref_slice %arg13[%mul3A_2, %dma_start3A_111] : memref<10112x128xf32, #tpu.memory_space<vmem_shared>> -> memref<632x128xf32, #tpu.memory_space<vmem_shared>>
      %dma_start3A_113 = arith.constant 0 : i32
      %dma_start3A_114 = tpu.memref_slice %arg8[%mul3A_0, %dma_start3A_113] : memref<10112x128xf32, #tpu.memory_space<hbm>> -> memref<632x128xf32, #tpu.memory_space<hbm>>
      tpu.enqueue_dma source(%dma_start3A_114 : memref<632x128xf32, #tpu.memory_space<hbm>>) target(%dma_start3A_112 : memref<632x128xf32, #tpu.memory_space<vmem_shared>>) target_semaphore(%run_scoped3A_110 : memref<!tpu.dma_semaphore, #tpu.memory_space<semaphore_mem>>)
      %dma_wait3A_115 = arith.constant 0 : i32
      %dma_wait3A_116 = tpu.memref_slice %arg13[%mul3A_2, %dma_wait3A_115] : memref<10112x128xf32, #tpu.memory_space<vmem_shared>> -> memref<632x128xf32, #tpu.memory_space<vmem_shared>>
      %dma_wait3A_117 = arith.constant 0 : i32
      %dma_wait3A_118 = tpu.memref_slice %arg8[%mul3A_0, %dma_wait3A_117] : memref<10112x128xf32, #tpu.memory_space<hbm>> -> memref<632x128xf32, #tpu.memory_space<hbm>>
      tpu.wait_dma2 semaphore(%run_scoped3A_110 : memref<!tpu.dma_semaphore, #tpu.memory_space<semaphore_mem>>) src(%dma_wait3A_118 : memref<632x128xf32, #tpu.memory_space<hbm>>) dst(%dma_wait3A_116 : memref<632x128xf32, #tpu.memory_space<vmem_shared>>)
      tpu.yield
    }) : () -> ()
    %barrier3A = arith.constant 0 : index
    tpu.barrier barrier_id(%barrier3A)
    %mul3A_3 = arith.constant 1264 : i32
    %mul3A_4 = arith.muli %arg0, %mul3A_3 : i32
    %add3A = arith.constant 0 : i32
    %add3A_5 = arith.addi %mul3A_4, %add3A : i32
    %add3A_6 = arith.addi %add3A_5, %arg1 : i32
    %mul3A_7 = arith.constant 128 : i32
    %mul3A_8 = arith.muli %add3A_6, %mul3A_7 : i32
    %multiple_of3A = tpu.assume_multiple %mul3A_8, 128 : i32
    %run_scoped3A = arith.constant 0 : i32
    %run_scoped3A_9 = arith.constant 0 : i32
    "tpu.region"() ({
      %run_scoped3A_110 = tpu.sem_alloc : memref<!tpu.dma_semaphore, #tpu.memory_space<semaphore_mem>>
      %dma_start3A_111 = arith.constant 0 : i32
      %dma_start3A_112 = tpu.memref_slice %arg11[%run_scoped3A, %run_scoped3A_9, %dma_start3A_111] : memref<2x2x128xi32, #tpu.memory_space<vmem>> -> memref<1x1x128xi32, #tpu.memory_space<vmem>>
      %dma_start3A_113 = tpu.memref_squeeze %dma_start3A_112 : memref<1x1x128xi32, #tpu.memory_space<vmem>> -> memref<128xi32, #tpu.memory_space<vmem>>
      %dma_start3A_114 = tpu.memref_slice %arg4[%multiple_of3A] : memref<323584xi32, #tpu.memory_space<hbm>> -> memref<128xi32, #tpu.memory_space<hbm>>
      %dma_start3A_115 = arith.constant 0 : i32
      %dma_start3A_116 = tpu.memref_slice %arg11[%run_scoped3A, %run_scoped3A_9, %dma_start3A_115] : memref<2x2x128xi32, #tpu.memory_space<vmem>> -> memref<1x1x128xi32, #tpu.memory_space<vmem>>
      %dma_start3A_117 = tpu.memref_squeeze %dma_start3A_116 : memref<1x1x128xi32, #tpu.memory_space<vmem>> -> memref<128xi32, #tpu.memory_space<vmem>>
      %dma_start3A_118 = tpu.memref_slice %arg4[%multiple_of3A] : memref<323584xi32, #tpu.memory_space<hbm>> -> memref<128xi32, #tpu.memory_space<hbm>>
      tpu.enqueue_dma source(%dma_start3A_118 : memref<128xi32, #tpu.memory_space<hbm>>) target(%dma_start3A_117 : memref<128xi32, #tpu.memory_space<vmem>>) target_semaphore(%run_scoped3A_110 : memref<!tpu.dma_semaphore, #tpu.memory_space<semaphore_mem>>)
      %dma_wait3A_119 = arith.constant 0 : i32
      %dma_wait3A_120 = tpu.memref_slice %arg11[%run_scoped3A, %run_scoped3A_9, %dma_wait3A_119] : memref<2x2x128xi32, #tpu.memory_space<vmem>> -> memref<1x1x128xi32, #tpu.memory_space<vmem>>
      %dma_wait3A_121 = tpu.memref_squeeze %dma_wait3A_120 : memref<1x1x128xi32, #tpu.memory_space<vmem>> -> memref<128xi32, #tpu.memory_space<vmem>>
      %dma_wait3A_122 = tpu.memref_slice %arg4[%multiple_of3A] : memref<323584xi32, #tpu.memory_space<hbm>> -> memref<128xi32, #tpu.memory_space<hbm>>
      %dma_wait3A_123 = arith.constant 0 : i32
      %dma_wait3A_124 = tpu.memref_slice %arg11[%run_scoped3A, %run_scoped3A_9, %dma_wait3A_123] : memref<2x2x128xi32, #tpu.memory_space<vmem>> -> memref<1x1x128xi32, #tpu.memory_space<vmem>>
      %dma_wait3A_125 = tpu.memref_squeeze %dma_wait3A_124 : memref<1x1x128xi32, #tpu.memory_space<vmem>> -> memref<128xi32, #tpu.memory_space<vmem>>
      %dma_wait3A_126 = tpu.memref_slice %arg4[%multiple_of3A] : memref<323584xi32, #tpu.memory_space<hbm>> -> memref<128xi32, #tpu.memory_space<hbm>>
      tpu.wait_dma2 semaphore(%run_scoped3A_110 : memref<!tpu.dma_semaphore, #tpu.memory_space<semaphore_mem>>) src(%dma_wait3A_126 : memref<128xi32, #tpu.memory_space<hbm>>) dst(%dma_wait3A_125 : memref<128xi32, #tpu.memory_space<vmem>>)
      tpu.yield
    }) : () -> ()
    %run_scoped3A_10 = arith.constant 0 : i32
    %run_scoped3A_11 = arith.constant 1 : i32
    "tpu.region"() ({
      %run_scoped3A_110 = tpu.sem_alloc : memref<!tpu.dma_semaphore, #tpu.memory_space<semaphore_mem>>
      %dma_start3A_111 = arith.constant 0 : i32
      %dma_start3A_112 = tpu.memref_slice %arg11[%run_scoped3A_10, %run_scoped3A_11, %dma_start3A_111] : memref<2x2x128xi32, #tpu.memory_space<vmem>> -> memref<1x1x128xi32, #tpu.memory_space<vmem>>
      %dma_start3A_113 = tpu.memref_squeeze %dma_start3A_112 : memref<1x1x128xi32, #tpu.memory_space<vmem>> -> memref<128xi32, #tpu.memory_space<vmem>>
      %dma_start3A_114 = tpu.memref_slice %arg5[%multiple_of3A] : memref<323584xi32, #tpu.memory_space<hbm>> -> memref<128xi32, #tpu.memory_space<hbm>>
      %dma_start3A_115 = arith.constant 0 : i32
      %dma_start3A_116 = tpu.memref_slice %arg11[%run_scoped3A_10, %run_scoped3A_11, %dma_start3A_115] : memref<2x2x128xi32, #tpu.memory_space<vmem>> -> memref<1x1x128xi32, #tpu.memory_space<vmem>>
      %dma_start3A_117 = tpu.memref_squeeze %dma_start3A_116 : memref<1x1x128xi32, #tpu.memory_space<vmem>> -> memref<128xi32, #tpu.memory_space<vmem>>
      %dma_start3A_118 = tpu.memref_slice %arg5[%multiple_of3A] : memref<323584xi32, #tpu.memory_space<hbm>> -> memref<128xi32, #tpu.memory_space<hbm>>
      tpu.enqueue_dma source(%dma_start3A_118 : memref<128xi32, #tpu.memory_space<hbm>>) target(%dma_start3A_117 : memref<128xi32, #tpu.memory_space<vmem>>) target_semaphore(%run_scoped3A_110 : memref<!tpu.dma_semaphore, #tpu.memory_space<semaphore_mem>>)
      %dma_wait3A_119 = arith.constant 0 : i32
      %dma_wait3A_120 = tpu.memref_slice %arg11[%run_scoped3A_10, %run_scoped3A_11, %dma_wait3A_119] : memref<2x2x128xi32, #tpu.memory_space<vmem>> -> memref<1x1x128xi32, #tpu.memory_space<vmem>>
      %dma_wait3A_121 = tpu.memref_squeeze %dma_wait3A_120 : memref<1x1x128xi32, #tpu.memory_space<vmem>> -> memref<128xi32, #tpu.memory_space<vmem>>
      %dma_wait3A_122 = tpu.memref_slice %arg5[%multiple_of3A] : memref<323584xi32, #tpu.memory_space<hbm>> -> memref<128xi32, #tpu.memory_space<hbm>>
      %dma_wait3A_123 = arith.constant 0 : i32
      %dma_wait3A_124 = tpu.memref_slice %arg11[%run_scoped3A_10, %run_scoped3A_11, %dma_wait3A_123] : memref<2x2x128xi32, #tpu.memory_space<vmem>> -> memref<1x1x128xi32, #tpu.memory_space<vmem>>
      %dma_wait3A_125 = tpu.memref_squeeze %dma_wait3A_124 : memref<1x1x128xi32, #tpu.memory_space<vmem>> -> memref<128xi32, #tpu.memory_space<vmem>>
      %dma_wait3A_126 = tpu.memref_slice %arg5[%multiple_of3A] : memref<323584xi32, #tpu.memory_space<hbm>> -> memref<128xi32, #tpu.memory_space<hbm>>
      tpu.wait_dma2 semaphore(%run_scoped3A_110 : memref<!tpu.dma_semaphore, #tpu.memory_space<semaphore_mem>>) src(%dma_wait3A_126 : memref<128xi32, #tpu.memory_space<hbm>>) dst(%dma_wait3A_125 : memref<128xi32, #tpu.memory_space<vmem>>)
      tpu.yield
    }) : () -> ()
    %dma_start3A = arith.constant 0 : i32
    %dma_start3A_12 = arith.constant 0 : i32
    %dma_start3A_13 = arith.constant 0 : i32
    %dma_start3A_14 = arith.constant 0 : i32
    %dma_start3A_15 = arith.constant 0 : i32
    %dma_start3A_16 = tpu.memref_slice %arg12[%dma_start3A_13, %dma_start3A_14, %dma_start3A_15] : memref<2x128x128xf32, #tpu.memory_space<vmem>> -> memref<1x128x128xf32, #tpu.memory_space<vmem>>
    %dma_start3A_17 = tpu.memref_squeeze %dma_start3A_16 : memref<1x128x128xf32, #tpu.memory_space<vmem>> -> memref<128x128xf32, #tpu.memory_space<vmem>>
    %dma_start3A_18 = arith.constant 0 : i32
    %dma_start3A_19 = tpu.memref_slice %arg11[%dma_start3A, %dma_start3A_12, %dma_start3A_18] : memref<2x2x128xi32, #tpu.memory_space<vmem>> -> memref<1x1x128xi32, #tpu.memory_space<vmem>>
    %dma_start3A_20 = tpu.memref_squeeze %dma_start3A_19 : memref<1x1x128xi32, #tpu.memory_space<vmem>> -> memref<128xi32, #tpu.memory_space<vmem>>
    %dma_start3A_21 = arith.constant 0 : i32
    %dma_start3A_22 = arith.constant 0 : i32
    %dma_start3A_23 = tpu.memref_slice %arg2[%dma_start3A_21, %dma_start3A_22] : memref<10112x128xf32, #tpu.memory_space<hbm>> -> memref<10112x128xf32, #tpu.memory_space<hbm>>
    tpu.enqueue_indirect_dma source(%dma_start3A_23 : memref<10112x128xf32, #tpu.memory_space<hbm>>) target(%dma_start3A_17 : memref<128x128xf32, #tpu.memory_space<vmem>>) offsets(%dma_start3A_20 : memref<128xi32, #tpu.memory_space<vmem>>) semaphore(%arg14 : memref<!tpu.dma_semaphore, #tpu.memory_space<semaphore_mem>>)
    %scan3A = arith.constant 0 : i32
    %scan3A_24 = arith.constant 0 : i32
    %scan3A_25 = arith.constant 39 : i32
    %scan3A_26 = arith.addi %scan3A_24, %scan3A_25 : i32
    %scan3A_27 = arith.constant 1 : i32
    %scan3A_28 = scf.for %scan3A_110 = %scan3A_24 to %scan3A_26 step %scan3A_27 iter_args(%scan3A_111 = %scan3A) -> (i32)  : i32 {
      %mul3A_112 = arith.constant 2 : i32
      %mul3A_113 = arith.muli %mul3A_112, %scan3A_110 : i32
      %add3A_114 = arith.constant 1 : i32
      %add3A_115 = arith.addi %mul3A_113, %add3A_114 : i32
      %mul3A_116 = arith.constant 1264 : i32
      %mul3A_117 = arith.muli %arg0, %mul3A_116 : i32
      %mul3A_118 = arith.constant 16 : i32
      %mul3A_119 = arith.muli %add3A_115, %mul3A_118 : i32
      %add3A_120 = arith.addi %mul3A_117, %mul3A_119 : i32
      %add3A_121 = arith.addi %add3A_120, %arg1 : i32
      %mul3A_122 = arith.constant 128 : i32
      %mul3A_123 = arith.muli %add3A_121, %mul3A_122 : i32
      %multiple_of3A_124 = tpu.assume_multiple %mul3A_123, 128 : i32
      %run_scoped3A_125 = arith.constant 1 : i32
      %run_scoped3A_126 = arith.constant 0 : i32
      "tpu.region"() ({
        %run_scoped3A_205 = tpu.sem_alloc : memref<!tpu.dma_semaphore, #tpu.memory_space<semaphore_mem>>
        %dma_start3A_206 = arith.constant 0 : i32
        %dma_start3A_207 = tpu.memref_slice %arg11[%run_scoped3A_125, %run_scoped3A_126, %dma_start3A_206] : memref<2x2x128xi32, #tpu.memory_space<vmem>> -> memref<1x1x128xi32, #tpu.memory_space<vmem>>
        %dma_start3A_208 = tpu.memref_squeeze %dma_start3A_207 : memref<1x1x128xi32, #tpu.memory_space<vmem>> -> memref<128xi32, #tpu.memory_space<vmem>>
        %dma_start3A_209 = tpu.memref_slice %arg4[%multiple_of3A_124] : memref<323584xi32, #tpu.memory_space<hbm>> -> memref<128xi32, #tpu.memory_space<hbm>>
        %dma_start3A_210 = arith.constant 0 : i32
        %dma_start3A_211 = tpu.memref_slice %arg11[%run_scoped3A_125, %run_scoped3A_126, %dma_start3A_210] : memref<2x2x128xi32, #tpu.memory_space<vmem>> -> memref<1x1x128xi32, #tpu.memory_space<vmem>>
        %dma_start3A_212 = tpu.memref_squeeze %dma_start3A_211 : memref<1x1x128xi32, #tpu.memory_space<vmem>> -> memref<128xi32, #tpu.memory_space<vmem>>
        %dma_start3A_213 = tpu.memref_slice %arg4[%multiple_of3A_124] : memref<323584xi32, #tpu.memory_space<hbm>> -> memref<128xi32, #tpu.memory_space<hbm>>
        tpu.enqueue_dma source(%dma_start3A_213 : memref<128xi32, #tpu.memory_space<hbm>>) target(%dma_start3A_212 : memref<128xi32, #tpu.memory_space<vmem>>) target_semaphore(%run_scoped3A_205 : memref<!tpu.dma_semaphore, #tpu.memory_space<semaphore_mem>>)
        %dma_wait3A_214 = arith.constant 0 : i32
        %dma_wait3A_215 = tpu.memref_slice %arg11[%run_scoped3A_125, %run_scoped3A_126, %dma_wait3A_214] : memref<2x2x128xi32, #tpu.memory_space<vmem>> -> memref<1x1x128xi32, #tpu.memory_space<vmem>>
        %dma_wait3A_216 = tpu.memref_squeeze %dma_wait3A_215 : memref<1x1x128xi32, #tpu.memory_space<vmem>> -> memref<128xi32, #tpu.memory_space<vmem>>
        %dma_wait3A_217 = tpu.memref_slice %arg4[%multiple_of3A_124] : memref<323584xi32, #tpu.memory_space<hbm>> -> memref<128xi32, #tpu.memory_space<hbm>>
        %dma_wait3A_218 = arith.constant 0 : i32
        %dma_wait3A_219 = tpu.memref_slice %arg11[%run_scoped3A_125, %run_scoped3A_126, %dma_wait3A_218] : memref<2x2x128xi32, #tpu.memory_space<vmem>> -> memref<1x1x128xi32, #tpu.memory_space<vmem>>
        %dma_wait3A_220 = tpu.memref_squeeze %dma_wait3A_219 : memref<1x1x128xi32, #tpu.memory_space<vmem>> -> memref<128xi32, #tpu.memory_space<vmem>>
        %dma_wait3A_221 = tpu.memref_slice %arg4[%multiple_of3A_124] : memref<323584xi32, #tpu.memory_space<hbm>> -> memref<128xi32, #tpu.memory_space<hbm>>
        tpu.wait_dma2 semaphore(%run_scoped3A_205 : memref<!tpu.dma_semaphore, #tpu.memory_space<semaphore_mem>>) src(%dma_wait3A_221 : memref<128xi32, #tpu.memory_space<hbm>>) dst(%dma_wait3A_220 : memref<128xi32, #tpu.memory_space<vmem>>)
        tpu.yield
      }) : () -> ()
      %run_scoped3A_127 = arith.constant 1 : i32
      %run_scoped3A_128 = arith.constant 1 : i32
      "tpu.region"() ({
        %run_scoped3A_205 = tpu.sem_alloc : memref<!tpu.dma_semaphore, #tpu.memory_space<semaphore_mem>>
        %dma_start3A_206 = arith.constant 0 : i32
        %dma_start3A_207 = tpu.memref_slice %arg11[%run_scoped3A_127, %run_scoped3A_128, %dma_start3A_206] : memref<2x2x128xi32, #tpu.memory_space<vmem>> -> memref<1x1x128xi32, #tpu.memory_space<vmem>>
        %dma_start3A_208 = tpu.memref_squeeze %dma_start3A_207 : memref<1x1x128xi32, #tpu.memory_space<vmem>> -> memref<128xi32, #tpu.memory_space<vmem>>
        %dma_start3A_209 = tpu.memref_slice %arg5[%multiple_of3A_124] : memref<323584xi32, #tpu.memory_space<hbm>> -> memref<128xi32, #tpu.memory_space<hbm>>
        %dma_start3A_210 = arith.constant 0 : i32
        %dma_start3A_211 = tpu.memref_slice %arg11[%run_scoped3A_127, %run_scoped3A_128, %dma_start3A_210] : memref<2x2x128xi32, #tpu.memory_space<vmem>> -> memref<1x1x128xi32, #tpu.memory_space<vmem>>
        %dma_start3A_212 = tpu.memref_squeeze %dma_start3A_211 : memref<1x1x128xi32, #tpu.memory_space<vmem>> -> memref<128xi32, #tpu.memory_space<vmem>>
        %dma_start3A_213 = tpu.memref_slice %arg5[%multiple_of3A_124] : memref<323584xi32, #tpu.memory_space<hbm>> -> memref<128xi32, #tpu.memory_space<hbm>>
        tpu.enqueue_dma source(%dma_start3A_213 : memref<128xi32, #tpu.memory_space<hbm>>) target(%dma_start3A_212 : memref<128xi32, #tpu.memory_space<vmem>>) target_semaphore(%run_scoped3A_205 : memref<!tpu.dma_semaphore, #tpu.memory_space<semaphore_mem>>)
        %dma_wait3A_214 = arith.constant 0 : i32
        %dma_wait3A_215 = tpu.memref_slice %arg11[%run_scoped3A_127, %run_scoped3A_128, %dma_wait3A_214] : memref<2x2x128xi32, #tpu.memory_space<vmem>> -> memref<1x1x128xi32, #tpu.memory_space<vmem>>
        %dma_wait3A_216 = tpu.memref_squeeze %dma_wait3A_215 : memref<1x1x128xi32, #tpu.memory_space<vmem>> -> memref<128xi32, #tpu.memory_space<vmem>>
        %dma_wait3A_217 = tpu.memref_slice %arg5[%multiple_of3A_124] : memref<323584xi32, #tpu.memory_space<hbm>> -> memref<128xi32, #tpu.memory_space<hbm>>
        %dma_wait3A_218 = arith.constant 0 : i32
        %dma_wait3A_219 = tpu.memref_slice %arg11[%run_scoped3A_127, %run_scoped3A_128, %dma_wait3A_218] : memref<2x2x128xi32, #tpu.memory_space<vmem>> -> memref<1x1x128xi32, #tpu.memory_space<vmem>>
        %dma_wait3A_220 = tpu.memref_squeeze %dma_wait3A_219 : memref<1x1x128xi32, #tpu.memory_space<vmem>> -> memref<128xi32, #tpu.memory_space<vmem>>
        %dma_wait3A_221 = tpu.memref_slice %arg5[%multiple_of3A_124] : memref<323584xi32, #tpu.memory_space<hbm>> -> memref<128xi32, #tpu.memory_space<hbm>>
        tpu.wait_dma2 semaphore(%run_scoped3A_205 : memref<!tpu.dma_semaphore, #tpu.memory_space<semaphore_mem>>) src(%dma_wait3A_221 : memref<128xi32, #tpu.memory_space<hbm>>) dst(%dma_wait3A_220 : memref<128xi32, #tpu.memory_space<vmem>>)
        tpu.yield
      }) : () -> ()
      %dma_start3A_129 = arith.constant 1 : i32
      %dma_start3A_130 = arith.constant 0 : i32
      %dma_start3A_131 = arith.constant 1 : i32
      %dma_start3A_132 = arith.constant 0 : i32
      %dma_start3A_133 = arith.constant 0 : i32
      %dma_start3A_134 = tpu.memref_slice %arg12[%dma_start3A_131, %dma_start3A_132, %dma_start3A_133] : memref<2x128x128xf32, #tpu.memory_space<vmem>> -> memref<1x128x128xf32, #tpu.memory_space<vmem>>
      %dma_start3A_135 = tpu.memref_squeeze %dma_start3A_134 : memref<1x128x128xf32, #tpu.memory_space<vmem>> -> memref<128x128xf32, #tpu.memory_space<vmem>>
      %dma_start3A_136 = arith.constant 0 : i32
      %dma_start3A_137 = tpu.memref_slice %arg11[%dma_start3A_129, %dma_start3A_130, %dma_start3A_136] : memref<2x2x128xi32, #tpu.memory_space<vmem>> -> memref<1x1x128xi32, #tpu.memory_space<vmem>>
      %dma_start3A_138 = tpu.memref_squeeze %dma_start3A_137 : memref<1x1x128xi32, #tpu.memory_space<vmem>> -> memref<128xi32, #tpu.memory_space<vmem>>
      %dma_start3A_139 = arith.constant 0 : i32
      %dma_start3A_140 = arith.constant 0 : i32
      %dma_start3A_141 = tpu.memref_slice %arg2[%dma_start3A_139, %dma_start3A_140] : memref<10112x128xf32, #tpu.memory_space<hbm>> -> memref<10112x128xf32, #tpu.memory_space<hbm>>
      tpu.enqueue_indirect_dma source(%dma_start3A_141 : memref<10112x128xf32, #tpu.memory_space<hbm>>) target(%dma_start3A_135 : memref<128x128xf32, #tpu.memory_space<vmem>>) offsets(%dma_start3A_138 : memref<128xi32, #tpu.memory_space<vmem>>) semaphore(%arg15 : memref<!tpu.dma_semaphore, #tpu.memory_space<semaphore_mem>>)
      %dma_wait3A_142 = arith.constant 0 : i32
      %dma_wait3A_143 = arith.constant 0 : i32
      %dma_wait3A_144 = arith.constant 0 : i32
      %dma_wait3A_145 = arith.constant 0 : i32
      %dma_wait3A_146 = arith.constant 0 : i32
      %dma_wait3A_147 = tpu.memref_slice %arg12[%dma_wait3A_144, %dma_wait3A_145, %dma_wait3A_146] : memref<2x128x128xf32, #tpu.memory_space<vmem>> -> memref<1x128x128xf32, #tpu.memory_space<vmem>>
      %dma_wait3A_148 = tpu.memref_squeeze %dma_wait3A_147 : memref<1x128x128xf32, #tpu.memory_space<vmem>> -> memref<128x128xf32, #tpu.memory_space<vmem>>
      %dma_wait3A_149 = arith.constant 0 : i32
      %dma_wait3A_150 = tpu.memref_slice %arg11[%dma_wait3A_142, %dma_wait3A_143, %dma_wait3A_149] : memref<2x2x128xi32, #tpu.memory_space<vmem>> -> memref<1x1x128xi32, #tpu.memory_space<vmem>>
      %dma_wait3A_151 = tpu.memref_squeeze %dma_wait3A_150 : memref<1x1x128xi32, #tpu.memory_space<vmem>> -> memref<128xi32, #tpu.memory_space<vmem>>
      %dma_wait3A_152 = arith.constant 0 : i32
      %dma_wait3A_153 = arith.constant 0 : i32
      %dma_wait3A_154 = tpu.memref_slice %arg2[%dma_wait3A_152, %dma_wait3A_153] : memref<10112x128xf32, #tpu.memory_space<hbm>> -> memref<10112x128xf32, #tpu.memory_space<hbm>>
      tpu.wait_indirect_dma semaphore(%arg14 : memref<!tpu.dma_semaphore, #tpu.memory_space<semaphore_mem>>) src(%dma_wait3A_154 : memref<10112x128xf32, #tpu.memory_space<hbm>>) dst(%dma_wait3A_148 : memref<128x128xf32, #tpu.memory_space<vmem>>)
      %run_scoped3A_155 = arith.constant 0 : i32
      %run_scoped3A_156 = arith.constant 0 : i32
      %run_scoped3A_157 = arith.constant 1 : i32
      "tpu.region"() ({
        %run_scoped3A_205 = tpu.sem_alloc : memref<!tpu.dma_semaphore, #tpu.memory_space<semaphore_mem>>
        %dma_start3A_206 = arith.constant 0 : i32
        %dma_start3A_207 = arith.constant 0 : i32
        %dma_start3A_208 = tpu.memref_slice %arg12[%run_scoped3A_155, %dma_start3A_206, %dma_start3A_207] : memref<2x128x128xf32, #tpu.memory_space<vmem>> -> memref<1x128x128xf32, #tpu.memory_space<vmem>>
        %dma_start3A_209 = tpu.memref_squeeze %dma_start3A_208 : memref<1x128x128xf32, #tpu.memory_space<vmem>> -> memref<128x128xf32, #tpu.memory_space<vmem>>
        %dma_start3A_210 = arith.constant 0 : i32
        %dma_start3A_211 = tpu.memref_slice %arg11[%run_scoped3A_156, %run_scoped3A_157, %dma_start3A_210] : memref<2x2x128xi32, #tpu.memory_space<vmem>> -> memref<1x1x128xi32, #tpu.memory_space<vmem>>
        %dma_start3A_212 = tpu.memref_squeeze %dma_start3A_211 : memref<1x1x128xi32, #tpu.memory_space<vmem>> -> memref<128xi32, #tpu.memory_space<vmem>>
        %dma_start3A_213 = arith.constant 0 : i32
        %dma_start3A_214 = arith.constant 0 : i32
        %dma_start3A_215 = tpu.memref_slice %arg13[%dma_start3A_213, %dma_start3A_214] : memref<10112x128xf32, #tpu.memory_space<vmem_shared>> -> memref<10112x128xf32, #tpu.memory_space<vmem_shared>>
        tpu.enqueue_indirect_dma source(%dma_start3A_209 : memref<128x128xf32, #tpu.memory_space<vmem>>) target(%dma_start3A_215 : memref<10112x128xf32, #tpu.memory_space<vmem_shared>>) offsets(%dma_start3A_212 : memref<128xi32, #tpu.memory_space<vmem>>) semaphore(%run_scoped3A_205 : memref<!tpu.dma_semaphore, #tpu.memory_space<semaphore_mem>>) {add = true}
        %dma_wait3A_216 = arith.constant 0 : i32
        %dma_wait3A_217 = arith.constant 0 : i32
        %dma_wait3A_218 = tpu.memref_slice %arg12[%run_scoped3A_155, %dma_wait3A_216, %dma_wait3A_217] : memref<2x128x128xf32, #tpu.memory_space<vmem>> -> memref<1x128x128xf32, #tpu.memory_space<vmem>>
        %dma_wait3A_219 = tpu.memref_squeeze %dma_wait3A_218 : memref<1x128x128xf32, #tpu.memory_space<vmem>> -> memref<128x128xf32, #tpu.memory_space<vmem>>
        %dma_wait3A_220 = arith.constant 0 : i32
        %dma_wait3A_221 = tpu.memref_slice %arg11[%run_scoped3A_156, %run_scoped3A_157, %dma_wait3A_220] : memref<2x2x128xi32, #tpu.memory_space<vmem>> -> memref<1x1x128xi32, #tpu.memory_space<vmem>>
        %dma_wait3A_222 = tpu.memref_squeeze %dma_wait3A_221 : memref<1x1x128xi32, #tpu.memory_space<vmem>> -> memref<128xi32, #tpu.memory_space<vmem>>
        %dma_wait3A_223 = arith.constant 0 : i32
        %dma_wait3A_224 = arith.constant 0 : i32
        %dma_wait3A_225 = tpu.memref_slice %arg13[%dma_wait3A_223, %dma_wait3A_224] : memref<10112x128xf32, #tpu.memory_space<vmem_shared>> -> memref<10112x128xf32, #tpu.memory_space<vmem_shared>>
        tpu.wait_indirect_dma semaphore(%run_scoped3A_205 : memref<!tpu.dma_semaphore, #tpu.memory_space<semaphore_mem>>) src(%dma_wait3A_219 : memref<128x128xf32, #tpu.memory_space<vmem>>) dst(%dma_wait3A_225 : memref<10112x128xf32, #tpu.memory_space<vmem_shared>>)
        tpu.yield
      }) : () -> ()
      %mul3A_158 = arith.constant 2 : i32
      %mul3A_159 = arith.muli %mul3A_158, %scan3A_110 : i32
      %add3A_160 = arith.constant 2 : i32
      %add3A_161 = arith.addi %mul3A_159, %add3A_160 : i32
      %mul3A_162 = arith.constant 1264 : i32
      %mul3A_163 = arith.muli %arg0, %mul3A_162 : i32
      %mul3A_164 = arith.constant 16 : i32
      %mul3A_165 = arith.muli %add3A_161, %mul3A_164 : i32
      %add3A_166 = arith.addi %mul3A_163, %mul3A_165 : i32
      %add3A_167 = arith.addi %add3A_166, %arg1 : i32
      %mul3A_168 = arith.constant 128 : i32
      %mul3A_169 = arith.muli %add3A_167, %mul3A_168 : i32
      %multiple_of3A_170 = tpu.assume_multiple %mul3A_169, 128 : i32
      %run_scoped3A_171 = arith.constant 0 : i32
      %run_scoped3A_172 = arith.constant 0 : i32
      "tpu.region"() ({
        %run_scoped3A_205 = tpu.sem_alloc : memref<!tpu.dma_semaphore, #tpu.memory_space<semaphore_mem>>
        %dma_start3A_206 = arith.constant 0 : i32
        %dma_start3A_207 = tpu.memref_slice %arg11[%run_scoped3A_171, %run_scoped3A_172, %dma_start3A_206] : memref<2x2x128xi32, #tpu.memory_space<vmem>> -> memref<1x1x128xi32, #tpu.memory_space<vmem>>
        %dma_start3A_208 = tpu.memref_squeeze %dma_start3A_207 : memref<1x1x128xi32, #tpu.memory_space<vmem>> -> memref<128xi32, #tpu.memory_space<vmem>>
        %dma_start3A_209 = tpu.memref_slice %arg4[%multiple_of3A_170] : memref<323584xi32, #tpu.memory_space<hbm>> -> memref<128xi32, #tpu.memory_space<hbm>>
        %dma_start3A_210 = arith.constant 0 : i32
        %dma_start3A_211 = tpu.memref_slice %arg11[%run_scoped3A_171, %run_scoped3A_172, %dma_start3A_210] : memref<2x2x128xi32, #tpu.memory_space<vmem>> -> memref<1x1x128xi32, #tpu.memory_space<vmem>>
        %dma_start3A_212 = tpu.memref_squeeze %dma_start3A_211 : memref<1x1x128xi32, #tpu.memory_space<vmem>> -> memref<128xi32, #tpu.memory_space<vmem>>
        %dma_start3A_213 = tpu.memref_slice %arg4[%multiple_of3A_170] : memref<323584xi32, #tpu.memory_space<hbm>> -> memref<128xi32, #tpu.memory_space<hbm>>
        tpu.enqueue_dma source(%dma_start3A_213 : memref<128xi32, #tpu.memory_space<hbm>>) target(%dma_start3A_212 : memref<128xi32, #tpu.memory_space<vmem>>) target_semaphore(%run_scoped3A_205 : memref<!tpu.dma_semaphore, #tpu.memory_space<semaphore_mem>>)
        %dma_wait3A_214 = arith.constant 0 : i32
        %dma_wait3A_215 = tpu.memref_slice %arg11[%run_scoped3A_171, %run_scoped3A_172, %dma_wait3A_214] : memref<2x2x128xi32, #tpu.memory_space<vmem>> -> memref<1x1x128xi32, #tpu.memory_space<vmem>>
        %dma_wait3A_216 = tpu.memref_squeeze %dma_wait3A_215 : memref<1x1x128xi32, #tpu.memory_space<vmem>> -> memref<128xi32, #tpu.memory_space<vmem>>
        %dma_wait3A_217 = tpu.memref_slice %arg4[%multiple_of3A_170] : memref<323584xi32, #tpu.memory_space<hbm>> -> memref<128xi32, #tpu.memory_space<hbm>>
        %dma_wait3A_218 = arith.constant 0 : i32
        %dma_wait3A_219 = tpu.memref_slice %arg11[%run_scoped3A_171, %run_scoped3A_172, %dma_wait3A_218] : memref<2x2x128xi32, #tpu.memory_space<vmem>> -> memref<1x1x128xi32, #tpu.memory_space<vmem>>
        %dma_wait3A_220 = tpu.memref_squeeze %dma_wait3A_219 : memref<1x1x128xi32, #tpu.memory_space<vmem>> -> memref<128xi32, #tpu.memory_space<vmem>>
        %dma_wait3A_221 = tpu.memref_slice %arg4[%multiple_of3A_170] : memref<323584xi32, #tpu.memory_space<hbm>> -> memref<128xi32, #tpu.memory_space<hbm>>
        tpu.wait_dma2 semaphore(%run_scoped3A_205 : memref<!tpu.dma_semaphore, #tpu.memory_space<semaphore_mem>>) src(%dma_wait3A_221 : memref<128xi32, #tpu.memory_space<hbm>>) dst(%dma_wait3A_220 : memref<128xi32, #tpu.memory_space<vmem>>)
        tpu.yield
      }) : () -> ()
      %run_scoped3A_173 = arith.constant 0 : i32
      %run_scoped3A_174 = arith.constant 1 : i32
      "tpu.region"() ({
        %run_scoped3A_205 = tpu.sem_alloc : memref<!tpu.dma_semaphore, #tpu.memory_space<semaphore_mem>>
        %dma_start3A_206 = arith.constant 0 : i32
        %dma_start3A_207 = tpu.memref_slice %arg11[%run_scoped3A_173, %run_scoped3A_174, %dma_start3A_206] : memref<2x2x128xi32, #tpu.memory_space<vmem>> -> memref<1x1x128xi32, #tpu.memory_space<vmem>>
        %dma_start3A_208 = tpu.memref_squeeze %dma_start3A_207 : memref<1x1x128xi32, #tpu.memory_space<vmem>> -> memref<128xi32, #tpu.memory_space<vmem>>
        %dma_start3A_209 = tpu.memref_slice %arg5[%multiple_of3A_170] : memref<323584xi32, #tpu.memory_space<hbm>> -> memref<128xi32, #tpu.memory_space<hbm>>
        %dma_start3A_210 = arith.constant 0 : i32
        %dma_start3A_211 = tpu.memref_slice %arg11[%run_scoped3A_173, %run_scoped3A_174, %dma_start3A_210] : memref<2x2x128xi32, #tpu.memory_space<vmem>> -> memref<1x1x128xi32, #tpu.memory_space<vmem>>
        %dma_start3A_212 = tpu.memref_squeeze %dma_start3A_211 : memref<1x1x128xi32, #tpu.memory_space<vmem>> -> memref<128xi32, #tpu.memory_space<vmem>>
        %dma_start3A_213 = tpu.memref_slice %arg5[%multiple_of3A_170] : memref<323584xi32, #tpu.memory_space<hbm>> -> memref<128xi32, #tpu.memory_space<hbm>>
        tpu.enqueue_dma source(%dma_start3A_213 : memref<128xi32, #tpu.memory_space<hbm>>) target(%dma_start3A_212 : memref<128xi32, #tpu.memory_space<vmem>>) target_semaphore(%run_scoped3A_205 : memref<!tpu.dma_semaphore, #tpu.memory_space<semaphore_mem>>)
        %dma_wait3A_214 = arith.constant 0 : i32
        %dma_wait3A_215 = tpu.memref_slice %arg11[%run_scoped3A_173, %run_scoped3A_174, %dma_wait3A_214] : memref<2x2x128xi32, #tpu.memory_space<vmem>> -> memref<1x1x128xi32, #tpu.memory_space<vmem>>
        %dma_wait3A_216 = tpu.memref_squeeze %dma_wait3A_215 : memref<1x1x128xi32, #tpu.memory_space<vmem>> -> memref<128xi32, #tpu.memory_space<vmem>>
        %dma_wait3A_217 = tpu.memref_slice %arg5[%multiple_of3A_170] : memref<323584xi32, #tpu.memory_space<hbm>> -> memref<128xi32, #tpu.memory_space<hbm>>
        %dma_wait3A_218 = arith.constant 0 : i32
        %dma_wait3A_219 = tpu.memref_slice %arg11[%run_scoped3A_173, %run_scoped3A_174, %dma_wait3A_218] : memref<2x2x128xi32, #tpu.memory_space<vmem>> -> memref<1x1x128xi32, #tpu.memory_space<vmem>>
        %dma_wait3A_220 = tpu.memref_squeeze %dma_wait3A_219 : memref<1x1x128xi32, #tpu.memory_space<vmem>> -> memref<128xi32, #tpu.memory_space<vmem>>
        %dma_wait3A_221 = tpu.memref_slice %arg5[%multiple_of3A_170] : memref<323584xi32, #tpu.memory_space<hbm>> -> memref<128xi32, #tpu.memory_space<hbm>>
        tpu.wait_dma2 semaphore(%run_scoped3A_205 : memref<!tpu.dma_semaphore, #tpu.memory_space<semaphore_mem>>) src(%dma_wait3A_221 : memref<128xi32, #tpu.memory_space<hbm>>) dst(%dma_wait3A_220 : memref<128xi32, #tpu.memory_space<vmem>>)
        tpu.yield
      }) : () -> ()
      %dma_start3A_175 = arith.constant 0 : i32
      %dma_start3A_176 = arith.constant 0 : i32
      %dma_start3A_177 = arith.constant 0 : i32
      %dma_start3A_178 = arith.constant 0 : i32
      %dma_start3A_179 = arith.constant 0 : i32
      %dma_start3A_180 = tpu.memref_slice %arg12[%dma_start3A_177, %dma_start3A_178, %dma_start3A_179] : memref<2x128x128xf32, #tpu.memory_space<vmem>> -> memref<1x128x128xf32, #tpu.memory_space<vmem>>
      %dma_start3A_181 = tpu.memref_squeeze %dma_start3A_180 : memref<1x128x128xf32, #tpu.memory_space<vmem>> -> memref<128x128xf32, #tpu.memory_space<vmem>>
      %dma_start3A_182 = arith.constant 0 : i32
      %dma_start3A_183 = tpu.memref_slice %arg11[%dma_start3A_175, %dma_start3A_176, %dma_start3A_182] : memref<2x2x128xi32, #tpu.memory_space<vmem>> -> memref<1x1x128xi32, #tpu.memory_space<vmem>>
      %dma_start3A_184 = tpu.memref_squeeze %dma_start3A_183 : memref<1x1x128xi32, #tpu.memory_space<vmem>> -> memref<128xi32, #tpu.memory_space<vmem>>
      %dma_start3A_185 = arith.constant 0 : i32
      %dma_start3A_186 = arith.constant 0 : i32
      %dma_start3A_187 = tpu.memref_slice %arg2[%dma_start3A_185, %dma_start3A_186] : memref<10112x128xf32, #tpu.memory_space<hbm>> -> memref<10112x128xf32, #tpu.memory_space<hbm>>
      tpu.enqueue_indirect_dma source(%dma_start3A_187 : memref<10112x128xf32, #tpu.memory_space<hbm>>) target(%dma_start3A_181 : memref<128x128xf32, #tpu.memory_space<vmem>>) offsets(%dma_start3A_184 : memref<128xi32, #tpu.memory_space<vmem>>) semaphore(%arg14 : memref<!tpu.dma_semaphore, #tpu.memory_space<semaphore_mem>>)
      %dma_wait3A_188 = arith.constant 1 : i32
      %dma_wait3A_189 = arith.constant 0 : i32
      %dma_wait3A_190 = arith.constant 1 : i32
      %dma_wait3A_191 = arith.constant 0 : i32
      %dma_wait3A_192 = arith.constant 0 : i32
      %dma_wait3A_193 = tpu.memref_slice %arg12[%dma_wait3A_190, %dma_wait3A_191, %dma_wait3A_192] : memref<2x128x128xf32, #tpu.memory_space<vmem>> -> memref<1x128x128xf32, #tpu.memory_space<vmem>>
      %dma_wait3A_194 = tpu.memref_squeeze %dma_wait3A_193 : memref<1x128x128xf32, #tpu.memory_space<vmem>> -> memref<128x128xf32, #tpu.memory_space<vmem>>
      %dma_wait3A_195 = arith.constant 0 : i32
      %dma_wait3A_196 = tpu.memref_slice %arg11[%dma_wait3A_188, %dma_wait3A_189, %dma_wait3A_195] : memref<2x2x128xi32, #tpu.memory_space<vmem>> -> memref<1x1x128xi32, #tpu.memory_space<vmem>>
      %dma_wait3A_197 = tpu.memref_squeeze %dma_wait3A_196 : memref<1x1x128xi32, #tpu.memory_space<vmem>> -> memref<128xi32, #tpu.memory_space<vmem>>
      %dma_wait3A_198 = arith.constant 0 : i32
      %dma_wait3A_199 = arith.constant 0 : i32
      %dma_wait3A_200 = tpu.memref_slice %arg2[%dma_wait3A_198, %dma_wait3A_199] : memref<10112x128xf32, #tpu.memory_space<hbm>> -> memref<10112x128xf32, #tpu.memory_space<hbm>>
      tpu.wait_indirect_dma semaphore(%arg15 : memref<!tpu.dma_semaphore, #tpu.memory_space<semaphore_mem>>) src(%dma_wait3A_200 : memref<10112x128xf32, #tpu.memory_space<hbm>>) dst(%dma_wait3A_194 : memref<128x128xf32, #tpu.memory_space<vmem>>)
      %run_scoped3A_201 = arith.constant 1 : i32
      %run_scoped3A_202 = arith.constant 1 : i32
      %run_scoped3A_203 = arith.constant 1 : i32
      "tpu.region"() ({
        %run_scoped3A_205 = tpu.sem_alloc : memref<!tpu.dma_semaphore, #tpu.memory_space<semaphore_mem>>
        %dma_start3A_206 = arith.constant 0 : i32
        %dma_start3A_207 = arith.constant 0 : i32
        %dma_start3A_208 = tpu.memref_slice %arg12[%run_scoped3A_201, %dma_start3A_206, %dma_start3A_207] : memref<2x128x128xf32, #tpu.memory_space<vmem>> -> memref<1x128x128xf32, #tpu.memory_space<vmem>>
        %dma_start3A_209 = tpu.memref_squeeze %dma_start3A_208 : memref<1x128x128xf32, #tpu.memory_space<vmem>> -> memref<128x128xf32, #tpu.memory_space<vmem>>
        %dma_start3A_210 = arith.constant 0 : i32
        %dma_start3A_211 = tpu.memref_slice %arg11[%run_scoped3A_202, %run_scoped3A_203, %dma_start3A_210] : memref<2x2x128xi32, #tpu.memory_space<vmem>> -> memref<1x1x128xi32, #tpu.memory_space<vmem>>
        %dma_start3A_212 = tpu.memref_squeeze %dma_start3A_211 : memref<1x1x128xi32, #tpu.memory_space<vmem>> -> memref<128xi32, #tpu.memory_space<vmem>>
        %dma_start3A_213 = arith.constant 0 : i32
        %dma_start3A_214 = arith.constant 0 : i32
        %dma_start3A_215 = tpu.memref_slice %arg13[%dma_start3A_213, %dma_start3A_214] : memref<10112x128xf32, #tpu.memory_space<vmem_shared>> -> memref<10112x128xf32, #tpu.memory_space<vmem_shared>>
        tpu.enqueue_indirect_dma source(%dma_start3A_209 : memref<128x128xf32, #tpu.memory_space<vmem>>) target(%dma_start3A_215 : memref<10112x128xf32, #tpu.memory_space<vmem_shared>>) offsets(%dma_start3A_212 : memref<128xi32, #tpu.memory_space<vmem>>) semaphore(%run_scoped3A_205 : memref<!tpu.dma_semaphore, #tpu.memory_space<semaphore_mem>>) {add = true}
        %dma_wait3A_216 = arith.constant 0 : i32
        %dma_wait3A_217 = arith.constant 0 : i32
        %dma_wait3A_218 = tpu.memref_slice %arg12[%run_scoped3A_201, %dma_wait3A_216, %dma_wait3A_217] : memref<2x128x128xf32, #tpu.memory_space<vmem>> -> memref<1x128x128xf32, #tpu.memory_space<vmem>>
        %dma_wait3A_219 = tpu.memref_squeeze %dma_wait3A_218 : memref<1x128x128xf32, #tpu.memory_space<vmem>> -> memref<128x128xf32, #tpu.memory_space<vmem>>
        %dma_wait3A_220 = arith.constant 0 : i32
        %dma_wait3A_221 = tpu.memref_slice %arg11[%run_scoped3A_202, %run_scoped3A_203, %dma_wait3A_220] : memref<2x2x128xi32, #tpu.memory_space<vmem>> -> memref<1x1x128xi32, #tpu.memory_space<vmem>>
        %dma_wait3A_222 = tpu.memref_squeeze %dma_wait3A_221 : memref<1x1x128xi32, #tpu.memory_space<vmem>> -> memref<128xi32, #tpu.memory_space<vmem>>
        %dma_wait3A_223 = arith.constant 0 : i32
        %dma_wait3A_224 = arith.constant 0 : i32
        %dma_wait3A_225 = tpu.memref_slice %arg13[%dma_wait3A_223, %dma_wait3A_224] : memref<10112x128xf32, #tpu.memory_space<vmem_shared>> -> memref<10112x128xf32, #tpu.memory_space<vmem_shared>>
        tpu.wait_indirect_dma semaphore(%run_scoped3A_205 : memref<!tpu.dma_semaphore, #tpu.memory_space<semaphore_mem>>) src(%dma_wait3A_219 : memref<128x128xf32, #tpu.memory_space<vmem>>) dst(%dma_wait3A_225 : memref<10112x128xf32, #tpu.memory_space<vmem_shared>>)
        tpu.yield
      }) : () -> ()
      %scan3A_204 = arith.constant 0 : i32
      scf.yield %scan3A_204 : i32
    }
    %scan3A_29 = arith.constant 39 : i32
    %dma_wait3A = arith.constant 0 : i32
    %dma_wait3A_30 = arith.constant 0 : i32
    %dma_wait3A_31 = arith.constant 0 : i32
    %dma_wait3A_32 = arith.constant 0 : i32
    %dma_wait3A_33 = arith.constant 0 : i32
    %dma_wait3A_34 = tpu.memref_slice %arg12[%dma_wait3A_31, %dma_wait3A_32, %dma_wait3A_33] : memref<2x128x128xf32, #tpu.memory_space<vmem>> -> memref<1x128x128xf32, #tpu.memory_space<vmem>>
    %dma_wait3A_35 = tpu.memref_squeeze %dma_wait3A_34 : memref<1x128x128xf32, #tpu.memory_space<vmem>> -> memref<128x128xf32, #tpu.memory_space<vmem>>
    %dma_wait3A_36 = arith.constant 0 : i32
    %dma_wait3A_37 = tpu.memref_slice %arg11[%dma_wait3A, %dma_wait3A_30, %dma_wait3A_36] : memref<2x2x128xi32, #tpu.memory_space<vmem>> -> memref<1x1x128xi32, #tpu.memory_space<vmem>>
    %dma_wait3A_38 = tpu.memref_squeeze %dma_wait3A_37 : memref<1x1x128xi32, #tpu.memory_space<vmem>> -> memref<128xi32, #tpu.memory_space<vmem>>
    %dma_wait3A_39 = arith.constant 0 : i32
    %dma_wait3A_40 = arith.constant 0 : i32
    %dma_wait3A_41 = tpu.memref_slice %arg2[%dma_wait3A_39, %dma_wait3A_40] : memref<10112x128xf32, #tpu.memory_space<hbm>> -> memref<10112x128xf32, #tpu.memory_space<hbm>>
    tpu.wait_indirect_dma semaphore(%arg14 : memref<!tpu.dma_semaphore, #tpu.memory_space<semaphore_mem>>) src(%dma_wait3A_41 : memref<10112x128xf32, #tpu.memory_space<hbm>>) dst(%dma_wait3A_35 : memref<128x128xf32, #tpu.memory_space<vmem>>)
    %run_scoped3A_42 = arith.constant 0 : i32
    %run_scoped3A_43 = arith.constant 0 : i32
    %run_scoped3A_44 = arith.constant 1 : i32
    "tpu.region"() ({
      %run_scoped3A_110 = tpu.sem_alloc : memref<!tpu.dma_semaphore, #tpu.memory_space<semaphore_mem>>
      %dma_start3A_111 = arith.constant 0 : i32
      %dma_start3A_112 = arith.constant 0 : i32
      %dma_start3A_113 = tpu.memref_slice %arg12[%run_scoped3A_42, %dma_start3A_111, %dma_start3A_112] : memref<2x128x128xf32, #tpu.memory_space<vmem>> -> memref<1x128x128xf32, #tpu.memory_space<vmem>>
      %dma_start3A_114 = tpu.memref_squeeze %dma_start3A_113 : memref<1x128x128xf32, #tpu.memory_space<vmem>> -> memref<128x128xf32, #tpu.memory_space<vmem>>
      %dma_start3A_115 = arith.constant 0 : i32
      %dma_start3A_116 = tpu.memref_slice %arg11[%run_scoped3A_43, %run_scoped3A_44, %dma_start3A_115] : memref<2x2x128xi32, #tpu.memory_space<vmem>> -> memref<1x1x128xi32, #tpu.memory_space<vmem>>
      %dma_start3A_117 = tpu.memref_squeeze %dma_start3A_116 : memref<1x1x128xi32, #tpu.memory_space<vmem>> -> memref<128xi32, #tpu.memory_space<vmem>>
      %dma_start3A_118 = arith.constant 0 : i32
      %dma_start3A_119 = arith.constant 0 : i32
      %dma_start3A_120 = tpu.memref_slice %arg13[%dma_start3A_118, %dma_start3A_119] : memref<10112x128xf32, #tpu.memory_space<vmem_shared>> -> memref<10112x128xf32, #tpu.memory_space<vmem_shared>>
      tpu.enqueue_indirect_dma source(%dma_start3A_114 : memref<128x128xf32, #tpu.memory_space<vmem>>) target(%dma_start3A_120 : memref<10112x128xf32, #tpu.memory_space<vmem_shared>>) offsets(%dma_start3A_117 : memref<128xi32, #tpu.memory_space<vmem>>) semaphore(%run_scoped3A_110 : memref<!tpu.dma_semaphore, #tpu.memory_space<semaphore_mem>>) {add = true}
      %dma_wait3A_121 = arith.constant 0 : i32
      %dma_wait3A_122 = arith.constant 0 : i32
      %dma_wait3A_123 = tpu.memref_slice %arg12[%run_scoped3A_42, %dma_wait3A_121, %dma_wait3A_122] : memref<2x128x128xf32, #tpu.memory_space<vmem>> -> memref<1x128x128xf32, #tpu.memory_space<vmem>>
      %dma_wait3A_124 = tpu.memref_squeeze %dma_wait3A_123 : memref<1x128x128xf32, #tpu.memory_space<vmem>> -> memref<128x128xf32, #tpu.memory_space<vmem>>
      %dma_wait3A_125 = arith.constant 0 : i32
      %dma_wait3A_126 = tpu.memref_slice %arg11[%run_scoped3A_43, %run_scoped3A_44, %dma_wait3A_125] : memref<2x2x128xi32, #tpu.memory_space<vmem>> -> memref<1x1x128xi32, #tpu.memory_space<vmem>>
      %dma_wait3A_127 = tpu.memref_squeeze %dma_wait3A_126 : memref<1x1x128xi32, #tpu.memory_space<vmem>> -> memref<128xi32, #tpu.memory_space<vmem>>
      %dma_wait3A_128 = arith.constant 0 : i32
      %dma_wait3A_129 = arith.constant 0 : i32
      %dma_wait3A_130 = tpu.memref_slice %arg13[%dma_wait3A_128, %dma_wait3A_129] : memref<10112x128xf32, #tpu.memory_space<vmem_shared>> -> memref<10112x128xf32, #tpu.memory_space<vmem_shared>>
      tpu.wait_indirect_dma semaphore(%run_scoped3A_110 : memref<!tpu.dma_semaphore, #tpu.memory_space<semaphore_mem>>) src(%dma_wait3A_124 : memref<128x128xf32, #tpu.memory_space<vmem>>) dst(%dma_wait3A_130 : memref<10112x128xf32, #tpu.memory_space<vmem_shared>>)
      tpu.yield
    }) : () -> ()
    %barrier3A_45 = arith.constant 0 : index
    tpu.barrier barrier_id(%barrier3A_45)
    %mul3A_46 = arith.constant 632 : i32
    %mul3A_47 = arith.muli %arg1, %mul3A_46 : i32
    %mul3A_48 = arith.constant 632 : i32
    %mul3A_49 = arith.muli %arg1, %mul3A_48 : i32
    "tpu.region"() ({
      %run_scoped3A_110 = tpu.sem_alloc : memref<!tpu.dma_semaphore, #tpu.memory_space<semaphore_mem>>
      %dma_start3A_111 = arith.constant 0 : i32
      %dma_start3A_112 = tpu.memref_slice %arg9[%arg0, %mul3A_49, %dma_start3A_111] : memref<2x10112x128xf32, #tpu.memory_space<hbm>> -> memref<1x632x128xf32, #tpu.memory_space<hbm>>
      %dma_start3A_113 = tpu.memref_squeeze %dma_start3A_112 : memref<1x632x128xf32, #tpu.memory_space<hbm>> -> memref<632x128xf32, #tpu.memory_space<hbm>>
      %dma_start3A_114 = arith.constant 0 : i32
      %dma_start3A_115 = tpu.memref_slice %arg13[%mul3A_47, %dma_start3A_114] : memref<10112x128xf32, #tpu.memory_space<vmem_shared>> -> memref<632x128xf32, #tpu.memory_space<vmem_shared>>
      tpu.enqueue_dma source(%dma_start3A_115 : memref<632x128xf32, #tpu.memory_space<vmem_shared>>) target(%dma_start3A_113 : memref<632x128xf32, #tpu.memory_space<hbm>>) target_semaphore(%run_scoped3A_110 : memref<!tpu.dma_semaphore, #tpu.memory_space<semaphore_mem>>)
      %dma_wait3A_116 = arith.constant 0 : i32
      %dma_wait3A_117 = tpu.memref_slice %arg9[%arg0, %mul3A_49, %dma_wait3A_116] : memref<2x10112x128xf32, #tpu.memory_space<hbm>> -> memref<1x632x128xf32, #tpu.memory_space<hbm>>
      %dma_wait3A_118 = tpu.memref_squeeze %dma_wait3A_117 : memref<1x632x128xf32, #tpu.memory_space<hbm>> -> memref<632x128xf32, #tpu.memory_space<hbm>>
      %dma_wait3A_119 = arith.constant 0 : i32
      %dma_wait3A_120 = tpu.memref_slice %arg13[%mul3A_47, %dma_wait3A_119] : memref<10112x128xf32, #tpu.memory_space<vmem_shared>> -> memref<632x128xf32, #tpu.memory_space<vmem_shared>>
      tpu.wait_dma2 semaphore(%run_scoped3A_110 : memref<!tpu.dma_semaphore, #tpu.memory_space<semaphore_mem>>) src(%dma_wait3A_120 : memref<632x128xf32, #tpu.memory_space<vmem_shared>>) dst(%dma_wait3A_118 : memref<632x128xf32, #tpu.memory_space<hbm>>)
      tpu.yield
    }) : () -> ()
    %barrier3A_50 = arith.constant 0 : index
    tpu.barrier barrier_id(%barrier3A_50)
    %mul3A_51 = arith.constant 632 : i32
    %mul3A_52 = arith.muli %arg1, %mul3A_51 : i32
    %mul3A_53 = arith.constant 632 : i32
    %mul3A_54 = arith.muli %arg1, %mul3A_53 : i32
    "tpu.region"() ({
      %run_scoped3A_110 = tpu.sem_alloc : memref<!tpu.dma_semaphore, #tpu.memory_space<semaphore_mem>>
      %dma_start3A_111 = arith.constant 0 : i32
      %dma_start3A_112 = tpu.memref_slice %arg13[%mul3A_54, %dma_start3A_111] : memref<10112x128xf32, #tpu.memory_space<vmem_shared>> -> memref<632x128xf32, #tpu.memory_space<vmem_shared>>
      %dma_start3A_113 = arith.constant 0 : i32
      %dma_start3A_114 = tpu.memref_slice %arg8[%mul3A_52, %dma_start3A_113] : memref<10112x128xf32, #tpu.memory_space<hbm>> -> memref<632x128xf32, #tpu.memory_space<hbm>>
      tpu.enqueue_dma source(%dma_start3A_114 : memref<632x128xf32, #tpu.memory_space<hbm>>) target(%dma_start3A_112 : memref<632x128xf32, #tpu.memory_space<vmem_shared>>) target_semaphore(%run_scoped3A_110 : memref<!tpu.dma_semaphore, #tpu.memory_space<semaphore_mem>>)
      %dma_wait3A_115 = arith.constant 0 : i32
      %dma_wait3A_116 = tpu.memref_slice %arg13[%mul3A_54, %dma_wait3A_115] : memref<10112x128xf32, #tpu.memory_space<vmem_shared>> -> memref<632x128xf32, #tpu.memory_space<vmem_shared>>
      %dma_wait3A_117 = arith.constant 0 : i32
      %dma_wait3A_118 = tpu.memref_slice %arg8[%mul3A_52, %dma_wait3A_117] : memref<10112x128xf32, #tpu.memory_space<hbm>> -> memref<632x128xf32, #tpu.memory_space<hbm>>
      tpu.wait_dma2 semaphore(%run_scoped3A_110 : memref<!tpu.dma_semaphore, #tpu.memory_space<semaphore_mem>>) src(%dma_wait3A_118 : memref<632x128xf32, #tpu.memory_space<hbm>>) dst(%dma_wait3A_116 : memref<632x128xf32, #tpu.memory_space<vmem_shared>>)
      tpu.yield
    }) : () -> ()
    %barrier3A_55 = arith.constant 0 : index
    tpu.barrier barrier_id(%barrier3A_55)
    %mul3A_56 = arith.constant 1264 : i32
    %mul3A_57 = arith.muli %arg0, %mul3A_56 : i32
    %add3A_58 = arith.constant 0 : i32
    %add3A_59 = arith.addi %mul3A_57, %add3A_58 : i32
    %add3A_60 = arith.addi %add3A_59, %arg1 : i32
    %mul3A_61 = arith.constant 128 : i32
    %mul3A_62 = arith.muli %add3A_60, %mul3A_61 : i32
    %multiple_of3A_63 = tpu.assume_multiple %mul3A_62, 128 : i32
    %run_scoped3A_64 = arith.constant 0 : i32
    %run_scoped3A_65 = arith.constant 0 : i32
    "tpu.region"() ({
      %run_scoped3A_110 = tpu.sem_alloc : memref<!tpu.dma_semaphore, #tpu.memory_space<semaphore_mem>>
      %dma_start3A_111 = arith.constant 0 : i32
      %dma_start3A_112 = tpu.memref_slice %arg11[%run_scoped3A_64, %run_scoped3A_65, %dma_start3A_111] : memref<2x2x128xi32, #tpu.memory_space<vmem>> -> memref<1x1x128xi32, #tpu.memory_space<vmem>>
      %dma_start3A_113 = tpu.memref_squeeze %dma_start3A_112 : memref<1x1x128xi32, #tpu.memory_space<vmem>> -> memref<128xi32, #tpu.memory_space<vmem>>
      %dma_start3A_114 = tpu.memref_slice %arg6[%multiple_of3A_63] : memref<323584xi32, #tpu.memory_space<hbm>> -> memref<128xi32, #tpu.memory_space<hbm>>
      %dma_start3A_115 = arith.constant 0 : i32
      %dma_start3A_116 = tpu.memref_slice %arg11[%run_scoped3A_64, %run_scoped3A_65, %dma_start3A_115] : memref<2x2x128xi32, #tpu.memory_space<vmem>> -> memref<1x1x128xi32, #tpu.memory_space<vmem>>
      %dma_start3A_117 = tpu.memref_squeeze %dma_start3A_116 : memref<1x1x128xi32, #tpu.memory_space<vmem>> -> memref<128xi32, #tpu.memory_space<vmem>>
      %dma_start3A_118 = tpu.memref_slice %arg6[%multiple_of3A_63] : memref<323584xi32, #tpu.memory_space<hbm>> -> memref<128xi32, #tpu.memory_space<hbm>>
      tpu.enqueue_dma source(%dma_start3A_118 : memref<128xi32, #tpu.memory_space<hbm>>) target(%dma_start3A_117 : memref<128xi32, #tpu.memory_space<vmem>>) target_semaphore(%run_scoped3A_110 : memref<!tpu.dma_semaphore, #tpu.memory_space<semaphore_mem>>)
      %dma_wait3A_119 = arith.constant 0 : i32
      %dma_wait3A_120 = tpu.memref_slice %arg11[%run_scoped3A_64, %run_scoped3A_65, %dma_wait3A_119] : memref<2x2x128xi32, #tpu.memory_space<vmem>> -> memref<1x1x128xi32, #tpu.memory_space<vmem>>
      %dma_wait3A_121 = tpu.memref_squeeze %dma_wait3A_120 : memref<1x1x128xi32, #tpu.memory_space<vmem>> -> memref<128xi32, #tpu.memory_space<vmem>>
      %dma_wait3A_122 = tpu.memref_slice %arg6[%multiple_of3A_63] : memref<323584xi32, #tpu.memory_space<hbm>> -> memref<128xi32, #tpu.memory_space<hbm>>
      %dma_wait3A_123 = arith.constant 0 : i32
      %dma_wait3A_124 = tpu.memref_slice %arg11[%run_scoped3A_64, %run_scoped3A_65, %dma_wait3A_123] : memref<2x2x128xi32, #tpu.memory_space<vmem>> -> memref<1x1x128xi32, #tpu.memory_space<vmem>>
      %dma_wait3A_125 = tpu.memref_squeeze %dma_wait3A_124 : memref<1x1x128xi32, #tpu.memory_space<vmem>> -> memref<128xi32, #tpu.memory_space<vmem>>
      %dma_wait3A_126 = tpu.memref_slice %arg6[%multiple_of3A_63] : memref<323584xi32, #tpu.memory_space<hbm>> -> memref<128xi32, #tpu.memory_space<hbm>>
      tpu.wait_dma2 semaphore(%run_scoped3A_110 : memref<!tpu.dma_semaphore, #tpu.memory_space<semaphore_mem>>) src(%dma_wait3A_126 : memref<128xi32, #tpu.memory_space<hbm>>) dst(%dma_wait3A_125 : memref<128xi32, #tpu.memory_space<vmem>>)
      tpu.yield
    }) : () -> ()
    %run_scoped3A_66 = arith.constant 0 : i32
    %run_scoped3A_67 = arith.constant 1 : i32
    "tpu.region"() ({
      %run_scoped3A_110 = tpu.sem_alloc : memref<!tpu.dma_semaphore, #tpu.memory_space<semaphore_mem>>
      %dma_start3A_111 = arith.constant 0 : i32
      %dma_start3A_112 = tpu.memref_slice %arg11[%run_scoped3A_66, %run_scoped3A_67, %dma_start3A_111] : memref<2x2x128xi32, #tpu.memory_space<vmem>> -> memref<1x1x128xi32, #tpu.memory_space<vmem>>
      %dma_start3A_113 = tpu.memref_squeeze %dma_start3A_112 : memref<1x1x128xi32, #tpu.memory_space<vmem>> -> memref<128xi32, #tpu.memory_space<vmem>>
      %dma_start3A_114 = tpu.memref_slice %arg7[%multiple_of3A_63] : memref<323584xi32, #tpu.memory_space<hbm>> -> memref<128xi32, #tpu.memory_space<hbm>>
      %dma_start3A_115 = arith.constant 0 : i32
      %dma_start3A_116 = tpu.memref_slice %arg11[%run_scoped3A_66, %run_scoped3A_67, %dma_start3A_115] : memref<2x2x128xi32, #tpu.memory_space<vmem>> -> memref<1x1x128xi32, #tpu.memory_space<vmem>>
      %dma_start3A_117 = tpu.memref_squeeze %dma_start3A_116 : memref<1x1x128xi32, #tpu.memory_space<vmem>> -> memref<128xi32, #tpu.memory_space<vmem>>
      %dma_start3A_118 = tpu.memref_slice %arg7[%multiple_of3A_63] : memref<323584xi32, #tpu.memory_space<hbm>> -> memref<128xi32, #tpu.memory_space<hbm>>
      tpu.enqueue_dma source(%dma_start3A_118 : memref<128xi32, #tpu.memory_space<hbm>>) target(%dma_start3A_117 : memref<128xi32, #tpu.memory_space<vmem>>) target_semaphore(%run_scoped3A_110 : memref<!tpu.dma_semaphore, #tpu.memory_space<semaphore_mem>>)
      %dma_wait3A_119 = arith.constant 0 : i32
      %dma_wait3A_120 = tpu.memref_slice %arg11[%run_scoped3A_66, %run_scoped3A_67, %dma_wait3A_119] : memref<2x2x128xi32, #tpu.memory_space<vmem>> -> memref<1x1x128xi32, #tpu.memory_space<vmem>>
      %dma_wait3A_121 = tpu.memref_squeeze %dma_wait3A_120 : memref<1x1x128xi32, #tpu.memory_space<vmem>> -> memref<128xi32, #tpu.memory_space<vmem>>
      %dma_wait3A_122 = tpu.memref_slice %arg7[%multiple_of3A_63] : memref<323584xi32, #tpu.memory_space<hbm>> -> memref<128xi32, #tpu.memory_space<hbm>>
      %dma_wait3A_123 = arith.constant 0 : i32
      %dma_wait3A_124 = tpu.memref_slice %arg11[%run_scoped3A_66, %run_scoped3A_67, %dma_wait3A_123] : memref<2x2x128xi32, #tpu.memory_space<vmem>> -> memref<1x1x128xi32, #tpu.memory_space<vmem>>
      %dma_wait3A_125 = tpu.memref_squeeze %dma_wait3A_124 : memref<1x1x128xi32, #tpu.memory_space<vmem>> -> memref<128xi32, #tpu.memory_space<vmem>>
      %dma_wait3A_126 = tpu.memref_slice %arg7[%multiple_of3A_63] : memref<323584xi32, #tpu.memory_space<hbm>> -> memref<128xi32, #tpu.memory_space<hbm>>
      tpu.wait_dma2 semaphore(%run_scoped3A_110 : memref<!tpu.dma_semaphore, #tpu.memory_space<semaphore_mem>>) src(%dma_wait3A_126 : memref<128xi32, #tpu.memory_space<hbm>>) dst(%dma_wait3A_125 : memref<128xi32, #tpu.memory_space<vmem>>)
      tpu.yield
    }) : () -> ()
    %dma_start3A_68 = arith.constant 0 : i32
    %dma_start3A_69 = arith.constant 0 : i32
    %dma_start3A_70 = arith.constant 0 : i32
    %dma_start3A_71 = arith.constant 0 : i32
    %dma_start3A_72 = arith.constant 0 : i32
    %dma_start3A_73 = tpu.memref_slice %arg12[%dma_start3A_70, %dma_start3A_71, %dma_start3A_72] : memref<2x128x128xf32, #tpu.memory_space<vmem>> -> memref<1x128x128xf32, #tpu.memory_space<vmem>>
    %dma_start3A_74 = tpu.memref_squeeze %dma_start3A_73 : memref<1x128x128xf32, #tpu.memory_space<vmem>> -> memref<128x128xf32, #tpu.memory_space<vmem>>
    %dma_start3A_75 = arith.constant 0 : i32
    %dma_start3A_76 = tpu.memref_slice %arg11[%dma_start3A_68, %dma_start3A_69, %dma_start3A_75] : memref<2x2x128xi32, #tpu.memory_space<vmem>> -> memref<1x1x128xi32, #tpu.memory_space<vmem>>
    %dma_start3A_77 = tpu.memref_squeeze %dma_start3A_76 : memref<1x1x128xi32, #tpu.memory_space<vmem>> -> memref<128xi32, #tpu.memory_space<vmem>>
    %dma_start3A_78 = arith.constant 0 : i32
    %dma_start3A_79 = arith.constant 0 : i32
    %dma_start3A_80 = tpu.memref_slice %arg3[%dma_start3A_78, %dma_start3A_79] : memref<10112x128xf32, #tpu.memory_space<hbm>> -> memref<10112x128xf32, #tpu.memory_space<hbm>>
    tpu.enqueue_indirect_dma source(%dma_start3A_80 : memref<10112x128xf32, #tpu.memory_space<hbm>>) target(%dma_start3A_74 : memref<128x128xf32, #tpu.memory_space<vmem>>) offsets(%dma_start3A_77 : memref<128xi32, #tpu.memory_space<vmem>>) semaphore(%arg14 : memref<!tpu.dma_semaphore, #tpu.memory_space<semaphore_mem>>)
    %scan3A_81 = arith.constant 0 : i32
    %scan3A_82 = arith.constant 0 : i32
    %scan3A_83 = arith.constant 39 : i32
    %scan3A_84 = arith.addi %scan3A_82, %scan3A_83 : i32
    %scan3A_85 = arith.constant 1 : i32
    %scan3A_86 = scf.for %scan3A_110 = %scan3A_82 to %scan3A_84 step %scan3A_85 iter_args(%scan3A_111 = %scan3A_81) -> (i32)  : i32 {
      %mul3A_112 = arith.constant 2 : i32
      %mul3A_113 = arith.muli %mul3A_112, %scan3A_110 : i32
      %add3A_114 = arith.constant 1 : i32
      %add3A_115 = arith.addi %mul3A_113, %add3A_114 : i32
      %mul3A_116 = arith.constant 1264 : i32
      %mul3A_117 = arith.muli %arg0, %mul3A_116 : i32
      %mul3A_118 = arith.constant 16 : i32
      %mul3A_119 = arith.muli %add3A_115, %mul3A_118 : i32
      %add3A_120 = arith.addi %mul3A_117, %mul3A_119 : i32
      %add3A_121 = arith.addi %add3A_120, %arg1 : i32
      %mul3A_122 = arith.constant 128 : i32
      %mul3A_123 = arith.muli %add3A_121, %mul3A_122 : i32
      %multiple_of3A_124 = tpu.assume_multiple %mul3A_123, 128 : i32
      %run_scoped3A_125 = arith.constant 1 : i32
      %run_scoped3A_126 = arith.constant 0 : i32
      "tpu.region"() ({
        %run_scoped3A_205 = tpu.sem_alloc : memref<!tpu.dma_semaphore, #tpu.memory_space<semaphore_mem>>
        %dma_start3A_206 = arith.constant 0 : i32
        %dma_start3A_207 = tpu.memref_slice %arg11[%run_scoped3A_125, %run_scoped3A_126, %dma_start3A_206] : memref<2x2x128xi32, #tpu.memory_space<vmem>> -> memref<1x1x128xi32, #tpu.memory_space<vmem>>
        %dma_start3A_208 = tpu.memref_squeeze %dma_start3A_207 : memref<1x1x128xi32, #tpu.memory_space<vmem>> -> memref<128xi32, #tpu.memory_space<vmem>>
        %dma_start3A_209 = tpu.memref_slice %arg6[%multiple_of3A_124] : memref<323584xi32, #tpu.memory_space<hbm>> -> memref<128xi32, #tpu.memory_space<hbm>>
        %dma_start3A_210 = arith.constant 0 : i32
        %dma_start3A_211 = tpu.memref_slice %arg11[%run_scoped3A_125, %run_scoped3A_126, %dma_start3A_210] : memref<2x2x128xi32, #tpu.memory_space<vmem>> -> memref<1x1x128xi32, #tpu.memory_space<vmem>>
        %dma_start3A_212 = tpu.memref_squeeze %dma_start3A_211 : memref<1x1x128xi32, #tpu.memory_space<vmem>> -> memref<128xi32, #tpu.memory_space<vmem>>
        %dma_start3A_213 = tpu.memref_slice %arg6[%multiple_of3A_124] : memref<323584xi32, #tpu.memory_space<hbm>> -> memref<128xi32, #tpu.memory_space<hbm>>
        tpu.enqueue_dma source(%dma_start3A_213 : memref<128xi32, #tpu.memory_space<hbm>>) target(%dma_start3A_212 : memref<128xi32, #tpu.memory_space<vmem>>) target_semaphore(%run_scoped3A_205 : memref<!tpu.dma_semaphore, #tpu.memory_space<semaphore_mem>>)
        %dma_wait3A_214 = arith.constant 0 : i32
        %dma_wait3A_215 = tpu.memref_slice %arg11[%run_scoped3A_125, %run_scoped3A_126, %dma_wait3A_214] : memref<2x2x128xi32, #tpu.memory_space<vmem>> -> memref<1x1x128xi32, #tpu.memory_space<vmem>>
        %dma_wait3A_216 = tpu.memref_squeeze %dma_wait3A_215 : memref<1x1x128xi32, #tpu.memory_space<vmem>> -> memref<128xi32, #tpu.memory_space<vmem>>
        %dma_wait3A_217 = tpu.memref_slice %arg6[%multiple_of3A_124] : memref<323584xi32, #tpu.memory_space<hbm>> -> memref<128xi32, #tpu.memory_space<hbm>>
        %dma_wait3A_218 = arith.constant 0 : i32
        %dma_wait3A_219 = tpu.memref_slice %arg11[%run_scoped3A_125, %run_scoped3A_126, %dma_wait3A_218] : memref<2x2x128xi32, #tpu.memory_space<vmem>> -> memref<1x1x128xi32, #tpu.memory_space<vmem>>
        %dma_wait3A_220 = tpu.memref_squeeze %dma_wait3A_219 : memref<1x1x128xi32, #tpu.memory_space<vmem>> -> memref<128xi32, #tpu.memory_space<vmem>>
        %dma_wait3A_221 = tpu.memref_slice %arg6[%multiple_of3A_124] : memref<323584xi32, #tpu.memory_space<hbm>> -> memref<128xi32, #tpu.memory_space<hbm>>
        tpu.wait_dma2 semaphore(%run_scoped3A_205 : memref<!tpu.dma_semaphore, #tpu.memory_space<semaphore_mem>>) src(%dma_wait3A_221 : memref<128xi32, #tpu.memory_space<hbm>>) dst(%dma_wait3A_220 : memref<128xi32, #tpu.memory_space<vmem>>)
        tpu.yield
      }) : () -> ()
      %run_scoped3A_127 = arith.constant 1 : i32
      %run_scoped3A_128 = arith.constant 1 : i32
      "tpu.region"() ({
        %run_scoped3A_205 = tpu.sem_alloc : memref<!tpu.dma_semaphore, #tpu.memory_space<semaphore_mem>>
        %dma_start3A_206 = arith.constant 0 : i32
        %dma_start3A_207 = tpu.memref_slice %arg11[%run_scoped3A_127, %run_scoped3A_128, %dma_start3A_206] : memref<2x2x128xi32, #tpu.memory_space<vmem>> -> memref<1x1x128xi32, #tpu.memory_space<vmem>>
        %dma_start3A_208 = tpu.memref_squeeze %dma_start3A_207 : memref<1x1x128xi32, #tpu.memory_space<vmem>> -> memref<128xi32, #tpu.memory_space<vmem>>
        %dma_start3A_209 = tpu.memref_slice %arg7[%multiple_of3A_124] : memref<323584xi32, #tpu.memory_space<hbm>> -> memref<128xi32, #tpu.memory_space<hbm>>
        %dma_start3A_210 = arith.constant 0 : i32
        %dma_start3A_211 = tpu.memref_slice %arg11[%run_scoped3A_127, %run_scoped3A_128, %dma_start3A_210] : memref<2x2x128xi32, #tpu.memory_space<vmem>> -> memref<1x1x128xi32, #tpu.memory_space<vmem>>
        %dma_start3A_212 = tpu.memref_squeeze %dma_start3A_211 : memref<1x1x128xi32, #tpu.memory_space<vmem>> -> memref<128xi32, #tpu.memory_space<vmem>>
        %dma_start3A_213 = tpu.memref_slice %arg7[%multiple_of3A_124] : memref<323584xi32, #tpu.memory_space<hbm>> -> memref<128xi32, #tpu.memory_space<hbm>>
        tpu.enqueue_dma source(%dma_start3A_213 : memref<128xi32, #tpu.memory_space<hbm>>) target(%dma_start3A_212 : memref<128xi32, #tpu.memory_space<vmem>>) target_semaphore(%run_scoped3A_205 : memref<!tpu.dma_semaphore, #tpu.memory_space<semaphore_mem>>)
        %dma_wait3A_214 = arith.constant 0 : i32
        %dma_wait3A_215 = tpu.memref_slice %arg11[%run_scoped3A_127, %run_scoped3A_128, %dma_wait3A_214] : memref<2x2x128xi32, #tpu.memory_space<vmem>> -> memref<1x1x128xi32, #tpu.memory_space<vmem>>
        %dma_wait3A_216 = tpu.memref_squeeze %dma_wait3A_215 : memref<1x1x128xi32, #tpu.memory_space<vmem>> -> memref<128xi32, #tpu.memory_space<vmem>>
        %dma_wait3A_217 = tpu.memref_slice %arg7[%multiple_of3A_124] : memref<323584xi32, #tpu.memory_space<hbm>> -> memref<128xi32, #tpu.memory_space<hbm>>
        %dma_wait3A_218 = arith.constant 0 : i32
        %dma_wait3A_219 = tpu.memref_slice %arg11[%run_scoped3A_127, %run_scoped3A_128, %dma_wait3A_218] : memref<2x2x128xi32, #tpu.memory_space<vmem>> -> memref<1x1x128xi32, #tpu.memory_space<vmem>>
        %dma_wait3A_220 = tpu.memref_squeeze %dma_wait3A_219 : memref<1x1x128xi32, #tpu.memory_space<vmem>> -> memref<128xi32, #tpu.memory_space<vmem>>
        %dma_wait3A_221 = tpu.memref_slice %arg7[%multiple_of3A_124] : memref<323584xi32, #tpu.memory_space<hbm>> -> memref<128xi32, #tpu.memory_space<hbm>>
        tpu.wait_dma2 semaphore(%run_scoped3A_205 : memref<!tpu.dma_semaphore, #tpu.memory_space<semaphore_mem>>) src(%dma_wait3A_221 : memref<128xi32, #tpu.memory_space<hbm>>) dst(%dma_wait3A_220 : memref<128xi32, #tpu.memory_space<vmem>>)
        tpu.yield
      }) : () -> ()
      %dma_start3A_129 = arith.constant 1 : i32
      %dma_start3A_130 = arith.constant 0 : i32
      %dma_start3A_131 = arith.constant 1 : i32
      %dma_start3A_132 = arith.constant 0 : i32
      %dma_start3A_133 = arith.constant 0 : i32
      %dma_start3A_134 = tpu.memref_slice %arg12[%dma_start3A_131, %dma_start3A_132, %dma_start3A_133] : memref<2x128x128xf32, #tpu.memory_space<vmem>> -> memref<1x128x128xf32, #tpu.memory_space<vmem>>
      %dma_start3A_135 = tpu.memref_squeeze %dma_start3A_134 : memref<1x128x128xf32, #tpu.memory_space<vmem>> -> memref<128x128xf32, #tpu.memory_space<vmem>>
      %dma_start3A_136 = arith.constant 0 : i32
      %dma_start3A_137 = tpu.memref_slice %arg11[%dma_start3A_129, %dma_start3A_130, %dma_start3A_136] : memref<2x2x128xi32, #tpu.memory_space<vmem>> -> memref<1x1x128xi32, #tpu.memory_space<vmem>>
      %dma_start3A_138 = tpu.memref_squeeze %dma_start3A_137 : memref<1x1x128xi32, #tpu.memory_space<vmem>> -> memref<128xi32, #tpu.memory_space<vmem>>
      %dma_start3A_139 = arith.constant 0 : i32
      %dma_start3A_140 = arith.constant 0 : i32
      %dma_start3A_141 = tpu.memref_slice %arg3[%dma_start3A_139, %dma_start3A_140] : memref<10112x128xf32, #tpu.memory_space<hbm>> -> memref<10112x128xf32, #tpu.memory_space<hbm>>
      tpu.enqueue_indirect_dma source(%dma_start3A_141 : memref<10112x128xf32, #tpu.memory_space<hbm>>) target(%dma_start3A_135 : memref<128x128xf32, #tpu.memory_space<vmem>>) offsets(%dma_start3A_138 : memref<128xi32, #tpu.memory_space<vmem>>) semaphore(%arg15 : memref<!tpu.dma_semaphore, #tpu.memory_space<semaphore_mem>>)
      %dma_wait3A_142 = arith.constant 0 : i32
      %dma_wait3A_143 = arith.constant 0 : i32
      %dma_wait3A_144 = arith.constant 0 : i32
      %dma_wait3A_145 = arith.constant 0 : i32
      %dma_wait3A_146 = arith.constant 0 : i32
      %dma_wait3A_147 = tpu.memref_slice %arg12[%dma_wait3A_144, %dma_wait3A_145, %dma_wait3A_146] : memref<2x128x128xf32, #tpu.memory_space<vmem>> -> memref<1x128x128xf32, #tpu.memory_space<vmem>>
      %dma_wait3A_148 = tpu.memref_squeeze %dma_wait3A_147 : memref<1x128x128xf32, #tpu.memory_space<vmem>> -> memref<128x128xf32, #tpu.memory_space<vmem>>
      %dma_wait3A_149 = arith.constant 0 : i32
      %dma_wait3A_150 = tpu.memref_slice %arg11[%dma_wait3A_142, %dma_wait3A_143, %dma_wait3A_149] : memref<2x2x128xi32, #tpu.memory_space<vmem>> -> memref<1x1x128xi32, #tpu.memory_space<vmem>>
      %dma_wait3A_151 = tpu.memref_squeeze %dma_wait3A_150 : memref<1x1x128xi32, #tpu.memory_space<vmem>> -> memref<128xi32, #tpu.memory_space<vmem>>
      %dma_wait3A_152 = arith.constant 0 : i32
      %dma_wait3A_153 = arith.constant 0 : i32
      %dma_wait3A_154 = tpu.memref_slice %arg3[%dma_wait3A_152, %dma_wait3A_153] : memref<10112x128xf32, #tpu.memory_space<hbm>> -> memref<10112x128xf32, #tpu.memory_space<hbm>>
      tpu.wait_indirect_dma semaphore(%arg14 : memref<!tpu.dma_semaphore, #tpu.memory_space<semaphore_mem>>) src(%dma_wait3A_154 : memref<10112x128xf32, #tpu.memory_space<hbm>>) dst(%dma_wait3A_148 : memref<128x128xf32, #tpu.memory_space<vmem>>)
      %run_scoped3A_155 = arith.constant 0 : i32
      %run_scoped3A_156 = arith.constant 0 : i32
      %run_scoped3A_157 = arith.constant 1 : i32
      "tpu.region"() ({
        %run_scoped3A_205 = tpu.sem_alloc : memref<!tpu.dma_semaphore, #tpu.memory_space<semaphore_mem>>
        %dma_start3A_206 = arith.constant 0 : i32
        %dma_start3A_207 = arith.constant 0 : i32
        %dma_start3A_208 = tpu.memref_slice %arg12[%run_scoped3A_155, %dma_start3A_206, %dma_start3A_207] : memref<2x128x128xf32, #tpu.memory_space<vmem>> -> memref<1x128x128xf32, #tpu.memory_space<vmem>>
        %dma_start3A_209 = tpu.memref_squeeze %dma_start3A_208 : memref<1x128x128xf32, #tpu.memory_space<vmem>> -> memref<128x128xf32, #tpu.memory_space<vmem>>
        %dma_start3A_210 = arith.constant 0 : i32
        %dma_start3A_211 = tpu.memref_slice %arg11[%run_scoped3A_156, %run_scoped3A_157, %dma_start3A_210] : memref<2x2x128xi32, #tpu.memory_space<vmem>> -> memref<1x1x128xi32, #tpu.memory_space<vmem>>
        %dma_start3A_212 = tpu.memref_squeeze %dma_start3A_211 : memref<1x1x128xi32, #tpu.memory_space<vmem>> -> memref<128xi32, #tpu.memory_space<vmem>>
        %dma_start3A_213 = arith.constant 0 : i32
        %dma_start3A_214 = arith.constant 0 : i32
        %dma_start3A_215 = tpu.memref_slice %arg13[%dma_start3A_213, %dma_start3A_214] : memref<10112x128xf32, #tpu.memory_space<vmem_shared>> -> memref<10112x128xf32, #tpu.memory_space<vmem_shared>>
        tpu.enqueue_indirect_dma source(%dma_start3A_209 : memref<128x128xf32, #tpu.memory_space<vmem>>) target(%dma_start3A_215 : memref<10112x128xf32, #tpu.memory_space<vmem_shared>>) offsets(%dma_start3A_212 : memref<128xi32, #tpu.memory_space<vmem>>) semaphore(%run_scoped3A_205 : memref<!tpu.dma_semaphore, #tpu.memory_space<semaphore_mem>>) {add = true}
        %dma_wait3A_216 = arith.constant 0 : i32
        %dma_wait3A_217 = arith.constant 0 : i32
        %dma_wait3A_218 = tpu.memref_slice %arg12[%run_scoped3A_155, %dma_wait3A_216, %dma_wait3A_217] : memref<2x128x128xf32, #tpu.memory_space<vmem>> -> memref<1x128x128xf32, #tpu.memory_space<vmem>>
        %dma_wait3A_219 = tpu.memref_squeeze %dma_wait3A_218 : memref<1x128x128xf32, #tpu.memory_space<vmem>> -> memref<128x128xf32, #tpu.memory_space<vmem>>
        %dma_wait3A_220 = arith.constant 0 : i32
        %dma_wait3A_221 = tpu.memref_slice %arg11[%run_scoped3A_156, %run_scoped3A_157, %dma_wait3A_220] : memref<2x2x128xi32, #tpu.memory_space<vmem>> -> memref<1x1x128xi32, #tpu.memory_space<vmem>>
        %dma_wait3A_222 = tpu.memref_squeeze %dma_wait3A_221 : memref<1x1x128xi32, #tpu.memory_space<vmem>> -> memref<128xi32, #tpu.memory_space<vmem>>
        %dma_wait3A_223 = arith.constant 0 : i32
        %dma_wait3A_224 = arith.constant 0 : i32
        %dma_wait3A_225 = tpu.memref_slice %arg13[%dma_wait3A_223, %dma_wait3A_224] : memref<10112x128xf32, #tpu.memory_space<vmem_shared>> -> memref<10112x128xf32, #tpu.memory_space<vmem_shared>>
        tpu.wait_indirect_dma semaphore(%run_scoped3A_205 : memref<!tpu.dma_semaphore, #tpu.memory_space<semaphore_mem>>) src(%dma_wait3A_219 : memref<128x128xf32, #tpu.memory_space<vmem>>) dst(%dma_wait3A_225 : memref<10112x128xf32, #tpu.memory_space<vmem_shared>>)
        tpu.yield
      }) : () -> ()
      %mul3A_158 = arith.constant 2 : i32
      %mul3A_159 = arith.muli %mul3A_158, %scan3A_110 : i32
      %add3A_160 = arith.constant 2 : i32
      %add3A_161 = arith.addi %mul3A_159, %add3A_160 : i32
      %mul3A_162 = arith.constant 1264 : i32
      %mul3A_163 = arith.muli %arg0, %mul3A_162 : i32
      %mul3A_164 = arith.constant 16 : i32
      %mul3A_165 = arith.muli %add3A_161, %mul3A_164 : i32
      %add3A_166 = arith.addi %mul3A_163, %mul3A_165 : i32
      %add3A_167 = arith.addi %add3A_166, %arg1 : i32
      %mul3A_168 = arith.constant 128 : i32
      %mul3A_169 = arith.muli %add3A_167, %mul3A_168 : i32
      %multiple_of3A_170 = tpu.assume_multiple %mul3A_169, 128 : i32
      %run_scoped3A_171 = arith.constant 0 : i32
      %run_scoped3A_172 = arith.constant 0 : i32
      "tpu.region"() ({
        %run_scoped3A_205 = tpu.sem_alloc : memref<!tpu.dma_semaphore, #tpu.memory_space<semaphore_mem>>
        %dma_start3A_206 = arith.constant 0 : i32
        %dma_start3A_207 = tpu.memref_slice %arg11[%run_scoped3A_171, %run_scoped3A_172, %dma_start3A_206] : memref<2x2x128xi32, #tpu.memory_space<vmem>> -> memref<1x1x128xi32, #tpu.memory_space<vmem>>
        %dma_start3A_208 = tpu.memref_squeeze %dma_start3A_207 : memref<1x1x128xi32, #tpu.memory_space<vmem>> -> memref<128xi32, #tpu.memory_space<vmem>>
        %dma_start3A_209 = tpu.memref_slice %arg6[%multiple_of3A_170] : memref<323584xi32, #tpu.memory_space<hbm>> -> memref<128xi32, #tpu.memory_space<hbm>>
        %dma_start3A_210 = arith.constant 0 : i32
        %dma_start3A_211 = tpu.memref_slice %arg11[%run_scoped3A_171, %run_scoped3A_172, %dma_start3A_210] : memref<2x2x128xi32, #tpu.memory_space<vmem>> -> memref<1x1x128xi32, #tpu.memory_space<vmem>>
        %dma_start3A_212 = tpu.memref_squeeze %dma_start3A_211 : memref<1x1x128xi32, #tpu.memory_space<vmem>> -> memref<128xi32, #tpu.memory_space<vmem>>
        %dma_start3A_213 = tpu.memref_slice %arg6[%multiple_of3A_170] : memref<323584xi32, #tpu.memory_space<hbm>> -> memref<128xi32, #tpu.memory_space<hbm>>
        tpu.enqueue_dma source(%dma_start3A_213 : memref<128xi32, #tpu.memory_space<hbm>>) target(%dma_start3A_212 : memref<128xi32, #tpu.memory_space<vmem>>) target_semaphore(%run_scoped3A_205 : memref<!tpu.dma_semaphore, #tpu.memory_space<semaphore_mem>>)
        %dma_wait3A_214 = arith.constant 0 : i32
        %dma_wait3A_215 = tpu.memref_slice %arg11[%run_scoped3A_171, %run_scoped3A_172, %dma_wait3A_214] : memref<2x2x128xi32, #tpu.memory_space<vmem>> -> memref<1x1x128xi32, #tpu.memory_space<vmem>>
        %dma_wait3A_216 = tpu.memref_squeeze %dma_wait3A_215 : memref<1x1x128xi32, #tpu.memory_space<vmem>> -> memref<128xi32, #tpu.memory_space<vmem>>
        %dma_wait3A_217 = tpu.memref_slice %arg6[%multiple_of3A_170] : memref<323584xi32, #tpu.memory_space<hbm>> -> memref<128xi32, #tpu.memory_space<hbm>>
        %dma_wait3A_218 = arith.constant 0 : i32
        %dma_wait3A_219 = tpu.memref_slice %arg11[%run_scoped3A_171, %run_scoped3A_172, %dma_wait3A_218] : memref<2x2x128xi32, #tpu.memory_space<vmem>> -> memref<1x1x128xi32, #tpu.memory_space<vmem>>
        %dma_wait3A_220 = tpu.memref_squeeze %dma_wait3A_219 : memref<1x1x128xi32, #tpu.memory_space<vmem>> -> memref<128xi32, #tpu.memory_space<vmem>>
        %dma_wait3A_221 = tpu.memref_slice %arg6[%multiple_of3A_170] : memref<323584xi32, #tpu.memory_space<hbm>> -> memref<128xi32, #tpu.memory_space<hbm>>
        tpu.wait_dma2 semaphore(%run_scoped3A_205 : memref<!tpu.dma_semaphore, #tpu.memory_space<semaphore_mem>>) src(%dma_wait3A_221 : memref<128xi32, #tpu.memory_space<hbm>>) dst(%dma_wait3A_220 : memref<128xi32, #tpu.memory_space<vmem>>)
        tpu.yield
      }) : () -> ()
      %run_scoped3A_173 = arith.constant 0 : i32
      %run_scoped3A_174 = arith.constant 1 : i32
      "tpu.region"() ({
        %run_scoped3A_205 = tpu.sem_alloc : memref<!tpu.dma_semaphore, #tpu.memory_space<semaphore_mem>>
        %dma_start3A_206 = arith.constant 0 : i32
        %dma_start3A_207 = tpu.memref_slice %arg11[%run_scoped3A_173, %run_scoped3A_174, %dma_start3A_206] : memref<2x2x128xi32, #tpu.memory_space<vmem>> -> memref<1x1x128xi32, #tpu.memory_space<vmem>>
        %dma_start3A_208 = tpu.memref_squeeze %dma_start3A_207 : memref<1x1x128xi32, #tpu.memory_space<vmem>> -> memref<128xi32, #tpu.memory_space<vmem>>
        %dma_start3A_209 = tpu.memref_slice %arg7[%multiple_of3A_170] : memref<323584xi32, #tpu.memory_space<hbm>> -> memref<128xi32, #tpu.memory_space<hbm>>
        %dma_start3A_210 = arith.constant 0 : i32
        %dma_start3A_211 = tpu.memref_slice %arg11[%run_scoped3A_173, %run_scoped3A_174, %dma_start3A_210] : memref<2x2x128xi32, #tpu.memory_space<vmem>> -> memref<1x1x128xi32, #tpu.memory_space<vmem>>
        %dma_start3A_212 = tpu.memref_squeeze %dma_start3A_211 : memref<1x1x128xi32, #tpu.memory_space<vmem>> -> memref<128xi32, #tpu.memory_space<vmem>>
        %dma_start3A_213 = tpu.memref_slice %arg7[%multiple_of3A_170] : memref<323584xi32, #tpu.memory_space<hbm>> -> memref<128xi32, #tpu.memory_space<hbm>>
        tpu.enqueue_dma source(%dma_start3A_213 : memref<128xi32, #tpu.memory_space<hbm>>) target(%dma_start3A_212 : memref<128xi32, #tpu.memory_space<vmem>>) target_semaphore(%run_scoped3A_205 : memref<!tpu.dma_semaphore, #tpu.memory_space<semaphore_mem>>)
        %dma_wait3A_214 = arith.constant 0 : i32
        %dma_wait3A_215 = tpu.memref_slice %arg11[%run_scoped3A_173, %run_scoped3A_174, %dma_wait3A_214] : memref<2x2x128xi32, #tpu.memory_space<vmem>> -> memref<1x1x128xi32, #tpu.memory_space<vmem>>
        %dma_wait3A_216 = tpu.memref_squeeze %dma_wait3A_215 : memref<1x1x128xi32, #tpu.memory_space<vmem>> -> memref<128xi32, #tpu.memory_space<vmem>>
        %dma_wait3A_217 = tpu.memref_slice %arg7[%multiple_of3A_170] : memref<323584xi32, #tpu.memory_space<hbm>> -> memref<128xi32, #tpu.memory_space<hbm>>
        %dma_wait3A_218 = arith.constant 0 : i32
        %dma_wait3A_219 = tpu.memref_slice %arg11[%run_scoped3A_173, %run_scoped3A_174, %dma_wait3A_218] : memref<2x2x128xi32, #tpu.memory_space<vmem>> -> memref<1x1x128xi32, #tpu.memory_space<vmem>>
        %dma_wait3A_220 = tpu.memref_squeeze %dma_wait3A_219 : memref<1x1x128xi32, #tpu.memory_space<vmem>> -> memref<128xi32, #tpu.memory_space<vmem>>
        %dma_wait3A_221 = tpu.memref_slice %arg7[%multiple_of3A_170] : memref<323584xi32, #tpu.memory_space<hbm>> -> memref<128xi32, #tpu.memory_space<hbm>>
        tpu.wait_dma2 semaphore(%run_scoped3A_205 : memref<!tpu.dma_semaphore, #tpu.memory_space<semaphore_mem>>) src(%dma_wait3A_221 : memref<128xi32, #tpu.memory_space<hbm>>) dst(%dma_wait3A_220 : memref<128xi32, #tpu.memory_space<vmem>>)
        tpu.yield
      }) : () -> ()
      %dma_start3A_175 = arith.constant 0 : i32
      %dma_start3A_176 = arith.constant 0 : i32
      %dma_start3A_177 = arith.constant 0 : i32
      %dma_start3A_178 = arith.constant 0 : i32
      %dma_start3A_179 = arith.constant 0 : i32
      %dma_start3A_180 = tpu.memref_slice %arg12[%dma_start3A_177, %dma_start3A_178, %dma_start3A_179] : memref<2x128x128xf32, #tpu.memory_space<vmem>> -> memref<1x128x128xf32, #tpu.memory_space<vmem>>
      %dma_start3A_181 = tpu.memref_squeeze %dma_start3A_180 : memref<1x128x128xf32, #tpu.memory_space<vmem>> -> memref<128x128xf32, #tpu.memory_space<vmem>>
      %dma_start3A_182 = arith.constant 0 : i32
      %dma_start3A_183 = tpu.memref_slice %arg11[%dma_start3A_175, %dma_start3A_176, %dma_start3A_182] : memref<2x2x128xi32, #tpu.memory_space<vmem>> -> memref<1x1x128xi32, #tpu.memory_space<vmem>>
      %dma_start3A_184 = tpu.memref_squeeze %dma_start3A_183 : memref<1x1x128xi32, #tpu.memory_space<vmem>> -> memref<128xi32, #tpu.memory_space<vmem>>
      %dma_start3A_185 = arith.constant 0 : i32
      %dma_start3A_186 = arith.constant 0 : i32
      %dma_start3A_187 = tpu.memref_slice %arg3[%dma_start3A_185, %dma_start3A_186] : memref<10112x128xf32, #tpu.memory_space<hbm>> -> memref<10112x128xf32, #tpu.memory_space<hbm>>
      tpu.enqueue_indirect_dma source(%dma_start3A_187 : memref<10112x128xf32, #tpu.memory_space<hbm>>) target(%dma_start3A_181 : memref<128x128xf32, #tpu.memory_space<vmem>>) offsets(%dma_start3A_184 : memref<128xi32, #tpu.memory_space<vmem>>) semaphore(%arg14 : memref<!tpu.dma_semaphore, #tpu.memory_space<semaphore_mem>>)
      %dma_wait3A_188 = arith.constant 1 : i32
      %dma_wait3A_189 = arith.constant 0 : i32
      %dma_wait3A_190 = arith.constant 1 : i32
      %dma_wait3A_191 = arith.constant 0 : i32
      %dma_wait3A_192 = arith.constant 0 : i32
      %dma_wait3A_193 = tpu.memref_slice %arg12[%dma_wait3A_190, %dma_wait3A_191, %dma_wait3A_192] : memref<2x128x128xf32, #tpu.memory_space<vmem>> -> memref<1x128x128xf32, #tpu.memory_space<vmem>>
      %dma_wait3A_194 = tpu.memref_squeeze %dma_wait3A_193 : memref<1x128x128xf32, #tpu.memory_space<vmem>> -> memref<128x128xf32, #tpu.memory_space<vmem>>
      %dma_wait3A_195 = arith.constant 0 : i32
      %dma_wait3A_196 = tpu.memref_slice %arg11[%dma_wait3A_188, %dma_wait3A_189, %dma_wait3A_195] : memref<2x2x128xi32, #tpu.memory_space<vmem>> -> memref<1x1x128xi32, #tpu.memory_space<vmem>>
      %dma_wait3A_197 = tpu.memref_squeeze %dma_wait3A_196 : memref<1x1x128xi32, #tpu.memory_space<vmem>> -> memref<128xi32, #tpu.memory_space<vmem>>
      %dma_wait3A_198 = arith.constant 0 : i32
      %dma_wait3A_199 = arith.constant 0 : i32
      %dma_wait3A_200 = tpu.memref_slice %arg3[%dma_wait3A_198, %dma_wait3A_199] : memref<10112x128xf32, #tpu.memory_space<hbm>> -> memref<10112x128xf32, #tpu.memory_space<hbm>>
      tpu.wait_indirect_dma semaphore(%arg15 : memref<!tpu.dma_semaphore, #tpu.memory_space<semaphore_mem>>) src(%dma_wait3A_200 : memref<10112x128xf32, #tpu.memory_space<hbm>>) dst(%dma_wait3A_194 : memref<128x128xf32, #tpu.memory_space<vmem>>)
      %run_scoped3A_201 = arith.constant 1 : i32
      %run_scoped3A_202 = arith.constant 1 : i32
      %run_scoped3A_203 = arith.constant 1 : i32
      "tpu.region"() ({
        %run_scoped3A_205 = tpu.sem_alloc : memref<!tpu.dma_semaphore, #tpu.memory_space<semaphore_mem>>
        %dma_start3A_206 = arith.constant 0 : i32
        %dma_start3A_207 = arith.constant 0 : i32
        %dma_start3A_208 = tpu.memref_slice %arg12[%run_scoped3A_201, %dma_start3A_206, %dma_start3A_207] : memref<2x128x128xf32, #tpu.memory_space<vmem>> -> memref<1x128x128xf32, #tpu.memory_space<vmem>>
        %dma_start3A_209 = tpu.memref_squeeze %dma_start3A_208 : memref<1x128x128xf32, #tpu.memory_space<vmem>> -> memref<128x128xf32, #tpu.memory_space<vmem>>
        %dma_start3A_210 = arith.constant 0 : i32
        %dma_start3A_211 = tpu.memref_slice %arg11[%run_scoped3A_202, %run_scoped3A_203, %dma_start3A_210] : memref<2x2x128xi32, #tpu.memory_space<vmem>> -> memref<1x1x128xi32, #tpu.memory_space<vmem>>
        %dma_start3A_212 = tpu.memref_squeeze %dma_start3A_211 : memref<1x1x128xi32, #tpu.memory_space<vmem>> -> memref<128xi32, #tpu.memory_space<vmem>>
        %dma_start3A_213 = arith.constant 0 : i32
        %dma_start3A_214 = arith.constant 0 : i32
        %dma_start3A_215 = tpu.memref_slice %arg13[%dma_start3A_213, %dma_start3A_214] : memref<10112x128xf32, #tpu.memory_space<vmem_shared>> -> memref<10112x128xf32, #tpu.memory_space<vmem_shared>>
        tpu.enqueue_indirect_dma source(%dma_start3A_209 : memref<128x128xf32, #tpu.memory_space<vmem>>) target(%dma_start3A_215 : memref<10112x128xf32, #tpu.memory_space<vmem_shared>>) offsets(%dma_start3A_212 : memref<128xi32, #tpu.memory_space<vmem>>) semaphore(%run_scoped3A_205 : memref<!tpu.dma_semaphore, #tpu.memory_space<semaphore_mem>>) {add = true}
        %dma_wait3A_216 = arith.constant 0 : i32
        %dma_wait3A_217 = arith.constant 0 : i32
        %dma_wait3A_218 = tpu.memref_slice %arg12[%run_scoped3A_201, %dma_wait3A_216, %dma_wait3A_217] : memref<2x128x128xf32, #tpu.memory_space<vmem>> -> memref<1x128x128xf32, #tpu.memory_space<vmem>>
        %dma_wait3A_219 = tpu.memref_squeeze %dma_wait3A_218 : memref<1x128x128xf32, #tpu.memory_space<vmem>> -> memref<128x128xf32, #tpu.memory_space<vmem>>
        %dma_wait3A_220 = arith.constant 0 : i32
        %dma_wait3A_221 = tpu.memref_slice %arg11[%run_scoped3A_202, %run_scoped3A_203, %dma_wait3A_220] : memref<2x2x128xi32, #tpu.memory_space<vmem>> -> memref<1x1x128xi32, #tpu.memory_space<vmem>>
        %dma_wait3A_222 = tpu.memref_squeeze %dma_wait3A_221 : memref<1x1x128xi32, #tpu.memory_space<vmem>> -> memref<128xi32, #tpu.memory_space<vmem>>
        %dma_wait3A_223 = arith.constant 0 : i32
        %dma_wait3A_224 = arith.constant 0 : i32
        %dma_wait3A_225 = tpu.memref_slice %arg13[%dma_wait3A_223, %dma_wait3A_224] : memref<10112x128xf32, #tpu.memory_space<vmem_shared>> -> memref<10112x128xf32, #tpu.memory_space<vmem_shared>>
        tpu.wait_indirect_dma semaphore(%run_scoped3A_205 : memref<!tpu.dma_semaphore, #tpu.memory_space<semaphore_mem>>) src(%dma_wait3A_219 : memref<128x128xf32, #tpu.memory_space<vmem>>) dst(%dma_wait3A_225 : memref<10112x128xf32, #tpu.memory_space<vmem_shared>>)
        tpu.yield
      }) : () -> ()
      %scan3A_204 = arith.constant 0 : i32
      scf.yield %scan3A_204 : i32
    }
    %scan3A_87 = arith.constant 39 : i32
    %dma_wait3A_88 = arith.constant 0 : i32
    %dma_wait3A_89 = arith.constant 0 : i32
    %dma_wait3A_90 = arith.constant 0 : i32
    %dma_wait3A_91 = arith.constant 0 : i32
    %dma_wait3A_92 = arith.constant 0 : i32
    %dma_wait3A_93 = tpu.memref_slice %arg12[%dma_wait3A_90, %dma_wait3A_91, %dma_wait3A_92] : memref<2x128x128xf32, #tpu.memory_space<vmem>> -> memref<1x128x128xf32, #tpu.memory_space<vmem>>
    %dma_wait3A_94 = tpu.memref_squeeze %dma_wait3A_93 : memref<1x128x128xf32, #tpu.memory_space<vmem>> -> memref<128x128xf32, #tpu.memory_space<vmem>>
    %dma_wait3A_95 = arith.constant 0 : i32
    %dma_wait3A_96 = tpu.memref_slice %arg11[%dma_wait3A_88, %dma_wait3A_89, %dma_wait3A_95] : memref<2x2x128xi32, #tpu.memory_space<vmem>> -> memref<1x1x128xi32, #tpu.memory_space<vmem>>
    %dma_wait3A_97 = tpu.memref_squeeze %dma_wait3A_96 : memref<1x1x128xi32, #tpu.memory_space<vmem>> -> memref<128xi32, #tpu.memory_space<vmem>>
    %dma_wait3A_98 = arith.constant 0 : i32
    %dma_wait3A_99 = arith.constant 0 : i32
    %dma_wait3A_100 = tpu.memref_slice %arg3[%dma_wait3A_98, %dma_wait3A_99] : memref<10112x128xf32, #tpu.memory_space<hbm>> -> memref<10112x128xf32, #tpu.memory_space<hbm>>
    tpu.wait_indirect_dma semaphore(%arg14 : memref<!tpu.dma_semaphore, #tpu.memory_space<semaphore_mem>>) src(%dma_wait3A_100 : memref<10112x128xf32, #tpu.memory_space<hbm>>) dst(%dma_wait3A_94 : memref<128x128xf32, #tpu.memory_space<vmem>>)
    %run_scoped3A_101 = arith.constant 0 : i32
    %run_scoped3A_102 = arith.constant 0 : i32
    %run_scoped3A_103 = arith.constant 1 : i32
    "tpu.region"() ({
      %run_scoped3A_110 = tpu.sem_alloc : memref<!tpu.dma_semaphore, #tpu.memory_space<semaphore_mem>>
      %dma_start3A_111 = arith.constant 0 : i32
      %dma_start3A_112 = arith.constant 0 : i32
      %dma_start3A_113 = tpu.memref_slice %arg12[%run_scoped3A_101, %dma_start3A_111, %dma_start3A_112] : memref<2x128x128xf32, #tpu.memory_space<vmem>> -> memref<1x128x128xf32, #tpu.memory_space<vmem>>
      %dma_start3A_114 = tpu.memref_squeeze %dma_start3A_113 : memref<1x128x128xf32, #tpu.memory_space<vmem>> -> memref<128x128xf32, #tpu.memory_space<vmem>>
      %dma_start3A_115 = arith.constant 0 : i32
      %dma_start3A_116 = tpu.memref_slice %arg11[%run_scoped3A_102, %run_scoped3A_103, %dma_start3A_115] : memref<2x2x128xi32, #tpu.memory_space<vmem>> -> memref<1x1x128xi32, #tpu.memory_space<vmem>>
      %dma_start3A_117 = tpu.memref_squeeze %dma_start3A_116 : memref<1x1x128xi32, #tpu.memory_space<vmem>> -> memref<128xi32, #tpu.memory_space<vmem>>
      %dma_start3A_118 = arith.constant 0 : i32
      %dma_start3A_119 = arith.constant 0 : i32
      %dma_start3A_120 = tpu.memref_slice %arg13[%dma_start3A_118, %dma_start3A_119] : memref<10112x128xf32, #tpu.memory_space<vmem_shared>> -> memref<10112x128xf32, #tpu.memory_space<vmem_shared>>
      tpu.enqueue_indirect_dma source(%dma_start3A_114 : memref<128x128xf32, #tpu.memory_space<vmem>>) target(%dma_start3A_120 : memref<10112x128xf32, #tpu.memory_space<vmem_shared>>) offsets(%dma_start3A_117 : memref<128xi32, #tpu.memory_space<vmem>>) semaphore(%run_scoped3A_110 : memref<!tpu.dma_semaphore, #tpu.memory_space<semaphore_mem>>) {add = true}
      %dma_wait3A_121 = arith.constant 0 : i32
      %dma_wait3A_122 = arith.constant 0 : i32
      %dma_wait3A_123 = tpu.memref_slice %arg12[%run_scoped3A_101, %dma_wait3A_121, %dma_wait3A_122] : memref<2x128x128xf32, #tpu.memory_space<vmem>> -> memref<1x128x128xf32, #tpu.memory_space<vmem>>
      %dma_wait3A_124 = tpu.memref_squeeze %dma_wait3A_123 : memref<1x128x128xf32, #tpu.memory_space<vmem>> -> memref<128x128xf32, #tpu.memory_space<vmem>>
      %dma_wait3A_125 = arith.constant 0 : i32
      %dma_wait3A_126 = tpu.memref_slice %arg11[%run_scoped3A_102, %run_scoped3A_103, %dma_wait3A_125] : memref<2x2x128xi32, #tpu.memory_space<vmem>> -> memref<1x1x128xi32, #tpu.memory_space<vmem>>
      %dma_wait3A_127 = tpu.memref_squeeze %dma_wait3A_126 : memref<1x1x128xi32, #tpu.memory_space<vmem>> -> memref<128xi32, #tpu.memory_space<vmem>>
      %dma_wait3A_128 = arith.constant 0 : i32
      %dma_wait3A_129 = arith.constant 0 : i32
      %dma_wait3A_130 = tpu.memref_slice %arg13[%dma_wait3A_128, %dma_wait3A_129] : memref<10112x128xf32, #tpu.memory_space<vmem_shared>> -> memref<10112x128xf32, #tpu.memory_space<vmem_shared>>
      tpu.wait_indirect_dma semaphore(%run_scoped3A_110 : memref<!tpu.dma_semaphore, #tpu.memory_space<semaphore_mem>>) src(%dma_wait3A_124 : memref<128x128xf32, #tpu.memory_space<vmem>>) dst(%dma_wait3A_130 : memref<10112x128xf32, #tpu.memory_space<vmem_shared>>)
      tpu.yield
    }) : () -> ()
    %barrier3A_104 = arith.constant 0 : index
    tpu.barrier barrier_id(%barrier3A_104)
    %mul3A_105 = arith.constant 632 : i32
    %mul3A_106 = arith.muli %arg1, %mul3A_105 : i32
    %mul3A_107 = arith.constant 632 : i32
    %mul3A_108 = arith.muli %arg1, %mul3A_107 : i32
    "tpu.region"() ({
      %run_scoped3A_110 = tpu.sem_alloc : memref<!tpu.dma_semaphore, #tpu.memory_space<semaphore_mem>>
      %dma_start3A_111 = arith.constant 0 : i32
      %dma_start3A_112 = tpu.memref_slice %arg10[%arg0, %mul3A_108, %dma_start3A_111] : memref<2x10112x128xf32, #tpu.memory_space<hbm>> -> memref<1x632x128xf32, #tpu.memory_space<hbm>>
      %dma_start3A_113 = tpu.memref_squeeze %dma_start3A_112 : memref<1x632x128xf32, #tpu.memory_space<hbm>> -> memref<632x128xf32, #tpu.memory_space<hbm>>
      %dma_start3A_114 = arith.constant 0 : i32
      %dma_start3A_115 = tpu.memref_slice %arg13[%mul3A_106, %dma_start3A_114] : memref<10112x128xf32, #tpu.memory_space<vmem_shared>> -> memref<632x128xf32, #tpu.memory_space<vmem_shared>>
      tpu.enqueue_dma source(%dma_start3A_115 : memref<632x128xf32, #tpu.memory_space<vmem_shared>>) target(%dma_start3A_113 : memref<632x128xf32, #tpu.memory_space<hbm>>) target_semaphore(%run_scoped3A_110 : memref<!tpu.dma_semaphore, #tpu.memory_space<semaphore_mem>>)
      %dma_wait3A_116 = arith.constant 0 : i32
      %dma_wait3A_117 = tpu.memref_slice %arg10[%arg0, %mul3A_108, %dma_wait3A_116] : memref<2x10112x128xf32, #tpu.memory_space<hbm>> -> memref<1x632x128xf32, #tpu.memory_space<hbm>>
      %dma_wait3A_118 = tpu.memref_squeeze %dma_wait3A_117 : memref<1x632x128xf32, #tpu.memory_space<hbm>> -> memref<632x128xf32, #tpu.memory_space<hbm>>
      %dma_wait3A_119 = arith.constant 0 : i32
      %dma_wait3A_120 = tpu.memref_slice %arg13[%mul3A_106, %dma_wait3A_119] : memref<10112x128xf32, #tpu.memory_space<vmem_shared>> -> memref<632x128xf32, #tpu.memory_space<vmem_shared>>
      tpu.wait_dma2 semaphore(%run_scoped3A_110 : memref<!tpu.dma_semaphore, #tpu.memory_space<semaphore_mem>>) src(%dma_wait3A_120 : memref<632x128xf32, #tpu.memory_space<vmem_shared>>) dst(%dma_wait3A_118 : memref<632x128xf32, #tpu.memory_space<hbm>>)
      tpu.yield
    }) : () -> ()
    %barrier3A_109 = arith.constant 0 : index
    tpu.barrier barrier_id(%barrier3A_109)
    return
  }
}

#map = affine_map<(d0, d1) -> (0)>
#map1 = affine_map<(d0, d1) -> (0, 0)>
#map2 = affine_map<(d0, d1) -> (0, 0, 0)>
module attributes {stable_mosaic.version = 14 : i64} {
  func.func @_sc_degrees(%arg0: i32, %arg1: i32, %arg2: memref<323584xi32, #tpu.memory_space<hbm>>, %arg3: memref<323584xi32, #tpu.memory_space<hbm>>, %arg4: memref<323584xi32, #tpu.memory_space<hbm>>, %arg5: memref<323584xi32, #tpu.memory_space<hbm>>, %arg6: memref<10112x128xf32, #tpu.memory_space<hbm>>, %arg7: memref<4x128x128xf32, #tpu.memory_space<hbm>>, %arg8: memref<2x10112x128xf32, #tpu.memory_space<hbm>>, %arg9: memref<2x128xi32, #tpu.memory_space<vmem>>, %arg10: memref<128x128xf32, #tpu.memory_space<vmem>>, %arg11: memref<10112x128xf32, #tpu.memory_space<vmem_shared>>) attributes {dimension_semantics = [#tpu.dimension_semantics<core_parallel>, #tpu.dimension_semantics<subcore_parallel>], iteration_bounds = array<i64: 2, 16>, scalar_prefetch = 0 : i64, scratch_operands = 3 : i64, tpu.core_type = #tpu.core_type<sc_vector_subcore>, window_params = [{transform_indices = #map}, {transform_indices = #map}, {transform_indices = #map}, {transform_indices = #map}, {transform_indices = #map1}, {transform_indices = #map2}, {transform_indices = #map2}]} {
    %mul3A = arith.constant 632 : i32
    %mul3A_0 = arith.muli %arg1, %mul3A : i32
    %mul3A_1 = arith.constant 632 : i32
    %mul3A_2 = arith.muli %arg1, %mul3A_1 : i32
    "tpu.region"() ({
      %run_scoped3A_38 = tpu.sem_alloc : memref<!tpu.dma_semaphore, #tpu.memory_space<semaphore_mem>>
      %dma_start3A = arith.constant 0 : i32
      %dma_start3A_39 = tpu.memref_slice %arg11[%mul3A_2, %dma_start3A] : memref<10112x128xf32, #tpu.memory_space<vmem_shared>> -> memref<632x128xf32, #tpu.memory_space<vmem_shared>>
      %dma_start3A_40 = arith.constant 0 : i32
      %dma_start3A_41 = tpu.memref_slice %arg6[%mul3A_0, %dma_start3A_40] : memref<10112x128xf32, #tpu.memory_space<hbm>> -> memref<632x128xf32, #tpu.memory_space<hbm>>
      tpu.enqueue_dma source(%dma_start3A_41 : memref<632x128xf32, #tpu.memory_space<hbm>>) target(%dma_start3A_39 : memref<632x128xf32, #tpu.memory_space<vmem_shared>>) target_semaphore(%run_scoped3A_38 : memref<!tpu.dma_semaphore, #tpu.memory_space<semaphore_mem>>)
      %dma_wait3A = arith.constant 0 : i32
      %dma_wait3A_42 = tpu.memref_slice %arg11[%mul3A_2, %dma_wait3A] : memref<10112x128xf32, #tpu.memory_space<vmem_shared>> -> memref<632x128xf32, #tpu.memory_space<vmem_shared>>
      %dma_wait3A_43 = arith.constant 0 : i32
      %dma_wait3A_44 = tpu.memref_slice %arg6[%mul3A_0, %dma_wait3A_43] : memref<10112x128xf32, #tpu.memory_space<hbm>> -> memref<632x128xf32, #tpu.memory_space<hbm>>
      tpu.wait_dma2 semaphore(%run_scoped3A_38 : memref<!tpu.dma_semaphore, #tpu.memory_space<semaphore_mem>>) src(%dma_wait3A_44 : memref<632x128xf32, #tpu.memory_space<hbm>>) dst(%dma_wait3A_42 : memref<632x128xf32, #tpu.memory_space<vmem_shared>>)
      tpu.yield
    }) : () -> ()
    %barrier3A = arith.constant 0 : index
    tpu.barrier barrier_id(%barrier3A)
    %run_scoped3A = arith.constant 0 : i32
    "tpu.region"() ({
      %run_scoped3A_38 = tpu.sem_alloc : memref<!tpu.dma_semaphore, #tpu.memory_space<semaphore_mem>>
      %dma_start3A = arith.constant 0 : i32
      %dma_start3A_39 = arith.constant 0 : i32
      %dma_start3A_40 = tpu.memref_slice %arg7[%run_scoped3A, %dma_start3A, %dma_start3A_39] : memref<4x128x128xf32, #tpu.memory_space<hbm>> -> memref<1x128x128xf32, #tpu.memory_space<hbm>>
      %dma_start3A_41 = tpu.memref_squeeze %dma_start3A_40 : memref<1x128x128xf32, #tpu.memory_space<hbm>> -> memref<128x128xf32, #tpu.memory_space<hbm>>
      %dma_start3A_42 = arith.constant 0 : i32
      %dma_start3A_43 = arith.constant 0 : i32
      %dma_start3A_44 = tpu.memref_slice %arg7[%run_scoped3A, %dma_start3A_42, %dma_start3A_43] : memref<4x128x128xf32, #tpu.memory_space<hbm>> -> memref<1x128x128xf32, #tpu.memory_space<hbm>>
      %dma_start3A_45 = tpu.memref_squeeze %dma_start3A_44 : memref<1x128x128xf32, #tpu.memory_space<hbm>> -> memref<128x128xf32, #tpu.memory_space<hbm>>
      tpu.enqueue_dma source(%dma_start3A_45 : memref<128x128xf32, #tpu.memory_space<hbm>>) target(%arg10 : memref<128x128xf32, #tpu.memory_space<vmem>>) target_semaphore(%run_scoped3A_38 : memref<!tpu.dma_semaphore, #tpu.memory_space<semaphore_mem>>)
      %dma_wait3A = arith.constant 0 : i32
      %dma_wait3A_46 = arith.constant 0 : i32
      %dma_wait3A_47 = tpu.memref_slice %arg7[%run_scoped3A, %dma_wait3A, %dma_wait3A_46] : memref<4x128x128xf32, #tpu.memory_space<hbm>> -> memref<1x128x128xf32, #tpu.memory_space<hbm>>
      %dma_wait3A_48 = tpu.memref_squeeze %dma_wait3A_47 : memref<1x128x128xf32, #tpu.memory_space<hbm>> -> memref<128x128xf32, #tpu.memory_space<hbm>>
      %dma_wait3A_49 = arith.constant 0 : i32
      %dma_wait3A_50 = arith.constant 0 : i32
      %dma_wait3A_51 = tpu.memref_slice %arg7[%run_scoped3A, %dma_wait3A_49, %dma_wait3A_50] : memref<4x128x128xf32, #tpu.memory_space<hbm>> -> memref<1x128x128xf32, #tpu.memory_space<hbm>>
      %dma_wait3A_52 = tpu.memref_squeeze %dma_wait3A_51 : memref<1x128x128xf32, #tpu.memory_space<hbm>> -> memref<128x128xf32, #tpu.memory_space<hbm>>
      tpu.wait_dma2 semaphore(%run_scoped3A_38 : memref<!tpu.dma_semaphore, #tpu.memory_space<semaphore_mem>>) src(%dma_wait3A_52 : memref<128x128xf32, #tpu.memory_space<hbm>>) dst(%arg10 : memref<128x128xf32, #tpu.memory_space<vmem>>)
      tpu.yield
    }) : () -> ()
    %scan3A = arith.constant 0 : i32
    %scan3A_3 = arith.constant 0 : i32
    %scan3A_4 = arith.constant 79 : i32
    %scan3A_5 = arith.addi %scan3A_3, %scan3A_4 : i32
    %scan3A_6 = arith.constant 1 : i32
    %scan3A_7 = scf.for %scan3A_38 = %scan3A_3 to %scan3A_5 step %scan3A_6 iter_args(%scan3A_39 = %scan3A) -> (i32)  : i32 {
      %mul3A_40 = arith.constant 1264 : i32
      %mul3A_41 = arith.muli %arg0, %mul3A_40 : i32
      %mul3A_42 = arith.constant 16 : i32
      %mul3A_43 = arith.muli %scan3A_38, %mul3A_42 : i32
      %add3A = arith.addi %mul3A_41, %mul3A_43 : i32
      %add3A_44 = arith.addi %add3A, %arg1 : i32
      %mul3A_45 = arith.constant 128 : i32
      %mul3A_46 = arith.muli %add3A_44, %mul3A_45 : i32
      %multiple_of3A = tpu.assume_multiple %mul3A_46, 128 : i32
      %run_scoped3A_47 = arith.constant 0 : i32
      "tpu.region"() ({
        %run_scoped3A_50 = tpu.sem_alloc : memref<!tpu.dma_semaphore, #tpu.memory_space<semaphore_mem>>
        %dma_start3A = arith.constant 0 : i32
        %dma_start3A_51 = tpu.memref_slice %arg9[%run_scoped3A_47, %dma_start3A] : memref<2x128xi32, #tpu.memory_space<vmem>> -> memref<1x128xi32, #tpu.memory_space<vmem>>
        %dma_start3A_52 = tpu.memref_squeeze %dma_start3A_51 : memref<1x128xi32, #tpu.memory_space<vmem>> -> memref<128xi32, #tpu.memory_space<vmem>>
        %dma_start3A_53 = tpu.memref_slice %arg2[%multiple_of3A] : memref<323584xi32, #tpu.memory_space<hbm>> -> memref<128xi32, #tpu.memory_space<hbm>>
        %dma_start3A_54 = arith.constant 0 : i32
        %dma_start3A_55 = tpu.memref_slice %arg9[%run_scoped3A_47, %dma_start3A_54] : memref<2x128xi32, #tpu.memory_space<vmem>> -> memref<1x128xi32, #tpu.memory_space<vmem>>
        %dma_start3A_56 = tpu.memref_squeeze %dma_start3A_55 : memref<1x128xi32, #tpu.memory_space<vmem>> -> memref<128xi32, #tpu.memory_space<vmem>>
        %dma_start3A_57 = tpu.memref_slice %arg2[%multiple_of3A] : memref<323584xi32, #tpu.memory_space<hbm>> -> memref<128xi32, #tpu.memory_space<hbm>>
        tpu.enqueue_dma source(%dma_start3A_57 : memref<128xi32, #tpu.memory_space<hbm>>) target(%dma_start3A_56 : memref<128xi32, #tpu.memory_space<vmem>>) target_semaphore(%run_scoped3A_50 : memref<!tpu.dma_semaphore, #tpu.memory_space<semaphore_mem>>)
        %dma_wait3A = arith.constant 0 : i32
        %dma_wait3A_58 = tpu.memref_slice %arg9[%run_scoped3A_47, %dma_wait3A] : memref<2x128xi32, #tpu.memory_space<vmem>> -> memref<1x128xi32, #tpu.memory_space<vmem>>
        %dma_wait3A_59 = tpu.memref_squeeze %dma_wait3A_58 : memref<1x128xi32, #tpu.memory_space<vmem>> -> memref<128xi32, #tpu.memory_space<vmem>>
        %dma_wait3A_60 = tpu.memref_slice %arg2[%multiple_of3A] : memref<323584xi32, #tpu.memory_space<hbm>> -> memref<128xi32, #tpu.memory_space<hbm>>
        %dma_wait3A_61 = arith.constant 0 : i32
        %dma_wait3A_62 = tpu.memref_slice %arg9[%run_scoped3A_47, %dma_wait3A_61] : memref<2x128xi32, #tpu.memory_space<vmem>> -> memref<1x128xi32, #tpu.memory_space<vmem>>
        %dma_wait3A_63 = tpu.memref_squeeze %dma_wait3A_62 : memref<1x128xi32, #tpu.memory_space<vmem>> -> memref<128xi32, #tpu.memory_space<vmem>>
        %dma_wait3A_64 = tpu.memref_slice %arg2[%multiple_of3A] : memref<323584xi32, #tpu.memory_space<hbm>> -> memref<128xi32, #tpu.memory_space<hbm>>
        tpu.wait_dma2 semaphore(%run_scoped3A_50 : memref<!tpu.dma_semaphore, #tpu.memory_space<semaphore_mem>>) src(%dma_wait3A_64 : memref<128xi32, #tpu.memory_space<hbm>>) dst(%dma_wait3A_63 : memref<128xi32, #tpu.memory_space<vmem>>)
        tpu.yield
      }) : () -> ()
      %run_scoped3A_48 = arith.constant 0 : i32
      "tpu.region"() ({
        %run_scoped3A_50 = tpu.sem_alloc : memref<!tpu.dma_semaphore, #tpu.memory_space<semaphore_mem>>
        %dma_start3A = arith.constant 0 : i32
        %dma_start3A_51 = tpu.memref_slice %arg9[%run_scoped3A_48, %dma_start3A] : memref<2x128xi32, #tpu.memory_space<vmem>> -> memref<1x128xi32, #tpu.memory_space<vmem>>
        %dma_start3A_52 = tpu.memref_squeeze %dma_start3A_51 : memref<1x128xi32, #tpu.memory_space<vmem>> -> memref<128xi32, #tpu.memory_space<vmem>>
        %dma_start3A_53 = arith.constant 0 : i32
        %dma_start3A_54 = arith.constant 0 : i32
        %dma_start3A_55 = tpu.memref_slice %arg11[%dma_start3A_53, %dma_start3A_54] : memref<10112x128xf32, #tpu.memory_space<vmem_shared>> -> memref<10112x128xf32, #tpu.memory_space<vmem_shared>>
        tpu.enqueue_indirect_dma source(%arg10 : memref<128x128xf32, #tpu.memory_space<vmem>>) target(%dma_start3A_55 : memref<10112x128xf32, #tpu.memory_space<vmem_shared>>) offsets(%dma_start3A_52 : memref<128xi32, #tpu.memory_space<vmem>>) semaphore(%run_scoped3A_50 : memref<!tpu.dma_semaphore, #tpu.memory_space<semaphore_mem>>) {add = true}
        %dma_wait3A = arith.constant 0 : i32
        %dma_wait3A_56 = tpu.memref_slice %arg9[%run_scoped3A_48, %dma_wait3A] : memref<2x128xi32, #tpu.memory_space<vmem>> -> memref<1x128xi32, #tpu.memory_space<vmem>>
        %dma_wait3A_57 = tpu.memref_squeeze %dma_wait3A_56 : memref<1x128xi32, #tpu.memory_space<vmem>> -> memref<128xi32, #tpu.memory_space<vmem>>
        %dma_wait3A_58 = arith.constant 0 : i32
        %dma_wait3A_59 = arith.constant 0 : i32
        %dma_wait3A_60 = tpu.memref_slice %arg11[%dma_wait3A_58, %dma_wait3A_59] : memref<10112x128xf32, #tpu.memory_space<vmem_shared>> -> memref<10112x128xf32, #tpu.memory_space<vmem_shared>>
        tpu.wait_indirect_dma semaphore(%run_scoped3A_50 : memref<!tpu.dma_semaphore, #tpu.memory_space<semaphore_mem>>) src(%arg10 : memref<128x128xf32, #tpu.memory_space<vmem>>) dst(%dma_wait3A_60 : memref<10112x128xf32, #tpu.memory_space<vmem_shared>>)
        tpu.yield
      }) : () -> ()
      %scan3A_49 = arith.constant 0 : i32
      scf.yield %scan3A_49 : i32
    }
    %scan3A_8 = arith.constant 79 : i32
    %run_scoped3A_9 = arith.constant 1 : i32
    "tpu.region"() ({
      %run_scoped3A_38 = tpu.sem_alloc : memref<!tpu.dma_semaphore, #tpu.memory_space<semaphore_mem>>
      %dma_start3A = arith.constant 0 : i32
      %dma_start3A_39 = arith.constant 0 : i32
      %dma_start3A_40 = tpu.memref_slice %arg7[%run_scoped3A_9, %dma_start3A, %dma_start3A_39] : memref<4x128x128xf32, #tpu.memory_space<hbm>> -> memref<1x128x128xf32, #tpu.memory_space<hbm>>
      %dma_start3A_41 = tpu.memref_squeeze %dma_start3A_40 : memref<1x128x128xf32, #tpu.memory_space<hbm>> -> memref<128x128xf32, #tpu.memory_space<hbm>>
      %dma_start3A_42 = arith.constant 0 : i32
      %dma_start3A_43 = arith.constant 0 : i32
      %dma_start3A_44 = tpu.memref_slice %arg7[%run_scoped3A_9, %dma_start3A_42, %dma_start3A_43] : memref<4x128x128xf32, #tpu.memory_space<hbm>> -> memref<1x128x128xf32, #tpu.memory_space<hbm>>
      %dma_start3A_45 = tpu.memref_squeeze %dma_start3A_44 : memref<1x128x128xf32, #tpu.memory_space<hbm>> -> memref<128x128xf32, #tpu.memory_space<hbm>>
      tpu.enqueue_dma source(%dma_start3A_45 : memref<128x128xf32, #tpu.memory_space<hbm>>) target(%arg10 : memref<128x128xf32, #tpu.memory_space<vmem>>) target_semaphore(%run_scoped3A_38 : memref<!tpu.dma_semaphore, #tpu.memory_space<semaphore_mem>>)
      %dma_wait3A = arith.constant 0 : i32
      %dma_wait3A_46 = arith.constant 0 : i32
      %dma_wait3A_47 = tpu.memref_slice %arg7[%run_scoped3A_9, %dma_wait3A, %dma_wait3A_46] : memref<4x128x128xf32, #tpu.memory_space<hbm>> -> memref<1x128x128xf32, #tpu.memory_space<hbm>>
      %dma_wait3A_48 = tpu.memref_squeeze %dma_wait3A_47 : memref<1x128x128xf32, #tpu.memory_space<hbm>> -> memref<128x128xf32, #tpu.memory_space<hbm>>
      %dma_wait3A_49 = arith.constant 0 : i32
      %dma_wait3A_50 = arith.constant 0 : i32
      %dma_wait3A_51 = tpu.memref_slice %arg7[%run_scoped3A_9, %dma_wait3A_49, %dma_wait3A_50] : memref<4x128x128xf32, #tpu.memory_space<hbm>> -> memref<1x128x128xf32, #tpu.memory_space<hbm>>
      %dma_wait3A_52 = tpu.memref_squeeze %dma_wait3A_51 : memref<1x128x128xf32, #tpu.memory_space<hbm>> -> memref<128x128xf32, #tpu.memory_space<hbm>>
      tpu.wait_dma2 semaphore(%run_scoped3A_38 : memref<!tpu.dma_semaphore, #tpu.memory_space<semaphore_mem>>) src(%dma_wait3A_52 : memref<128x128xf32, #tpu.memory_space<hbm>>) dst(%arg10 : memref<128x128xf32, #tpu.memory_space<vmem>>)
      tpu.yield
    }) : () -> ()
    %scan3A_10 = arith.constant 0 : i32
    %scan3A_11 = arith.constant 0 : i32
    %scan3A_12 = arith.constant 79 : i32
    %scan3A_13 = arith.addi %scan3A_11, %scan3A_12 : i32
    %scan3A_14 = arith.constant 1 : i32
    %scan3A_15 = scf.for %scan3A_38 = %scan3A_11 to %scan3A_13 step %scan3A_14 iter_args(%scan3A_39 = %scan3A_10) -> (i32)  : i32 {
      %mul3A_40 = arith.constant 1264 : i32
      %mul3A_41 = arith.muli %arg0, %mul3A_40 : i32
      %mul3A_42 = arith.constant 16 : i32
      %mul3A_43 = arith.muli %scan3A_38, %mul3A_42 : i32
      %add3A = arith.addi %mul3A_41, %mul3A_43 : i32
      %add3A_44 = arith.addi %add3A, %arg1 : i32
      %mul3A_45 = arith.constant 128 : i32
      %mul3A_46 = arith.muli %add3A_44, %mul3A_45 : i32
      %multiple_of3A = tpu.assume_multiple %mul3A_46, 128 : i32
      %run_scoped3A_47 = arith.constant 0 : i32
      "tpu.region"() ({
        %run_scoped3A_50 = tpu.sem_alloc : memref<!tpu.dma_semaphore, #tpu.memory_space<semaphore_mem>>
        %dma_start3A = arith.constant 0 : i32
        %dma_start3A_51 = tpu.memref_slice %arg9[%run_scoped3A_47, %dma_start3A] : memref<2x128xi32, #tpu.memory_space<vmem>> -> memref<1x128xi32, #tpu.memory_space<vmem>>
        %dma_start3A_52 = tpu.memref_squeeze %dma_start3A_51 : memref<1x128xi32, #tpu.memory_space<vmem>> -> memref<128xi32, #tpu.memory_space<vmem>>
        %dma_start3A_53 = tpu.memref_slice %arg3[%multiple_of3A] : memref<323584xi32, #tpu.memory_space<hbm>> -> memref<128xi32, #tpu.memory_space<hbm>>
        %dma_start3A_54 = arith.constant 0 : i32
        %dma_start3A_55 = tpu.memref_slice %arg9[%run_scoped3A_47, %dma_start3A_54] : memref<2x128xi32, #tpu.memory_space<vmem>> -> memref<1x128xi32, #tpu.memory_space<vmem>>
        %dma_start3A_56 = tpu.memref_squeeze %dma_start3A_55 : memref<1x128xi32, #tpu.memory_space<vmem>> -> memref<128xi32, #tpu.memory_space<vmem>>
        %dma_start3A_57 = tpu.memref_slice %arg3[%multiple_of3A] : memref<323584xi32, #tpu.memory_space<hbm>> -> memref<128xi32, #tpu.memory_space<hbm>>
        tpu.enqueue_dma source(%dma_start3A_57 : memref<128xi32, #tpu.memory_space<hbm>>) target(%dma_start3A_56 : memref<128xi32, #tpu.memory_space<vmem>>) target_semaphore(%run_scoped3A_50 : memref<!tpu.dma_semaphore, #tpu.memory_space<semaphore_mem>>)
        %dma_wait3A = arith.constant 0 : i32
        %dma_wait3A_58 = tpu.memref_slice %arg9[%run_scoped3A_47, %dma_wait3A] : memref<2x128xi32, #tpu.memory_space<vmem>> -> memref<1x128xi32, #tpu.memory_space<vmem>>
        %dma_wait3A_59 = tpu.memref_squeeze %dma_wait3A_58 : memref<1x128xi32, #tpu.memory_space<vmem>> -> memref<128xi32, #tpu.memory_space<vmem>>
        %dma_wait3A_60 = tpu.memref_slice %arg3[%multiple_of3A] : memref<323584xi32, #tpu.memory_space<hbm>> -> memref<128xi32, #tpu.memory_space<hbm>>
        %dma_wait3A_61 = arith.constant 0 : i32
        %dma_wait3A_62 = tpu.memref_slice %arg9[%run_scoped3A_47, %dma_wait3A_61] : memref<2x128xi32, #tpu.memory_space<vmem>> -> memref<1x128xi32, #tpu.memory_space<vmem>>
        %dma_wait3A_63 = tpu.memref_squeeze %dma_wait3A_62 : memref<1x128xi32, #tpu.memory_space<vmem>> -> memref<128xi32, #tpu.memory_space<vmem>>
        %dma_wait3A_64 = tpu.memref_slice %arg3[%multiple_of3A] : memref<323584xi32, #tpu.memory_space<hbm>> -> memref<128xi32, #tpu.memory_space<hbm>>
        tpu.wait_dma2 semaphore(%run_scoped3A_50 : memref<!tpu.dma_semaphore, #tpu.memory_space<semaphore_mem>>) src(%dma_wait3A_64 : memref<128xi32, #tpu.memory_space<hbm>>) dst(%dma_wait3A_63 : memref<128xi32, #tpu.memory_space<vmem>>)
        tpu.yield
      }) : () -> ()
      %run_scoped3A_48 = arith.constant 0 : i32
      "tpu.region"() ({
        %run_scoped3A_50 = tpu.sem_alloc : memref<!tpu.dma_semaphore, #tpu.memory_space<semaphore_mem>>
        %dma_start3A = arith.constant 0 : i32
        %dma_start3A_51 = tpu.memref_slice %arg9[%run_scoped3A_48, %dma_start3A] : memref<2x128xi32, #tpu.memory_space<vmem>> -> memref<1x128xi32, #tpu.memory_space<vmem>>
        %dma_start3A_52 = tpu.memref_squeeze %dma_start3A_51 : memref<1x128xi32, #tpu.memory_space<vmem>> -> memref<128xi32, #tpu.memory_space<vmem>>
        %dma_start3A_53 = arith.constant 0 : i32
        %dma_start3A_54 = arith.constant 0 : i32
        %dma_start3A_55 = tpu.memref_slice %arg11[%dma_start3A_53, %dma_start3A_54] : memref<10112x128xf32, #tpu.memory_space<vmem_shared>> -> memref<10112x128xf32, #tpu.memory_space<vmem_shared>>
        tpu.enqueue_indirect_dma source(%arg10 : memref<128x128xf32, #tpu.memory_space<vmem>>) target(%dma_start3A_55 : memref<10112x128xf32, #tpu.memory_space<vmem_shared>>) offsets(%dma_start3A_52 : memref<128xi32, #tpu.memory_space<vmem>>) semaphore(%run_scoped3A_50 : memref<!tpu.dma_semaphore, #tpu.memory_space<semaphore_mem>>) {add = true}
        %dma_wait3A = arith.constant 0 : i32
        %dma_wait3A_56 = tpu.memref_slice %arg9[%run_scoped3A_48, %dma_wait3A] : memref<2x128xi32, #tpu.memory_space<vmem>> -> memref<1x128xi32, #tpu.memory_space<vmem>>
        %dma_wait3A_57 = tpu.memref_squeeze %dma_wait3A_56 : memref<1x128xi32, #tpu.memory_space<vmem>> -> memref<128xi32, #tpu.memory_space<vmem>>
        %dma_wait3A_58 = arith.constant 0 : i32
        %dma_wait3A_59 = arith.constant 0 : i32
        %dma_wait3A_60 = tpu.memref_slice %arg11[%dma_wait3A_58, %dma_wait3A_59] : memref<10112x128xf32, #tpu.memory_space<vmem_shared>> -> memref<10112x128xf32, #tpu.memory_space<vmem_shared>>
        tpu.wait_indirect_dma semaphore(%run_scoped3A_50 : memref<!tpu.dma_semaphore, #tpu.memory_space<semaphore_mem>>) src(%arg10 : memref<128x128xf32, #tpu.memory_space<vmem>>) dst(%dma_wait3A_60 : memref<10112x128xf32, #tpu.memory_space<vmem_shared>>)
        tpu.yield
      }) : () -> ()
      %scan3A_49 = arith.constant 0 : i32
      scf.yield %scan3A_49 : i32
    }
    %scan3A_16 = arith.constant 79 : i32
    %run_scoped3A_17 = arith.constant 2 : i32
    "tpu.region"() ({
      %run_scoped3A_38 = tpu.sem_alloc : memref<!tpu.dma_semaphore, #tpu.memory_space<semaphore_mem>>
      %dma_start3A = arith.constant 0 : i32
      %dma_start3A_39 = arith.constant 0 : i32
      %dma_start3A_40 = tpu.memref_slice %arg7[%run_scoped3A_17, %dma_start3A, %dma_start3A_39] : memref<4x128x128xf32, #tpu.memory_space<hbm>> -> memref<1x128x128xf32, #tpu.memory_space<hbm>>
      %dma_start3A_41 = tpu.memref_squeeze %dma_start3A_40 : memref<1x128x128xf32, #tpu.memory_space<hbm>> -> memref<128x128xf32, #tpu.memory_space<hbm>>
      %dma_start3A_42 = arith.constant 0 : i32
      %dma_start3A_43 = arith.constant 0 : i32
      %dma_start3A_44 = tpu.memref_slice %arg7[%run_scoped3A_17, %dma_start3A_42, %dma_start3A_43] : memref<4x128x128xf32, #tpu.memory_space<hbm>> -> memref<1x128x128xf32, #tpu.memory_space<hbm>>
      %dma_start3A_45 = tpu.memref_squeeze %dma_start3A_44 : memref<1x128x128xf32, #tpu.memory_space<hbm>> -> memref<128x128xf32, #tpu.memory_space<hbm>>
      tpu.enqueue_dma source(%dma_start3A_45 : memref<128x128xf32, #tpu.memory_space<hbm>>) target(%arg10 : memref<128x128xf32, #tpu.memory_space<vmem>>) target_semaphore(%run_scoped3A_38 : memref<!tpu.dma_semaphore, #tpu.memory_space<semaphore_mem>>)
      %dma_wait3A = arith.constant 0 : i32
      %dma_wait3A_46 = arith.constant 0 : i32
      %dma_wait3A_47 = tpu.memref_slice %arg7[%run_scoped3A_17, %dma_wait3A, %dma_wait3A_46] : memref<4x128x128xf32, #tpu.memory_space<hbm>> -> memref<1x128x128xf32, #tpu.memory_space<hbm>>
      %dma_wait3A_48 = tpu.memref_squeeze %dma_wait3A_47 : memref<1x128x128xf32, #tpu.memory_space<hbm>> -> memref<128x128xf32, #tpu.memory_space<hbm>>
      %dma_wait3A_49 = arith.constant 0 : i32
      %dma_wait3A_50 = arith.constant 0 : i32
      %dma_wait3A_51 = tpu.memref_slice %arg7[%run_scoped3A_17, %dma_wait3A_49, %dma_wait3A_50] : memref<4x128x128xf32, #tpu.memory_space<hbm>> -> memref<1x128x128xf32, #tpu.memory_space<hbm>>
      %dma_wait3A_52 = tpu.memref_squeeze %dma_wait3A_51 : memref<1x128x128xf32, #tpu.memory_space<hbm>> -> memref<128x128xf32, #tpu.memory_space<hbm>>
      tpu.wait_dma2 semaphore(%run_scoped3A_38 : memref<!tpu.dma_semaphore, #tpu.memory_space<semaphore_mem>>) src(%dma_wait3A_52 : memref<128x128xf32, #tpu.memory_space<hbm>>) dst(%arg10 : memref<128x128xf32, #tpu.memory_space<vmem>>)
      tpu.yield
    }) : () -> ()
    %scan3A_18 = arith.constant 0 : i32
    %scan3A_19 = arith.constant 0 : i32
    %scan3A_20 = arith.constant 79 : i32
    %scan3A_21 = arith.addi %scan3A_19, %scan3A_20 : i32
    %scan3A_22 = arith.constant 1 : i32
    %scan3A_23 = scf.for %scan3A_38 = %scan3A_19 to %scan3A_21 step %scan3A_22 iter_args(%scan3A_39 = %scan3A_18) -> (i32)  : i32 {
      %mul3A_40 = arith.constant 1264 : i32
      %mul3A_41 = arith.muli %arg0, %mul3A_40 : i32
      %mul3A_42 = arith.constant 16 : i32
      %mul3A_43 = arith.muli %scan3A_38, %mul3A_42 : i32
      %add3A = arith.addi %mul3A_41, %mul3A_43 : i32
      %add3A_44 = arith.addi %add3A, %arg1 : i32
      %mul3A_45 = arith.constant 128 : i32
      %mul3A_46 = arith.muli %add3A_44, %mul3A_45 : i32
      %multiple_of3A = tpu.assume_multiple %mul3A_46, 128 : i32
      %run_scoped3A_47 = arith.constant 0 : i32
      "tpu.region"() ({
        %run_scoped3A_50 = tpu.sem_alloc : memref<!tpu.dma_semaphore, #tpu.memory_space<semaphore_mem>>
        %dma_start3A = arith.constant 0 : i32
        %dma_start3A_51 = tpu.memref_slice %arg9[%run_scoped3A_47, %dma_start3A] : memref<2x128xi32, #tpu.memory_space<vmem>> -> memref<1x128xi32, #tpu.memory_space<vmem>>
        %dma_start3A_52 = tpu.memref_squeeze %dma_start3A_51 : memref<1x128xi32, #tpu.memory_space<vmem>> -> memref<128xi32, #tpu.memory_space<vmem>>
        %dma_start3A_53 = tpu.memref_slice %arg4[%multiple_of3A] : memref<323584xi32, #tpu.memory_space<hbm>> -> memref<128xi32, #tpu.memory_space<hbm>>
        %dma_start3A_54 = arith.constant 0 : i32
        %dma_start3A_55 = tpu.memref_slice %arg9[%run_scoped3A_47, %dma_start3A_54] : memref<2x128xi32, #tpu.memory_space<vmem>> -> memref<1x128xi32, #tpu.memory_space<vmem>>
        %dma_start3A_56 = tpu.memref_squeeze %dma_start3A_55 : memref<1x128xi32, #tpu.memory_space<vmem>> -> memref<128xi32, #tpu.memory_space<vmem>>
        %dma_start3A_57 = tpu.memref_slice %arg4[%multiple_of3A] : memref<323584xi32, #tpu.memory_space<hbm>> -> memref<128xi32, #tpu.memory_space<hbm>>
        tpu.enqueue_dma source(%dma_start3A_57 : memref<128xi32, #tpu.memory_space<hbm>>) target(%dma_start3A_56 : memref<128xi32, #tpu.memory_space<vmem>>) target_semaphore(%run_scoped3A_50 : memref<!tpu.dma_semaphore, #tpu.memory_space<semaphore_mem>>)
        %dma_wait3A = arith.constant 0 : i32
        %dma_wait3A_58 = tpu.memref_slice %arg9[%run_scoped3A_47, %dma_wait3A] : memref<2x128xi32, #tpu.memory_space<vmem>> -> memref<1x128xi32, #tpu.memory_space<vmem>>
        %dma_wait3A_59 = tpu.memref_squeeze %dma_wait3A_58 : memref<1x128xi32, #tpu.memory_space<vmem>> -> memref<128xi32, #tpu.memory_space<vmem>>
        %dma_wait3A_60 = tpu.memref_slice %arg4[%multiple_of3A] : memref<323584xi32, #tpu.memory_space<hbm>> -> memref<128xi32, #tpu.memory_space<hbm>>
        %dma_wait3A_61 = arith.constant 0 : i32
        %dma_wait3A_62 = tpu.memref_slice %arg9[%run_scoped3A_47, %dma_wait3A_61] : memref<2x128xi32, #tpu.memory_space<vmem>> -> memref<1x128xi32, #tpu.memory_space<vmem>>
        %dma_wait3A_63 = tpu.memref_squeeze %dma_wait3A_62 : memref<1x128xi32, #tpu.memory_space<vmem>> -> memref<128xi32, #tpu.memory_space<vmem>>
        %dma_wait3A_64 = tpu.memref_slice %arg4[%multiple_of3A] : memref<323584xi32, #tpu.memory_space<hbm>> -> memref<128xi32, #tpu.memory_space<hbm>>
        tpu.wait_dma2 semaphore(%run_scoped3A_50 : memref<!tpu.dma_semaphore, #tpu.memory_space<semaphore_mem>>) src(%dma_wait3A_64 : memref<128xi32, #tpu.memory_space<hbm>>) dst(%dma_wait3A_63 : memref<128xi32, #tpu.memory_space<vmem>>)
        tpu.yield
      }) : () -> ()
      %run_scoped3A_48 = arith.constant 0 : i32
      "tpu.region"() ({
        %run_scoped3A_50 = tpu.sem_alloc : memref<!tpu.dma_semaphore, #tpu.memory_space<semaphore_mem>>
        %dma_start3A = arith.constant 0 : i32
        %dma_start3A_51 = tpu.memref_slice %arg9[%run_scoped3A_48, %dma_start3A] : memref<2x128xi32, #tpu.memory_space<vmem>> -> memref<1x128xi32, #tpu.memory_space<vmem>>
        %dma_start3A_52 = tpu.memref_squeeze %dma_start3A_51 : memref<1x128xi32, #tpu.memory_space<vmem>> -> memref<128xi32, #tpu.memory_space<vmem>>
        %dma_start3A_53 = arith.constant 0 : i32
        %dma_start3A_54 = arith.constant 0 : i32
        %dma_start3A_55 = tpu.memref_slice %arg11[%dma_start3A_53, %dma_start3A_54] : memref<10112x128xf32, #tpu.memory_space<vmem_shared>> -> memref<10112x128xf32, #tpu.memory_space<vmem_shared>>
        tpu.enqueue_indirect_dma source(%arg10 : memref<128x128xf32, #tpu.memory_space<vmem>>) target(%dma_start3A_55 : memref<10112x128xf32, #tpu.memory_space<vmem_shared>>) offsets(%dma_start3A_52 : memref<128xi32, #tpu.memory_space<vmem>>) semaphore(%run_scoped3A_50 : memref<!tpu.dma_semaphore, #tpu.memory_space<semaphore_mem>>) {add = true}
        %dma_wait3A = arith.constant 0 : i32
        %dma_wait3A_56 = tpu.memref_slice %arg9[%run_scoped3A_48, %dma_wait3A] : memref<2x128xi32, #tpu.memory_space<vmem>> -> memref<1x128xi32, #tpu.memory_space<vmem>>
        %dma_wait3A_57 = tpu.memref_squeeze %dma_wait3A_56 : memref<1x128xi32, #tpu.memory_space<vmem>> -> memref<128xi32, #tpu.memory_space<vmem>>
        %dma_wait3A_58 = arith.constant 0 : i32
        %dma_wait3A_59 = arith.constant 0 : i32
        %dma_wait3A_60 = tpu.memref_slice %arg11[%dma_wait3A_58, %dma_wait3A_59] : memref<10112x128xf32, #tpu.memory_space<vmem_shared>> -> memref<10112x128xf32, #tpu.memory_space<vmem_shared>>
        tpu.wait_indirect_dma semaphore(%run_scoped3A_50 : memref<!tpu.dma_semaphore, #tpu.memory_space<semaphore_mem>>) src(%arg10 : memref<128x128xf32, #tpu.memory_space<vmem>>) dst(%dma_wait3A_60 : memref<10112x128xf32, #tpu.memory_space<vmem_shared>>)
        tpu.yield
      }) : () -> ()
      %scan3A_49 = arith.constant 0 : i32
      scf.yield %scan3A_49 : i32
    }
    %scan3A_24 = arith.constant 79 : i32
    %run_scoped3A_25 = arith.constant 3 : i32
    "tpu.region"() ({
      %run_scoped3A_38 = tpu.sem_alloc : memref<!tpu.dma_semaphore, #tpu.memory_space<semaphore_mem>>
      %dma_start3A = arith.constant 0 : i32
      %dma_start3A_39 = arith.constant 0 : i32
      %dma_start3A_40 = tpu.memref_slice %arg7[%run_scoped3A_25, %dma_start3A, %dma_start3A_39] : memref<4x128x128xf32, #tpu.memory_space<hbm>> -> memref<1x128x128xf32, #tpu.memory_space<hbm>>
      %dma_start3A_41 = tpu.memref_squeeze %dma_start3A_40 : memref<1x128x128xf32, #tpu.memory_space<hbm>> -> memref<128x128xf32, #tpu.memory_space<hbm>>
      %dma_start3A_42 = arith.constant 0 : i32
      %dma_start3A_43 = arith.constant 0 : i32
      %dma_start3A_44 = tpu.memref_slice %arg7[%run_scoped3A_25, %dma_start3A_42, %dma_start3A_43] : memref<4x128x128xf32, #tpu.memory_space<hbm>> -> memref<1x128x128xf32, #tpu.memory_space<hbm>>
      %dma_start3A_45 = tpu.memref_squeeze %dma_start3A_44 : memref<1x128x128xf32, #tpu.memory_space<hbm>> -> memref<128x128xf32, #tpu.memory_space<hbm>>
      tpu.enqueue_dma source(%dma_start3A_45 : memref<128x128xf32, #tpu.memory_space<hbm>>) target(%arg10 : memref<128x128xf32, #tpu.memory_space<vmem>>) target_semaphore(%run_scoped3A_38 : memref<!tpu.dma_semaphore, #tpu.memory_space<semaphore_mem>>)
      %dma_wait3A = arith.constant 0 : i32
      %dma_wait3A_46 = arith.constant 0 : i32
      %dma_wait3A_47 = tpu.memref_slice %arg7[%run_scoped3A_25, %dma_wait3A, %dma_wait3A_46] : memref<4x128x128xf32, #tpu.memory_space<hbm>> -> memref<1x128x128xf32, #tpu.memory_space<hbm>>
      %dma_wait3A_48 = tpu.memref_squeeze %dma_wait3A_47 : memref<1x128x128xf32, #tpu.memory_space<hbm>> -> memref<128x128xf32, #tpu.memory_space<hbm>>
      %dma_wait3A_49 = arith.constant 0 : i32
      %dma_wait3A_50 = arith.constant 0 : i32
      %dma_wait3A_51 = tpu.memref_slice %arg7[%run_scoped3A_25, %dma_wait3A_49, %dma_wait3A_50] : memref<4x128x128xf32, #tpu.memory_space<hbm>> -> memref<1x128x128xf32, #tpu.memory_space<hbm>>
      %dma_wait3A_52 = tpu.memref_squeeze %dma_wait3A_51 : memref<1x128x128xf32, #tpu.memory_space<hbm>> -> memref<128x128xf32, #tpu.memory_space<hbm>>
      tpu.wait_dma2 semaphore(%run_scoped3A_38 : memref<!tpu.dma_semaphore, #tpu.memory_space<semaphore_mem>>) src(%dma_wait3A_52 : memref<128x128xf32, #tpu.memory_space<hbm>>) dst(%arg10 : memref<128x128xf32, #tpu.memory_space<vmem>>)
      tpu.yield
    }) : () -> ()
    %scan3A_26 = arith.constant 0 : i32
    %scan3A_27 = arith.constant 0 : i32
    %scan3A_28 = arith.constant 79 : i32
    %scan3A_29 = arith.addi %scan3A_27, %scan3A_28 : i32
    %scan3A_30 = arith.constant 1 : i32
    %scan3A_31 = scf.for %scan3A_38 = %scan3A_27 to %scan3A_29 step %scan3A_30 iter_args(%scan3A_39 = %scan3A_26) -> (i32)  : i32 {
      %mul3A_40 = arith.constant 1264 : i32
      %mul3A_41 = arith.muli %arg0, %mul3A_40 : i32
      %mul3A_42 = arith.constant 16 : i32
      %mul3A_43 = arith.muli %scan3A_38, %mul3A_42 : i32
      %add3A = arith.addi %mul3A_41, %mul3A_43 : i32
      %add3A_44 = arith.addi %add3A, %arg1 : i32
      %mul3A_45 = arith.constant 128 : i32
      %mul3A_46 = arith.muli %add3A_44, %mul3A_45 : i32
      %multiple_of3A = tpu.assume_multiple %mul3A_46, 128 : i32
      %run_scoped3A_47 = arith.constant 0 : i32
      "tpu.region"() ({
        %run_scoped3A_50 = tpu.sem_alloc : memref<!tpu.dma_semaphore, #tpu.memory_space<semaphore_mem>>
        %dma_start3A = arith.constant 0 : i32
        %dma_start3A_51 = tpu.memref_slice %arg9[%run_scoped3A_47, %dma_start3A] : memref<2x128xi32, #tpu.memory_space<vmem>> -> memref<1x128xi32, #tpu.memory_space<vmem>>
        %dma_start3A_52 = tpu.memref_squeeze %dma_start3A_51 : memref<1x128xi32, #tpu.memory_space<vmem>> -> memref<128xi32, #tpu.memory_space<vmem>>
        %dma_start3A_53 = tpu.memref_slice %arg5[%multiple_of3A] : memref<323584xi32, #tpu.memory_space<hbm>> -> memref<128xi32, #tpu.memory_space<hbm>>
        %dma_start3A_54 = arith.constant 0 : i32
        %dma_start3A_55 = tpu.memref_slice %arg9[%run_scoped3A_47, %dma_start3A_54] : memref<2x128xi32, #tpu.memory_space<vmem>> -> memref<1x128xi32, #tpu.memory_space<vmem>>
        %dma_start3A_56 = tpu.memref_squeeze %dma_start3A_55 : memref<1x128xi32, #tpu.memory_space<vmem>> -> memref<128xi32, #tpu.memory_space<vmem>>
        %dma_start3A_57 = tpu.memref_slice %arg5[%multiple_of3A] : memref<323584xi32, #tpu.memory_space<hbm>> -> memref<128xi32, #tpu.memory_space<hbm>>
        tpu.enqueue_dma source(%dma_start3A_57 : memref<128xi32, #tpu.memory_space<hbm>>) target(%dma_start3A_56 : memref<128xi32, #tpu.memory_space<vmem>>) target_semaphore(%run_scoped3A_50 : memref<!tpu.dma_semaphore, #tpu.memory_space<semaphore_mem>>)
        %dma_wait3A = arith.constant 0 : i32
        %dma_wait3A_58 = tpu.memref_slice %arg9[%run_scoped3A_47, %dma_wait3A] : memref<2x128xi32, #tpu.memory_space<vmem>> -> memref<1x128xi32, #tpu.memory_space<vmem>>
        %dma_wait3A_59 = tpu.memref_squeeze %dma_wait3A_58 : memref<1x128xi32, #tpu.memory_space<vmem>> -> memref<128xi32, #tpu.memory_space<vmem>>
        %dma_wait3A_60 = tpu.memref_slice %arg5[%multiple_of3A] : memref<323584xi32, #tpu.memory_space<hbm>> -> memref<128xi32, #tpu.memory_space<hbm>>
        %dma_wait3A_61 = arith.constant 0 : i32
        %dma_wait3A_62 = tpu.memref_slice %arg9[%run_scoped3A_47, %dma_wait3A_61] : memref<2x128xi32, #tpu.memory_space<vmem>> -> memref<1x128xi32, #tpu.memory_space<vmem>>
        %dma_wait3A_63 = tpu.memref_squeeze %dma_wait3A_62 : memref<1x128xi32, #tpu.memory_space<vmem>> -> memref<128xi32, #tpu.memory_space<vmem>>
        %dma_wait3A_64 = tpu.memref_slice %arg5[%multiple_of3A] : memref<323584xi32, #tpu.memory_space<hbm>> -> memref<128xi32, #tpu.memory_space<hbm>>
        tpu.wait_dma2 semaphore(%run_scoped3A_50 : memref<!tpu.dma_semaphore, #tpu.memory_space<semaphore_mem>>) src(%dma_wait3A_64 : memref<128xi32, #tpu.memory_space<hbm>>) dst(%dma_wait3A_63 : memref<128xi32, #tpu.memory_space<vmem>>)
        tpu.yield
      }) : () -> ()
      %run_scoped3A_48 = arith.constant 0 : i32
      "tpu.region"() ({
        %run_scoped3A_50 = tpu.sem_alloc : memref<!tpu.dma_semaphore, #tpu.memory_space<semaphore_mem>>
        %dma_start3A = arith.constant 0 : i32
        %dma_start3A_51 = tpu.memref_slice %arg9[%run_scoped3A_48, %dma_start3A] : memref<2x128xi32, #tpu.memory_space<vmem>> -> memref<1x128xi32, #tpu.memory_space<vmem>>
        %dma_start3A_52 = tpu.memref_squeeze %dma_start3A_51 : memref<1x128xi32, #tpu.memory_space<vmem>> -> memref<128xi32, #tpu.memory_space<vmem>>
        %dma_start3A_53 = arith.constant 0 : i32
        %dma_start3A_54 = arith.constant 0 : i32
        %dma_start3A_55 = tpu.memref_slice %arg11[%dma_start3A_53, %dma_start3A_54] : memref<10112x128xf32, #tpu.memory_space<vmem_shared>> -> memref<10112x128xf32, #tpu.memory_space<vmem_shared>>
        tpu.enqueue_indirect_dma source(%arg10 : memref<128x128xf32, #tpu.memory_space<vmem>>) target(%dma_start3A_55 : memref<10112x128xf32, #tpu.memory_space<vmem_shared>>) offsets(%dma_start3A_52 : memref<128xi32, #tpu.memory_space<vmem>>) semaphore(%run_scoped3A_50 : memref<!tpu.dma_semaphore, #tpu.memory_space<semaphore_mem>>) {add = true}
        %dma_wait3A = arith.constant 0 : i32
        %dma_wait3A_56 = tpu.memref_slice %arg9[%run_scoped3A_48, %dma_wait3A] : memref<2x128xi32, #tpu.memory_space<vmem>> -> memref<1x128xi32, #tpu.memory_space<vmem>>
        %dma_wait3A_57 = tpu.memref_squeeze %dma_wait3A_56 : memref<1x128xi32, #tpu.memory_space<vmem>> -> memref<128xi32, #tpu.memory_space<vmem>>
        %dma_wait3A_58 = arith.constant 0 : i32
        %dma_wait3A_59 = arith.constant 0 : i32
        %dma_wait3A_60 = tpu.memref_slice %arg11[%dma_wait3A_58, %dma_wait3A_59] : memref<10112x128xf32, #tpu.memory_space<vmem_shared>> -> memref<10112x128xf32, #tpu.memory_space<vmem_shared>>
        tpu.wait_indirect_dma semaphore(%run_scoped3A_50 : memref<!tpu.dma_semaphore, #tpu.memory_space<semaphore_mem>>) src(%arg10 : memref<128x128xf32, #tpu.memory_space<vmem>>) dst(%dma_wait3A_60 : memref<10112x128xf32, #tpu.memory_space<vmem_shared>>)
        tpu.yield
      }) : () -> ()
      %scan3A_49 = arith.constant 0 : i32
      scf.yield %scan3A_49 : i32
    }
    %scan3A_32 = arith.constant 79 : i32
    %barrier3A_33 = arith.constant 0 : index
    tpu.barrier barrier_id(%barrier3A_33)
    %mul3A_34 = arith.constant 632 : i32
    %mul3A_35 = arith.muli %arg1, %mul3A_34 : i32
    %mul3A_36 = arith.constant 632 : i32
    %mul3A_37 = arith.muli %arg1, %mul3A_36 : i32
    "tpu.region"() ({
      %run_scoped3A_38 = tpu.sem_alloc : memref<!tpu.dma_semaphore, #tpu.memory_space<semaphore_mem>>
      %dma_start3A = arith.constant 0 : i32
      %dma_start3A_39 = tpu.memref_slice %arg8[%arg0, %mul3A_37, %dma_start3A] : memref<2x10112x128xf32, #tpu.memory_space<hbm>> -> memref<1x632x128xf32, #tpu.memory_space<hbm>>
      %dma_start3A_40 = tpu.memref_squeeze %dma_start3A_39 : memref<1x632x128xf32, #tpu.memory_space<hbm>> -> memref<632x128xf32, #tpu.memory_space<hbm>>
      %dma_start3A_41 = arith.constant 0 : i32
      %dma_start3A_42 = tpu.memref_slice %arg11[%mul3A_35, %dma_start3A_41] : memref<10112x128xf32, #tpu.memory_space<vmem_shared>> -> memref<632x128xf32, #tpu.memory_space<vmem_shared>>
      tpu.enqueue_dma source(%dma_start3A_42 : memref<632x128xf32, #tpu.memory_space<vmem_shared>>) target(%dma_start3A_40 : memref<632x128xf32, #tpu.memory_space<hbm>>) target_semaphore(%run_scoped3A_38 : memref<!tpu.dma_semaphore, #tpu.memory_space<semaphore_mem>>)
      %dma_wait3A = arith.constant 0 : i32
      %dma_wait3A_43 = tpu.memref_slice %arg8[%arg0, %mul3A_37, %dma_wait3A] : memref<2x10112x128xf32, #tpu.memory_space<hbm>> -> memref<1x632x128xf32, #tpu.memory_space<hbm>>
      %dma_wait3A_44 = tpu.memref_squeeze %dma_wait3A_43 : memref<1x632x128xf32, #tpu.memory_space<hbm>> -> memref<632x128xf32, #tpu.memory_space<hbm>>
      %dma_wait3A_45 = arith.constant 0 : i32
      %dma_wait3A_46 = tpu.memref_slice %arg11[%mul3A_35, %dma_wait3A_45] : memref<10112x128xf32, #tpu.memory_space<vmem_shared>> -> memref<632x128xf32, #tpu.memory_space<vmem_shared>>
      tpu.wait_dma2 semaphore(%run_scoped3A_38 : memref<!tpu.dma_semaphore, #tpu.memory_space<semaphore_mem>>) src(%dma_wait3A_46 : memref<632x128xf32, #tpu.memory_space<vmem_shared>>) dst(%dma_wait3A_44 : memref<632x128xf32, #tpu.memory_space<hbm>>)
      tpu.yield
    }) : () -> ()
    return
  }
}

#map = affine_map<(d0, d1) -> (0, 0)>
#map1 = affine_map<(d0, d1) -> (0)>
#map2 = affine_map<(d0, d1) -> (0, 0, 0)>
module attributes {stable_mosaic.version = 14 : i64} {
  func.func @_sc_aggregate(%arg0: i32, %arg1: i32, %arg2: memref<10112x128xf32, #tpu.memory_space<hbm>>, %arg3: memref<10112x128xf32, #tpu.memory_space<hbm>>, %arg4: memref<323584xi32, #tpu.memory_space<hbm>>, %arg5: memref<323584xi32, #tpu.memory_space<hbm>>, %arg6: memref<323584xi32, #tpu.memory_space<hbm>>, %arg7: memref<323584xi32, #tpu.memory_space<hbm>>, %arg8: memref<10112x128xf32, #tpu.memory_space<hbm>>, %arg9: memref<2x10112x128xf32, #tpu.memory_space<hbm>>, %arg10: memref<2x10112x128xf32, #tpu.memory_space<hbm>>, %arg11: memref<2x2x128xi32, #tpu.memory_space<vmem>>, %arg12: memref<2x128x128xf32, #tpu.memory_space<vmem>>, %arg13: memref<10112x128xf32, #tpu.memory_space<vmem_shared>>, %arg14: memref<!tpu.dma_semaphore, #tpu.memory_space<semaphore_mem>>, %arg15: memref<!tpu.dma_semaphore, #tpu.memory_space<semaphore_mem>>) attributes {dimension_semantics = [#tpu.dimension_semantics<core_parallel>, #tpu.dimension_semantics<subcore_parallel>], iteration_bounds = array<i64: 2, 16>, scalar_prefetch = 0 : i64, scratch_operands = 5 : i64, tpu.core_type = #tpu.core_type<sc_vector_subcore>, window_params = [{transform_indices = #map}, {transform_indices = #map}, {transform_indices = #map1}, {transform_indices = #map1}, {transform_indices = #map1}, {transform_indices = #map1}, {transform_indices = #map}, {transform_indices = #map2}, {transform_indices = #map2}]} {
    %mul3A = arith.constant 632 : i32
    %mul3A_0 = arith.muli %arg1, %mul3A : i32
    %mul3A_1 = arith.constant 632 : i32
    %mul3A_2 = arith.muli %arg1, %mul3A_1 : i32
    "tpu.region"() ({
      %run_scoped3A_110 = tpu.sem_alloc : memref<!tpu.dma_semaphore, #tpu.memory_space<semaphore_mem>>
      %dma_start3A_111 = arith.constant 0 : i32
      %dma_start3A_112 = tpu.memref_slice %arg13[%mul3A_2, %dma_start3A_111] : memref<10112x128xf32, #tpu.memory_space<vmem_shared>> -> memref<632x128xf32, #tpu.memory_space<vmem_shared>>
      %dma_start3A_113 = arith.constant 0 : i32
      %dma_start3A_114 = tpu.memref_slice %arg8[%mul3A_0, %dma_start3A_113] : memref<10112x128xf32, #tpu.memory_space<hbm>> -> memref<632x128xf32, #tpu.memory_space<hbm>>
      tpu.enqueue_dma source(%dma_start3A_114 : memref<632x128xf32, #tpu.memory_space<hbm>>) target(%dma_start3A_112 : memref<632x128xf32, #tpu.memory_space<vmem_shared>>) target_semaphore(%run_scoped3A_110 : memref<!tpu.dma_semaphore, #tpu.memory_space<semaphore_mem>>)
      %dma_wait3A_115 = arith.constant 0 : i32
      %dma_wait3A_116 = tpu.memref_slice %arg13[%mul3A_2, %dma_wait3A_115] : memref<10112x128xf32, #tpu.memory_space<vmem_shared>> -> memref<632x128xf32, #tpu.memory_space<vmem_shared>>
      %dma_wait3A_117 = arith.constant 0 : i32
      %dma_wait3A_118 = tpu.memref_slice %arg8[%mul3A_0, %dma_wait3A_117] : memref<10112x128xf32, #tpu.memory_space<hbm>> -> memref<632x128xf32, #tpu.memory_space<hbm>>
      tpu.wait_dma2 semaphore(%run_scoped3A_110 : memref<!tpu.dma_semaphore, #tpu.memory_space<semaphore_mem>>) src(%dma_wait3A_118 : memref<632x128xf32, #tpu.memory_space<hbm>>) dst(%dma_wait3A_116 : memref<632x128xf32, #tpu.memory_space<vmem_shared>>)
      tpu.yield
    }) : () -> ()
    %barrier3A = arith.constant 0 : index
    tpu.barrier barrier_id(%barrier3A)
    %mul3A_3 = arith.constant 1264 : i32
    %mul3A_4 = arith.muli %arg0, %mul3A_3 : i32
    %add3A = arith.constant 0 : i32
    %add3A_5 = arith.addi %mul3A_4, %add3A : i32
    %add3A_6 = arith.addi %add3A_5, %arg1 : i32
    %mul3A_7 = arith.constant 128 : i32
    %mul3A_8 = arith.muli %add3A_6, %mul3A_7 : i32
    %multiple_of3A = tpu.assume_multiple %mul3A_8, 128 : i32
    %run_scoped3A = arith.constant 0 : i32
    %run_scoped3A_9 = arith.constant 0 : i32
    "tpu.region"() ({
      %run_scoped3A_110 = tpu.sem_alloc : memref<!tpu.dma_semaphore, #tpu.memory_space<semaphore_mem>>
      %dma_start3A_111 = arith.constant 0 : i32
      %dma_start3A_112 = tpu.memref_slice %arg11[%run_scoped3A, %run_scoped3A_9, %dma_start3A_111] : memref<2x2x128xi32, #tpu.memory_space<vmem>> -> memref<1x1x128xi32, #tpu.memory_space<vmem>>
      %dma_start3A_113 = tpu.memref_squeeze %dma_start3A_112 : memref<1x1x128xi32, #tpu.memory_space<vmem>> -> memref<128xi32, #tpu.memory_space<vmem>>
      %dma_start3A_114 = tpu.memref_slice %arg4[%multiple_of3A] : memref<323584xi32, #tpu.memory_space<hbm>> -> memref<128xi32, #tpu.memory_space<hbm>>
      %dma_start3A_115 = arith.constant 0 : i32
      %dma_start3A_116 = tpu.memref_slice %arg11[%run_scoped3A, %run_scoped3A_9, %dma_start3A_115] : memref<2x2x128xi32, #tpu.memory_space<vmem>> -> memref<1x1x128xi32, #tpu.memory_space<vmem>>
      %dma_start3A_117 = tpu.memref_squeeze %dma_start3A_116 : memref<1x1x128xi32, #tpu.memory_space<vmem>> -> memref<128xi32, #tpu.memory_space<vmem>>
      %dma_start3A_118 = tpu.memref_slice %arg4[%multiple_of3A] : memref<323584xi32, #tpu.memory_space<hbm>> -> memref<128xi32, #tpu.memory_space<hbm>>
      tpu.enqueue_dma source(%dma_start3A_118 : memref<128xi32, #tpu.memory_space<hbm>>) target(%dma_start3A_117 : memref<128xi32, #tpu.memory_space<vmem>>) target_semaphore(%run_scoped3A_110 : memref<!tpu.dma_semaphore, #tpu.memory_space<semaphore_mem>>)
      %dma_wait3A_119 = arith.constant 0 : i32
      %dma_wait3A_120 = tpu.memref_slice %arg11[%run_scoped3A, %run_scoped3A_9, %dma_wait3A_119] : memref<2x2x128xi32, #tpu.memory_space<vmem>> -> memref<1x1x128xi32, #tpu.memory_space<vmem>>
      %dma_wait3A_121 = tpu.memref_squeeze %dma_wait3A_120 : memref<1x1x128xi32, #tpu.memory_space<vmem>> -> memref<128xi32, #tpu.memory_space<vmem>>
      %dma_wait3A_122 = tpu.memref_slice %arg4[%multiple_of3A] : memref<323584xi32, #tpu.memory_space<hbm>> -> memref<128xi32, #tpu.memory_space<hbm>>
      %dma_wait3A_123 = arith.constant 0 : i32
      %dma_wait3A_124 = tpu.memref_slice %arg11[%run_scoped3A, %run_scoped3A_9, %dma_wait3A_123] : memref<2x2x128xi32, #tpu.memory_space<vmem>> -> memref<1x1x128xi32, #tpu.memory_space<vmem>>
      %dma_wait3A_125 = tpu.memref_squeeze %dma_wait3A_124 : memref<1x1x128xi32, #tpu.memory_space<vmem>> -> memref<128xi32, #tpu.memory_space<vmem>>
      %dma_wait3A_126 = tpu.memref_slice %arg4[%multiple_of3A] : memref<323584xi32, #tpu.memory_space<hbm>> -> memref<128xi32, #tpu.memory_space<hbm>>
      tpu.wait_dma2 semaphore(%run_scoped3A_110 : memref<!tpu.dma_semaphore, #tpu.memory_space<semaphore_mem>>) src(%dma_wait3A_126 : memref<128xi32, #tpu.memory_space<hbm>>) dst(%dma_wait3A_125 : memref<128xi32, #tpu.memory_space<vmem>>)
      tpu.yield
    }) : () -> ()
    %run_scoped3A_10 = arith.constant 0 : i32
    %run_scoped3A_11 = arith.constant 1 : i32
    "tpu.region"() ({
      %run_scoped3A_110 = tpu.sem_alloc : memref<!tpu.dma_semaphore, #tpu.memory_space<semaphore_mem>>
      %dma_start3A_111 = arith.constant 0 : i32
      %dma_start3A_112 = tpu.memref_slice %arg11[%run_scoped3A_10, %run_scoped3A_11, %dma_start3A_111] : memref<2x2x128xi32, #tpu.memory_space<vmem>> -> memref<1x1x128xi32, #tpu.memory_space<vmem>>
      %dma_start3A_113 = tpu.memref_squeeze %dma_start3A_112 : memref<1x1x128xi32, #tpu.memory_space<vmem>> -> memref<128xi32, #tpu.memory_space<vmem>>
      %dma_start3A_114 = tpu.memref_slice %arg5[%multiple_of3A] : memref<323584xi32, #tpu.memory_space<hbm>> -> memref<128xi32, #tpu.memory_space<hbm>>
      %dma_start3A_115 = arith.constant 0 : i32
      %dma_start3A_116 = tpu.memref_slice %arg11[%run_scoped3A_10, %run_scoped3A_11, %dma_start3A_115] : memref<2x2x128xi32, #tpu.memory_space<vmem>> -> memref<1x1x128xi32, #tpu.memory_space<vmem>>
      %dma_start3A_117 = tpu.memref_squeeze %dma_start3A_116 : memref<1x1x128xi32, #tpu.memory_space<vmem>> -> memref<128xi32, #tpu.memory_space<vmem>>
      %dma_start3A_118 = tpu.memref_slice %arg5[%multiple_of3A] : memref<323584xi32, #tpu.memory_space<hbm>> -> memref<128xi32, #tpu.memory_space<hbm>>
      tpu.enqueue_dma source(%dma_start3A_118 : memref<128xi32, #tpu.memory_space<hbm>>) target(%dma_start3A_117 : memref<128xi32, #tpu.memory_space<vmem>>) target_semaphore(%run_scoped3A_110 : memref<!tpu.dma_semaphore, #tpu.memory_space<semaphore_mem>>)
      %dma_wait3A_119 = arith.constant 0 : i32
      %dma_wait3A_120 = tpu.memref_slice %arg11[%run_scoped3A_10, %run_scoped3A_11, %dma_wait3A_119] : memref<2x2x128xi32, #tpu.memory_space<vmem>> -> memref<1x1x128xi32, #tpu.memory_space<vmem>>
      %dma_wait3A_121 = tpu.memref_squeeze %dma_wait3A_120 : memref<1x1x128xi32, #tpu.memory_space<vmem>> -> memref<128xi32, #tpu.memory_space<vmem>>
      %dma_wait3A_122 = tpu.memref_slice %arg5[%multiple_of3A] : memref<323584xi32, #tpu.memory_space<hbm>> -> memref<128xi32, #tpu.memory_space<hbm>>
      %dma_wait3A_123 = arith.constant 0 : i32
      %dma_wait3A_124 = tpu.memref_slice %arg11[%run_scoped3A_10, %run_scoped3A_11, %dma_wait3A_123] : memref<2x2x128xi32, #tpu.memory_space<vmem>> -> memref<1x1x128xi32, #tpu.memory_space<vmem>>
      %dma_wait3A_125 = tpu.memref_squeeze %dma_wait3A_124 : memref<1x1x128xi32, #tpu.memory_space<vmem>> -> memref<128xi32, #tpu.memory_space<vmem>>
      %dma_wait3A_126 = tpu.memref_slice %arg5[%multiple_of3A] : memref<323584xi32, #tpu.memory_space<hbm>> -> memref<128xi32, #tpu.memory_space<hbm>>
      tpu.wait_dma2 semaphore(%run_scoped3A_110 : memref<!tpu.dma_semaphore, #tpu.memory_space<semaphore_mem>>) src(%dma_wait3A_126 : memref<128xi32, #tpu.memory_space<hbm>>) dst(%dma_wait3A_125 : memref<128xi32, #tpu.memory_space<vmem>>)
      tpu.yield
    }) : () -> ()
    %dma_start3A = arith.constant 0 : i32
    %dma_start3A_12 = arith.constant 0 : i32
    %dma_start3A_13 = arith.constant 0 : i32
    %dma_start3A_14 = arith.constant 0 : i32
    %dma_start3A_15 = arith.constant 0 : i32
    %dma_start3A_16 = tpu.memref_slice %arg12[%dma_start3A_13, %dma_start3A_14, %dma_start3A_15] : memref<2x128x128xf32, #tpu.memory_space<vmem>> -> memref<1x128x128xf32, #tpu.memory_space<vmem>>
    %dma_start3A_17 = tpu.memref_squeeze %dma_start3A_16 : memref<1x128x128xf32, #tpu.memory_space<vmem>> -> memref<128x128xf32, #tpu.memory_space<vmem>>
    %dma_start3A_18 = arith.constant 0 : i32
    %dma_start3A_19 = tpu.memref_slice %arg11[%dma_start3A, %dma_start3A_12, %dma_start3A_18] : memref<2x2x128xi32, #tpu.memory_space<vmem>> -> memref<1x1x128xi32, #tpu.memory_space<vmem>>
    %dma_start3A_20 = tpu.memref_squeeze %dma_start3A_19 : memref<1x1x128xi32, #tpu.memory_space<vmem>> -> memref<128xi32, #tpu.memory_space<vmem>>
    %dma_start3A_21 = arith.constant 0 : i32
    %dma_start3A_22 = arith.constant 0 : i32
    %dma_start3A_23 = tpu.memref_slice %arg2[%dma_start3A_21, %dma_start3A_22] : memref<10112x128xf32, #tpu.memory_space<hbm>> -> memref<10112x128xf32, #tpu.memory_space<hbm>>
    tpu.enqueue_indirect_dma source(%dma_start3A_23 : memref<10112x128xf32, #tpu.memory_space<hbm>>) target(%dma_start3A_17 : memref<128x128xf32, #tpu.memory_space<vmem>>) offsets(%dma_start3A_20 : memref<128xi32, #tpu.memory_space<vmem>>) semaphore(%arg14 : memref<!tpu.dma_semaphore, #tpu.memory_space<semaphore_mem>>)
    %scan3A = arith.constant 0 : i32
    %scan3A_24 = arith.constant 0 : i32
    %scan3A_25 = arith.constant 39 : i32
    %scan3A_26 = arith.addi %scan3A_24, %scan3A_25 : i32
    %scan3A_27 = arith.constant 1 : i32
    %scan3A_28 = scf.for %scan3A_110 = %scan3A_24 to %scan3A_26 step %scan3A_27 iter_args(%scan3A_111 = %scan3A) -> (i32)  : i32 {
      %mul3A_112 = arith.constant 2 : i32
      %mul3A_113 = arith.muli %mul3A_112, %scan3A_110 : i32
      %add3A_114 = arith.constant 1 : i32
      %add3A_115 = arith.addi %mul3A_113, %add3A_114 : i32
      %mul3A_116 = arith.constant 1264 : i32
      %mul3A_117 = arith.muli %arg0, %mul3A_116 : i32
      %mul3A_118 = arith.constant 16 : i32
      %mul3A_119 = arith.muli %add3A_115, %mul3A_118 : i32
      %add3A_120 = arith.addi %mul3A_117, %mul3A_119 : i32
      %add3A_121 = arith.addi %add3A_120, %arg1 : i32
      %mul3A_122 = arith.constant 128 : i32
      %mul3A_123 = arith.muli %add3A_121, %mul3A_122 : i32
      %multiple_of3A_124 = tpu.assume_multiple %mul3A_123, 128 : i32
      %run_scoped3A_125 = arith.constant 1 : i32
      %run_scoped3A_126 = arith.constant 0 : i32
      "tpu.region"() ({
        %run_scoped3A_205 = tpu.sem_alloc : memref<!tpu.dma_semaphore, #tpu.memory_space<semaphore_mem>>
        %dma_start3A_206 = arith.constant 0 : i32
        %dma_start3A_207 = tpu.memref_slice %arg11[%run_scoped3A_125, %run_scoped3A_126, %dma_start3A_206] : memref<2x2x128xi32, #tpu.memory_space<vmem>> -> memref<1x1x128xi32, #tpu.memory_space<vmem>>
        %dma_start3A_208 = tpu.memref_squeeze %dma_start3A_207 : memref<1x1x128xi32, #tpu.memory_space<vmem>> -> memref<128xi32, #tpu.memory_space<vmem>>
        %dma_start3A_209 = tpu.memref_slice %arg4[%multiple_of3A_124] : memref<323584xi32, #tpu.memory_space<hbm>> -> memref<128xi32, #tpu.memory_space<hbm>>
        %dma_start3A_210 = arith.constant 0 : i32
        %dma_start3A_211 = tpu.memref_slice %arg11[%run_scoped3A_125, %run_scoped3A_126, %dma_start3A_210] : memref<2x2x128xi32, #tpu.memory_space<vmem>> -> memref<1x1x128xi32, #tpu.memory_space<vmem>>
        %dma_start3A_212 = tpu.memref_squeeze %dma_start3A_211 : memref<1x1x128xi32, #tpu.memory_space<vmem>> -> memref<128xi32, #tpu.memory_space<vmem>>
        %dma_start3A_213 = tpu.memref_slice %arg4[%multiple_of3A_124] : memref<323584xi32, #tpu.memory_space<hbm>> -> memref<128xi32, #tpu.memory_space<hbm>>
        tpu.enqueue_dma source(%dma_start3A_213 : memref<128xi32, #tpu.memory_space<hbm>>) target(%dma_start3A_212 : memref<128xi32, #tpu.memory_space<vmem>>) target_semaphore(%run_scoped3A_205 : memref<!tpu.dma_semaphore, #tpu.memory_space<semaphore_mem>>)
        %dma_wait3A_214 = arith.constant 0 : i32
        %dma_wait3A_215 = tpu.memref_slice %arg11[%run_scoped3A_125, %run_scoped3A_126, %dma_wait3A_214] : memref<2x2x128xi32, #tpu.memory_space<vmem>> -> memref<1x1x128xi32, #tpu.memory_space<vmem>>
        %dma_wait3A_216 = tpu.memref_squeeze %dma_wait3A_215 : memref<1x1x128xi32, #tpu.memory_space<vmem>> -> memref<128xi32, #tpu.memory_space<vmem>>
        %dma_wait3A_217 = tpu.memref_slice %arg4[%multiple_of3A_124] : memref<323584xi32, #tpu.memory_space<hbm>> -> memref<128xi32, #tpu.memory_space<hbm>>
        %dma_wait3A_218 = arith.constant 0 : i32
        %dma_wait3A_219 = tpu.memref_slice %arg11[%run_scoped3A_125, %run_scoped3A_126, %dma_wait3A_218] : memref<2x2x128xi32, #tpu.memory_space<vmem>> -> memref<1x1x128xi32, #tpu.memory_space<vmem>>
        %dma_wait3A_220 = tpu.memref_squeeze %dma_wait3A_219 : memref<1x1x128xi32, #tpu.memory_space<vmem>> -> memref<128xi32, #tpu.memory_space<vmem>>
        %dma_wait3A_221 = tpu.memref_slice %arg4[%multiple_of3A_124] : memref<323584xi32, #tpu.memory_space<hbm>> -> memref<128xi32, #tpu.memory_space<hbm>>
        tpu.wait_dma2 semaphore(%run_scoped3A_205 : memref<!tpu.dma_semaphore, #tpu.memory_space<semaphore_mem>>) src(%dma_wait3A_221 : memref<128xi32, #tpu.memory_space<hbm>>) dst(%dma_wait3A_220 : memref<128xi32, #tpu.memory_space<vmem>>)
        tpu.yield
      }) : () -> ()
      %run_scoped3A_127 = arith.constant 1 : i32
      %run_scoped3A_128 = arith.constant 1 : i32
      "tpu.region"() ({
        %run_scoped3A_205 = tpu.sem_alloc : memref<!tpu.dma_semaphore, #tpu.memory_space<semaphore_mem>>
        %dma_start3A_206 = arith.constant 0 : i32
        %dma_start3A_207 = tpu.memref_slice %arg11[%run_scoped3A_127, %run_scoped3A_128, %dma_start3A_206] : memref<2x2x128xi32, #tpu.memory_space<vmem>> -> memref<1x1x128xi32, #tpu.memory_space<vmem>>
        %dma_start3A_208 = tpu.memref_squeeze %dma_start3A_207 : memref<1x1x128xi32, #tpu.memory_space<vmem>> -> memref<128xi32, #tpu.memory_space<vmem>>
        %dma_start3A_209 = tpu.memref_slice %arg5[%multiple_of3A_124] : memref<323584xi32, #tpu.memory_space<hbm>> -> memref<128xi32, #tpu.memory_space<hbm>>
        %dma_start3A_210 = arith.constant 0 : i32
        %dma_start3A_211 = tpu.memref_slice %arg11[%run_scoped3A_127, %run_scoped3A_128, %dma_start3A_210] : memref<2x2x128xi32, #tpu.memory_space<vmem>> -> memref<1x1x128xi32, #tpu.memory_space<vmem>>
        %dma_start3A_212 = tpu.memref_squeeze %dma_start3A_211 : memref<1x1x128xi32, #tpu.memory_space<vmem>> -> memref<128xi32, #tpu.memory_space<vmem>>
        %dma_start3A_213 = tpu.memref_slice %arg5[%multiple_of3A_124] : memref<323584xi32, #tpu.memory_space<hbm>> -> memref<128xi32, #tpu.memory_space<hbm>>
        tpu.enqueue_dma source(%dma_start3A_213 : memref<128xi32, #tpu.memory_space<hbm>>) target(%dma_start3A_212 : memref<128xi32, #tpu.memory_space<vmem>>) target_semaphore(%run_scoped3A_205 : memref<!tpu.dma_semaphore, #tpu.memory_space<semaphore_mem>>)
        %dma_wait3A_214 = arith.constant 0 : i32
        %dma_wait3A_215 = tpu.memref_slice %arg11[%run_scoped3A_127, %run_scoped3A_128, %dma_wait3A_214] : memref<2x2x128xi32, #tpu.memory_space<vmem>> -> memref<1x1x128xi32, #tpu.memory_space<vmem>>
        %dma_wait3A_216 = tpu.memref_squeeze %dma_wait3A_215 : memref<1x1x128xi32, #tpu.memory_space<vmem>> -> memref<128xi32, #tpu.memory_space<vmem>>
        %dma_wait3A_217 = tpu.memref_slice %arg5[%multiple_of3A_124] : memref<323584xi32, #tpu.memory_space<hbm>> -> memref<128xi32, #tpu.memory_space<hbm>>
        %dma_wait3A_218 = arith.constant 0 : i32
        %dma_wait3A_219 = tpu.memref_slice %arg11[%run_scoped3A_127, %run_scoped3A_128, %dma_wait3A_218] : memref<2x2x128xi32, #tpu.memory_space<vmem>> -> memref<1x1x128xi32, #tpu.memory_space<vmem>>
        %dma_wait3A_220 = tpu.memref_squeeze %dma_wait3A_219 : memref<1x1x128xi32, #tpu.memory_space<vmem>> -> memref<128xi32, #tpu.memory_space<vmem>>
        %dma_wait3A_221 = tpu.memref_slice %arg5[%multiple_of3A_124] : memref<323584xi32, #tpu.memory_space<hbm>> -> memref<128xi32, #tpu.memory_space<hbm>>
        tpu.wait_dma2 semaphore(%run_scoped3A_205 : memref<!tpu.dma_semaphore, #tpu.memory_space<semaphore_mem>>) src(%dma_wait3A_221 : memref<128xi32, #tpu.memory_space<hbm>>) dst(%dma_wait3A_220 : memref<128xi32, #tpu.memory_space<vmem>>)
        tpu.yield
      }) : () -> ()
      %dma_start3A_129 = arith.constant 1 : i32
      %dma_start3A_130 = arith.constant 0 : i32
      %dma_start3A_131 = arith.constant 1 : i32
      %dma_start3A_132 = arith.constant 0 : i32
      %dma_start3A_133 = arith.constant 0 : i32
      %dma_start3A_134 = tpu.memref_slice %arg12[%dma_start3A_131, %dma_start3A_132, %dma_start3A_133] : memref<2x128x128xf32, #tpu.memory_space<vmem>> -> memref<1x128x128xf32, #tpu.memory_space<vmem>>
      %dma_start3A_135 = tpu.memref_squeeze %dma_start3A_134 : memref<1x128x128xf32, #tpu.memory_space<vmem>> -> memref<128x128xf32, #tpu.memory_space<vmem>>
      %dma_start3A_136 = arith.constant 0 : i32
      %dma_start3A_137 = tpu.memref_slice %arg11[%dma_start3A_129, %dma_start3A_130, %dma_start3A_136] : memref<2x2x128xi32, #tpu.memory_space<vmem>> -> memref<1x1x128xi32, #tpu.memory_space<vmem>>
      %dma_start3A_138 = tpu.memref_squeeze %dma_start3A_137 : memref<1x1x128xi32, #tpu.memory_space<vmem>> -> memref<128xi32, #tpu.memory_space<vmem>>
      %dma_start3A_139 = arith.constant 0 : i32
      %dma_start3A_140 = arith.constant 0 : i32
      %dma_start3A_141 = tpu.memref_slice %arg2[%dma_start3A_139, %dma_start3A_140] : memref<10112x128xf32, #tpu.memory_space<hbm>> -> memref<10112x128xf32, #tpu.memory_space<hbm>>
      tpu.enqueue_indirect_dma source(%dma_start3A_141 : memref<10112x128xf32, #tpu.memory_space<hbm>>) target(%dma_start3A_135 : memref<128x128xf32, #tpu.memory_space<vmem>>) offsets(%dma_start3A_138 : memref<128xi32, #tpu.memory_space<vmem>>) semaphore(%arg15 : memref<!tpu.dma_semaphore, #tpu.memory_space<semaphore_mem>>)
      %dma_wait3A_142 = arith.constant 0 : i32
      %dma_wait3A_143 = arith.constant 0 : i32
      %dma_wait3A_144 = arith.constant 0 : i32
      %dma_wait3A_145 = arith.constant 0 : i32
      %dma_wait3A_146 = arith.constant 0 : i32
      %dma_wait3A_147 = tpu.memref_slice %arg12[%dma_wait3A_144, %dma_wait3A_145, %dma_wait3A_146] : memref<2x128x128xf32, #tpu.memory_space<vmem>> -> memref<1x128x128xf32, #tpu.memory_space<vmem>>
      %dma_wait3A_148 = tpu.memref_squeeze %dma_wait3A_147 : memref<1x128x128xf32, #tpu.memory_space<vmem>> -> memref<128x128xf32, #tpu.memory_space<vmem>>
      %dma_wait3A_149 = arith.constant 0 : i32
      %dma_wait3A_150 = tpu.memref_slice %arg11[%dma_wait3A_142, %dma_wait3A_143, %dma_wait3A_149] : memref<2x2x128xi32, #tpu.memory_space<vmem>> -> memref<1x1x128xi32, #tpu.memory_space<vmem>>
      %dma_wait3A_151 = tpu.memref_squeeze %dma_wait3A_150 : memref<1x1x128xi32, #tpu.memory_space<vmem>> -> memref<128xi32, #tpu.memory_space<vmem>>
      %dma_wait3A_152 = arith.constant 0 : i32
      %dma_wait3A_153 = arith.constant 0 : i32
      %dma_wait3A_154 = tpu.memref_slice %arg2[%dma_wait3A_152, %dma_wait3A_153] : memref<10112x128xf32, #tpu.memory_space<hbm>> -> memref<10112x128xf32, #tpu.memory_space<hbm>>
      tpu.wait_indirect_dma semaphore(%arg14 : memref<!tpu.dma_semaphore, #tpu.memory_space<semaphore_mem>>) src(%dma_wait3A_154 : memref<10112x128xf32, #tpu.memory_space<hbm>>) dst(%dma_wait3A_148 : memref<128x128xf32, #tpu.memory_space<vmem>>)
      %run_scoped3A_155 = arith.constant 0 : i32
      %run_scoped3A_156 = arith.constant 0 : i32
      %run_scoped3A_157 = arith.constant 1 : i32
      "tpu.region"() ({
        %run_scoped3A_205 = tpu.sem_alloc : memref<!tpu.dma_semaphore, #tpu.memory_space<semaphore_mem>>
        %dma_start3A_206 = arith.constant 0 : i32
        %dma_start3A_207 = arith.constant 0 : i32
        %dma_start3A_208 = tpu.memref_slice %arg12[%run_scoped3A_155, %dma_start3A_206, %dma_start3A_207] : memref<2x128x128xf32, #tpu.memory_space<vmem>> -> memref<1x128x128xf32, #tpu.memory_space<vmem>>
        %dma_start3A_209 = tpu.memref_squeeze %dma_start3A_208 : memref<1x128x128xf32, #tpu.memory_space<vmem>> -> memref<128x128xf32, #tpu.memory_space<vmem>>
        %dma_start3A_210 = arith.constant 0 : i32
        %dma_start3A_211 = tpu.memref_slice %arg11[%run_scoped3A_156, %run_scoped3A_157, %dma_start3A_210] : memref<2x2x128xi32, #tpu.memory_space<vmem>> -> memref<1x1x128xi32, #tpu.memory_space<vmem>>
        %dma_start3A_212 = tpu.memref_squeeze %dma_start3A_211 : memref<1x1x128xi32, #tpu.memory_space<vmem>> -> memref<128xi32, #tpu.memory_space<vmem>>
        %dma_start3A_213 = arith.constant 0 : i32
        %dma_start3A_214 = arith.constant 0 : i32
        %dma_start3A_215 = tpu.memref_slice %arg13[%dma_start3A_213, %dma_start3A_214] : memref<10112x128xf32, #tpu.memory_space<vmem_shared>> -> memref<10112x128xf32, #tpu.memory_space<vmem_shared>>
        tpu.enqueue_indirect_dma source(%dma_start3A_209 : memref<128x128xf32, #tpu.memory_space<vmem>>) target(%dma_start3A_215 : memref<10112x128xf32, #tpu.memory_space<vmem_shared>>) offsets(%dma_start3A_212 : memref<128xi32, #tpu.memory_space<vmem>>) semaphore(%run_scoped3A_205 : memref<!tpu.dma_semaphore, #tpu.memory_space<semaphore_mem>>) {add = true}
        %dma_wait3A_216 = arith.constant 0 : i32
        %dma_wait3A_217 = arith.constant 0 : i32
        %dma_wait3A_218 = tpu.memref_slice %arg12[%run_scoped3A_155, %dma_wait3A_216, %dma_wait3A_217] : memref<2x128x128xf32, #tpu.memory_space<vmem>> -> memref<1x128x128xf32, #tpu.memory_space<vmem>>
        %dma_wait3A_219 = tpu.memref_squeeze %dma_wait3A_218 : memref<1x128x128xf32, #tpu.memory_space<vmem>> -> memref<128x128xf32, #tpu.memory_space<vmem>>
        %dma_wait3A_220 = arith.constant 0 : i32
        %dma_wait3A_221 = tpu.memref_slice %arg11[%run_scoped3A_156, %run_scoped3A_157, %dma_wait3A_220] : memref<2x2x128xi32, #tpu.memory_space<vmem>> -> memref<1x1x128xi32, #tpu.memory_space<vmem>>
        %dma_wait3A_222 = tpu.memref_squeeze %dma_wait3A_221 : memref<1x1x128xi32, #tpu.memory_space<vmem>> -> memref<128xi32, #tpu.memory_space<vmem>>
        %dma_wait3A_223 = arith.constant 0 : i32
        %dma_wait3A_224 = arith.constant 0 : i32
        %dma_wait3A_225 = tpu.memref_slice %arg13[%dma_wait3A_223, %dma_wait3A_224] : memref<10112x128xf32, #tpu.memory_space<vmem_shared>> -> memref<10112x128xf32, #tpu.memory_space<vmem_shared>>
        tpu.wait_indirect_dma semaphore(%run_scoped3A_205 : memref<!tpu.dma_semaphore, #tpu.memory_space<semaphore_mem>>) src(%dma_wait3A_219 : memref<128x128xf32, #tpu.memory_space<vmem>>) dst(%dma_wait3A_225 : memref<10112x128xf32, #tpu.memory_space<vmem_shared>>)
        tpu.yield
      }) : () -> ()
      %mul3A_158 = arith.constant 2 : i32
      %mul3A_159 = arith.muli %mul3A_158, %scan3A_110 : i32
      %add3A_160 = arith.constant 2 : i32
      %add3A_161 = arith.addi %mul3A_159, %add3A_160 : i32
      %mul3A_162 = arith.constant 1264 : i32
      %mul3A_163 = arith.muli %arg0, %mul3A_162 : i32
      %mul3A_164 = arith.constant 16 : i32
      %mul3A_165 = arith.muli %add3A_161, %mul3A_164 : i32
      %add3A_166 = arith.addi %mul3A_163, %mul3A_165 : i32
      %add3A_167 = arith.addi %add3A_166, %arg1 : i32
      %mul3A_168 = arith.constant 128 : i32
      %mul3A_169 = arith.muli %add3A_167, %mul3A_168 : i32
      %multiple_of3A_170 = tpu.assume_multiple %mul3A_169, 128 : i32
      %run_scoped3A_171 = arith.constant 0 : i32
      %run_scoped3A_172 = arith.constant 0 : i32
      "tpu.region"() ({
        %run_scoped3A_205 = tpu.sem_alloc : memref<!tpu.dma_semaphore, #tpu.memory_space<semaphore_mem>>
        %dma_start3A_206 = arith.constant 0 : i32
        %dma_start3A_207 = tpu.memref_slice %arg11[%run_scoped3A_171, %run_scoped3A_172, %dma_start3A_206] : memref<2x2x128xi32, #tpu.memory_space<vmem>> -> memref<1x1x128xi32, #tpu.memory_space<vmem>>
        %dma_start3A_208 = tpu.memref_squeeze %dma_start3A_207 : memref<1x1x128xi32, #tpu.memory_space<vmem>> -> memref<128xi32, #tpu.memory_space<vmem>>
        %dma_start3A_209 = tpu.memref_slice %arg4[%multiple_of3A_170] : memref<323584xi32, #tpu.memory_space<hbm>> -> memref<128xi32, #tpu.memory_space<hbm>>
        %dma_start3A_210 = arith.constant 0 : i32
        %dma_start3A_211 = tpu.memref_slice %arg11[%run_scoped3A_171, %run_scoped3A_172, %dma_start3A_210] : memref<2x2x128xi32, #tpu.memory_space<vmem>> -> memref<1x1x128xi32, #tpu.memory_space<vmem>>
        %dma_start3A_212 = tpu.memref_squeeze %dma_start3A_211 : memref<1x1x128xi32, #tpu.memory_space<vmem>> -> memref<128xi32, #tpu.memory_space<vmem>>
        %dma_start3A_213 = tpu.memref_slice %arg4[%multiple_of3A_170] : memref<323584xi32, #tpu.memory_space<hbm>> -> memref<128xi32, #tpu.memory_space<hbm>>
        tpu.enqueue_dma source(%dma_start3A_213 : memref<128xi32, #tpu.memory_space<hbm>>) target(%dma_start3A_212 : memref<128xi32, #tpu.memory_space<vmem>>) target_semaphore(%run_scoped3A_205 : memref<!tpu.dma_semaphore, #tpu.memory_space<semaphore_mem>>)
        %dma_wait3A_214 = arith.constant 0 : i32
        %dma_wait3A_215 = tpu.memref_slice %arg11[%run_scoped3A_171, %run_scoped3A_172, %dma_wait3A_214] : memref<2x2x128xi32, #tpu.memory_space<vmem>> -> memref<1x1x128xi32, #tpu.memory_space<vmem>>
        %dma_wait3A_216 = tpu.memref_squeeze %dma_wait3A_215 : memref<1x1x128xi32, #tpu.memory_space<vmem>> -> memref<128xi32, #tpu.memory_space<vmem>>
        %dma_wait3A_217 = tpu.memref_slice %arg4[%multiple_of3A_170] : memref<323584xi32, #tpu.memory_space<hbm>> -> memref<128xi32, #tpu.memory_space<hbm>>
        %dma_wait3A_218 = arith.constant 0 : i32
        %dma_wait3A_219 = tpu.memref_slice %arg11[%run_scoped3A_171, %run_scoped3A_172, %dma_wait3A_218] : memref<2x2x128xi32, #tpu.memory_space<vmem>> -> memref<1x1x128xi32, #tpu.memory_space<vmem>>
        %dma_wait3A_220 = tpu.memref_squeeze %dma_wait3A_219 : memref<1x1x128xi32, #tpu.memory_space<vmem>> -> memref<128xi32, #tpu.memory_space<vmem>>
        %dma_wait3A_221 = tpu.memref_slice %arg4[%multiple_of3A_170] : memref<323584xi32, #tpu.memory_space<hbm>> -> memref<128xi32, #tpu.memory_space<hbm>>
        tpu.wait_dma2 semaphore(%run_scoped3A_205 : memref<!tpu.dma_semaphore, #tpu.memory_space<semaphore_mem>>) src(%dma_wait3A_221 : memref<128xi32, #tpu.memory_space<hbm>>) dst(%dma_wait3A_220 : memref<128xi32, #tpu.memory_space<vmem>>)
        tpu.yield
      }) : () -> ()
      %run_scoped3A_173 = arith.constant 0 : i32
      %run_scoped3A_174 = arith.constant 1 : i32
      "tpu.region"() ({
        %run_scoped3A_205 = tpu.sem_alloc : memref<!tpu.dma_semaphore, #tpu.memory_space<semaphore_mem>>
        %dma_start3A_206 = arith.constant 0 : i32
        %dma_start3A_207 = tpu.memref_slice %arg11[%run_scoped3A_173, %run_scoped3A_174, %dma_start3A_206] : memref<2x2x128xi32, #tpu.memory_space<vmem>> -> memref<1x1x128xi32, #tpu.memory_space<vmem>>
        %dma_start3A_208 = tpu.memref_squeeze %dma_start3A_207 : memref<1x1x128xi32, #tpu.memory_space<vmem>> -> memref<128xi32, #tpu.memory_space<vmem>>
        %dma_start3A_209 = tpu.memref_slice %arg5[%multiple_of3A_170] : memref<323584xi32, #tpu.memory_space<hbm>> -> memref<128xi32, #tpu.memory_space<hbm>>
        %dma_start3A_210 = arith.constant 0 : i32
        %dma_start3A_211 = tpu.memref_slice %arg11[%run_scoped3A_173, %run_scoped3A_174, %dma_start3A_210] : memref<2x2x128xi32, #tpu.memory_space<vmem>> -> memref<1x1x128xi32, #tpu.memory_space<vmem>>
        %dma_start3A_212 = tpu.memref_squeeze %dma_start3A_211 : memref<1x1x128xi32, #tpu.memory_space<vmem>> -> memref<128xi32, #tpu.memory_space<vmem>>
        %dma_start3A_213 = tpu.memref_slice %arg5[%multiple_of3A_170] : memref<323584xi32, #tpu.memory_space<hbm>> -> memref<128xi32, #tpu.memory_space<hbm>>
        tpu.enqueue_dma source(%dma_start3A_213 : memref<128xi32, #tpu.memory_space<hbm>>) target(%dma_start3A_212 : memref<128xi32, #tpu.memory_space<vmem>>) target_semaphore(%run_scoped3A_205 : memref<!tpu.dma_semaphore, #tpu.memory_space<semaphore_mem>>)
        %dma_wait3A_214 = arith.constant 0 : i32
        %dma_wait3A_215 = tpu.memref_slice %arg11[%run_scoped3A_173, %run_scoped3A_174, %dma_wait3A_214] : memref<2x2x128xi32, #tpu.memory_space<vmem>> -> memref<1x1x128xi32, #tpu.memory_space<vmem>>
        %dma_wait3A_216 = tpu.memref_squeeze %dma_wait3A_215 : memref<1x1x128xi32, #tpu.memory_space<vmem>> -> memref<128xi32, #tpu.memory_space<vmem>>
        %dma_wait3A_217 = tpu.memref_slice %arg5[%multiple_of3A_170] : memref<323584xi32, #tpu.memory_space<hbm>> -> memref<128xi32, #tpu.memory_space<hbm>>
        %dma_wait3A_218 = arith.constant 0 : i32
        %dma_wait3A_219 = tpu.memref_slice %arg11[%run_scoped3A_173, %run_scoped3A_174, %dma_wait3A_218] : memref<2x2x128xi32, #tpu.memory_space<vmem>> -> memref<1x1x128xi32, #tpu.memory_space<vmem>>
        %dma_wait3A_220 = tpu.memref_squeeze %dma_wait3A_219 : memref<1x1x128xi32, #tpu.memory_space<vmem>> -> memref<128xi32, #tpu.memory_space<vmem>>
        %dma_wait3A_221 = tpu.memref_slice %arg5[%multiple_of3A_170] : memref<323584xi32, #tpu.memory_space<hbm>> -> memref<128xi32, #tpu.memory_space<hbm>>
        tpu.wait_dma2 semaphore(%run_scoped3A_205 : memref<!tpu.dma_semaphore, #tpu.memory_space<semaphore_mem>>) src(%dma_wait3A_221 : memref<128xi32, #tpu.memory_space<hbm>>) dst(%dma_wait3A_220 : memref<128xi32, #tpu.memory_space<vmem>>)
        tpu.yield
      }) : () -> ()
      %dma_start3A_175 = arith.constant 0 : i32
      %dma_start3A_176 = arith.constant 0 : i32
      %dma_start3A_177 = arith.constant 0 : i32
      %dma_start3A_178 = arith.constant 0 : i32
      %dma_start3A_179 = arith.constant 0 : i32
      %dma_start3A_180 = tpu.memref_slice %arg12[%dma_start3A_177, %dma_start3A_178, %dma_start3A_179] : memref<2x128x128xf32, #tpu.memory_space<vmem>> -> memref<1x128x128xf32, #tpu.memory_space<vmem>>
      %dma_start3A_181 = tpu.memref_squeeze %dma_start3A_180 : memref<1x128x128xf32, #tpu.memory_space<vmem>> -> memref<128x128xf32, #tpu.memory_space<vmem>>
      %dma_start3A_182 = arith.constant 0 : i32
      %dma_start3A_183 = tpu.memref_slice %arg11[%dma_start3A_175, %dma_start3A_176, %dma_start3A_182] : memref<2x2x128xi32, #tpu.memory_space<vmem>> -> memref<1x1x128xi32, #tpu.memory_space<vmem>>
      %dma_start3A_184 = tpu.memref_squeeze %dma_start3A_183 : memref<1x1x128xi32, #tpu.memory_space<vmem>> -> memref<128xi32, #tpu.memory_space<vmem>>
      %dma_start3A_185 = arith.constant 0 : i32
      %dma_start3A_186 = arith.constant 0 : i32
      %dma_start3A_187 = tpu.memref_slice %arg2[%dma_start3A_185, %dma_start3A_186] : memref<10112x128xf32, #tpu.memory_space<hbm>> -> memref<10112x128xf32, #tpu.memory_space<hbm>>
      tpu.enqueue_indirect_dma source(%dma_start3A_187 : memref<10112x128xf32, #tpu.memory_space<hbm>>) target(%dma_start3A_181 : memref<128x128xf32, #tpu.memory_space<vmem>>) offsets(%dma_start3A_184 : memref<128xi32, #tpu.memory_space<vmem>>) semaphore(%arg14 : memref<!tpu.dma_semaphore, #tpu.memory_space<semaphore_mem>>)
      %dma_wait3A_188 = arith.constant 1 : i32
      %dma_wait3A_189 = arith.constant 0 : i32
      %dma_wait3A_190 = arith.constant 1 : i32
      %dma_wait3A_191 = arith.constant 0 : i32
      %dma_wait3A_192 = arith.constant 0 : i32
      %dma_wait3A_193 = tpu.memref_slice %arg12[%dma_wait3A_190, %dma_wait3A_191, %dma_wait3A_192] : memref<2x128x128xf32, #tpu.memory_space<vmem>> -> memref<1x128x128xf32, #tpu.memory_space<vmem>>
      %dma_wait3A_194 = tpu.memref_squeeze %dma_wait3A_193 : memref<1x128x128xf32, #tpu.memory_space<vmem>> -> memref<128x128xf32, #tpu.memory_space<vmem>>
      %dma_wait3A_195 = arith.constant 0 : i32
      %dma_wait3A_196 = tpu.memref_slice %arg11[%dma_wait3A_188, %dma_wait3A_189, %dma_wait3A_195] : memref<2x2x128xi32, #tpu.memory_space<vmem>> -> memref<1x1x128xi32, #tpu.memory_space<vmem>>
      %dma_wait3A_197 = tpu.memref_squeeze %dma_wait3A_196 : memref<1x1x128xi32, #tpu.memory_space<vmem>> -> memref<128xi32, #tpu.memory_space<vmem>>
      %dma_wait3A_198 = arith.constant 0 : i32
      %dma_wait3A_199 = arith.constant 0 : i32
      %dma_wait3A_200 = tpu.memref_slice %arg2[%dma_wait3A_198, %dma_wait3A_199] : memref<10112x128xf32, #tpu.memory_space<hbm>> -> memref<10112x128xf32, #tpu.memory_space<hbm>>
      tpu.wait_indirect_dma semaphore(%arg15 : memref<!tpu.dma_semaphore, #tpu.memory_space<semaphore_mem>>) src(%dma_wait3A_200 : memref<10112x128xf32, #tpu.memory_space<hbm>>) dst(%dma_wait3A_194 : memref<128x128xf32, #tpu.memory_space<vmem>>)
      %run_scoped3A_201 = arith.constant 1 : i32
      %run_scoped3A_202 = arith.constant 1 : i32
      %run_scoped3A_203 = arith.constant 1 : i32
      "tpu.region"() ({
        %run_scoped3A_205 = tpu.sem_alloc : memref<!tpu.dma_semaphore, #tpu.memory_space<semaphore_mem>>
        %dma_start3A_206 = arith.constant 0 : i32
        %dma_start3A_207 = arith.constant 0 : i32
        %dma_start3A_208 = tpu.memref_slice %arg12[%run_scoped3A_201, %dma_start3A_206, %dma_start3A_207] : memref<2x128x128xf32, #tpu.memory_space<vmem>> -> memref<1x128x128xf32, #tpu.memory_space<vmem>>
        %dma_start3A_209 = tpu.memref_squeeze %dma_start3A_208 : memref<1x128x128xf32, #tpu.memory_space<vmem>> -> memref<128x128xf32, #tpu.memory_space<vmem>>
        %dma_start3A_210 = arith.constant 0 : i32
        %dma_start3A_211 = tpu.memref_slice %arg11[%run_scoped3A_202, %run_scoped3A_203, %dma_start3A_210] : memref<2x2x128xi32, #tpu.memory_space<vmem>> -> memref<1x1x128xi32, #tpu.memory_space<vmem>>
        %dma_start3A_212 = tpu.memref_squeeze %dma_start3A_211 : memref<1x1x128xi32, #tpu.memory_space<vmem>> -> memref<128xi32, #tpu.memory_space<vmem>>
        %dma_start3A_213 = arith.constant 0 : i32
        %dma_start3A_214 = arith.constant 0 : i32
        %dma_start3A_215 = tpu.memref_slice %arg13[%dma_start3A_213, %dma_start3A_214] : memref<10112x128xf32, #tpu.memory_space<vmem_shared>> -> memref<10112x128xf32, #tpu.memory_space<vmem_shared>>
        tpu.enqueue_indirect_dma source(%dma_start3A_209 : memref<128x128xf32, #tpu.memory_space<vmem>>) target(%dma_start3A_215 : memref<10112x128xf32, #tpu.memory_space<vmem_shared>>) offsets(%dma_start3A_212 : memref<128xi32, #tpu.memory_space<vmem>>) semaphore(%run_scoped3A_205 : memref<!tpu.dma_semaphore, #tpu.memory_space<semaphore_mem>>) {add = true}
        %dma_wait3A_216 = arith.constant 0 : i32
        %dma_wait3A_217 = arith.constant 0 : i32
        %dma_wait3A_218 = tpu.memref_slice %arg12[%run_scoped3A_201, %dma_wait3A_216, %dma_wait3A_217] : memref<2x128x128xf32, #tpu.memory_space<vmem>> -> memref<1x128x128xf32, #tpu.memory_space<vmem>>
        %dma_wait3A_219 = tpu.memref_squeeze %dma_wait3A_218 : memref<1x128x128xf32, #tpu.memory_space<vmem>> -> memref<128x128xf32, #tpu.memory_space<vmem>>
        %dma_wait3A_220 = arith.constant 0 : i32
        %dma_wait3A_221 = tpu.memref_slice %arg11[%run_scoped3A_202, %run_scoped3A_203, %dma_wait3A_220] : memref<2x2x128xi32, #tpu.memory_space<vmem>> -> memref<1x1x128xi32, #tpu.memory_space<vmem>>
        %dma_wait3A_222 = tpu.memref_squeeze %dma_wait3A_221 : memref<1x1x128xi32, #tpu.memory_space<vmem>> -> memref<128xi32, #tpu.memory_space<vmem>>
        %dma_wait3A_223 = arith.constant 0 : i32
        %dma_wait3A_224 = arith.constant 0 : i32
        %dma_wait3A_225 = tpu.memref_slice %arg13[%dma_wait3A_223, %dma_wait3A_224] : memref<10112x128xf32, #tpu.memory_space<vmem_shared>> -> memref<10112x128xf32, #tpu.memory_space<vmem_shared>>
        tpu.wait_indirect_dma semaphore(%run_scoped3A_205 : memref<!tpu.dma_semaphore, #tpu.memory_space<semaphore_mem>>) src(%dma_wait3A_219 : memref<128x128xf32, #tpu.memory_space<vmem>>) dst(%dma_wait3A_225 : memref<10112x128xf32, #tpu.memory_space<vmem_shared>>)
        tpu.yield
      }) : () -> ()
      %scan3A_204 = arith.constant 0 : i32
      scf.yield %scan3A_204 : i32
    }
    %scan3A_29 = arith.constant 39 : i32
    %dma_wait3A = arith.constant 0 : i32
    %dma_wait3A_30 = arith.constant 0 : i32
    %dma_wait3A_31 = arith.constant 0 : i32
    %dma_wait3A_32 = arith.constant 0 : i32
    %dma_wait3A_33 = arith.constant 0 : i32
    %dma_wait3A_34 = tpu.memref_slice %arg12[%dma_wait3A_31, %dma_wait3A_32, %dma_wait3A_33] : memref<2x128x128xf32, #tpu.memory_space<vmem>> -> memref<1x128x128xf32, #tpu.memory_space<vmem>>
    %dma_wait3A_35 = tpu.memref_squeeze %dma_wait3A_34 : memref<1x128x128xf32, #tpu.memory_space<vmem>> -> memref<128x128xf32, #tpu.memory_space<vmem>>
    %dma_wait3A_36 = arith.constant 0 : i32
    %dma_wait3A_37 = tpu.memref_slice %arg11[%dma_wait3A, %dma_wait3A_30, %dma_wait3A_36] : memref<2x2x128xi32, #tpu.memory_space<vmem>> -> memref<1x1x128xi32, #tpu.memory_space<vmem>>
    %dma_wait3A_38 = tpu.memref_squeeze %dma_wait3A_37 : memref<1x1x128xi32, #tpu.memory_space<vmem>> -> memref<128xi32, #tpu.memory_space<vmem>>
    %dma_wait3A_39 = arith.constant 0 : i32
    %dma_wait3A_40 = arith.constant 0 : i32
    %dma_wait3A_41 = tpu.memref_slice %arg2[%dma_wait3A_39, %dma_wait3A_40] : memref<10112x128xf32, #tpu.memory_space<hbm>> -> memref<10112x128xf32, #tpu.memory_space<hbm>>
    tpu.wait_indirect_dma semaphore(%arg14 : memref<!tpu.dma_semaphore, #tpu.memory_space<semaphore_mem>>) src(%dma_wait3A_41 : memref<10112x128xf32, #tpu.memory_space<hbm>>) dst(%dma_wait3A_35 : memref<128x128xf32, #tpu.memory_space<vmem>>)
    %run_scoped3A_42 = arith.constant 0 : i32
    %run_scoped3A_43 = arith.constant 0 : i32
    %run_scoped3A_44 = arith.constant 1 : i32
    "tpu.region"() ({
      %run_scoped3A_110 = tpu.sem_alloc : memref<!tpu.dma_semaphore, #tpu.memory_space<semaphore_mem>>
      %dma_start3A_111 = arith.constant 0 : i32
      %dma_start3A_112 = arith.constant 0 : i32
      %dma_start3A_113 = tpu.memref_slice %arg12[%run_scoped3A_42, %dma_start3A_111, %dma_start3A_112] : memref<2x128x128xf32, #tpu.memory_space<vmem>> -> memref<1x128x128xf32, #tpu.memory_space<vmem>>
      %dma_start3A_114 = tpu.memref_squeeze %dma_start3A_113 : memref<1x128x128xf32, #tpu.memory_space<vmem>> -> memref<128x128xf32, #tpu.memory_space<vmem>>
      %dma_start3A_115 = arith.constant 0 : i32
      %dma_start3A_116 = tpu.memref_slice %arg11[%run_scoped3A_43, %run_scoped3A_44, %dma_start3A_115] : memref<2x2x128xi32, #tpu.memory_space<vmem>> -> memref<1x1x128xi32, #tpu.memory_space<vmem>>
      %dma_start3A_117 = tpu.memref_squeeze %dma_start3A_116 : memref<1x1x128xi32, #tpu.memory_space<vmem>> -> memref<128xi32, #tpu.memory_space<vmem>>
      %dma_start3A_118 = arith.constant 0 : i32
      %dma_start3A_119 = arith.constant 0 : i32
      %dma_start3A_120 = tpu.memref_slice %arg13[%dma_start3A_118, %dma_start3A_119] : memref<10112x128xf32, #tpu.memory_space<vmem_shared>> -> memref<10112x128xf32, #tpu.memory_space<vmem_shared>>
      tpu.enqueue_indirect_dma source(%dma_start3A_114 : memref<128x128xf32, #tpu.memory_space<vmem>>) target(%dma_start3A_120 : memref<10112x128xf32, #tpu.memory_space<vmem_shared>>) offsets(%dma_start3A_117 : memref<128xi32, #tpu.memory_space<vmem>>) semaphore(%run_scoped3A_110 : memref<!tpu.dma_semaphore, #tpu.memory_space<semaphore_mem>>) {add = true}
      %dma_wait3A_121 = arith.constant 0 : i32
      %dma_wait3A_122 = arith.constant 0 : i32
      %dma_wait3A_123 = tpu.memref_slice %arg12[%run_scoped3A_42, %dma_wait3A_121, %dma_wait3A_122] : memref<2x128x128xf32, #tpu.memory_space<vmem>> -> memref<1x128x128xf32, #tpu.memory_space<vmem>>
      %dma_wait3A_124 = tpu.memref_squeeze %dma_wait3A_123 : memref<1x128x128xf32, #tpu.memory_space<vmem>> -> memref<128x128xf32, #tpu.memory_space<vmem>>
      %dma_wait3A_125 = arith.constant 0 : i32
      %dma_wait3A_126 = tpu.memref_slice %arg11[%run_scoped3A_43, %run_scoped3A_44, %dma_wait3A_125] : memref<2x2x128xi32, #tpu.memory_space<vmem>> -> memref<1x1x128xi32, #tpu.memory_space<vmem>>
      %dma_wait3A_127 = tpu.memref_squeeze %dma_wait3A_126 : memref<1x1x128xi32, #tpu.memory_space<vmem>> -> memref<128xi32, #tpu.memory_space<vmem>>
      %dma_wait3A_128 = arith.constant 0 : i32
      %dma_wait3A_129 = arith.constant 0 : i32
      %dma_wait3A_130 = tpu.memref_slice %arg13[%dma_wait3A_128, %dma_wait3A_129] : memref<10112x128xf32, #tpu.memory_space<vmem_shared>> -> memref<10112x128xf32, #tpu.memory_space<vmem_shared>>
      tpu.wait_indirect_dma semaphore(%run_scoped3A_110 : memref<!tpu.dma_semaphore, #tpu.memory_space<semaphore_mem>>) src(%dma_wait3A_124 : memref<128x128xf32, #tpu.memory_space<vmem>>) dst(%dma_wait3A_130 : memref<10112x128xf32, #tpu.memory_space<vmem_shared>>)
      tpu.yield
    }) : () -> ()
    %barrier3A_45 = arith.constant 0 : index
    tpu.barrier barrier_id(%barrier3A_45)
    %mul3A_46 = arith.constant 632 : i32
    %mul3A_47 = arith.muli %arg1, %mul3A_46 : i32
    %mul3A_48 = arith.constant 632 : i32
    %mul3A_49 = arith.muli %arg1, %mul3A_48 : i32
    "tpu.region"() ({
      %run_scoped3A_110 = tpu.sem_alloc : memref<!tpu.dma_semaphore, #tpu.memory_space<semaphore_mem>>
      %dma_start3A_111 = arith.constant 0 : i32
      %dma_start3A_112 = tpu.memref_slice %arg9[%arg0, %mul3A_49, %dma_start3A_111] : memref<2x10112x128xf32, #tpu.memory_space<hbm>> -> memref<1x632x128xf32, #tpu.memory_space<hbm>>
      %dma_start3A_113 = tpu.memref_squeeze %dma_start3A_112 : memref<1x632x128xf32, #tpu.memory_space<hbm>> -> memref<632x128xf32, #tpu.memory_space<hbm>>
      %dma_start3A_114 = arith.constant 0 : i32
      %dma_start3A_115 = tpu.memref_slice %arg13[%mul3A_47, %dma_start3A_114] : memref<10112x128xf32, #tpu.memory_space<vmem_shared>> -> memref<632x128xf32, #tpu.memory_space<vmem_shared>>
      tpu.enqueue_dma source(%dma_start3A_115 : memref<632x128xf32, #tpu.memory_space<vmem_shared>>) target(%dma_start3A_113 : memref<632x128xf32, #tpu.memory_space<hbm>>) target_semaphore(%run_scoped3A_110 : memref<!tpu.dma_semaphore, #tpu.memory_space<semaphore_mem>>)
      %dma_wait3A_116 = arith.constant 0 : i32
      %dma_wait3A_117 = tpu.memref_slice %arg9[%arg0, %mul3A_49, %dma_wait3A_116] : memref<2x10112x128xf32, #tpu.memory_space<hbm>> -> memref<1x632x128xf32, #tpu.memory_space<hbm>>
      %dma_wait3A_118 = tpu.memref_squeeze %dma_wait3A_117 : memref<1x632x128xf32, #tpu.memory_space<hbm>> -> memref<632x128xf32, #tpu.memory_space<hbm>>
      %dma_wait3A_119 = arith.constant 0 : i32
      %dma_wait3A_120 = tpu.memref_slice %arg13[%mul3A_47, %dma_wait3A_119] : memref<10112x128xf32, #tpu.memory_space<vmem_shared>> -> memref<632x128xf32, #tpu.memory_space<vmem_shared>>
      tpu.wait_dma2 semaphore(%run_scoped3A_110 : memref<!tpu.dma_semaphore, #tpu.memory_space<semaphore_mem>>) src(%dma_wait3A_120 : memref<632x128xf32, #tpu.memory_space<vmem_shared>>) dst(%dma_wait3A_118 : memref<632x128xf32, #tpu.memory_space<hbm>>)
      tpu.yield
    }) : () -> ()
    %barrier3A_50 = arith.constant 0 : index
    tpu.barrier barrier_id(%barrier3A_50)
    %mul3A_51 = arith.constant 632 : i32
    %mul3A_52 = arith.muli %arg1, %mul3A_51 : i32
    %mul3A_53 = arith.constant 632 : i32
    %mul3A_54 = arith.muli %arg1, %mul3A_53 : i32
    "tpu.region"() ({
      %run_scoped3A_110 = tpu.sem_alloc : memref<!tpu.dma_semaphore, #tpu.memory_space<semaphore_mem>>
      %dma_start3A_111 = arith.constant 0 : i32
      %dma_start3A_112 = tpu.memref_slice %arg13[%mul3A_54, %dma_start3A_111] : memref<10112x128xf32, #tpu.memory_space<vmem_shared>> -> memref<632x128xf32, #tpu.memory_space<vmem_shared>>
      %dma_start3A_113 = arith.constant 0 : i32
      %dma_start3A_114 = tpu.memref_slice %arg8[%mul3A_52, %dma_start3A_113] : memref<10112x128xf32, #tpu.memory_space<hbm>> -> memref<632x128xf32, #tpu.memory_space<hbm>>
      tpu.enqueue_dma source(%dma_start3A_114 : memref<632x128xf32, #tpu.memory_space<hbm>>) target(%dma_start3A_112 : memref<632x128xf32, #tpu.memory_space<vmem_shared>>) target_semaphore(%run_scoped3A_110 : memref<!tpu.dma_semaphore, #tpu.memory_space<semaphore_mem>>)
      %dma_wait3A_115 = arith.constant 0 : i32
      %dma_wait3A_116 = tpu.memref_slice %arg13[%mul3A_54, %dma_wait3A_115] : memref<10112x128xf32, #tpu.memory_space<vmem_shared>> -> memref<632x128xf32, #tpu.memory_space<vmem_shared>>
      %dma_wait3A_117 = arith.constant 0 : i32
      %dma_wait3A_118 = tpu.memref_slice %arg8[%mul3A_52, %dma_wait3A_117] : memref<10112x128xf32, #tpu.memory_space<hbm>> -> memref<632x128xf32, #tpu.memory_space<hbm>>
      tpu.wait_dma2 semaphore(%run_scoped3A_110 : memref<!tpu.dma_semaphore, #tpu.memory_space<semaphore_mem>>) src(%dma_wait3A_118 : memref<632x128xf32, #tpu.memory_space<hbm>>) dst(%dma_wait3A_116 : memref<632x128xf32, #tpu.memory_space<vmem_shared>>)
      tpu.yield
    }) : () -> ()
    %barrier3A_55 = arith.constant 0 : index
    tpu.barrier barrier_id(%barrier3A_55)
    %mul3A_56 = arith.constant 1264 : i32
    %mul3A_57 = arith.muli %arg0, %mul3A_56 : i32
    %add3A_58 = arith.constant 0 : i32
    %add3A_59 = arith.addi %mul3A_57, %add3A_58 : i32
    %add3A_60 = arith.addi %add3A_59, %arg1 : i32
    %mul3A_61 = arith.constant 128 : i32
    %mul3A_62 = arith.muli %add3A_60, %mul3A_61 : i32
    %multiple_of3A_63 = tpu.assume_multiple %mul3A_62, 128 : i32
    %run_scoped3A_64 = arith.constant 0 : i32
    %run_scoped3A_65 = arith.constant 0 : i32
    "tpu.region"() ({
      %run_scoped3A_110 = tpu.sem_alloc : memref<!tpu.dma_semaphore, #tpu.memory_space<semaphore_mem>>
      %dma_start3A_111 = arith.constant 0 : i32
      %dma_start3A_112 = tpu.memref_slice %arg11[%run_scoped3A_64, %run_scoped3A_65, %dma_start3A_111] : memref<2x2x128xi32, #tpu.memory_space<vmem>> -> memref<1x1x128xi32, #tpu.memory_space<vmem>>
      %dma_start3A_113 = tpu.memref_squeeze %dma_start3A_112 : memref<1x1x128xi32, #tpu.memory_space<vmem>> -> memref<128xi32, #tpu.memory_space<vmem>>
      %dma_start3A_114 = tpu.memref_slice %arg6[%multiple_of3A_63] : memref<323584xi32, #tpu.memory_space<hbm>> -> memref<128xi32, #tpu.memory_space<hbm>>
      %dma_start3A_115 = arith.constant 0 : i32
      %dma_start3A_116 = tpu.memref_slice %arg11[%run_scoped3A_64, %run_scoped3A_65, %dma_start3A_115] : memref<2x2x128xi32, #tpu.memory_space<vmem>> -> memref<1x1x128xi32, #tpu.memory_space<vmem>>
      %dma_start3A_117 = tpu.memref_squeeze %dma_start3A_116 : memref<1x1x128xi32, #tpu.memory_space<vmem>> -> memref<128xi32, #tpu.memory_space<vmem>>
      %dma_start3A_118 = tpu.memref_slice %arg6[%multiple_of3A_63] : memref<323584xi32, #tpu.memory_space<hbm>> -> memref<128xi32, #tpu.memory_space<hbm>>
      tpu.enqueue_dma source(%dma_start3A_118 : memref<128xi32, #tpu.memory_space<hbm>>) target(%dma_start3A_117 : memref<128xi32, #tpu.memory_space<vmem>>) target_semaphore(%run_scoped3A_110 : memref<!tpu.dma_semaphore, #tpu.memory_space<semaphore_mem>>)
      %dma_wait3A_119 = arith.constant 0 : i32
      %dma_wait3A_120 = tpu.memref_slice %arg11[%run_scoped3A_64, %run_scoped3A_65, %dma_wait3A_119] : memref<2x2x128xi32, #tpu.memory_space<vmem>> -> memref<1x1x128xi32, #tpu.memory_space<vmem>>
      %dma_wait3A_121 = tpu.memref_squeeze %dma_wait3A_120 : memref<1x1x128xi32, #tpu.memory_space<vmem>> -> memref<128xi32, #tpu.memory_space<vmem>>
      %dma_wait3A_122 = tpu.memref_slice %arg6[%multiple_of3A_63] : memref<323584xi32, #tpu.memory_space<hbm>> -> memref<128xi32, #tpu.memory_space<hbm>>
      %dma_wait3A_123 = arith.constant 0 : i32
      %dma_wait3A_124 = tpu.memref_slice %arg11[%run_scoped3A_64, %run_scoped3A_65, %dma_wait3A_123] : memref<2x2x128xi32, #tpu.memory_space<vmem>> -> memref<1x1x128xi32, #tpu.memory_space<vmem>>
      %dma_wait3A_125 = tpu.memref_squeeze %dma_wait3A_124 : memref<1x1x128xi32, #tpu.memory_space<vmem>> -> memref<128xi32, #tpu.memory_space<vmem>>
      %dma_wait3A_126 = tpu.memref_slice %arg6[%multiple_of3A_63] : memref<323584xi32, #tpu.memory_space<hbm>> -> memref<128xi32, #tpu.memory_space<hbm>>
      tpu.wait_dma2 semaphore(%run_scoped3A_110 : memref<!tpu.dma_semaphore, #tpu.memory_space<semaphore_mem>>) src(%dma_wait3A_126 : memref<128xi32, #tpu.memory_space<hbm>>) dst(%dma_wait3A_125 : memref<128xi32, #tpu.memory_space<vmem>>)
      tpu.yield
    }) : () -> ()
    %run_scoped3A_66 = arith.constant 0 : i32
    %run_scoped3A_67 = arith.constant 1 : i32
    "tpu.region"() ({
      %run_scoped3A_110 = tpu.sem_alloc : memref<!tpu.dma_semaphore, #tpu.memory_space<semaphore_mem>>
      %dma_start3A_111 = arith.constant 0 : i32
      %dma_start3A_112 = tpu.memref_slice %arg11[%run_scoped3A_66, %run_scoped3A_67, %dma_start3A_111] : memref<2x2x128xi32, #tpu.memory_space<vmem>> -> memref<1x1x128xi32, #tpu.memory_space<vmem>>
      %dma_start3A_113 = tpu.memref_squeeze %dma_start3A_112 : memref<1x1x128xi32, #tpu.memory_space<vmem>> -> memref<128xi32, #tpu.memory_space<vmem>>
      %dma_start3A_114 = tpu.memref_slice %arg7[%multiple_of3A_63] : memref<323584xi32, #tpu.memory_space<hbm>> -> memref<128xi32, #tpu.memory_space<hbm>>
      %dma_start3A_115 = arith.constant 0 : i32
      %dma_start3A_116 = tpu.memref_slice %arg11[%run_scoped3A_66, %run_scoped3A_67, %dma_start3A_115] : memref<2x2x128xi32, #tpu.memory_space<vmem>> -> memref<1x1x128xi32, #tpu.memory_space<vmem>>
      %dma_start3A_117 = tpu.memref_squeeze %dma_start3A_116 : memref<1x1x128xi32, #tpu.memory_space<vmem>> -> memref<128xi32, #tpu.memory_space<vmem>>
      %dma_start3A_118 = tpu.memref_slice %arg7[%multiple_of3A_63] : memref<323584xi32, #tpu.memory_space<hbm>> -> memref<128xi32, #tpu.memory_space<hbm>>
      tpu.enqueue_dma source(%dma_start3A_118 : memref<128xi32, #tpu.memory_space<hbm>>) target(%dma_start3A_117 : memref<128xi32, #tpu.memory_space<vmem>>) target_semaphore(%run_scoped3A_110 : memref<!tpu.dma_semaphore, #tpu.memory_space<semaphore_mem>>)
      %dma_wait3A_119 = arith.constant 0 : i32
      %dma_wait3A_120 = tpu.memref_slice %arg11[%run_scoped3A_66, %run_scoped3A_67, %dma_wait3A_119] : memref<2x2x128xi32, #tpu.memory_space<vmem>> -> memref<1x1x128xi32, #tpu.memory_space<vmem>>
      %dma_wait3A_121 = tpu.memref_squeeze %dma_wait3A_120 : memref<1x1x128xi32, #tpu.memory_space<vmem>> -> memref<128xi32, #tpu.memory_space<vmem>>
      %dma_wait3A_122 = tpu.memref_slice %arg7[%multiple_of3A_63] : memref<323584xi32, #tpu.memory_space<hbm>> -> memref<128xi32, #tpu.memory_space<hbm>>
      %dma_wait3A_123 = arith.constant 0 : i32
      %dma_wait3A_124 = tpu.memref_slice %arg11[%run_scoped3A_66, %run_scoped3A_67, %dma_wait3A_123] : memref<2x2x128xi32, #tpu.memory_space<vmem>> -> memref<1x1x128xi32, #tpu.memory_space<vmem>>
      %dma_wait3A_125 = tpu.memref_squeeze %dma_wait3A_124 : memref<1x1x128xi32, #tpu.memory_space<vmem>> -> memref<128xi32, #tpu.memory_space<vmem>>
      %dma_wait3A_126 = tpu.memref_slice %arg7[%multiple_of3A_63] : memref<323584xi32, #tpu.memory_space<hbm>> -> memref<128xi32, #tpu.memory_space<hbm>>
      tpu.wait_dma2 semaphore(%run_scoped3A_110 : memref<!tpu.dma_semaphore, #tpu.memory_space<semaphore_mem>>) src(%dma_wait3A_126 : memref<128xi32, #tpu.memory_space<hbm>>) dst(%dma_wait3A_125 : memref<128xi32, #tpu.memory_space<vmem>>)
      tpu.yield
    }) : () -> ()
    %dma_start3A_68 = arith.constant 0 : i32
    %dma_start3A_69 = arith.constant 0 : i32
    %dma_start3A_70 = arith.constant 0 : i32
    %dma_start3A_71 = arith.constant 0 : i32
    %dma_start3A_72 = arith.constant 0 : i32
    %dma_start3A_73 = tpu.memref_slice %arg12[%dma_start3A_70, %dma_start3A_71, %dma_start3A_72] : memref<2x128x128xf32, #tpu.memory_space<vmem>> -> memref<1x128x128xf32, #tpu.memory_space<vmem>>
    %dma_start3A_74 = tpu.memref_squeeze %dma_start3A_73 : memref<1x128x128xf32, #tpu.memory_space<vmem>> -> memref<128x128xf32, #tpu.memory_space<vmem>>
    %dma_start3A_75 = arith.constant 0 : i32
    %dma_start3A_76 = tpu.memref_slice %arg11[%dma_start3A_68, %dma_start3A_69, %dma_start3A_75] : memref<2x2x128xi32, #tpu.memory_space<vmem>> -> memref<1x1x128xi32, #tpu.memory_space<vmem>>
    %dma_start3A_77 = tpu.memref_squeeze %dma_start3A_76 : memref<1x1x128xi32, #tpu.memory_space<vmem>> -> memref<128xi32, #tpu.memory_space<vmem>>
    %dma_start3A_78 = arith.constant 0 : i32
    %dma_start3A_79 = arith.constant 0 : i32
    %dma_start3A_80 = tpu.memref_slice %arg3[%dma_start3A_78, %dma_start3A_79] : memref<10112x128xf32, #tpu.memory_space<hbm>> -> memref<10112x128xf32, #tpu.memory_space<hbm>>
    tpu.enqueue_indirect_dma source(%dma_start3A_80 : memref<10112x128xf32, #tpu.memory_space<hbm>>) target(%dma_start3A_74 : memref<128x128xf32, #tpu.memory_space<vmem>>) offsets(%dma_start3A_77 : memref<128xi32, #tpu.memory_space<vmem>>) semaphore(%arg14 : memref<!tpu.dma_semaphore, #tpu.memory_space<semaphore_mem>>)
    %scan3A_81 = arith.constant 0 : i32
    %scan3A_82 = arith.constant 0 : i32
    %scan3A_83 = arith.constant 39 : i32
    %scan3A_84 = arith.addi %scan3A_82, %scan3A_83 : i32
    %scan3A_85 = arith.constant 1 : i32
    %scan3A_86 = scf.for %scan3A_110 = %scan3A_82 to %scan3A_84 step %scan3A_85 iter_args(%scan3A_111 = %scan3A_81) -> (i32)  : i32 {
      %mul3A_112 = arith.constant 2 : i32
      %mul3A_113 = arith.muli %mul3A_112, %scan3A_110 : i32
      %add3A_114 = arith.constant 1 : i32
      %add3A_115 = arith.addi %mul3A_113, %add3A_114 : i32
      %mul3A_116 = arith.constant 1264 : i32
      %mul3A_117 = arith.muli %arg0, %mul3A_116 : i32
      %mul3A_118 = arith.constant 16 : i32
      %mul3A_119 = arith.muli %add3A_115, %mul3A_118 : i32
      %add3A_120 = arith.addi %mul3A_117, %mul3A_119 : i32
      %add3A_121 = arith.addi %add3A_120, %arg1 : i32
      %mul3A_122 = arith.constant 128 : i32
      %mul3A_123 = arith.muli %add3A_121, %mul3A_122 : i32
      %multiple_of3A_124 = tpu.assume_multiple %mul3A_123, 128 : i32
      %run_scoped3A_125 = arith.constant 1 : i32
      %run_scoped3A_126 = arith.constant 0 : i32
      "tpu.region"() ({
        %run_scoped3A_205 = tpu.sem_alloc : memref<!tpu.dma_semaphore, #tpu.memory_space<semaphore_mem>>
        %dma_start3A_206 = arith.constant 0 : i32
        %dma_start3A_207 = tpu.memref_slice %arg11[%run_scoped3A_125, %run_scoped3A_126, %dma_start3A_206] : memref<2x2x128xi32, #tpu.memory_space<vmem>> -> memref<1x1x128xi32, #tpu.memory_space<vmem>>
        %dma_start3A_208 = tpu.memref_squeeze %dma_start3A_207 : memref<1x1x128xi32, #tpu.memory_space<vmem>> -> memref<128xi32, #tpu.memory_space<vmem>>
        %dma_start3A_209 = tpu.memref_slice %arg6[%multiple_of3A_124] : memref<323584xi32, #tpu.memory_space<hbm>> -> memref<128xi32, #tpu.memory_space<hbm>>
        %dma_start3A_210 = arith.constant 0 : i32
        %dma_start3A_211 = tpu.memref_slice %arg11[%run_scoped3A_125, %run_scoped3A_126, %dma_start3A_210] : memref<2x2x128xi32, #tpu.memory_space<vmem>> -> memref<1x1x128xi32, #tpu.memory_space<vmem>>
        %dma_start3A_212 = tpu.memref_squeeze %dma_start3A_211 : memref<1x1x128xi32, #tpu.memory_space<vmem>> -> memref<128xi32, #tpu.memory_space<vmem>>
        %dma_start3A_213 = tpu.memref_slice %arg6[%multiple_of3A_124] : memref<323584xi32, #tpu.memory_space<hbm>> -> memref<128xi32, #tpu.memory_space<hbm>>
        tpu.enqueue_dma source(%dma_start3A_213 : memref<128xi32, #tpu.memory_space<hbm>>) target(%dma_start3A_212 : memref<128xi32, #tpu.memory_space<vmem>>) target_semaphore(%run_scoped3A_205 : memref<!tpu.dma_semaphore, #tpu.memory_space<semaphore_mem>>)
        %dma_wait3A_214 = arith.constant 0 : i32
        %dma_wait3A_215 = tpu.memref_slice %arg11[%run_scoped3A_125, %run_scoped3A_126, %dma_wait3A_214] : memref<2x2x128xi32, #tpu.memory_space<vmem>> -> memref<1x1x128xi32, #tpu.memory_space<vmem>>
        %dma_wait3A_216 = tpu.memref_squeeze %dma_wait3A_215 : memref<1x1x128xi32, #tpu.memory_space<vmem>> -> memref<128xi32, #tpu.memory_space<vmem>>
        %dma_wait3A_217 = tpu.memref_slice %arg6[%multiple_of3A_124] : memref<323584xi32, #tpu.memory_space<hbm>> -> memref<128xi32, #tpu.memory_space<hbm>>
        %dma_wait3A_218 = arith.constant 0 : i32
        %dma_wait3A_219 = tpu.memref_slice %arg11[%run_scoped3A_125, %run_scoped3A_126, %dma_wait3A_218] : memref<2x2x128xi32, #tpu.memory_space<vmem>> -> memref<1x1x128xi32, #tpu.memory_space<vmem>>
        %dma_wait3A_220 = tpu.memref_squeeze %dma_wait3A_219 : memref<1x1x128xi32, #tpu.memory_space<vmem>> -> memref<128xi32, #tpu.memory_space<vmem>>
        %dma_wait3A_221 = tpu.memref_slice %arg6[%multiple_of3A_124] : memref<323584xi32, #tpu.memory_space<hbm>> -> memref<128xi32, #tpu.memory_space<hbm>>
        tpu.wait_dma2 semaphore(%run_scoped3A_205 : memref<!tpu.dma_semaphore, #tpu.memory_space<semaphore_mem>>) src(%dma_wait3A_221 : memref<128xi32, #tpu.memory_space<hbm>>) dst(%dma_wait3A_220 : memref<128xi32, #tpu.memory_space<vmem>>)
        tpu.yield
      }) : () -> ()
      %run_scoped3A_127 = arith.constant 1 : i32
      %run_scoped3A_128 = arith.constant 1 : i32
      "tpu.region"() ({
        %run_scoped3A_205 = tpu.sem_alloc : memref<!tpu.dma_semaphore, #tpu.memory_space<semaphore_mem>>
        %dma_start3A_206 = arith.constant 0 : i32
        %dma_start3A_207 = tpu.memref_slice %arg11[%run_scoped3A_127, %run_scoped3A_128, %dma_start3A_206] : memref<2x2x128xi32, #tpu.memory_space<vmem>> -> memref<1x1x128xi32, #tpu.memory_space<vmem>>
        %dma_start3A_208 = tpu.memref_squeeze %dma_start3A_207 : memref<1x1x128xi32, #tpu.memory_space<vmem>> -> memref<128xi32, #tpu.memory_space<vmem>>
        %dma_start3A_209 = tpu.memref_slice %arg7[%multiple_of3A_124] : memref<323584xi32, #tpu.memory_space<hbm>> -> memref<128xi32, #tpu.memory_space<hbm>>
        %dma_start3A_210 = arith.constant 0 : i32
        %dma_start3A_211 = tpu.memref_slice %arg11[%run_scoped3A_127, %run_scoped3A_128, %dma_start3A_210] : memref<2x2x128xi32, #tpu.memory_space<vmem>> -> memref<1x1x128xi32, #tpu.memory_space<vmem>>
        %dma_start3A_212 = tpu.memref_squeeze %dma_start3A_211 : memref<1x1x128xi32, #tpu.memory_space<vmem>> -> memref<128xi32, #tpu.memory_space<vmem>>
        %dma_start3A_213 = tpu.memref_slice %arg7[%multiple_of3A_124] : memref<323584xi32, #tpu.memory_space<hbm>> -> memref<128xi32, #tpu.memory_space<hbm>>
        tpu.enqueue_dma source(%dma_start3A_213 : memref<128xi32, #tpu.memory_space<hbm>>) target(%dma_start3A_212 : memref<128xi32, #tpu.memory_space<vmem>>) target_semaphore(%run_scoped3A_205 : memref<!tpu.dma_semaphore, #tpu.memory_space<semaphore_mem>>)
        %dma_wait3A_214 = arith.constant 0 : i32
        %dma_wait3A_215 = tpu.memref_slice %arg11[%run_scoped3A_127, %run_scoped3A_128, %dma_wait3A_214] : memref<2x2x128xi32, #tpu.memory_space<vmem>> -> memref<1x1x128xi32, #tpu.memory_space<vmem>>
        %dma_wait3A_216 = tpu.memref_squeeze %dma_wait3A_215 : memref<1x1x128xi32, #tpu.memory_space<vmem>> -> memref<128xi32, #tpu.memory_space<vmem>>
        %dma_wait3A_217 = tpu.memref_slice %arg7[%multiple_of3A_124] : memref<323584xi32, #tpu.memory_space<hbm>> -> memref<128xi32, #tpu.memory_space<hbm>>
        %dma_wait3A_218 = arith.constant 0 : i32
        %dma_wait3A_219 = tpu.memref_slice %arg11[%run_scoped3A_127, %run_scoped3A_128, %dma_wait3A_218] : memref<2x2x128xi32, #tpu.memory_space<vmem>> -> memref<1x1x128xi32, #tpu.memory_space<vmem>>
        %dma_wait3A_220 = tpu.memref_squeeze %dma_wait3A_219 : memref<1x1x128xi32, #tpu.memory_space<vmem>> -> memref<128xi32, #tpu.memory_space<vmem>>
        %dma_wait3A_221 = tpu.memref_slice %arg7[%multiple_of3A_124] : memref<323584xi32, #tpu.memory_space<hbm>> -> memref<128xi32, #tpu.memory_space<hbm>>
        tpu.wait_dma2 semaphore(%run_scoped3A_205 : memref<!tpu.dma_semaphore, #tpu.memory_space<semaphore_mem>>) src(%dma_wait3A_221 : memref<128xi32, #tpu.memory_space<hbm>>) dst(%dma_wait3A_220 : memref<128xi32, #tpu.memory_space<vmem>>)
        tpu.yield
      }) : () -> ()
      %dma_start3A_129 = arith.constant 1 : i32
      %dma_start3A_130 = arith.constant 0 : i32
      %dma_start3A_131 = arith.constant 1 : i32
      %dma_start3A_132 = arith.constant 0 : i32
      %dma_start3A_133 = arith.constant 0 : i32
      %dma_start3A_134 = tpu.memref_slice %arg12[%dma_start3A_131, %dma_start3A_132, %dma_start3A_133] : memref<2x128x128xf32, #tpu.memory_space<vmem>> -> memref<1x128x128xf32, #tpu.memory_space<vmem>>
      %dma_start3A_135 = tpu.memref_squeeze %dma_start3A_134 : memref<1x128x128xf32, #tpu.memory_space<vmem>> -> memref<128x128xf32, #tpu.memory_space<vmem>>
      %dma_start3A_136 = arith.constant 0 : i32
      %dma_start3A_137 = tpu.memref_slice %arg11[%dma_start3A_129, %dma_start3A_130, %dma_start3A_136] : memref<2x2x128xi32, #tpu.memory_space<vmem>> -> memref<1x1x128xi32, #tpu.memory_space<vmem>>
      %dma_start3A_138 = tpu.memref_squeeze %dma_start3A_137 : memref<1x1x128xi32, #tpu.memory_space<vmem>> -> memref<128xi32, #tpu.memory_space<vmem>>
      %dma_start3A_139 = arith.constant 0 : i32
      %dma_start3A_140 = arith.constant 0 : i32
      %dma_start3A_141 = tpu.memref_slice %arg3[%dma_start3A_139, %dma_start3A_140] : memref<10112x128xf32, #tpu.memory_space<hbm>> -> memref<10112x128xf32, #tpu.memory_space<hbm>>
      tpu.enqueue_indirect_dma source(%dma_start3A_141 : memref<10112x128xf32, #tpu.memory_space<hbm>>) target(%dma_start3A_135 : memref<128x128xf32, #tpu.memory_space<vmem>>) offsets(%dma_start3A_138 : memref<128xi32, #tpu.memory_space<vmem>>) semaphore(%arg15 : memref<!tpu.dma_semaphore, #tpu.memory_space<semaphore_mem>>)
      %dma_wait3A_142 = arith.constant 0 : i32
      %dma_wait3A_143 = arith.constant 0 : i32
      %dma_wait3A_144 = arith.constant 0 : i32
      %dma_wait3A_145 = arith.constant 0 : i32
      %dma_wait3A_146 = arith.constant 0 : i32
      %dma_wait3A_147 = tpu.memref_slice %arg12[%dma_wait3A_144, %dma_wait3A_145, %dma_wait3A_146] : memref<2x128x128xf32, #tpu.memory_space<vmem>> -> memref<1x128x128xf32, #tpu.memory_space<vmem>>
      %dma_wait3A_148 = tpu.memref_squeeze %dma_wait3A_147 : memref<1x128x128xf32, #tpu.memory_space<vmem>> -> memref<128x128xf32, #tpu.memory_space<vmem>>
      %dma_wait3A_149 = arith.constant 0 : i32
      %dma_wait3A_150 = tpu.memref_slice %arg11[%dma_wait3A_142, %dma_wait3A_143, %dma_wait3A_149] : memref<2x2x128xi32, #tpu.memory_space<vmem>> -> memref<1x1x128xi32, #tpu.memory_space<vmem>>
      %dma_wait3A_151 = tpu.memref_squeeze %dma_wait3A_150 : memref<1x1x128xi32, #tpu.memory_space<vmem>> -> memref<128xi32, #tpu.memory_space<vmem>>
      %dma_wait3A_152 = arith.constant 0 : i32
      %dma_wait3A_153 = arith.constant 0 : i32
      %dma_wait3A_154 = tpu.memref_slice %arg3[%dma_wait3A_152, %dma_wait3A_153] : memref<10112x128xf32, #tpu.memory_space<hbm>> -> memref<10112x128xf32, #tpu.memory_space<hbm>>
      tpu.wait_indirect_dma semaphore(%arg14 : memref<!tpu.dma_semaphore, #tpu.memory_space<semaphore_mem>>) src(%dma_wait3A_154 : memref<10112x128xf32, #tpu.memory_space<hbm>>) dst(%dma_wait3A_148 : memref<128x128xf32, #tpu.memory_space<vmem>>)
      %run_scoped3A_155 = arith.constant 0 : i32
      %run_scoped3A_156 = arith.constant 0 : i32
      %run_scoped3A_157 = arith.constant 1 : i32
      "tpu.region"() ({
        %run_scoped3A_205 = tpu.sem_alloc : memref<!tpu.dma_semaphore, #tpu.memory_space<semaphore_mem>>
        %dma_start3A_206 = arith.constant 0 : i32
        %dma_start3A_207 = arith.constant 0 : i32
        %dma_start3A_208 = tpu.memref_slice %arg12[%run_scoped3A_155, %dma_start3A_206, %dma_start3A_207] : memref<2x128x128xf32, #tpu.memory_space<vmem>> -> memref<1x128x128xf32, #tpu.memory_space<vmem>>
        %dma_start3A_209 = tpu.memref_squeeze %dma_start3A_208 : memref<1x128x128xf32, #tpu.memory_space<vmem>> -> memref<128x128xf32, #tpu.memory_space<vmem>>
        %dma_start3A_210 = arith.constant 0 : i32
        %dma_start3A_211 = tpu.memref_slice %arg11[%run_scoped3A_156, %run_scoped3A_157, %dma_start3A_210] : memref<2x2x128xi32, #tpu.memory_space<vmem>> -> memref<1x1x128xi32, #tpu.memory_space<vmem>>
        %dma_start3A_212 = tpu.memref_squeeze %dma_start3A_211 : memref<1x1x128xi32, #tpu.memory_space<vmem>> -> memref<128xi32, #tpu.memory_space<vmem>>
        %dma_start3A_213 = arith.constant 0 : i32
        %dma_start3A_214 = arith.constant 0 : i32
        %dma_start3A_215 = tpu.memref_slice %arg13[%dma_start3A_213, %dma_start3A_214] : memref<10112x128xf32, #tpu.memory_space<vmem_shared>> -> memref<10112x128xf32, #tpu.memory_space<vmem_shared>>
        tpu.enqueue_indirect_dma source(%dma_start3A_209 : memref<128x128xf32, #tpu.memory_space<vmem>>) target(%dma_start3A_215 : memref<10112x128xf32, #tpu.memory_space<vmem_shared>>) offsets(%dma_start3A_212 : memref<128xi32, #tpu.memory_space<vmem>>) semaphore(%run_scoped3A_205 : memref<!tpu.dma_semaphore, #tpu.memory_space<semaphore_mem>>) {add = true}
        %dma_wait3A_216 = arith.constant 0 : i32
        %dma_wait3A_217 = arith.constant 0 : i32
        %dma_wait3A_218 = tpu.memref_slice %arg12[%run_scoped3A_155, %dma_wait3A_216, %dma_wait3A_217] : memref<2x128x128xf32, #tpu.memory_space<vmem>> -> memref<1x128x128xf32, #tpu.memory_space<vmem>>
        %dma_wait3A_219 = tpu.memref_squeeze %dma_wait3A_218 : memref<1x128x128xf32, #tpu.memory_space<vmem>> -> memref<128x128xf32, #tpu.memory_space<vmem>>
        %dma_wait3A_220 = arith.constant 0 : i32
        %dma_wait3A_221 = tpu.memref_slice %arg11[%run_scoped3A_156, %run_scoped3A_157, %dma_wait3A_220] : memref<2x2x128xi32, #tpu.memory_space<vmem>> -> memref<1x1x128xi32, #tpu.memory_space<vmem>>
        %dma_wait3A_222 = tpu.memref_squeeze %dma_wait3A_221 : memref<1x1x128xi32, #tpu.memory_space<vmem>> -> memref<128xi32, #tpu.memory_space<vmem>>
        %dma_wait3A_223 = arith.constant 0 : i32
        %dma_wait3A_224 = arith.constant 0 : i32
        %dma_wait3A_225 = tpu.memref_slice %arg13[%dma_wait3A_223, %dma_wait3A_224] : memref<10112x128xf32, #tpu.memory_space<vmem_shared>> -> memref<10112x128xf32, #tpu.memory_space<vmem_shared>>
        tpu.wait_indirect_dma semaphore(%run_scoped3A_205 : memref<!tpu.dma_semaphore, #tpu.memory_space<semaphore_mem>>) src(%dma_wait3A_219 : memref<128x128xf32, #tpu.memory_space<vmem>>) dst(%dma_wait3A_225 : memref<10112x128xf32, #tpu.memory_space<vmem_shared>>)
        tpu.yield
      }) : () -> ()
      %mul3A_158 = arith.constant 2 : i32
      %mul3A_159 = arith.muli %mul3A_158, %scan3A_110 : i32
      %add3A_160 = arith.constant 2 : i32
      %add3A_161 = arith.addi %mul3A_159, %add3A_160 : i32
      %mul3A_162 = arith.constant 1264 : i32
      %mul3A_163 = arith.muli %arg0, %mul3A_162 : i32
      %mul3A_164 = arith.constant 16 : i32
      %mul3A_165 = arith.muli %add3A_161, %mul3A_164 : i32
      %add3A_166 = arith.addi %mul3A_163, %mul3A_165 : i32
      %add3A_167 = arith.addi %add3A_166, %arg1 : i32
      %mul3A_168 = arith.constant 128 : i32
      %mul3A_169 = arith.muli %add3A_167, %mul3A_168 : i32
      %multiple_of3A_170 = tpu.assume_multiple %mul3A_169, 128 : i32
      %run_scoped3A_171 = arith.constant 0 : i32
      %run_scoped3A_172 = arith.constant 0 : i32
      "tpu.region"() ({
        %run_scoped3A_205 = tpu.sem_alloc : memref<!tpu.dma_semaphore, #tpu.memory_space<semaphore_mem>>
        %dma_start3A_206 = arith.constant 0 : i32
        %dma_start3A_207 = tpu.memref_slice %arg11[%run_scoped3A_171, %run_scoped3A_172, %dma_start3A_206] : memref<2x2x128xi32, #tpu.memory_space<vmem>> -> memref<1x1x128xi32, #tpu.memory_space<vmem>>
        %dma_start3A_208 = tpu.memref_squeeze %dma_start3A_207 : memref<1x1x128xi32, #tpu.memory_space<vmem>> -> memref<128xi32, #tpu.memory_space<vmem>>
        %dma_start3A_209 = tpu.memref_slice %arg6[%multiple_of3A_170] : memref<323584xi32, #tpu.memory_space<hbm>> -> memref<128xi32, #tpu.memory_space<hbm>>
        %dma_start3A_210 = arith.constant 0 : i32
        %dma_start3A_211 = tpu.memref_slice %arg11[%run_scoped3A_171, %run_scoped3A_172, %dma_start3A_210] : memref<2x2x128xi32, #tpu.memory_space<vmem>> -> memref<1x1x128xi32, #tpu.memory_space<vmem>>
        %dma_start3A_212 = tpu.memref_squeeze %dma_start3A_211 : memref<1x1x128xi32, #tpu.memory_space<vmem>> -> memref<128xi32, #tpu.memory_space<vmem>>
        %dma_start3A_213 = tpu.memref_slice %arg6[%multiple_of3A_170] : memref<323584xi32, #tpu.memory_space<hbm>> -> memref<128xi32, #tpu.memory_space<hbm>>
        tpu.enqueue_dma source(%dma_start3A_213 : memref<128xi32, #tpu.memory_space<hbm>>) target(%dma_start3A_212 : memref<128xi32, #tpu.memory_space<vmem>>) target_semaphore(%run_scoped3A_205 : memref<!tpu.dma_semaphore, #tpu.memory_space<semaphore_mem>>)
        %dma_wait3A_214 = arith.constant 0 : i32
        %dma_wait3A_215 = tpu.memref_slice %arg11[%run_scoped3A_171, %run_scoped3A_172, %dma_wait3A_214] : memref<2x2x128xi32, #tpu.memory_space<vmem>> -> memref<1x1x128xi32, #tpu.memory_space<vmem>>
        %dma_wait3A_216 = tpu.memref_squeeze %dma_wait3A_215 : memref<1x1x128xi32, #tpu.memory_space<vmem>> -> memref<128xi32, #tpu.memory_space<vmem>>
        %dma_wait3A_217 = tpu.memref_slice %arg6[%multiple_of3A_170] : memref<323584xi32, #tpu.memory_space<hbm>> -> memref<128xi32, #tpu.memory_space<hbm>>
        %dma_wait3A_218 = arith.constant 0 : i32
        %dma_wait3A_219 = tpu.memref_slice %arg11[%run_scoped3A_171, %run_scoped3A_172, %dma_wait3A_218] : memref<2x2x128xi32, #tpu.memory_space<vmem>> -> memref<1x1x128xi32, #tpu.memory_space<vmem>>
        %dma_wait3A_220 = tpu.memref_squeeze %dma_wait3A_219 : memref<1x1x128xi32, #tpu.memory_space<vmem>> -> memref<128xi32, #tpu.memory_space<vmem>>
        %dma_wait3A_221 = tpu.memref_slice %arg6[%multiple_of3A_170] : memref<323584xi32, #tpu.memory_space<hbm>> -> memref<128xi32, #tpu.memory_space<hbm>>
        tpu.wait_dma2 semaphore(%run_scoped3A_205 : memref<!tpu.dma_semaphore, #tpu.memory_space<semaphore_mem>>) src(%dma_wait3A_221 : memref<128xi32, #tpu.memory_space<hbm>>) dst(%dma_wait3A_220 : memref<128xi32, #tpu.memory_space<vmem>>)
        tpu.yield
      }) : () -> ()
      %run_scoped3A_173 = arith.constant 0 : i32
      %run_scoped3A_174 = arith.constant 1 : i32
      "tpu.region"() ({
        %run_scoped3A_205 = tpu.sem_alloc : memref<!tpu.dma_semaphore, #tpu.memory_space<semaphore_mem>>
        %dma_start3A_206 = arith.constant 0 : i32
        %dma_start3A_207 = tpu.memref_slice %arg11[%run_scoped3A_173, %run_scoped3A_174, %dma_start3A_206] : memref<2x2x128xi32, #tpu.memory_space<vmem>> -> memref<1x1x128xi32, #tpu.memory_space<vmem>>
        %dma_start3A_208 = tpu.memref_squeeze %dma_start3A_207 : memref<1x1x128xi32, #tpu.memory_space<vmem>> -> memref<128xi32, #tpu.memory_space<vmem>>
        %dma_start3A_209 = tpu.memref_slice %arg7[%multiple_of3A_170] : memref<323584xi32, #tpu.memory_space<hbm>> -> memref<128xi32, #tpu.memory_space<hbm>>
        %dma_start3A_210 = arith.constant 0 : i32
        %dma_start3A_211 = tpu.memref_slice %arg11[%run_scoped3A_173, %run_scoped3A_174, %dma_start3A_210] : memref<2x2x128xi32, #tpu.memory_space<vmem>> -> memref<1x1x128xi32, #tpu.memory_space<vmem>>
        %dma_start3A_212 = tpu.memref_squeeze %dma_start3A_211 : memref<1x1x128xi32, #tpu.memory_space<vmem>> -> memref<128xi32, #tpu.memory_space<vmem>>
        %dma_start3A_213 = tpu.memref_slice %arg7[%multiple_of3A_170] : memref<323584xi32, #tpu.memory_space<hbm>> -> memref<128xi32, #tpu.memory_space<hbm>>
        tpu.enqueue_dma source(%dma_start3A_213 : memref<128xi32, #tpu.memory_space<hbm>>) target(%dma_start3A_212 : memref<128xi32, #tpu.memory_space<vmem>>) target_semaphore(%run_scoped3A_205 : memref<!tpu.dma_semaphore, #tpu.memory_space<semaphore_mem>>)
        %dma_wait3A_214 = arith.constant 0 : i32
        %dma_wait3A_215 = tpu.memref_slice %arg11[%run_scoped3A_173, %run_scoped3A_174, %dma_wait3A_214] : memref<2x2x128xi32, #tpu.memory_space<vmem>> -> memref<1x1x128xi32, #tpu.memory_space<vmem>>
        %dma_wait3A_216 = tpu.memref_squeeze %dma_wait3A_215 : memref<1x1x128xi32, #tpu.memory_space<vmem>> -> memref<128xi32, #tpu.memory_space<vmem>>
        %dma_wait3A_217 = tpu.memref_slice %arg7[%multiple_of3A_170] : memref<323584xi32, #tpu.memory_space<hbm>> -> memref<128xi32, #tpu.memory_space<hbm>>
        %dma_wait3A_218 = arith.constant 0 : i32
        %dma_wait3A_219 = tpu.memref_slice %arg11[%run_scoped3A_173, %run_scoped3A_174, %dma_wait3A_218] : memref<2x2x128xi32, #tpu.memory_space<vmem>> -> memref<1x1x128xi32, #tpu.memory_space<vmem>>
        %dma_wait3A_220 = tpu.memref_squeeze %dma_wait3A_219 : memref<1x1x128xi32, #tpu.memory_space<vmem>> -> memref<128xi32, #tpu.memory_space<vmem>>
        %dma_wait3A_221 = tpu.memref_slice %arg7[%multiple_of3A_170] : memref<323584xi32, #tpu.memory_space<hbm>> -> memref<128xi32, #tpu.memory_space<hbm>>
        tpu.wait_dma2 semaphore(%run_scoped3A_205 : memref<!tpu.dma_semaphore, #tpu.memory_space<semaphore_mem>>) src(%dma_wait3A_221 : memref<128xi32, #tpu.memory_space<hbm>>) dst(%dma_wait3A_220 : memref<128xi32, #tpu.memory_space<vmem>>)
        tpu.yield
      }) : () -> ()
      %dma_start3A_175 = arith.constant 0 : i32
      %dma_start3A_176 = arith.constant 0 : i32
      %dma_start3A_177 = arith.constant 0 : i32
      %dma_start3A_178 = arith.constant 0 : i32
      %dma_start3A_179 = arith.constant 0 : i32
      %dma_start3A_180 = tpu.memref_slice %arg12[%dma_start3A_177, %dma_start3A_178, %dma_start3A_179] : memref<2x128x128xf32, #tpu.memory_space<vmem>> -> memref<1x128x128xf32, #tpu.memory_space<vmem>>
      %dma_start3A_181 = tpu.memref_squeeze %dma_start3A_180 : memref<1x128x128xf32, #tpu.memory_space<vmem>> -> memref<128x128xf32, #tpu.memory_space<vmem>>
      %dma_start3A_182 = arith.constant 0 : i32
      %dma_start3A_183 = tpu.memref_slice %arg11[%dma_start3A_175, %dma_start3A_176, %dma_start3A_182] : memref<2x2x128xi32, #tpu.memory_space<vmem>> -> memref<1x1x128xi32, #tpu.memory_space<vmem>>
      %dma_start3A_184 = tpu.memref_squeeze %dma_start3A_183 : memref<1x1x128xi32, #tpu.memory_space<vmem>> -> memref<128xi32, #tpu.memory_space<vmem>>
      %dma_start3A_185 = arith.constant 0 : i32
      %dma_start3A_186 = arith.constant 0 : i32
      %dma_start3A_187 = tpu.memref_slice %arg3[%dma_start3A_185, %dma_start3A_186] : memref<10112x128xf32, #tpu.memory_space<hbm>> -> memref<10112x128xf32, #tpu.memory_space<hbm>>
      tpu.enqueue_indirect_dma source(%dma_start3A_187 : memref<10112x128xf32, #tpu.memory_space<hbm>>) target(%dma_start3A_181 : memref<128x128xf32, #tpu.memory_space<vmem>>) offsets(%dma_start3A_184 : memref<128xi32, #tpu.memory_space<vmem>>) semaphore(%arg14 : memref<!tpu.dma_semaphore, #tpu.memory_space<semaphore_mem>>)
      %dma_wait3A_188 = arith.constant 1 : i32
      %dma_wait3A_189 = arith.constant 0 : i32
      %dma_wait3A_190 = arith.constant 1 : i32
      %dma_wait3A_191 = arith.constant 0 : i32
      %dma_wait3A_192 = arith.constant 0 : i32
      %dma_wait3A_193 = tpu.memref_slice %arg12[%dma_wait3A_190, %dma_wait3A_191, %dma_wait3A_192] : memref<2x128x128xf32, #tpu.memory_space<vmem>> -> memref<1x128x128xf32, #tpu.memory_space<vmem>>
      %dma_wait3A_194 = tpu.memref_squeeze %dma_wait3A_193 : memref<1x128x128xf32, #tpu.memory_space<vmem>> -> memref<128x128xf32, #tpu.memory_space<vmem>>
      %dma_wait3A_195 = arith.constant 0 : i32
      %dma_wait3A_196 = tpu.memref_slice %arg11[%dma_wait3A_188, %dma_wait3A_189, %dma_wait3A_195] : memref<2x2x128xi32, #tpu.memory_space<vmem>> -> memref<1x1x128xi32, #tpu.memory_space<vmem>>
      %dma_wait3A_197 = tpu.memref_squeeze %dma_wait3A_196 : memref<1x1x128xi32, #tpu.memory_space<vmem>> -> memref<128xi32, #tpu.memory_space<vmem>>
      %dma_wait3A_198 = arith.constant 0 : i32
      %dma_wait3A_199 = arith.constant 0 : i32
      %dma_wait3A_200 = tpu.memref_slice %arg3[%dma_wait3A_198, %dma_wait3A_199] : memref<10112x128xf32, #tpu.memory_space<hbm>> -> memref<10112x128xf32, #tpu.memory_space<hbm>>
      tpu.wait_indirect_dma semaphore(%arg15 : memref<!tpu.dma_semaphore, #tpu.memory_space<semaphore_mem>>) src(%dma_wait3A_200 : memref<10112x128xf32, #tpu.memory_space<hbm>>) dst(%dma_wait3A_194 : memref<128x128xf32, #tpu.memory_space<vmem>>)
      %run_scoped3A_201 = arith.constant 1 : i32
      %run_scoped3A_202 = arith.constant 1 : i32
      %run_scoped3A_203 = arith.constant 1 : i32
      "tpu.region"() ({
        %run_scoped3A_205 = tpu.sem_alloc : memref<!tpu.dma_semaphore, #tpu.memory_space<semaphore_mem>>
        %dma_start3A_206 = arith.constant 0 : i32
        %dma_start3A_207 = arith.constant 0 : i32
        %dma_start3A_208 = tpu.memref_slice %arg12[%run_scoped3A_201, %dma_start3A_206, %dma_start3A_207] : memref<2x128x128xf32, #tpu.memory_space<vmem>> -> memref<1x128x128xf32, #tpu.memory_space<vmem>>
        %dma_start3A_209 = tpu.memref_squeeze %dma_start3A_208 : memref<1x128x128xf32, #tpu.memory_space<vmem>> -> memref<128x128xf32, #tpu.memory_space<vmem>>
        %dma_start3A_210 = arith.constant 0 : i32
        %dma_start3A_211 = tpu.memref_slice %arg11[%run_scoped3A_202, %run_scoped3A_203, %dma_start3A_210] : memref<2x2x128xi32, #tpu.memory_space<vmem>> -> memref<1x1x128xi32, #tpu.memory_space<vmem>>
        %dma_start3A_212 = tpu.memref_squeeze %dma_start3A_211 : memref<1x1x128xi32, #tpu.memory_space<vmem>> -> memref<128xi32, #tpu.memory_space<vmem>>
        %dma_start3A_213 = arith.constant 0 : i32
        %dma_start3A_214 = arith.constant 0 : i32
        %dma_start3A_215 = tpu.memref_slice %arg13[%dma_start3A_213, %dma_start3A_214] : memref<10112x128xf32, #tpu.memory_space<vmem_shared>> -> memref<10112x128xf32, #tpu.memory_space<vmem_shared>>
        tpu.enqueue_indirect_dma source(%dma_start3A_209 : memref<128x128xf32, #tpu.memory_space<vmem>>) target(%dma_start3A_215 : memref<10112x128xf32, #tpu.memory_space<vmem_shared>>) offsets(%dma_start3A_212 : memref<128xi32, #tpu.memory_space<vmem>>) semaphore(%run_scoped3A_205 : memref<!tpu.dma_semaphore, #tpu.memory_space<semaphore_mem>>) {add = true}
        %dma_wait3A_216 = arith.constant 0 : i32
        %dma_wait3A_217 = arith.constant 0 : i32
        %dma_wait3A_218 = tpu.memref_slice %arg12[%run_scoped3A_201, %dma_wait3A_216, %dma_wait3A_217] : memref<2x128x128xf32, #tpu.memory_space<vmem>> -> memref<1x128x128xf32, #tpu.memory_space<vmem>>
        %dma_wait3A_219 = tpu.memref_squeeze %dma_wait3A_218 : memref<1x128x128xf32, #tpu.memory_space<vmem>> -> memref<128x128xf32, #tpu.memory_space<vmem>>
        %dma_wait3A_220 = arith.constant 0 : i32
        %dma_wait3A_221 = tpu.memref_slice %arg11[%run_scoped3A_202, %run_scoped3A_203, %dma_wait3A_220] : memref<2x2x128xi32, #tpu.memory_space<vmem>> -> memref<1x1x128xi32, #tpu.memory_space<vmem>>
        %dma_wait3A_222 = tpu.memref_squeeze %dma_wait3A_221 : memref<1x1x128xi32, #tpu.memory_space<vmem>> -> memref<128xi32, #tpu.memory_space<vmem>>
        %dma_wait3A_223 = arith.constant 0 : i32
        %dma_wait3A_224 = arith.constant 0 : i32
        %dma_wait3A_225 = tpu.memref_slice %arg13[%dma_wait3A_223, %dma_wait3A_224] : memref<10112x128xf32, #tpu.memory_space<vmem_shared>> -> memref<10112x128xf32, #tpu.memory_space<vmem_shared>>
        tpu.wait_indirect_dma semaphore(%run_scoped3A_205 : memref<!tpu.dma_semaphore, #tpu.memory_space<semaphore_mem>>) src(%dma_wait3A_219 : memref<128x128xf32, #tpu.memory_space<vmem>>) dst(%dma_wait3A_225 : memref<10112x128xf32, #tpu.memory_space<vmem_shared>>)
        tpu.yield
      }) : () -> ()
      %scan3A_204 = arith.constant 0 : i32
      scf.yield %scan3A_204 : i32
    }
    %scan3A_87 = arith.constant 39 : i32
    %dma_wait3A_88 = arith.constant 0 : i32
    %dma_wait3A_89 = arith.constant 0 : i32
    %dma_wait3A_90 = arith.constant 0 : i32
    %dma_wait3A_91 = arith.constant 0 : i32
    %dma_wait3A_92 = arith.constant 0 : i32
    %dma_wait3A_93 = tpu.memref_slice %arg12[%dma_wait3A_90, %dma_wait3A_91, %dma_wait3A_92] : memref<2x128x128xf32, #tpu.memory_space<vmem>> -> memref<1x128x128xf32, #tpu.memory_space<vmem>>
    %dma_wait3A_94 = tpu.memref_squeeze %dma_wait3A_93 : memref<1x128x128xf32, #tpu.memory_space<vmem>> -> memref<128x128xf32, #tpu.memory_space<vmem>>
    %dma_wait3A_95 = arith.constant 0 : i32
    %dma_wait3A_96 = tpu.memref_slice %arg11[%dma_wait3A_88, %dma_wait3A_89, %dma_wait3A_95] : memref<2x2x128xi32, #tpu.memory_space<vmem>> -> memref<1x1x128xi32, #tpu.memory_space<vmem>>
    %dma_wait3A_97 = tpu.memref_squeeze %dma_wait3A_96 : memref<1x1x128xi32, #tpu.memory_space<vmem>> -> memref<128xi32, #tpu.memory_space<vmem>>
    %dma_wait3A_98 = arith.constant 0 : i32
    %dma_wait3A_99 = arith.constant 0 : i32
    %dma_wait3A_100 = tpu.memref_slice %arg3[%dma_wait3A_98, %dma_wait3A_99] : memref<10112x128xf32, #tpu.memory_space<hbm>> -> memref<10112x128xf32, #tpu.memory_space<hbm>>
    tpu.wait_indirect_dma semaphore(%arg14 : memref<!tpu.dma_semaphore, #tpu.memory_space<semaphore_mem>>) src(%dma_wait3A_100 : memref<10112x128xf32, #tpu.memory_space<hbm>>) dst(%dma_wait3A_94 : memref<128x128xf32, #tpu.memory_space<vmem>>)
    %run_scoped3A_101 = arith.constant 0 : i32
    %run_scoped3A_102 = arith.constant 0 : i32
    %run_scoped3A_103 = arith.constant 1 : i32
    "tpu.region"() ({
      %run_scoped3A_110 = tpu.sem_alloc : memref<!tpu.dma_semaphore, #tpu.memory_space<semaphore_mem>>
      %dma_start3A_111 = arith.constant 0 : i32
      %dma_start3A_112 = arith.constant 0 : i32
      %dma_start3A_113 = tpu.memref_slice %arg12[%run_scoped3A_101, %dma_start3A_111, %dma_start3A_112] : memref<2x128x128xf32, #tpu.memory_space<vmem>> -> memref<1x128x128xf32, #tpu.memory_space<vmem>>
      %dma_start3A_114 = tpu.memref_squeeze %dma_start3A_113 : memref<1x128x128xf32, #tpu.memory_space<vmem>> -> memref<128x128xf32, #tpu.memory_space<vmem>>
      %dma_start3A_115 = arith.constant 0 : i32
      %dma_start3A_116 = tpu.memref_slice %arg11[%run_scoped3A_102, %run_scoped3A_103, %dma_start3A_115] : memref<2x2x128xi32, #tpu.memory_space<vmem>> -> memref<1x1x128xi32, #tpu.memory_space<vmem>>
      %dma_start3A_117 = tpu.memref_squeeze %dma_start3A_116 : memref<1x1x128xi32, #tpu.memory_space<vmem>> -> memref<128xi32, #tpu.memory_space<vmem>>
      %dma_start3A_118 = arith.constant 0 : i32
      %dma_start3A_119 = arith.constant 0 : i32
      %dma_start3A_120 = tpu.memref_slice %arg13[%dma_start3A_118, %dma_start3A_119] : memref<10112x128xf32, #tpu.memory_space<vmem_shared>> -> memref<10112x128xf32, #tpu.memory_space<vmem_shared>>
      tpu.enqueue_indirect_dma source(%dma_start3A_114 : memref<128x128xf32, #tpu.memory_space<vmem>>) target(%dma_start3A_120 : memref<10112x128xf32, #tpu.memory_space<vmem_shared>>) offsets(%dma_start3A_117 : memref<128xi32, #tpu.memory_space<vmem>>) semaphore(%run_scoped3A_110 : memref<!tpu.dma_semaphore, #tpu.memory_space<semaphore_mem>>) {add = true}
      %dma_wait3A_121 = arith.constant 0 : i32
      %dma_wait3A_122 = arith.constant 0 : i32
      %dma_wait3A_123 = tpu.memref_slice %arg12[%run_scoped3A_101, %dma_wait3A_121, %dma_wait3A_122] : memref<2x128x128xf32, #tpu.memory_space<vmem>> -> memref<1x128x128xf32, #tpu.memory_space<vmem>>
      %dma_wait3A_124 = tpu.memref_squeeze %dma_wait3A_123 : memref<1x128x128xf32, #tpu.memory_space<vmem>> -> memref<128x128xf32, #tpu.memory_space<vmem>>
      %dma_wait3A_125 = arith.constant 0 : i32
      %dma_wait3A_126 = tpu.memref_slice %arg11[%run_scoped3A_102, %run_scoped3A_103, %dma_wait3A_125] : memref<2x2x128xi32, #tpu.memory_space<vmem>> -> memref<1x1x128xi32, #tpu.memory_space<vmem>>
      %dma_wait3A_127 = tpu.memref_squeeze %dma_wait3A_126 : memref<1x1x128xi32, #tpu.memory_space<vmem>> -> memref<128xi32, #tpu.memory_space<vmem>>
      %dma_wait3A_128 = arith.constant 0 : i32
      %dma_wait3A_129 = arith.constant 0 : i32
      %dma_wait3A_130 = tpu.memref_slice %arg13[%dma_wait3A_128, %dma_wait3A_129] : memref<10112x128xf32, #tpu.memory_space<vmem_shared>> -> memref<10112x128xf32, #tpu.memory_space<vmem_shared>>
      tpu.wait_indirect_dma semaphore(%run_scoped3A_110 : memref<!tpu.dma_semaphore, #tpu.memory_space<semaphore_mem>>) src(%dma_wait3A_124 : memref<128x128xf32, #tpu.memory_space<vmem>>) dst(%dma_wait3A_130 : memref<10112x128xf32, #tpu.memory_space<vmem_shared>>)
      tpu.yield
    }) : () -> ()
    %barrier3A_104 = arith.constant 0 : index
    tpu.barrier barrier_id(%barrier3A_104)
    %mul3A_105 = arith.constant 632 : i32
    %mul3A_106 = arith.muli %arg1, %mul3A_105 : i32
    %mul3A_107 = arith.constant 632 : i32
    %mul3A_108 = arith.muli %arg1, %mul3A_107 : i32
    "tpu.region"() ({
      %run_scoped3A_110 = tpu.sem_alloc : memref<!tpu.dma_semaphore, #tpu.memory_space<semaphore_mem>>
      %dma_start3A_111 = arith.constant 0 : i32
      %dma_start3A_112 = tpu.memref_slice %arg10[%arg0, %mul3A_108, %dma_start3A_111] : memref<2x10112x128xf32, #tpu.memory_space<hbm>> -> memref<1x632x128xf32, #tpu.memory_space<hbm>>
      %dma_start3A_113 = tpu.memref_squeeze %dma_start3A_112 : memref<1x632x128xf32, #tpu.memory_space<hbm>> -> memref<632x128xf32, #tpu.memory_space<hbm>>
      %dma_start3A_114 = arith.constant 0 : i32
      %dma_start3A_115 = tpu.memref_slice %arg13[%mul3A_106, %dma_start3A_114] : memref<10112x128xf32, #tpu.memory_space<vmem_shared>> -> memref<632x128xf32, #tpu.memory_space<vmem_shared>>
      tpu.enqueue_dma source(%dma_start3A_115 : memref<632x128xf32, #tpu.memory_space<vmem_shared>>) target(%dma_start3A_113 : memref<632x128xf32, #tpu.memory_space<hbm>>) target_semaphore(%run_scoped3A_110 : memref<!tpu.dma_semaphore, #tpu.memory_space<semaphore_mem>>)
      %dma_wait3A_116 = arith.constant 0 : i32
      %dma_wait3A_117 = tpu.memref_slice %arg10[%arg0, %mul3A_108, %dma_wait3A_116] : memref<2x10112x128xf32, #tpu.memory_space<hbm>> -> memref<1x632x128xf32, #tpu.memory_space<hbm>>
      %dma_wait3A_118 = tpu.memref_squeeze %dma_wait3A_117 : memref<1x632x128xf32, #tpu.memory_space<hbm>> -> memref<632x128xf32, #tpu.memory_space<hbm>>
      %dma_wait3A_119 = arith.constant 0 : i32
      %dma_wait3A_120 = tpu.memref_slice %arg13[%mul3A_106, %dma_wait3A_119] : memref<10112x128xf32, #tpu.memory_space<vmem_shared>> -> memref<632x128xf32, #tpu.memory_space<vmem_shared>>
      tpu.wait_dma2 semaphore(%run_scoped3A_110 : memref<!tpu.dma_semaphore, #tpu.memory_space<semaphore_mem>>) src(%dma_wait3A_120 : memref<632x128xf32, #tpu.memory_space<vmem_shared>>) dst(%dma_wait3A_118 : memref<632x128xf32, #tpu.memory_space<hbm>>)
      tpu.yield
    }) : () -> ()
    %barrier3A_109 = arith.constant 0 : index
    tpu.barrier barrier_id(%barrier3A_109)
    return
  }
}

module attributes {stable_mosaic.version = 14 : i64} {
  func.func @_scale_body(%arg0: i32, %arg1: memref<2000x128xf32, #tpu.memory_space<vmem>>, %arg2: memref<2000x8xf32, #tpu.memory_space<vmem>>, %arg3: memref<2000x128xf32, #tpu.memory_space<vmem>>, %arg4: memref<2000x128xf32, #tpu.memory_space<vmem>>) attributes {dimension_semantics = [#tpu.dimension_semantics<arbitrary>], iteration_bounds = array<i64: 5>, scalar_prefetch = 0 : i64, scratch_operands = 0 : i64, tpu.core_type = #tpu.core_type<tc>, window_params = [{transform_indices = @transform_0, window_bounds = array<i64: 2000, 128>}, {transform_indices = @transform_1, window_bounds = array<i64: 2000, 8>}, {transform_indices = @transform_2, window_bounds = array<i64: 2000, 128>}, {transform_indices = @transform_3, window_bounds = array<i64: 2000, 128>}]} {
    %get3A = arith.constant 0 : index
    %get3A_0 = arith.constant 0 : index
    %get3A_1 = vector.load %arg2[%get3A, %get3A_0] : memref<2000x8xf32, #tpu.memory_space<vmem>>, vector<2000x8xf32>
    %slice3A = vector.extract_strided_slice %get3A_1 {offsets = [0, 0], sizes = [2000, 4], strides = [1, 1]} : vector<2000x8xf32> to vector<2000x4xf32>
    %slice3A_2 = vector.extract_strided_slice %get3A_1 {offsets = [0, 4], sizes = [2000, 4], strides = [1, 1]} : vector<2000x8xf32> to vector<2000x4xf32>
    %add3A = arith.addf %slice3A, %slice3A_2 : vector<2000x4xf32>
    %slice3A_3 = vector.extract_strided_slice %add3A {offsets = [0, 0], sizes = [2000, 1], strides = [1, 1]} : vector<2000x4xf32> to vector<2000x1xf32>
    %max3A = arith.constant 1.000000e+00 : f32
    %max3A_4 = vector.broadcast %max3A : f32 to vector<2000x1xf32>
    %max3A_5 = arith.maximumf %slice3A_3, %max3A_4 : vector<2000x1xf32>
    %rsqrt3A = math.rsqrt %max3A_5 : vector<2000x1xf32>
    %slice3A_6 = vector.extract_strided_slice %add3A {offsets = [0, 2], sizes = [2000, 1], strides = [1, 1]} : vector<2000x4xf32> to vector<2000x1xf32>
    %max3A_7 = arith.constant 1.000000e+00 : f32
    %max3A_8 = vector.broadcast %max3A_7 : f32 to vector<2000x1xf32>
    %max3A_9 = arith.maximumf %slice3A_6, %max3A_8 : vector<2000x1xf32>
    %rsqrt3A_10 = math.rsqrt %max3A_9 : vector<2000x1xf32>
    %get3A_11 = arith.constant 0 : index
    %get3A_12 = arith.constant 0 : index
    %get3A_13 = vector.load %arg1[%get3A_11, %get3A_12] : memref<2000x128xf32, #tpu.memory_space<vmem>>, vector<2000x128xf32>
    %mul3A = vector.broadcast %rsqrt3A : vector<2000x1xf32> to vector<2000x128xf32>
    %mul3A_14 = arith.mulf %get3A_13, %mul3A : vector<2000x128xf32>
    %swap3A = arith.constant 0 : index
    %swap3A_15 = arith.constant 0 : index
    %swap3A_16 = vector.load %arg3[%swap3A, %swap3A_15] : memref<2000x128xf32, #tpu.memory_space<vmem>>, vector<2000x128xf32>
    tpu.vector_store %arg3[%swap3A, %swap3A_15], %mul3A_14 {strides = array<i32>} : memref<2000x128xf32, #tpu.memory_space<vmem>>, vector<2000x128xf32>,
    %mul3A_17 = vector.broadcast %rsqrt3A_10 : vector<2000x1xf32> to vector<2000x128xf32>
    %mul3A_18 = arith.mulf %get3A_13, %mul3A_17 : vector<2000x128xf32>
    %swap3A_19 = arith.constant 0 : index
    %swap3A_20 = arith.constant 0 : index
    %swap3A_21 = vector.load %arg4[%swap3A_19, %swap3A_20] : memref<2000x128xf32, #tpu.memory_space<vmem>>, vector<2000x128xf32>
    tpu.vector_store %arg4[%swap3A_19, %swap3A_20], %mul3A_18 {strides = array<i32>} : memref<2000x128xf32, #tpu.memory_space<vmem>>, vector<2000x128xf32>,
    return
  }
  func.func @transform_0(%arg0: i32) -> (i32, i32) {
    %c0_i32 = arith.constant 0 : i32
    %c0_i32_0 = arith.constant 0 : i32
    return %arg0, %c0_i32 : i32, i32
  }
  func.func @transform_1(%arg0: i32) -> (i32, i32) {
    %c0_i32 = arith.constant 0 : i32
    %c0_i32_0 = arith.constant 0 : i32
    return %arg0, %c0_i32 : i32, i32
  }
  func.func @transform_2(%arg0: i32) -> (i32, i32) {
    %c0_i32 = arith.constant 0 : i32
    %c0_i32_0 = arith.constant 0 : i32
    return %arg0, %c0_i32 : i32, i32
  }
  func.func @transform_3(%arg0: i32) -> (i32, i32) {
    %c0_i32 = arith.constant 0 : i32
    %c0_i32_0 = arith.constant 0 : i32
    return %arg0, %c0_i32 : i32, i32
  }
}

module attributes {stable_mosaic.version = 14 : i64} {
  func.func @_dense_body(%arg0: i32, %arg1: memref<2x2000x128xf32, #tpu.memory_space<vmem>>, %arg2: memref<2x2000x128xf32, #tpu.memory_space<vmem>>, %arg3: memref<2000x8xf32, #tpu.memory_space<vmem>>, %arg4: memref<128x128xf32, #tpu.memory_space<vmem>>, %arg5: memref<128x128xf32, #tpu.memory_space<vmem>>, %arg6: memref<1x128xf32, #tpu.memory_space<vmem>>, %arg7: memref<1x128xf32, #tpu.memory_space<vmem>>, %arg8: memref<2000x128xf32, #tpu.memory_space<vmem>>, %arg9: memref<2000x128xf32, #tpu.memory_space<vmem>>) attributes {dimension_semantics = [#tpu.dimension_semantics<arbitrary>], iteration_bounds = array<i64: 5>, scalar_prefetch = 0 : i64, scratch_operands = 0 : i64, tpu.core_type = #tpu.core_type<tc>, window_params = [{transform_indices = @transform_0, window_bounds = array<i64: 2, 2000, 128>}, {transform_indices = @transform_1, window_bounds = array<i64: 2, 2000, 128>}, {transform_indices = @transform_2, window_bounds = array<i64: 2000, 8>}, {pipeline_mode = #tpu.pipeline_mode<synchronous>, transform_indices = @transform_3, window_bounds = array<i64: 128, 128>}, {pipeline_mode = #tpu.pipeline_mode<synchronous>, transform_indices = @transform_4, window_bounds = array<i64: 128, 128>}, {pipeline_mode = #tpu.pipeline_mode<synchronous>, transform_indices = @transform_5, window_bounds = array<i64: 1, 128>}, {pipeline_mode = #tpu.pipeline_mode<synchronous>, transform_indices = @transform_6, window_bounds = array<i64: 1, 128>}, {transform_indices = @transform_7, window_bounds = array<i64: 2000, 128>}, {transform_indices = @transform_8, window_bounds = array<i64: 2000, 128>}]} {
    %get3A = arith.constant 0 : index
    %get3A_0 = arith.constant 0 : index
    %get3A_1 = arith.constant 0 : index
    %get3A_2 = vector.load %arg1[%get3A, %get3A_0, %get3A_1] : memref<2x2000x128xf32, #tpu.memory_space<vmem>>, vector<1x2000x128xf32>
    %get3A_3 = vector.shape_cast %get3A_2 : vector<1x2000x128xf32> to vector<2000x128xf32>
    %get3A_4 = arith.constant 1 : index
    %get3A_5 = arith.constant 0 : index
    %get3A_6 = arith.constant 0 : index
    %get3A_7 = vector.load %arg1[%get3A_4, %get3A_5, %get3A_6] : memref<2x2000x128xf32, #tpu.memory_space<vmem>>, vector<1x2000x128xf32>
    %get3A_8 = vector.shape_cast %get3A_7 : vector<1x2000x128xf32> to vector<2000x128xf32>
    %add3A = arith.addf %get3A_3, %get3A_8 : vector<2000x128xf32>
    %get3A_9 = arith.constant 0 : index
    %get3A_10 = arith.constant 0 : index
    %get3A_11 = arith.constant 0 : index
    %get3A_12 = vector.load %arg2[%get3A_9, %get3A_10, %get3A_11] : memref<2x2000x128xf32, #tpu.memory_space<vmem>>, vector<1x2000x128xf32>
    %get3A_13 = vector.shape_cast %get3A_12 : vector<1x2000x128xf32> to vector<2000x128xf32>
    %get3A_14 = arith.constant 1 : index
    %get3A_15 = arith.constant 0 : index
    %get3A_16 = arith.constant 0 : index
    %get3A_17 = vector.load %arg2[%get3A_14, %get3A_15, %get3A_16] : memref<2x2000x128xf32, #tpu.memory_space<vmem>>, vector<1x2000x128xf32>
    %get3A_18 = vector.shape_cast %get3A_17 : vector<1x2000x128xf32> to vector<2000x128xf32>
    %add3A_19 = arith.addf %get3A_13, %get3A_18 : vector<2000x128xf32>
    %get3A_20 = arith.constant 0 : index
    %get3A_21 = arith.constant 0 : index
    %get3A_22 = vector.load %arg3[%get3A_20, %get3A_21] : memref<2000x8xf32, #tpu.memory_space<vmem>>, vector<2000x8xf32>
    %slice3A = vector.extract_strided_slice %get3A_22 {offsets = [0, 0], sizes = [2000, 4], strides = [1, 1]} : vector<2000x8xf32> to vector<2000x4xf32>
    %slice3A_23 = vector.extract_strided_slice %get3A_22 {offsets = [0, 4], sizes = [2000, 4], strides = [1, 1]} : vector<2000x8xf32> to vector<2000x4xf32>
    %add3A_24 = arith.addf %slice3A, %slice3A_23 : vector<2000x4xf32>
    %slice3A_25 = vector.extract_strided_slice %add3A_24 {offsets = [0, 1], sizes = [2000, 1], strides = [1, 1]} : vector<2000x4xf32> to vector<2000x1xf32>
    %max3A = arith.constant 1.000000e+00 : f32
    %max3A_26 = vector.broadcast %max3A : f32 to vector<2000x1xf32>
    %max3A_27 = arith.maximumf %slice3A_25, %max3A_26 : vector<2000x1xf32>
    %rsqrt3A = math.rsqrt %max3A_27 : vector<2000x1xf32>
    %slice3A_28 = vector.extract_strided_slice %add3A_24 {offsets = [0, 3], sizes = [2000, 1], strides = [1, 1]} : vector<2000x4xf32> to vector<2000x1xf32>
    %max3A_29 = arith.constant 1.000000e+00 : f32
    %max3A_30 = vector.broadcast %max3A_29 : f32 to vector<2000x1xf32>
    %max3A_31 = arith.maximumf %slice3A_28, %max3A_30 : vector<2000x1xf32>
    %rsqrt3A_32 = math.rsqrt %max3A_31 : vector<2000x1xf32>
    %mul3A = vector.broadcast %rsqrt3A : vector<2000x1xf32> to vector<2000x128xf32>
    %mul3A_33 = arith.mulf %add3A, %mul3A : vector<2000x128xf32>
    %get3A_34 = arith.constant 0 : index
    %get3A_35 = arith.constant 0 : index
    %get3A_36 = vector.load %arg4[%get3A_34, %get3A_35] : memref<128x128xf32, #tpu.memory_space<vmem>>, vector<128x128xf32>
    %dot_general3A = arith.constant dense<0.000000e+00> : vector<2000x128xf32>
    %dot_general3A_37 = tpu.matmul %mul3A_33, %get3A_36, %dot_general3A {dimension_numbers = #tpu.dot_dimension_numbers<[1], [0], [0], [1], [0, 0, 1, 1], [], []>, transpose_lhs_hint = false} : vector<2000x128xf32>, vector<128x128xf32>, vector<2000x128xf32> -> vector<2000x128xf32>
    %mul3A_38 = vector.broadcast %rsqrt3A_32 : vector<2000x1xf32> to vector<2000x128xf32>
    %mul3A_39 = arith.mulf %add3A_19, %mul3A_38 : vector<2000x128xf32>
    %get3A_40 = arith.constant 0 : index
    %get3A_41 = arith.constant 0 : index
    %get3A_42 = vector.load %arg5[%get3A_40, %get3A_41] : memref<128x128xf32, #tpu.memory_space<vmem>>, vector<128x128xf32>
    %dot_general3A_43 = arith.constant dense<0.000000e+00> : vector<2000x128xf32>
    %dot_general3A_44 = tpu.matmul %mul3A_39, %get3A_42, %dot_general3A_43 {dimension_numbers = #tpu.dot_dimension_numbers<[1], [0], [0], [1], [0, 0, 1, 1], [], []>, transpose_lhs_hint = false} : vector<2000x128xf32>, vector<128x128xf32>, vector<2000x128xf32> -> vector<2000x128xf32>
    %add3A_45 = arith.addf %dot_general3A_37, %dot_general3A_44 : vector<2000x128xf32>
    %get3A_46 = arith.constant 0 : index
    %get3A_47 = arith.constant 0 : index
    %get3A_48 = vector.load %arg6[%get3A_46, %get3A_47] : memref<1x128xf32, #tpu.memory_space<vmem>>, vector<1x128xf32>
    %add3A_49 = vector.broadcast %get3A_48 : vector<1x128xf32> to vector<2000x128xf32>
    %add3A_50 = arith.addf %add3A_45, %add3A_49 : vector<2000x128xf32>
    %get3A_51 = arith.constant 0 : index
    %get3A_52 = arith.constant 0 : index
    %get3A_53 = vector.load %arg7[%get3A_51, %get3A_52] : memref<1x128xf32, #tpu.memory_space<vmem>>, vector<1x128xf32>
    %add3A_54 = vector.broadcast %get3A_53 : vector<1x128xf32> to vector<2000x128xf32>
    %add3A_55 = arith.addf %add3A_50, %add3A_54 : vector<2000x128xf32>
    %max3A_56 = arith.constant 0.000000e+00 : f32
    %max3A_57 = vector.broadcast %max3A_56 : f32 to vector<2000x128xf32>
    %max3A_58 = arith.maximumf %add3A_55, %max3A_57 : vector<2000x128xf32>
    %slice3A_59 = vector.extract_strided_slice %add3A_24 {offsets = [0, 0], sizes = [2000, 1], strides = [1, 1]} : vector<2000x4xf32> to vector<2000x1xf32>
    %max3A_60 = arith.constant 1.000000e+00 : f32
    %max3A_61 = vector.broadcast %max3A_60 : f32 to vector<2000x1xf32>
    %max3A_62 = arith.maximumf %slice3A_59, %max3A_61 : vector<2000x1xf32>
    %rsqrt3A_63 = math.rsqrt %max3A_62 : vector<2000x1xf32>
    %slice3A_64 = vector.extract_strided_slice %add3A_24 {offsets = [0, 2], sizes = [2000, 1], strides = [1, 1]} : vector<2000x4xf32> to vector<2000x1xf32>
    %max3A_65 = arith.constant 1.000000e+00 : f32
    %max3A_66 = vector.broadcast %max3A_65 : f32 to vector<2000x1xf32>
    %max3A_67 = arith.maximumf %slice3A_64, %max3A_66 : vector<2000x1xf32>
    %rsqrt3A_68 = math.rsqrt %max3A_67 : vector<2000x1xf32>
    %mul3A_69 = vector.broadcast %rsqrt3A_63 : vector<2000x1xf32> to vector<2000x128xf32>
    %mul3A_70 = arith.mulf %max3A_58, %mul3A_69 : vector<2000x128xf32>
    %swap3A = arith.constant 0 : index
    %swap3A_71 = arith.constant 0 : index
    %swap3A_72 = vector.load %arg8[%swap3A, %swap3A_71] : memref<2000x128xf32, #tpu.memory_space<vmem>>, vector<2000x128xf32>
    tpu.vector_store %arg8[%swap3A, %swap3A_71], %mul3A_70 {strides = array<i32>} : memref<2000x128xf32, #tpu.memory_space<vmem>>, vector<2000x128xf32>,
    %mul3A_73 = vector.broadcast %rsqrt3A_68 : vector<2000x1xf32> to vector<2000x128xf32>
    %mul3A_74 = arith.mulf %max3A_58, %mul3A_73 : vector<2000x128xf32>
    %swap3A_75 = arith.constant 0 : index
    %swap3A_76 = arith.constant 0 : index
    %swap3A_77 = vector.load %arg9[%swap3A_75, %swap3A_76] : memref<2000x128xf32, #tpu.memory_space<vmem>>, vector<2000x128xf32>
    tpu.vector_store %arg9[%swap3A_75, %swap3A_76], %mul3A_74 {strides = array<i32>} : memref<2000x128xf32, #tpu.memory_space<vmem>>, vector<2000x128xf32>,
    return
  }
  func.func @transform_0(%arg0: i32) -> (i32, i32, i32) {
    %c0_i32 = arith.constant 0 : i32
    %c0_i32_0 = arith.constant 0 : i32
    %c0_i32_1 = arith.constant 0 : i32
    return %c0_i32, %arg0, %c0_i32_0 : i32, i32, i32
  }
  func.func @transform_1(%arg0: i32) -> (i32, i32, i32) {
    %c0_i32 = arith.constant 0 : i32
    %c0_i32_0 = arith.constant 0 : i32
    %c0_i32_1 = arith.constant 0 : i32
    return %c0_i32, %arg0, %c0_i32_0 : i32, i32, i32
  }
  func.func @transform_2(%arg0: i32) -> (i32, i32) {
    %c0_i32 = arith.constant 0 : i32
    %c0_i32_0 = arith.constant 0 : i32
    return %arg0, %c0_i32 : i32, i32
  }
  func.func @transform_3(%arg0: i32) -> (i32, i32) {
    %c0_i32 = arith.constant 0 : i32
    %c0_i32_0 = arith.constant 0 : i32
    %c0_i32_1 = arith.constant 0 : i32
    return %c0_i32, %c0_i32_0 : i32, i32
  }
  func.func @transform_4(%arg0: i32) -> (i32, i32) {
    %c0_i32 = arith.constant 0 : i32
    %c0_i32_0 = arith.constant 0 : i32
    %c0_i32_1 = arith.constant 0 : i32
    return %c0_i32, %c0_i32_0 : i32, i32
  }
  func.func @transform_5(%arg0: i32) -> (i32, i32) {
    %c0_i32 = arith.constant 0 : i32
    %c0_i32_0 = arith.constant 0 : i32
    %c0_i32_1 = arith.constant 0 : i32
    return %c0_i32, %c0_i32_0 : i32, i32
  }
  func.func @transform_6(%arg0: i32) -> (i32, i32) {
    %c0_i32 = arith.constant 0 : i32
    %c0_i32_0 = arith.constant 0 : i32
    %c0_i32_1 = arith.constant 0 : i32
    return %c0_i32, %c0_i32_0 : i32, i32
  }
  func.func @transform_7(%arg0: i32) -> (i32, i32) {
    %c0_i32 = arith.constant 0 : i32
    %c0_i32_0 = arith.constant 0 : i32
    return %arg0, %c0_i32 : i32, i32
  }
  func.func @transform_8(%arg0: i32) -> (i32, i32) {
    %c0_i32 = arith.constant 0 : i32
    %c0_i32_0 = arith.constant 0 : i32
    return %arg0, %c0_i32 : i32, i32
  }
}

module attributes {stable_mosaic.version = 14 : i64} {
  func.func @_dense_body(%arg0: i32, %arg1: memref<2x2000x128xf32, #tpu.memory_space<vmem>>, %arg2: memref<2x2000x128xf32, #tpu.memory_space<vmem>>, %arg3: memref<2000x8xf32, #tpu.memory_space<vmem>>, %arg4: memref<128x128xf32, #tpu.memory_space<vmem>>, %arg5: memref<128x128xf32, #tpu.memory_space<vmem>>, %arg6: memref<1x128xf32, #tpu.memory_space<vmem>>, %arg7: memref<1x128xf32, #tpu.memory_space<vmem>>, %arg8: memref<2000x128xf32, #tpu.memory_space<vmem>>) attributes {dimension_semantics = [#tpu.dimension_semantics<arbitrary>], iteration_bounds = array<i64: 5>, scalar_prefetch = 0 : i64, scratch_operands = 0 : i64, tpu.core_type = #tpu.core_type<tc>, window_params = [{transform_indices = @transform_0, window_bounds = array<i64: 2, 2000, 128>}, {transform_indices = @transform_1, window_bounds = array<i64: 2, 2000, 128>}, {transform_indices = @transform_2, window_bounds = array<i64: 2000, 8>}, {pipeline_mode = #tpu.pipeline_mode<synchronous>, transform_indices = @transform_3, window_bounds = array<i64: 128, 128>}, {pipeline_mode = #tpu.pipeline_mode<synchronous>, transform_indices = @transform_4, window_bounds = array<i64: 128, 128>}, {pipeline_mode = #tpu.pipeline_mode<synchronous>, transform_indices = @transform_5, window_bounds = array<i64: 1, 128>}, {pipeline_mode = #tpu.pipeline_mode<synchronous>, transform_indices = @transform_6, window_bounds = array<i64: 1, 128>}, {transform_indices = @transform_7, window_bounds = array<i64: 2000, 128>}]} {
    %get3A = arith.constant 0 : index
    %get3A_0 = arith.constant 0 : index
    %get3A_1 = arith.constant 0 : index
    %get3A_2 = vector.load %arg1[%get3A, %get3A_0, %get3A_1] : memref<2x2000x128xf32, #tpu.memory_space<vmem>>, vector<1x2000x128xf32>
    %get3A_3 = vector.shape_cast %get3A_2 : vector<1x2000x128xf32> to vector<2000x128xf32>
    %get3A_4 = arith.constant 1 : index
    %get3A_5 = arith.constant 0 : index
    %get3A_6 = arith.constant 0 : index
    %get3A_7 = vector.load %arg1[%get3A_4, %get3A_5, %get3A_6] : memref<2x2000x128xf32, #tpu.memory_space<vmem>>, vector<1x2000x128xf32>
    %get3A_8 = vector.shape_cast %get3A_7 : vector<1x2000x128xf32> to vector<2000x128xf32>
    %add3A = arith.addf %get3A_3, %get3A_8 : vector<2000x128xf32>
    %get3A_9 = arith.constant 0 : index
    %get3A_10 = arith.constant 0 : index
    %get3A_11 = arith.constant 0 : index
    %get3A_12 = vector.load %arg2[%get3A_9, %get3A_10, %get3A_11] : memref<2x2000x128xf32, #tpu.memory_space<vmem>>, vector<1x2000x128xf32>
    %get3A_13 = vector.shape_cast %get3A_12 : vector<1x2000x128xf32> to vector<2000x128xf32>
    %get3A_14 = arith.constant 1 : index
    %get3A_15 = arith.constant 0 : index
    %get3A_16 = arith.constant 0 : index
    %get3A_17 = vector.load %arg2[%get3A_14, %get3A_15, %get3A_16] : memref<2x2000x128xf32, #tpu.memory_space<vmem>>, vector<1x2000x128xf32>
    %get3A_18 = vector.shape_cast %get3A_17 : vector<1x2000x128xf32> to vector<2000x128xf32>
    %add3A_19 = arith.addf %get3A_13, %get3A_18 : vector<2000x128xf32>
    %get3A_20 = arith.constant 0 : index
    %get3A_21 = arith.constant 0 : index
    %get3A_22 = vector.load %arg3[%get3A_20, %get3A_21] : memref<2000x8xf32, #tpu.memory_space<vmem>>, vector<2000x8xf32>
    %slice3A = vector.extract_strided_slice %get3A_22 {offsets = [0, 0], sizes = [2000, 4], strides = [1, 1]} : vector<2000x8xf32> to vector<2000x4xf32>
    %slice3A_23 = vector.extract_strided_slice %get3A_22 {offsets = [0, 4], sizes = [2000, 4], strides = [1, 1]} : vector<2000x8xf32> to vector<2000x4xf32>
    %add3A_24 = arith.addf %slice3A, %slice3A_23 : vector<2000x4xf32>
    %slice3A_25 = vector.extract_strided_slice %add3A_24 {offsets = [0, 1], sizes = [2000, 1], strides = [1, 1]} : vector<2000x4xf32> to vector<2000x1xf32>
    %max3A = arith.constant 1.000000e+00 : f32
    %max3A_26 = vector.broadcast %max3A : f32 to vector<2000x1xf32>
    %max3A_27 = arith.maximumf %slice3A_25, %max3A_26 : vector<2000x1xf32>
    %rsqrt3A = math.rsqrt %max3A_27 : vector<2000x1xf32>
    %slice3A_28 = vector.extract_strided_slice %add3A_24 {offsets = [0, 3], sizes = [2000, 1], strides = [1, 1]} : vector<2000x4xf32> to vector<2000x1xf32>
    %max3A_29 = arith.constant 1.000000e+00 : f32
    %max3A_30 = vector.broadcast %max3A_29 : f32 to vector<2000x1xf32>
    %max3A_31 = arith.maximumf %slice3A_28, %max3A_30 : vector<2000x1xf32>
    %rsqrt3A_32 = math.rsqrt %max3A_31 : vector<2000x1xf32>
    %mul3A = vector.broadcast %rsqrt3A : vector<2000x1xf32> to vector<2000x128xf32>
    %mul3A_33 = arith.mulf %add3A, %mul3A : vector<2000x128xf32>
    %get3A_34 = arith.constant 0 : index
    %get3A_35 = arith.constant 0 : index
    %get3A_36 = vector.load %arg4[%get3A_34, %get3A_35] : memref<128x128xf32, #tpu.memory_space<vmem>>, vector<128x128xf32>
    %dot_general3A = arith.constant dense<0.000000e+00> : vector<2000x128xf32>
    %dot_general3A_37 = tpu.matmul %mul3A_33, %get3A_36, %dot_general3A {dimension_numbers = #tpu.dot_dimension_numbers<[1], [0], [0], [1], [0, 0, 1, 1], [], []>, transpose_lhs_hint = false} : vector<2000x128xf32>, vector<128x128xf32>, vector<2000x128xf32> -> vector<2000x128xf32>
    %mul3A_38 = vector.broadcast %rsqrt3A_32 : vector<2000x1xf32> to vector<2000x128xf32>
    %mul3A_39 = arith.mulf %add3A_19, %mul3A_38 : vector<2000x128xf32>
    %get3A_40 = arith.constant 0 : index
    %get3A_41 = arith.constant 0 : index
    %get3A_42 = vector.load %arg5[%get3A_40, %get3A_41] : memref<128x128xf32, #tpu.memory_space<vmem>>, vector<128x128xf32>
    %dot_general3A_43 = arith.constant dense<0.000000e+00> : vector<2000x128xf32>
    %dot_general3A_44 = tpu.matmul %mul3A_39, %get3A_42, %dot_general3A_43 {dimension_numbers = #tpu.dot_dimension_numbers<[1], [0], [0], [1], [0, 0, 1, 1], [], []>, transpose_lhs_hint = false} : vector<2000x128xf32>, vector<128x128xf32>, vector<2000x128xf32> -> vector<2000x128xf32>
    %add3A_45 = arith.addf %dot_general3A_37, %dot_general3A_44 : vector<2000x128xf32>
    %get3A_46 = arith.constant 0 : index
    %get3A_47 = arith.constant 0 : index
    %get3A_48 = vector.load %arg6[%get3A_46, %get3A_47] : memref<1x128xf32, #tpu.memory_space<vmem>>, vector<1x128xf32>
    %add3A_49 = vector.broadcast %get3A_48 : vector<1x128xf32> to vector<2000x128xf32>
    %add3A_50 = arith.addf %add3A_45, %add3A_49 : vector<2000x128xf32>
    %get3A_51 = arith.constant 0 : index
    %get3A_52 = arith.constant 0 : index
    %get3A_53 = vector.load %arg7[%get3A_51, %get3A_52] : memref<1x128xf32, #tpu.memory_space<vmem>>, vector<1x128xf32>
    %add3A_54 = vector.broadcast %get3A_53 : vector<1x128xf32> to vector<2000x128xf32>
    %add3A_55 = arith.addf %add3A_50, %add3A_54 : vector<2000x128xf32>
    %swap3A = arith.constant 0 : index
    %swap3A_56 = arith.constant 0 : index
    %swap3A_57 = vector.load %arg8[%swap3A, %swap3A_56] : memref<2000x128xf32, #tpu.memory_space<vmem>>, vector<2000x128xf32>
    tpu.vector_store %arg8[%swap3A, %swap3A_56], %add3A_55 {strides = array<i32>} : memref<2000x128xf32, #tpu.memory_space<vmem>>, vector<2000x128xf32>,
    return
  }
  func.func @transform_0(%arg0: i32) -> (i32, i32, i32) {
    %c0_i32 = arith.constant 0 : i32
    %c0_i32_0 = arith.constant 0 : i32
    %c0_i32_1 = arith.constant 0 : i32
    return %c0_i32, %arg0, %c0_i32_0 : i32, i32, i32
  }
  func.func @transform_1(%arg0: i32) -> (i32, i32, i32) {
    %c0_i32 = arith.constant 0 : i32
    %c0_i32_0 = arith.constant 0 : i32
    %c0_i32_1 = arith.constant 0 : i32
    return %c0_i32, %arg0, %c0_i32_0 : i32, i32, i32
  }
  func.func @transform_2(%arg0: i32) -> (i32, i32) {
    %c0_i32 = arith.constant 0 : i32
    %c0_i32_0 = arith.constant 0 : i32
    return %arg0, %c0_i32 : i32, i32
  }
  func.func @transform_3(%arg0: i32) -> (i32, i32) {
    %c0_i32 = arith.constant 0 : i32
    %c0_i32_0 = arith.constant 0 : i32
    %c0_i32_1 = arith.constant 0 : i32
    return %c0_i32, %c0_i32_0 : i32, i32
  }
  func.func @transform_4(%arg0: i32) -> (i32, i32) {
    %c0_i32 = arith.constant 0 : i32
    %c0_i32_0 = arith.constant 0 : i32
    %c0_i32_1 = arith.constant 0 : i32
    return %c0_i32, %c0_i32_0 : i32, i32
  }
  func.func @transform_5(%arg0: i32) -> (i32, i32) {
    %c0_i32 = arith.constant 0 : i32
    %c0_i32_0 = arith.constant 0 : i32
    %c0_i32_1 = arith.constant 0 : i32
    return %c0_i32, %c0_i32_0 : i32, i32
  }
  func.func @transform_6(%arg0: i32) -> (i32, i32) {
    %c0_i32 = arith.constant 0 : i32
    %c0_i32_0 = arith.constant 0 : i32
    %c0_i32_1 = arith.constant 0 : i32
    return %c0_i32, %c0_i32_0 : i32, i32
  }
  func.func @transform_7(%arg0: i32) -> (i32, i32) {
    %c0_i32 = arith.constant 0 : i32
    %c0_i32_0 = arith.constant 0 : i32
    return %arg0, %c0_i32 : i32, i32
  }
}

</mosaic_0001>

<sc_bundles>
// kernel: kernel.11.cloned.1.call-start
scs
__scs_entry_jumppad:
0x0: {  	(pc) =	sbr.rel $0x88, $3  }
0x1: {  	(tag) =	ssettag $0x0;
	lr =	simm.s32 $0x1  }
0x2: {  	[smem:$0x3F96] =	sst lr;
	_ =	strace $0xD0000000  }
0x3: {  	_ = 	snop  }
0x4: {  	_ = 	snop  }
0x5: {  	_ = 	snop  }
0x6: {  	_ = 	snop  }
0x7: {  	_ = 	snop  }
__scs_overlays_trampoline_lowered:
0x8: {  	[smem:$0x3FA5] =	sst s0  }
0x9: {  	[smem:$0x3FA6] =	sst s1  }
0xa: {  	[smem:$0x3FA7] =	sst s2  }
0xb: {  	[smem:$0x3FA8] =	sst s3  }
0xc: {  	[smem:$0x3FA9] =	sst s4  }
0xd: {  	[smem:$0x3FAA] =	sst s5  }
0xe: {  	[smem:$0x3FAB] =	sst s6  }
0xf: {  	[smem:$0x3FAC] =	sst s7  }
0x10: {  	[smem:$0x3FAD] =	sst s8  }
0x11: {  	[smem:$0x3FAE] =	sst s9;
	s0 =	simm.s32 @!p0 $0x0  }
0x12: {  	s1 =	sld [smem:$0x3F94];
	s0 =	simm.s32 @p0 $0x1  }
0x13: {  	[smem:$0x3FAF] =	sst s0;
	s0 =	simm.s32 @!p1 $0x0  }
0x14: {  	s2 =	sld [smem:$0x3F93];
	s0 =	simm.s32 @p1 $0x1  }
0x15: {  	[smem:$0x3FB0] =	sst s0;
	s0 =	simm.s32 @!p2 $0x0  }
0x16: {  	s3 =	sld [smem:$0x3FDB];
	s0 =	simm.s32 @p2 $0x1  }
0x17: {  	s4 =	simm.s32 $0x1BF5;
	[smem:$0x3FB2] =	sst s0  }
0x18: {  	s0 =	sld [smem:$0x3F95];
	_ =	swait.ge [sflag:s4], $0x0  }
0x19: {  	s7 =	sld [smem:$0x3F96]  }
0x1a: {  	s8 =	sadd.s32 $0xFFFFE003, lr  }
0x1b: {  	s9 =	sadd.s32 $0xFFFFFEF7, lr;
	s5 =	simm.s32 $0xFFFFFFFF;
	p2 =	slt.u32 s8, $0xFFFFF086  }
0x1c: {  	p1 =	slt.u32 s9, $0xF7A;
	s5 =	simm.s32 @!p2 $0x0  }
0x1d: {  	s5 =	simm.s32 @p1 $0x1;
	p0 =	seq.s32 s7, s2  }
0x1e: {  	s7 =	smul.u32 @!p0 $0xF7A, s2;
	p2 =	seq.s32 @!p0 s5, $0x0  }
0x1f: {  	s9 =	smul.u32 $0xF7A, s1;
	s8 =	simm.s32 @!p0 $0x1BF5;
	p2 =	por !p2, p0  }
0x20: {  	[sflag:s8] =	ssyncset.s32 @!p0 $0xFFFFF086;
	s6 =	sadd.s32 @!p0 s3, s7;
	s7 =	simm.s32 @!p0 $0x108  }
0x21: {  	s3 =	sadd.s32 s3, s9;
	s6 =	sadd.s32 @!p0 $0x88, s6;
	s7 =	simm.s32 @p2 $0x1082  }
0x22: {  	[simem:s7], [sflag:s8] =	dma.local @!p0 [hbm:s6], $0xF7A  }
0x23: {  	s9 =	sor.u32 $0xD0000000, s2;
	s6 =	simm.s32 $0x108;
	_ =	swait.ge @!p0 [sflag:s8], $0x0  }
0x24: {  	s3 =	sadd.s32 $0x88, s3;
	s6 =	simm.s32 @!p1 $0x1082;
	[sflag:s4] =	ssyncset.s32 $0xFFFFF086  }
0x25: {  	[simem:s6], [sflag:s4] =	dma.local [hbm:s3], $0xF7A  }
0x26: {  	[smem:$0x3F96] =	sst s1;
	(tag) =	ssettag s2;
	_ =	strace s9  }
0x27: {  	s1 =	sld [smem:$0x3FA6]  }
0x28: {  	s2 =	sld [smem:$0x3FA7]  }
0x29: {  	s4 =	sld [smem:$0x3FA9]  }
0x2a: {  	p0 =	seq.s32 s5, $0x0;
	s5 =	sld [smem:$0x3FAA]  }
0x2b: {  	s6 =	sld [smem:$0x3FAB]  }
0x2c: {  	s7 =	sld [smem:$0x3FAC]  }
0x2d: {  	s3 =	simm.s32 $0x108;
	s8 =	sld [smem:$0x3FAD]  }
0x2e: {  	s3 =	simm.s32 @!p0 $0x1082;
	s9 =	sld [smem:$0x3FAE]  }
0x2f: {  	lr =	sadd.s32 s0, s3;
	s0 =	sld [smem:$0x3FA5]  }
0x30: {  	s3 =	sld [smem:$0x3FA8]  }
0x31: {  	[smem:$0x3FB1] =	sst s10  }
0x32: {  	s10 =	sld [smem:$0x3FAF];
	_ =	sdelay $0x3  }
0x33: {  	p0 =	seq.s32 s10, $0x1;
	s10 =	sld [smem:$0x3FB1];
	_ =	sdelay $0x3  }
0x34: {  	[smem:$0x3FB1] =	sst s10  }
0x35: {  	s10 =	sld [smem:$0x3FB0];
	_ =	sdelay $0x3  }
0x36: {  	p1 =	seq.s32 s10, $0x1;
	s10 =	sld [smem:$0x3FB1];
	_ =	sdelay $0x3  }
0x37: {  	[smem:$0x3FB1] =	sst s10  }
0x38: {  	s10 =	sld [smem:$0x3FB2]  }
0x39: {  	_ = 	snop;
	(pc) =	sbr.ind lr, $3  }
0x3a: {  	_ = 	snop  }
0x3b: {  	_ = 	snop  }
0x3c: {  	p2 =	seq.s32 s10, $0x1;
	s10 =	sld [smem:$0x3FB1]  }
0x3d: {  	_ =	shalt  }
0x3e: {  	_ =	shalt  }
0x3f: {  	_ =	shalt  }
0x40: {  	_ =	shalt  }
0x41: {  	_ =	shalt  }
0x42: {  	_ =	shalt  }
0x43: {  	_ =	shalt  }
0x44: {  	_ =	shalt  }
0x45: {  	_ =	shalt  }
0x46: {  	_ =	shalt  }
0x47: {  	_ =	shalt  }
0x48: {  	_ =	shalt  }
0x49: {  	_ =	shalt  }
0x4a: {  	_ =	shalt  }
0x4b: {  	_ =	shalt  }
0x4c: {  	_ =	shalt  }
0x4d: {  	_ =	shalt  }
0x4e: {  	_ =	shalt  }
0x4f: {  	_ =	shalt  }
0x50: {  	_ =	shalt  }
0x51: {  	_ =	shalt  }
0x52: {  	_ =	shalt  }
0x53: {  	_ =	shalt  }
0x54: {  	_ =	shalt  }
0x55: {  	_ =	shalt  }
0x56: {  	_ =	shalt  }
0x57: {  	_ =	shalt  }
0x58: {  	_ =	shalt  }
0x59: {  	_ =	shalt  }
0x5a: {  	_ =	shalt  }
0x5b: {  	_ =	shalt  }
0x5c: {  	_ =	shalt  }
0x5d: {  	_ =	shalt  }
0x5e: {  	_ =	shalt  }
0x5f: {  	_ =	shalt  }
0x60: {  	_ =	shalt  }
0x61: {  	_ =	shalt  }
0x62: {  	_ =	shalt  }
0x63: {  	_ =	shalt  }
0x64: {  	_ =	shalt  }
0x65: {  	_ =	shalt  }
0x66: {  	_ =	shalt  }
0x67: {  	_ =	shalt  }
0x68: {  	_ =	shalt  }
0x69: {  	_ =	shalt  }
0x6a: {  	_ =	shalt  }
0x6b: {  	_ =	shalt  }
0x6c: {  	_ =	shalt  }
0x6d: {  	_ =	shalt  }
0x6e: {  	_ =	shalt  }
0x6f: {  	_ =	shalt  }
0x70: {  	_ =	shalt  }
0x71: {  	_ =	shalt  }
0x72: {  	_ =	shalt  }
0x73: {  	_ =	shalt  }
0x74: {  	_ =	shalt  }
0x75: {  	_ =	shalt  }
0x76: {  	_ =	shalt  }
0x77: {  	_ =	shalt  }
0x78: {  	_ =	shalt  }
0x79: {  	_ =	shalt  }
0x7a: {  	_ =	shalt  }
0x7b: {  	_ =	shalt  }
0x7c: {  	_ =	shalt  }
0x7d: {  	_ =	shalt  }
0x7e: {  	_ =	shalt  }
0x7f: {  	_ =	shalt  }
0x80: {  	_ =	shalt  }
0x81: {  	_ =	shalt  }
0x82: {  	_ =	shalt  }
0x83: {  	_ =	shalt  }
0x84: {  	_ =	shalt  }
0x85: {  	_ =	shalt  }
0x86: {  	_ =	shalt  }
0x87: {  	_ =	shalt  }
.Lfunc_end0:
.L_simem_size_0:
called_computation.1_lowered:
.L_overlay_start_0:
0x88: {  	s2 =	sld [smem:$0x3FD9]  }
0x89: {  	s3 =	sld [smem:$0x3FFE];
	_ =	sdelay $0x1  }
0x8a: {  	s1 =	srdreg.scid  }
0x8b: {  	s0 =	sand.u32 $0x1, s1  }
0x8c: {  	s17 =	sshll.u32 s0, $0xA;
	s2 =	sadd.s32 s3, s2  }
0x8d: {  	s2 =	sadd.s32 s2, s17  }
0x8e: {  	[smem:$0x3FBD] =	sst s2  }
0x8f: {  	_ = 	snop  }
0x90: {  	s2 =	sld [smem:$0x3FD0];
	(tm) =	ssettm $0x1  }
0x91: {  	s18 =	sld [smem:$0x3FFB];
	_ =	sdelay $0x3  }
0x92: {  	_ =	strace s18  }
0x93: {  	s3 =	sld [smem:$0x3FFC];
	_ =	sdelay $0x3  }
0x94: {  	_ =	strace s3  }
0x95: {  	s3 =	sld [smem:$0x3FFD];
	_ =	sdelay $0x3  }
0x96: {  	_ =	strace s3  }
0x97: {  	_ =	strace $0x8FFFFFFF  }
0x98: {  	s19 =	sld [smem:$0x3FDB];
	_ =	sdelay $0x1  }
0x99: {  	s4 =	simm.s32 $_scs_section_size  }
0x9a: {  	s5 =	simm.s32 $_size__tile_overlayer_lowered;
	s6 =	simm.s32 $_tile_overlayer_lowered  }
0x9b: {  	s22 =	simm.s32 $0x1BFF;
	s21 =	sshll.u32 s6, $0x1;
	s3 =	sadd.s32 s4, s19  }
0x9c: {  	s7 =	simm.s32 $0x0;
	s20 =	sshll.u32 s5, $0x1;
	s5 =	sadd.s32 s21, s3  }
0x9d: {  	[timem:s7], [sflag:s22] =	dma.local [hbm:s5], s20  }
0x9e: {  	_ =	swait.ge [sflag:s22], s20  }
0x9f: {  	s4 =	ssub.s32 $0x0, s20;
	[sflag:s22] =	ssyncset.done $0x0  }
0xa0: {  	[sflag:s22] =	ssyncadd.s32 s4;
	_ =	sdelay $0x1  }
0xa1: {  	s23 =	simm.s32 $0x1B8B  }
0xa2: {  	_ =	swait.ge [sflag:s23], $0x1  }
0xa3: {  	[sflag:s23] =	ssyncset.done $0x0  }
0xa4: {  	s25 =	simm.s32 $0x1B8E;
	s24 =	sld [smem:$0x3FFE];
	[sflag:s23] =	ssyncadd.s32 $0xFFFFFFFF  }
0xa5: {  	s26 =	simm.s32 $execute0_lowered;
	[smem:$0x3FD2] =	sst s25  }
0xa6: {  	s5 =	sshll.u32 s26, $0x1;
	_ =	strace $0x80000049;
	[dreg:$0x1] =	wrdreg $0xFFFFFFFF  }
0xa7: {  	s28 =	simm.s32 $_size_execute0_lowered;
	s3 =	sadd.s32 s3, s5;
	[dreg:$0x0] =	wrdreg $0x0  }
0xa8: {  	s5 =	sshll.u32 s28, $0x1;
	[dreg:$0x2] =	wrdreg s3  }
0xa9: {  	[dreg:$0x3] =	wrdreg s5  }
0xaa: {  	[dreg:$0x4] =	wrdreg $0xC0  }
0xab: {  	_ =	task [dreg:s7], $0x5FFFF  }
0xac: {  	[dreg:$0x1] =	wrdreg $0xFFFFFFFF  }
0xad: {  	[dreg:$0x0] =	wrdreg $0x60  }
0xae: {  	[dreg:$0x2] =	wrdreg s24  }
0xaf: {  	[dreg:$0x3] =	wrdreg s2  }
0xb0: {  	[dreg:$0x4] =	wrdreg $0x82000  }
0xb1: {  	[dreg:$0x5] =	wrdreg $0x9  }
0xb2: {  	_ =	task.clear_ibuf [dreg:s7], $0x6FFFF;
	_ =	strace $0x90000049  }
0xb3: {  	s29 =	simm.s32 $0x9;
	_ =	strace $0x8000004B  }
0xb4: {  	_ =	swait.ge [sflag:s29], $0x1  }
0xb5: {  	[sflag:s29] =	ssyncadd.s32 $0xFFFFFFFF  }
0xb6: {  	_ =	strace $0x9000004B  }
0xb7: {  	_ =	sfence  }
0xb8: {  	s30 =	sld [smem:$0x0];
	_ =	sdelay $0x2  }
0xb9: {  	s31 =	sshll.u32 s1, $0xD;
	s1 =	sshrl.u32 s1, $0x2  }
0xba: {  	s3 =	sand.u32 $0x4000, s31;
	s1 =	sadd.s32 s1, s30  }
0xbb: {  	s0 =	sor.u32 s3, s0;
	s1 =	sshll.u32 s1, $0x11  }
0xbc: {  	s0 =	sor.u32 s1, s0  }
0xbd: {  	s0 =	sadd.s32 $0x8F2B, s0  }
0xbe: {  	[sflag:s0] =	ssyncadd.remote.s32 $0x1  }
0xbf: {  	_ =	sfence.sel $0xFFFF  }
0xc0: {  	[dreg:$0x0] =	wrdreg $0xFFFFFFFF;
	(pc) =	sbr.abs _section_cstart, $3  }
0xc1: {  	[dreg:$0x1] =	wrdreg $0xFFFFFFFF  }
0xc2: {  	_ =	task.clear_ibuf [dreg:s7], $0x2FFFF;
	_ =	strace $0x9FFFFFFF  }
0xc3: {  	(tm) =	ssettm $0x7FFFFFFF  }
tec
execute0_lowered:
.L_overlay_start_1:
0x0: {  	(tag) =	ssettag $0x1  }
0x1: {  	s0 =	rddreg [dreg:$0x0]  }
0x2: {  	s1 =	rddreg [dreg:$0x1]  }
0x3: {  	s2 =	rddreg [dreg:$0x2];
	s3 =	simm.s32 $0x0  }
0x4: {  	s12 =	stileid.u32;
	s4 =	srdreg.scid;
	s28 =	simm.s32 $0x100  }
0x5: {  	s29 =	simm.s32 $0x180;
	s30 =	simm.s32 $0x4200;
	s31 =	simm.s32 $0x1  }
0x6: {  	[smem:$0x7FF] =	sst s3;
	s6 =	smul.u32 $0x13C00, s12;
	s7 =	sand.u32 $0x1, s4  }
0x7: {  	s4 =	sadd.s32 $0x49800, s0;
	s5 =	sadd.s32 $0x71000, s0;
	s11 =	sadd.s32 $0x2600, s0  }
0x8: {  	s14 =	sadd.s32 $0x16200, s0;
	s15 =	sadd.s32 $0xC400, s0;
	s19 =	smul.u32 $0x4F000, s12  }
0x9: {  	s21 =	sshll.u32 s12, $0x6;
	_ =	strace $0x8000004A;
	s8 =	smul.u32 $0x13C000, s7  }
0xa: {  	s10 =	ssub.s32 $0x2, s7;
	s7 =	smul.u32 $0x4F0, s7;
	s9 =	sshrl.u32 s6, $0x3  }
0xb: {  	s20 =	sshrl.u32 s10, $0x1;
	s6 =	sadd.s32 s6, s8;
	s9 =	sadd.s32 s9, s0  }
0xc: {  	s8 =	sshrl.u32 s19, $0x2;
	s7 =	sor.u32 s12, s7;
	s6 =	sshrl.u32 s6, $0x3  }
0xd: {  	s8 =	sadd.s32 s8, s2;
	s18 =	sshll.u32 s7, $0x4;
	s7 =	sadd.s32 $0x22000, s9  }
0xe: {  	s0 =	sadd.s32 s6, s0;
	s6 =	ssub.s32 s10, s20;
	[dreg:$0x4] =	wrdreg s8  }
0xf: {  	s8 =	sor.u32 $0x1C03, s21;
	s22 =	sadd.s32 s1, s18;
	s23 =	sadd.s32 s11, s18  }
0x10: {  	s12 =	sadd.s32 s14, s18;
	s13 =	sadd.s32 s15, s18;
	s26 =	sadd.s32 $0x100, s18  }
0x11: {  	s24 =	sadd.s32 $0x98800, s0;
	s0 =	sadd.s32 $0xE7800, s0;
	[dreg:$0x5] =	wrdreg s22  }
0x12: {  	s25 =	smax.u32 s6, $0x1;
	s16 =	sadd.s32 $0x200, s22;
	[dreg:$0x6] =	wrdreg s23  }
0x13: {  	s17 =	sadd.s32 $0x200, s23;
	s18 =	sadd.s32 s26, s1;
	s19 =	sadd.s32 s26, s11  }
0x14: {  	s20 =	sadd.s32 $0x200, s12;
	s21 =	sadd.s32 $0x200, s13;
	[dreg:$0x7] =	wrdreg s24  }
0x15: {  	s22 =	sadd.s32 s26, s14;
	s23 =	sadd.s32 s26, s15;
	[dreg:$0x8] =	wrdreg s0  }
0x16: {  	s26 =	simm.s32 $0x200;
	s1 =	simm.s32 $0x0;
	[dreg:$0x9] =	wrdreg s25  }
0x17: {  	s24 =	simm.s32 $0x3;
	s25 =	simm.s32 $0x80;
	s0 =	simm.s32 $0x2  }
.LBB2_1:
0x18: {  	s6 =	rddreg [dreg:$0x4]  }
0x19: {  	s6 =	sshrl.u32 s6, $0x3  }
0x1a: {  	[spmem:s6], [sflag:s8] =	dma.local [hbm:s7], $0x2780  }
0x1b: {  	_ =	swait.ge [sflag:s24], $0x2780  }
0x1c: {  	[sflag:s24] =	ssyncset.done $0x0  }
0x1d: {  	[sflag:s24] =	ssyncadd.s32 $0xFFFFD880  }
0x1e: {  	[bflag:$0x0] =	sbarrier.arrive $0xFFFF  }
0x1f: {  	s9 =	rddreg [dreg:$0x5]  }
0x20: {  	[tilespmem:s3], [sflag:$0x3] =	stream.linear.gather [hbm4b:s9+s3], $0x80, $0x38;
	[tilespmem:$0x1BE00] =	vst v63  }
0x21: {  	_ =	swait.ge [sflag:s24], $0x80  }
0x22: {  	[sflag:s24] =	ssyncset.done $0x0  }
0x23: {  	s15 =	rddreg [dreg:$0x6];
	[sflag:s24] =	ssyncadd.s32 $0xFFFFFF80  }
0x24: {  	[tilespmem:s25], [sflag:$0x3] =	stream.linear.gather [hbm4b:s15+s3], $0x80, $0x38;
	[tilespmem:$0x1BE00] =	vst v63  }
0x25: {  	_ =	swait.ge [sflag:s24], $0x80  }
0x26: {  	[sflag:s24] =	ssyncset.done $0x0  }
0x27: {  	[sflag:s24] =	ssyncadd.s32 $0xFFFFFF80  }
0x28: {  	[tilespmem:s26], [sflag:$0x1] =	stream.indirect.gather [hbm4b:s4+s25], $0x80, s3, s25, $0xb8;
	[tilespmem:$0x1BE00] =	vst v63  }
0x29: {  	s11 =	sadd.s32 $0x0, s18  }
0x2a: {  	[tilespmem:s28], [sflag:$0x3] =	stream.linear.gather [hbm4b:s11+s3], $0x80, $0x38;
	[tilespmem:$0x1BE00] =	vst v63  }
0x2b: {  	_ =	swait.ge [sflag:s24], $0x80  }
0x2c: {  	[sflag:s24] =	ssyncset.done $0x0  }
0x2d: {  	s10 =	sadd.s32 $0x0, s19;
	[sflag:s24] =	ssyncadd.s32 $0xFFFFFF80  }
0x2e: {  	[tilespmem:s29], [sflag:$0x3] =	stream.linear.gather [hbm4b:s10+s3], $0x80, $0x38;
	[tilespmem:$0x1BE00] =	vst v63  }
0x2f: {  	_ =	swait.ge [sflag:s24], $0x80  }
0x30: {  	[sflag:s24] =	ssyncset.done $0x0  }
0x31: {  	[sflag:s24] =	ssyncadd.s32 $0xFFFFFF80  }
0x32: {  	[tilespmem:s30], [sflag:$0x2] =	stream.indirect.gather [hbm4b:s4+s25], $0x80, s28, s25, $0xb8;
	[tilespmem:$0x1BE00] =	vst v63  }
0x33: {  	_ =	swait.ge [sflag:s31], $0x4000  }
0x34: {  	[sflag:s31] =	ssyncset.done $0x0  }
0x35: {  	[sflag:s31] =	ssyncadd.s32 $0xFFFFC000  }
0x36: {  	[spmem:s2] =	stream.indirect.scatter.add.f32 [tilespmem:s26], [sflag:$0x3], $0x80, s25, s25, $0xb8;
	[tilespmem:$0x1BE00] =	vst v63  }
0x37: {  	_ =	swait.ge [sflag:s24], $0x4000  }
0x38: {  	[sflag:s24] =	ssyncset.done $0x0  }
0x39: {  	s14 =	sadd.s32 $0x0, s16;
	[sflag:s24] =	ssyncadd.s32 $0xFFFFC000  }
0x3a: {  	[tilespmem:s3], [sflag:$0x3] =	stream.linear.gather [hbm4b:s14+s3], $0x80, $0x38;
	[tilespmem:$0x1BE00] =	vst v63  }
0x3b: {  	_ =	swait.ge [sflag:s24], $0x80  }
0x3c: {  	[sflag:s24] =	ssyncset.done $0x0  }
0x3d: {  	s15 =	sadd.s32 $0x0, s17;
	[sflag:s24] =	ssyncadd.s32 $0xFFFFFF80  }
0x3e: {  	[tilespmem:s25], [sflag:$0x3] =	stream.linear.gather [hbm4b:s15+s3], $0x80, $0x38;
	[tilespmem:$0x1BE00] =	vst v63  }
0x3f: {  	_ =	swait.ge [sflag:s24], $0x80  }
0x40: {  	[sflag:s24] =	ssyncset.done $0x0  }
0x41: {  	[sflag:s24] =	ssyncadd.s32 $0xFFFFFF80  }
0x42: {  	[tilespmem:s26], [sflag:$0x1] =	stream.indirect.gather [hbm4b:s4+s25], $0x80, s3, s25, $0xb8;
	[tilespmem:$0x1BE00] =	vst v63  }
0x43: {  	_ =	swait.ge [sflag:s0], $0x4000  }
0x44: {  	[sflag:s0] =	ssyncset.done $0x0  }
0x45: {  	[sflag:s0] =	ssyncadd.s32 $0xFFFFC000  }
0x46: {  	[spmem:s2] =	stream.indirect.scatter.add.f32 [tilespmem:s30], [sflag:$0x3], $0x80, s29, s25, $0xb8;
	[tilespmem:$0x1BE00] =	vst v63  }
0x47: {  	_ =	swait.ge [sflag:s24], $0x4000  }
0x48: {  	s11 =	simm.s32 $0x200;
	s14 =	simm.s32 $0x400;
	[sflag:s24] =	ssyncset.done $0x0  }
.LBB2_2:
0x49: {  	s9 =	sadd.s32 s11, s18  }
0x4a: {  	[sflag:s24] =	ssyncadd.s32 $0xFFFFC000;
	s10 =	smov.u32 s14;
	s15 =	sadd.s32 $0x200, s14  }
0x4b: {  	[tilespmem:s28], [sflag:$0x3] =	stream.linear.gather [hbm4b:s9+s3], $0x80, $0x38;
	[tilespmem:$0x1BE00] =	vst v63  }
0x4c: {  	p0 =	sne.s32 s14, $0x4C00;
	_ =	swait.ge [sflag:s24], $0x80  }
0x4d: {  	[sflag:s24] =	ssyncset.done $0x0  }
0x4e: {  	s9 =	sadd.s32 s11, s19;
	[sflag:s24] =	ssyncadd.s32 $0xFFFFFF80  }
0x4f: {  	[tilespmem:s29], [sflag:$0x3] =	stream.linear.gather [hbm4b:s9+s3], $0x80, $0x38;
	[tilespmem:$0x1BE00] =	vst v63  }
0x50: {  	_ =	swait.ge [sflag:s24], $0x80  }
0x51: {  	[sflag:s24] =	ssyncset.done $0x0  }
0x52: {  	[sflag:s24] =	ssyncadd.s32 $0xFFFFFF80  }
0x53: {  	[tilespmem:s30], [sflag:$0x2] =	stream.indirect.gather [hbm4b:s4+s25], $0x80, s28, s25, $0xb8;
	[tilespmem:$0x1BE00] =	vst v63  }
0x54: {  	_ =	swait.ge [sflag:s31], $0x4000  }
0x55: {  	[sflag:s31] =	ssyncset.done $0x0  }
0x56: {  	[sflag:s31] =	ssyncadd.s32 $0xFFFFC000  }
0x57: {  	[spmem:s2] =	stream.indirect.scatter.add.f32 [tilespmem:s26], [sflag:$0x3], $0x80, s25, s25, $0xb8;
	[tilespmem:$0x1BE00] =	vst v63  }
0x58: {  	_ =	swait.ge [sflag:s24], $0x4000  }
0x59: {  	[sflag:s24] =	ssyncset.done $0x0  }
0x5a: {  	s9 =	sadd.s32 s11, s16;
	[sflag:s24] =	ssyncadd.s32 $0xFFFFC000  }
0x5b: {  	[tilespmem:s3], [sflag:$0x3] =	stream.linear.gather [hbm4b:s9+s3], $0x80, $0x38;
	[tilespmem:$0x1BE00] =	vst v63  }
0x5c: {  	_ =	swait.ge [sflag:s24], $0x80  }
0x5d: {  	[sflag:s24] =	ssyncset.done $0x0  }
0x5e: {  	s9 =	sadd.s32 s11, s17;
	s11 =	smov.u32 s10;
	[sflag:s24] =	ssyncadd.s32 $0xFFFFFF80  }
0x5f: {  	[tilespmem:s25], [sflag:$0x3] =	stream.linear.gather [hbm4b:s9+s3], $0x80, $0x38;
	[tilespmem:$0x1BE00] =	vst v63  }
0x60: {  	_ =	swait.ge [sflag:s24], $0x80  }
0x61: {  	[sflag:s24] =	ssyncset.done $0x0  }
0x62: {  	[sflag:s24] =	ssyncadd.s32 $0xFFFFFF80  }
0x63: {  	[tilespmem:s26], [sflag:$0x1] =	stream.indirect.gather [hbm4b:s4+s25], $0x80, s3, s25, $0xb8;
	[tilespmem:$0x1BE00] =	vst v63  }
0x64: {  	_ =	swait.ge [sflag:s0], $0x4000  }
.Ltmp0:
0x65: {  	[sflag:s0] =	ssyncset.done $0x0;
	(pc) =	sbr.rel @p0 .LBB2_2-.Ltmp0, $4  }
0x66: {  	[sflag:s0] =	ssyncadd.s32 $0xFFFFC000  }
0x67: {  	[spmem:s2] =	stream.indirect.scatter.add.f32 [tilespmem:s30], [sflag:$0x3], $0x80, s29, s25, $0xb8;
	[tilespmem:$0x1BE00] =	vst v63  }
0x68: {  	_ =	swait.ge [sflag:s24], $0x4000  }
0x69: {  	s14 =	smov.u32 s15;
	[sflag:s24] =	ssyncset.done $0x0  }
0x6a: {  	s9 =	sadd.s32 s11, s18;
	[sflag:s24] =	ssyncadd.s32 $0xFFFFC000  }
0x6b: {  	[tilespmem:s28], [sflag:$0x3] =	stream.linear.gather [hbm4b:s9+s3], $0x80, $0x38;
	[tilespmem:$0x1BE00] =	vst v63  }
0x6c: {  	_ =	swait.ge [sflag:s24], $0x80  }
0x6d: {  	[sflag:s24] =	ssyncset.done $0x0  }
0x6e: {  	s15 =	sadd.s32 s11, s19;
	[sflag:s24] =	ssyncadd.s32 $0xFFFFFF80  }
0x6f: {  	[tilespmem:s29], [sflag:$0x3] =	stream.linear.gather [hbm4b:s15+s3], $0x80, $0x38;
	[tilespmem:$0x1BE00] =	vst v63  }
0x70: {  	_ =	swait.ge [sflag:s24], $0x80  }
0x71: {  	[sflag:s24] =	ssyncset.done $0x0  }
0x72: {  	[sflag:s24] =	ssyncadd.s32 $0xFFFFFF80  }
0x73: {  	[tilespmem:s30], [sflag:$0x2] =	stream.indirect.gather [hbm4b:s4+s25], $0x80, s28, s25, $0xb8;
	[tilespmem:$0x1BE00] =	vst v63  }
0x74: {  	_ =	swait.ge [sflag:s31], $0x4000  }
0x75: {  	[sflag:s31] =	ssyncset.done $0x0  }
0x76: {  	[sflag:s31] =	ssyncadd.s32 $0xFFFFC000  }
0x77: {  	[spmem:s2] =	stream.indirect.scatter.add.f32 [tilespmem:s26], [sflag:$0x3], $0x80, s25, s25, $0xb8;
	[tilespmem:$0x1BE00] =	vst v63  }
0x78: {  	_ =	swait.ge [sflag:s24], $0x4000  }
0x79: {  	[sflag:s24] =	ssyncset.done $0x0  }
0x7a: {  	s10 =	sadd.s32 s11, s16;
	[sflag:s24] =	ssyncadd.s32 $0xFFFFC000  }
0x7b: {  	[tilespmem:s3], [sflag:$0x3] =	stream.linear.gather [hbm4b:s10+s3], $0x80, $0x38;
	[tilespmem:$0x1BE00] =	vst v63  }
0x7c: {  	_ =	swait.ge [sflag:s24], $0x80  }
0x7d: {  	[sflag:s24] =	ssyncset.done $0x0  }
0x7e: {  	s11 =	sadd.s32 s11, s17;
	[sflag:s24] =	ssyncadd.s32 $0xFFFFFF80  }
0x7f: {  	[tilespmem:s25], [sflag:$0x3] =	stream.linear.gather [hbm4b:s11+s3], $0x80, $0x38;
	[tilespmem:$0x1BE00] =	vst v63  }
0x80: {  	_ =	swait.ge [sflag:s24], $0x80  }
0x81: {  	[sflag:s24] =	ssyncset.done $0x0  }
0x82: {  	[sflag:s24] =	ssyncadd.s32 $0xFFFFFF80  }
0x83: {  	[tilespmem:s26], [sflag:$0x1] =	stream.indirect.gather [hbm4b:s4+s25], $0x80, s3, s25, $0xb8;
	[tilespmem:$0x1BE00] =	vst v63  }
0x84: {  	_ =	swait.ge [sflag:s0], $0x4000  }
0x85: {  	[sflag:s0] =	ssyncset.done $0x0  }
0x86: {  	[sflag:s0] =	ssyncadd.s32 $0xFFFFC000  }
0x87: {  	[spmem:s2] =	stream.indirect.scatter.add.f32 [tilespmem:s30], [sflag:$0x3], $0x80, s29, s25, $0xb8;
	[tilespmem:$0x1BE00] =	vst v63  }
0x88: {  	_ =	swait.ge [sflag:s24], $0x4000  }
0x89: {  	[sflag:s24] =	ssyncset.done $0x0  }
0x8a: {  	[sflag:s24] =	ssyncadd.s32 $0xFFFFC000  }
0x8b: {  	_ =	swait.ge [sflag:s31], $0x4000  }
0x8c: {  	[sflag:s31] =	ssyncset.done $0x0  }
0x8d: {  	[sflag:s31] =	ssyncadd.s32 $0xFFFFC000  }
0x8e: {  	[spmem:s2] =	stream.indirect.scatter.add.f32 [tilespmem:s26], [sflag:$0x3], $0x80, s25, s25, $0xb8;
	[tilespmem:$0x1BE00] =	vst v63  }
0x8f: {  	_ =	swait.ge [sflag:s24], $0x4000  }
0x90: {  	[sflag:s24] =	ssyncset.done $0x0  }
0x91: {  	[sflag:s24] =	ssyncadd.s32 $0xFFFFC000  }
0x92: {  	[bflag:$0x0] =	sbarrier.arrive $0xFFFF  }
0x93: {  	s14 =	rddreg [dreg:$0x7]  }
0x94: {  	[hbm:s14], [sflag:s8] =	dma.local [spmem:s6], $0x2780  }
0x95: {  	_ =	swait.ge [sflag:s24], $0x2780  }
0x96: {  	[sflag:s24] =	ssyncset.done $0x0  }
0x97: {  	[sflag:s24] =	ssyncadd.s32 $0xFFFFD880  }
0x98: {  	[bflag:$0x0] =	sbarrier.arrive $0xFFFF  }
0x99: {  	[spmem:s6], [sflag:s8] =	dma.local [hbm:s7], $0x2780  }
0x9a: {  	_ =	swait.ge [sflag:s24], $0x2780  }
0x9b: {  	[sflag:s24] =	ssyncset.done $0x0  }
0x9c: {  	[sflag:s24] =	ssyncadd.s32 $0xFFFFD880  }
0x9d: {  	s15 =	simm.s32 $0x0;
	[bflag:$0x0] =	sbarrier.arrive $0xFFFF  }
0x9e: {  	[tilespmem:s15], [sflag:$0x3] =	stream.linear.gather [hbm4b:s12+s15], $0x80, $0x38;
	[tilespmem:$0x1BE00] =	vst v63  }
0x9f: {  	_ =	swait.ge [sflag:s24], $0x80  }
0xa0: {  	[sflag:s24] =	ssyncset.done $0x0  }
0xa1: {  	[sflag:s24] =	ssyncadd.s32 $0xFFFFFF80  }
0xa2: {  	[tilespmem:s25], [sflag:$0x3] =	stream.linear.gather [hbm4b:s13+s15], $0x80, $0x38;
	[tilespmem:$0x1BE00] =	vst v63  }
0xa3: {  	_ =	swait.ge [sflag:s24], $0x80  }
0xa4: {  	[sflag:s24] =	ssyncset.done $0x0  }
0xa5: {  	[sflag:s24] =	ssyncadd.s32 $0xFFFFFF80  }
0xa6: {  	[tilespmem:s26], [sflag:$0x1] =	stream.indirect.gather [hbm4b:s5+s25], $0x80, s15, s25, $0xb8;
	[tilespmem:$0x1BE00] =	vst v63  }
0xa7: {  	s10 =	sadd.s32 $0x0, s22  }
0xa8: {  	[tilespmem:s28], [sflag:$0x3] =	stream.linear.gather [hbm4b:s10+s3], $0x80, $0x38;
	[tilespmem:$0x1BE00] =	vst v63  }
0xa9: {  	_ =	swait.ge [sflag:s24], $0x80  }
0xaa: {  	[sflag:s24] =	ssyncset.done $0x0  }
0xab: {  	s11 =	sadd.s32 $0x0, s23;
	[sflag:s24] =	ssyncadd.s32 $0xFFFFFF80  }
0xac: {  	[tilespmem:s29], [sflag:$0x3] =	stream.linear.gather [hbm4b:s11+s3], $0x80, $0x38;
	[tilespmem:$0x1BE00] =	vst v63  }
0xad: {  	_ =	swait.ge [sflag:s24], $0x80  }
0xae: {  	[sflag:s24] =	ssyncset.done $0x0  }
0xaf: {  	[sflag:s24] =	ssyncadd.s32 $0xFFFFFF80  }
0xb0: {  	[tilespmem:s30], [sflag:$0x2] =	stream.indirect.gather [hbm4b:s5+s25], $0x80, s28, s25, $0xb8;
	[tilespmem:$0x1BE00] =	vst v63  }
0xb1: {  	_ =	swait.ge [sflag:s31], $0x4000  }
0xb2: {  	[sflag:s31] =	ssyncset.done $0x0  }
0xb3: {  	[sflag:s31] =	ssyncadd.s32 $0xFFFFC000  }
0xb4: {  	[spmem:s2] =	stream.indirect.scatter.add.f32 [tilespmem:s26], [sflag:$0x3], $0x80, s25, s25, $0xb8;
	[tilespmem:$0x1BE00] =	vst v63  }
0xb5: {  	_ =	swait.ge [sflag:s24], $0x4000  }
0xb6: {  	[sflag:s24] =	ssyncset.done $0x0  }
0xb7: {  	s14 =	sadd.s32 $0x0, s20;
	[sflag:s24] =	ssyncadd.s32 $0xFFFFC000  }
0xb8: {  	[tilespmem:s3], [sflag:$0x3] =	stream.linear.gather [hbm4b:s14+s3], $0x80, $0x38;
	[tilespmem:$0x1BE00] =	vst v63  }
0xb9: {  	_ =	swait.ge [sflag:s24], $0x80  }
0xba: {  	[sflag:s24] =	ssyncset.done $0x0  }
0xbb: {  	s15 =	sadd.s32 $0x0, s21;
	[sflag:s24] =	ssyncadd.s32 $0xFFFFFF80  }
0xbc: {  	[tilespmem:s25], [sflag:$0x3] =	stream.linear.gather [hbm4b:s15+s3], $0x80, $0x38;
	[tilespmem:$0x1BE00] =	vst v63  }
0xbd: {  	_ =	swait.ge [sflag:s24], $0x80  }
0xbe: {  	[sflag:s24] =	ssyncset.done $0x0  }
0xbf: {  	[sflag:s24] =	ssyncadd.s32 $0xFFFFFF80  }
0xc0: {  	[tilespmem:s26], [sflag:$0x1] =	stream.indirect.gather [hbm4b:s5+s25], $0x80, s3, s25, $0xb8;
	[tilespmem:$0x1BE00] =	vst v63  }
0xc1: {  	_ =	swait.ge [sflag:s0], $0x4000  }
0xc2: {  	[sflag:s0] =	ssyncset.done $0x0  }
0xc3: {  	[sflag:s0] =	ssyncadd.s32 $0xFFFFC000  }
0xc4: {  	[spmem:s2] =	stream.indirect.scatter.add.f32 [tilespmem:s30], [sflag:$0x3], $0x80, s29, s25, $0xb8;
	[tilespmem:$0x1BE00] =	vst v63  }
0xc5: {  	_ =	swait.ge [sflag:s24], $0x4000  }
0xc6: {  	s11 =	simm.s32 $0x200;
	s15 =	simm.s32 $0x400;
	[sflag:s24] =	ssyncset.done $0x0  }
.LBB2_4:
0xc7: {  	s9 =	sadd.s32 s11, s22  }
0xc8: {  	[sflag:s24] =	ssyncadd.s32 $0xFFFFC000;
	s10 =	smov.u32 s15;
	s14 =	sadd.s32 $0x200, s15  }
0xc9: {  	[tilespmem:s28], [sflag:$0x3] =	stream.linear.gather [hbm4b:s9+s3], $0x80, $0x38;
	[tilespmem:$0x1BE00] =	vst v63  }
0xca: {  	p0 =	sne.s32 s15, $0x4C00;
	_ =	swait.ge [sflag:s24], $0x80  }
0xcb: {  	[sflag:s24] =	ssyncset.done $0x0  }
0xcc: {  	s9 =	sadd.s32 s11, s23;
	[sflag:s24] =	ssyncadd.s32 $0xFFFFFF80  }
0xcd: {  	[tilespmem:s29], [sflag:$0x3] =	stream.linear.gather [hbm4b:s9+s3], $0x80, $0x38;
	[tilespmem:$0x1BE00] =	vst v63  }
0xce: {  	_ =	swait.ge [sflag:s24], $0x80  }
0xcf: {  	[sflag:s24] =	ssyncset.done $0x0  }
0xd0: {  	[sflag:s24] =	ssyncadd.s32 $0xFFFFFF80  }
0xd1: {  	[tilespmem:s30], [sflag:$0x2] =	stream.indirect.gather [hbm4b:s5+s25], $0x80, s28, s25, $0xb8;
	[tilespmem:$0x1BE00] =	vst v63  }
0xd2: {  	_ =	swait.ge [sflag:s31], $0x4000  }
0xd3: {  	[sflag:s31] =	ssyncset.done $0x0  }
0xd4: {  	[sflag:s31] =	ssyncadd.s32 $0xFFFFC000  }
0xd5: {  	[spmem:s2] =	stream.indirect.scatter.add.f32 [tilespmem:s26], [sflag:$0x3], $0x80, s25, s25, $0xb8;
	[tilespmem:$0x1BE00] =	vst v63  }
0xd6: {  	_ =	swait.ge [sflag:s24], $0x4000  }
0xd7: {  	[sflag:s24] =	ssyncset.done $0x0  }
0xd8: {  	s9 =	sadd.s32 s11, s20;
	[sflag:s24] =	ssyncadd.s32 $0xFFFFC000  }
0xd9: {  	[tilespmem:s3], [sflag:$0x3] =	stream.linear.gather [hbm4b:s9+s3], $0x80, $0x38;
	[tilespmem:$0x1BE00] =	vst v63  }
0xda: {  	_ =	swait.ge [sflag:s24], $0x80  }
0xdb: {  	[sflag:s24] =	ssyncset.done $0x0  }
0xdc: {  	s9 =	sadd.s32 s11, s21;
	s11 =	smov.u32 s10;
	[sflag:s24] =	ssyncadd.s32 $0xFFFFFF80  }
0xdd: {  	[tilespmem:s25], [sflag:$0x3] =	stream.linear.gather [hbm4b:s9+s3], $0x80, $0x38;
	[tilespmem:$0x1BE00] =	vst v63  }
0xde: {  	_ =	swait.ge [sflag:s24], $0x80  }
0xdf: {  	[sflag:s24] =	ssyncset.done $0x0  }
0xe0: {  	[sflag:s24] =	ssyncadd.s32 $0xFFFFFF80  }
0xe1: {  	[tilespmem:s26], [sflag:$0x1] =	stream.indirect.gather [hbm4b:s5+s25], $0x80, s3, s25, $0xb8;
	[tilespmem:$0x1BE00] =	vst v63  }
0xe2: {  	_ =	swait.ge [sflag:s0], $0x4000  }
.Ltmp1:
0xe3: {  	[sflag:s0] =	ssyncset.done $0x0;
	(pc) =	sbr.rel @p0 .LBB2_4-.Ltmp1, $4  }
0xe4: {  	[sflag:s0] =	ssyncadd.s32 $0xFFFFC000  }
0xe5: {  	[spmem:s2] =	stream.indirect.scatter.add.f32 [tilespmem:s30], [sflag:$0x3], $0x80, s29, s25, $0xb8;
	[tilespmem:$0x1BE00] =	vst v63  }
0xe6: {  	_ =	swait.ge [sflag:s24], $0x4000  }
0xe7: {  	s15 =	smov.u32 s14;
	[sflag:s24] =	ssyncset.done $0x0  }
0xe8: {  	s9 =	sadd.s32 s11, s22;
	[sflag:s24] =	ssyncadd.s32 $0xFFFFC000  }
0xe9: {  	[tilespmem:s28], [sflag:$0x3] =	stream.linear.gather [hbm4b:s9+s3], $0x80, $0x38;
	[tilespmem:$0x1BE00] =	vst v63  }
0xea: {  	_ =	swait.ge [sflag:s24], $0x80  }
0xeb: {  	[sflag:s24] =	ssyncset.done $0x0  }
0xec: {  	s15 =	sadd.s32 s11, s23;
	[sflag:s24] =	ssyncadd.s32 $0xFFFFFF80  }
0xed: {  	[tilespmem:s29], [sflag:$0x3] =	stream.linear.gather [hbm4b:s15+s3], $0x80, $0x38;
	[tilespmem:$0x1BE00] =	vst v63  }
0xee: {  	_ =	swait.ge [sflag:s24], $0x80  }
0xef: {  	[sflag:s24] =	ssyncset.done $0x0  }
0xf0: {  	[sflag:s24] =	ssyncadd.s32 $0xFFFFFF80  }
0xf1: {  	[tilespmem:s30], [sflag:$0x2] =	stream.indirect.gather [hbm4b:s5+s25], $0x80, s28, s25, $0xb8;
	[tilespmem:$0x1BE00] =	vst v63  }
0xf2: {  	_ =	swait.ge [sflag:s31], $0x4000  }
0xf3: {  	[sflag:s31] =	ssyncset.done $0x0  }
0xf4: {  	[sflag:s31] =	ssyncadd.s32 $0xFFFFC000  }
0xf5: {  	[spmem:s2] =	stream.indirect.scatter.add.f32 [tilespmem:s26], [sflag:$0x3], $0x80, s25, s25, $0xb8;
	[tilespmem:$0x1BE00] =	vst v63  }
0xf6: {  	_ =	swait.ge [sflag:s24], $0x4000  }
0xf7: {  	[sflag:s24] =	ssyncset.done $0x0  }
0xf8: {  	s10 =	sadd.s32 s11, s20;
	[sflag:s24] =	ssyncadd.s32 $0xFFFFC000  }
0xf9: {  	[tilespmem:s3], [sflag:$0x3] =	stream.linear.gather [hbm4b:s10+s3], $0x80, $0x38;
	[tilespmem:$0x1BE00] =	vst v63  }
0xfa: {  	_ =	swait.ge [sflag:s24], $0x80  }
0xfb: {  	[sflag:s24] =	ssyncset.done $0x0  }
0xfc: {  	s11 =	sadd.s32 s11, s21;
	[sflag:s24] =	ssyncadd.s32 $0xFFFFFF80  }
0xfd: {  	[tilespmem:s25], [sflag:$0x3] =	stream.linear.gather [hbm4b:s11+s3], $0x80, $0x38;
	[tilespmem:$0x1BE00] =	vst v63  }
0xfe: {  	_ =	swait.ge [sflag:s24], $0x80  }
0xff: {  	[sflag:s24] =	ssyncset.done $0x0  }
0x100: {  	[sflag:s24] =	ssyncadd.s32 $0xFFFFFF80  }
0x101: {  	[tilespmem:s26], [sflag:$0x1] =	stream.indirect.gather [hbm4b:s5+s25], $0x80, s3, s25, $0xb8;
	[tilespmem:$0x1BE00] =	vst v63  }
0x102: {  	_ =	swait.ge [sflag:s0], $0x4000  }
0x103: {  	[sflag:s0] =	ssyncset.done $0x0  }
0x104: {  	[sflag:s0] =	ssyncadd.s32 $0xFFFFC000  }
0x105: {  	[spmem:s2] =	stream.indirect.scatter.add.f32 [tilespmem:s30], [sflag:$0x3], $0x80, s29, s25, $0xb8;
	[tilespmem:$0x1BE00] =	vst v63  }
0x106: {  	_ =	swait.ge [sflag:s24], $0x4000  }
0x107: {  	[sflag:s24] =	ssyncset.done $0x0  }
0x108: {  	[sflag:s24] =	ssyncadd.s32 $0xFFFFC000  }
0x109: {  	_ =	swait.ge [sflag:s31], $0x4000  }
0x10a: {  	[sflag:s31] =	ssyncset.done $0x0  }
0x10b: {  	[sflag:s31] =	ssyncadd.s32 $0xFFFFC000  }
0x10c: {  	[spmem:s2] =	stream.indirect.scatter.add.f32 [tilespmem:s26], [sflag:$0x3], $0x80, s25, s25, $0xb8;
	[tilespmem:$0x1BE00] =	vst v63  }
0x10d: {  	_ =	swait.ge [sflag:s24], $0x4000  }
0x10e: {  	[sflag:s24] =	ssyncset.done $0x0  }
0x10f: {  	[sflag:s24] =	ssyncadd.s32 $0xFFFFC000  }
0x110: {  	[bflag:$0x0] =	sbarrier.arrive $0xFFFF  }
0x111: {  	s14 =	rddreg [dreg:$0x8]  }
0x112: {  	[hbm:s14], [sflag:s8] =	dma.local [spmem:s6], $0x2780  }
0x113: {  	_ =	swait.ge [sflag:s24], $0x2780  }
0x114: {  	s1 =	sadd.s32 $0x1, s1;
	s15 =	rddreg [dreg:$0x9]  }
0x115: {  	p0 =	sne.s32 s1, s15  }
.Ltmp2:
0x116: {  	_ = 	snop;
	(pc) =	sbr.rel @p0 .LBB2_1-.Ltmp2, $3  }
0x117: {  	[sflag:s24] =	ssyncset.done $0x0  }
0x118: {  	[sflag:s24] =	ssyncadd.s32 $0xFFFFD880  }
0x119: {  	[bflag:$0x0] =	sbarrier.arrive $0xFFFF;
	_ =	sdelay $0x1  }
0x11a: {  	_ =	sfence.sel $0x180000  }
0x11b: {  	[bflag:$0x0] =	sbarrier.arrive $0xFFFF  }
0x11c: {  	_ =	strace $0x9000004A  }
0x11d: {  	s0 =	stileid.u32;
	[bflag:$0x2] =	sbarrier.arrive $0xFFFF  }
0x11e: {  	p0 =	sne.s32 s0, $0x0;
	s0 =	rddreg [dreg:$0x3]  }
0x11f: {  	s0 =	sadd.s32 @!p0 $0x100000, s0  }
0x120: {  	[sflag:s0] =	ssyncadd.tile.s32 @!p0 $0x1;
	_ =	shalt  }
.Lfunc_end2:
_tile_overlayer_lowered:
.L_overlay_start_2:
0x121: {  	(tag) =	ssettag $0x2  }
0x122: {  	s0 =	rddreg [dreg:$0x0];
	s2 =	stileid.u32  }
0x123: {  	s1 =	rddreg [dreg:$0x1];
	p0 =	sne.s32 s2, $0x0  }
0x124: {  	s3 =	rddreg [dreg:$0x2];
	[bflag:$0x3] =	sbarrier.arrive $0xFFFF;
	s2 =	simm.s32 @!p0 $0x1C03  }
0x125: {  	[timem:s3], [sflag:s2] =	dma.local @!p0 [hbm:s0], s1  }
0x126: {  	s0 =	simm.s32 @!p0 $0x3  }
0x127: {  	_ =	swait.ge @!p0 [sflag:s0], s1  }
0x128: {  	s1 =	ssub.s32 @!p0 $0x0, s1;
	[sflag:s0] =	ssyncset.done @!p0 $0x0  }
0x129: {  	[sflag:s0] =	ssyncadd.s32 @!p0 s1  }
0x12a: {  	[bflag:$0x3] =	sbarrier.arrive $0xFFFF  }
0x12b: {  	_ =	shalt  }

// kernel: kernel.14.cloned.1.call-start
scs
__scs_entry_jumppad:
0x0: {  	(pc) =	sbr.rel $0x88, $3  }
0x1: {  	(tag) =	ssettag $0x0;
	lr =	simm.s32 $0x1  }
0x2: {  	[smem:$0x3F96] =	sst lr;
	_ =	strace $0xD0000000  }
0x3: {  	_ = 	snop  }
0x4: {  	_ = 	snop  }
0x5: {  	_ = 	snop  }
0x6: {  	_ = 	snop  }
0x7: {  	_ = 	snop  }
__scs_overlays_trampoline_lowered:
0x8: {  	[smem:$0x3FA5] =	sst s0  }
0x9: {  	[smem:$0x3FA6] =	sst s1  }
0xa: {  	[smem:$0x3FA7] =	sst s2  }
0xb: {  	[smem:$0x3FA8] =	sst s3  }
0xc: {  	[smem:$0x3FA9] =	sst s4  }
0xd: {  	[smem:$0x3FAA] =	sst s5  }
0xe: {  	[smem:$0x3FAB] =	sst s6  }
0xf: {  	[smem:$0x3FAC] =	sst s7  }
0x10: {  	[smem:$0x3FAD] =	sst s8  }
0x11: {  	[smem:$0x3FAE] =	sst s9;
	s0 =	simm.s32 @!p0 $0x0  }
0x12: {  	s1 =	sld [smem:$0x3F94];
	s0 =	simm.s32 @p0 $0x1  }
0x13: {  	[smem:$0x3FAF] =	sst s0;
	s0 =	simm.s32 @!p1 $0x0  }
0x14: {  	s2 =	sld [smem:$0x3F93];
	s0 =	simm.s32 @p1 $0x1  }
0x15: {  	[smem:$0x3FB0] =	sst s0;
	s0 =	simm.s32 @!p2 $0x0  }
0x16: {  	s3 =	sld [smem:$0x3FDB];
	s0 =	simm.s32 @p2 $0x1  }
0x17: {  	s4 =	simm.s32 $0x1BF5;
	[smem:$0x3FB2] =	sst s0  }
0x18: {  	s0 =	sld [smem:$0x3F95];
	_ =	swait.ge [sflag:s4], $0x0  }
0x19: {  	s7 =	sld [smem:$0x3F96]  }
0x1a: {  	s8 =	sadd.s32 $0xFFFFE003, lr  }
0x1b: {  	s9 =	sadd.s32 $0xFFFFFEF7, lr;
	s5 =	simm.s32 $0xFFFFFFFF;
	p2 =	slt.u32 s8, $0xFFFFF086  }
0x1c: {  	p1 =	slt.u32 s9, $0xF7A;
	s5 =	simm.s32 @!p2 $0x0  }
0x1d: {  	s5 =	simm.s32 @p1 $0x1;
	p0 =	seq.s32 s7, s2  }
0x1e: {  	s7 =	smul.u32 @!p0 $0xF7A, s2;
	p2 =	seq.s32 @!p0 s5, $0x0  }
0x1f: {  	s9 =	smul.u32 $0xF7A, s1;
	s8 =	simm.s32 @!p0 $0x1BF5;
	p2 =	por !p2, p0  }
0x20: {  	[sflag:s8] =	ssyncset.s32 @!p0 $0xFFFFF086;
	s6 =	sadd.s32 @!p0 s3, s7;
	s7 =	simm.s32 @!p0 $0x108  }
0x21: {  	s3 =	sadd.s32 s3, s9;
	s6 =	sadd.s32 @!p0 $0x88, s6;
	s7 =	simm.s32 @p2 $0x1082  }
0x22: {  	[simem:s7], [sflag:s8] =	dma.local @!p0 [hbm:s6], $0xF7A  }
0x23: {  	s9 =	sor.u32 $0xD0000000, s2;
	s6 =	simm.s32 $0x108;
	_ =	swait.ge @!p0 [sflag:s8], $0x0  }
0x24: {  	s3 =	sadd.s32 $0x88, s3;
	s6 =	simm.s32 @!p1 $0x1082;
	[sflag:s4] =	ssyncset.s32 $0xFFFFF086  }
0x25: {  	[simem:s6], [sflag:s4] =	dma.local [hbm:s3], $0xF7A  }
0x26: {  	[smem:$0x3F96] =	sst s1;
	(tag) =	ssettag s2;
	_ =	strace s9  }
0x27: {  	s1 =	sld [smem:$0x3FA6]  }
0x28: {  	s2 =	sld [smem:$0x3FA7]  }
0x29: {  	s4 =	sld [smem:$0x3FA9]  }
0x2a: {  	p0 =	seq.s32 s5, $0x0;
	s5 =	sld [smem:$0x3FAA]  }
0x2b: {  	s6 =	sld [smem:$0x3FAB]  }
0x2c: {  	s7 =	sld [smem:$0x3FAC]  }
0x2d: {  	s3 =	simm.s32 $0x108;
	s8 =	sld [smem:$0x3FAD]  }
0x2e: {  	s3 =	simm.s32 @!p0 $0x1082;
	s9 =	sld [smem:$0x3FAE]  }
0x2f: {  	lr =	sadd.s32 s0, s3;
	s0 =	sld [smem:$0x3FA5]  }
0x30: {  	s3 =	sld [smem:$0x3FA8]  }
0x31: {  	[smem:$0x3FB1] =	sst s10  }
0x32: {  	s10 =	sld [smem:$0x3FAF];
	_ =	sdelay $0x3  }
0x33: {  	p0 =	seq.s32 s10, $0x1;
	s10 =	sld [smem:$0x3FB1];
	_ =	sdelay $0x3  }
0x34: {  	[smem:$0x3FB1] =	sst s10  }
0x35: {  	s10 =	sld [smem:$0x3FB0];
	_ =	sdelay $0x3  }
0x36: {  	p1 =	seq.s32 s10, $0x1;
	s10 =	sld [smem:$0x3FB1];
	_ =	sdelay $0x3  }
0x37: {  	[smem:$0x3FB1] =	sst s10  }
0x38: {  	s10 =	sld [smem:$0x3FB2]  }
0x39: {  	_ = 	snop;
	(pc) =	sbr.ind lr, $3  }
0x3a: {  	_ = 	snop  }
0x3b: {  	_ = 	snop  }
0x3c: {  	p2 =	seq.s32 s10, $0x1;
	s10 =	sld [smem:$0x3FB1]  }
0x3d: {  	_ =	shalt  }
0x3e: {  	_ =	shalt  }
0x3f: {  	_ =	shalt  }
0x40: {  	_ =	shalt  }
0x41: {  	_ =	shalt  }
0x42: {  	_ =	shalt  }
0x43: {  	_ =	shalt  }
0x44: {  	_ =	shalt  }
0x45: {  	_ =	shalt  }
0x46: {  	_ =	shalt  }
0x47: {  	_ =	shalt  }
0x48: {  	_ =	shalt  }
0x49: {  	_ =	shalt  }
0x4a: {  	_ =	shalt  }
0x4b: {  	_ =	shalt  }
0x4c: {  	_ =	shalt  }
0x4d: {  	_ =	shalt  }
0x4e: {  	_ =	shalt  }
0x4f: {  	_ =	shalt  }
0x50: {  	_ =	shalt  }
0x51: {  	_ =	shalt  }
0x52: {  	_ =	shalt  }
0x53: {  	_ =	shalt  }
0x54: {  	_ =	shalt  }
0x55: {  	_ =	shalt  }
0x56: {  	_ =	shalt  }
0x57: {  	_ =	shalt  }
0x58: {  	_ =	shalt  }
0x59: {  	_ =	shalt  }
0x5a: {  	_ =	shalt  }
0x5b: {  	_ =	shalt  }
0x5c: {  	_ =	shalt  }
0x5d: {  	_ =	shalt  }
0x5e: {  	_ =	shalt  }
0x5f: {  	_ =	shalt  }
0x60: {  	_ =	shalt  }
0x61: {  	_ =	shalt  }
0x62: {  	_ =	shalt  }
0x63: {  	_ =	shalt  }
0x64: {  	_ =	shalt  }
0x65: {  	_ =	shalt  }
0x66: {  	_ =	shalt  }
0x67: {  	_ =	shalt  }
0x68: {  	_ =	shalt  }
0x69: {  	_ =	shalt  }
0x6a: {  	_ =	shalt  }
0x6b: {  	_ =	shalt  }
0x6c: {  	_ =	shalt  }
0x6d: {  	_ =	shalt  }
0x6e: {  	_ =	shalt  }
0x6f: {  	_ =	shalt  }
0x70: {  	_ =	shalt  }
0x71: {  	_ =	shalt  }
0x72: {  	_ =	shalt  }
0x73: {  	_ =	shalt  }
0x74: {  	_ =	shalt  }
0x75: {  	_ =	shalt  }
0x76: {  	_ =	shalt  }
0x77: {  	_ =	shalt  }
0x78: {  	_ =	shalt  }
0x79: {  	_ =	shalt  }
0x7a: {  	_ =	shalt  }
0x7b: {  	_ =	shalt  }
0x7c: {  	_ =	shalt  }
0x7d: {  	_ =	shalt  }
0x7e: {  	_ =	shalt  }
0x7f: {  	_ =	shalt  }
0x80: {  	_ =	shalt  }
0x81: {  	_ =	shalt  }
0x82: {  	_ =	shalt  }
0x83: {  	_ =	shalt  }
0x84: {  	_ =	shalt  }
0x85: {  	_ =	shalt  }
0x86: {  	_ =	shalt  }
0x87: {  	_ =	shalt  }
.Lfunc_end0:
.L_simem_size_0:
called_computation.2_lowered:
.L_overlay_start_0:
0x88: {  	s2 =	sld [smem:$0x3FD9]  }
0x89: {  	s3 =	sld [smem:$0x3FFE];
	_ =	sdelay $0x1  }
0x8a: {  	s1 =	srdreg.scid  }
0x8b: {  	s0 =	sand.u32 $0x1, s1  }
0x8c: {  	s17 =	sshll.u32 s0, $0xA;
	s2 =	sadd.s32 s3, s2  }
0x8d: {  	s2 =	sadd.s32 s2, s17  }
0x8e: {  	[smem:$0x3FBD] =	sst s2  }
0x8f: {  	_ = 	snop  }
0x90: {  	s2 =	sld [smem:$0x3FD0];
	(tm) =	ssettm $0x1  }
0x91: {  	s18 =	sld [smem:$0x3FFB];
	_ =	sdelay $0x3  }
0x92: {  	_ =	strace s18  }
0x93: {  	s3 =	sld [smem:$0x3FFC];
	_ =	sdelay $0x3  }
0x94: {  	_ =	strace s3  }
0x95: {  	s3 =	sld [smem:$0x3FFD];
	_ =	sdelay $0x3  }
0x96: {  	_ =	strace s3  }
0x97: {  	_ =	strace $0x8FFFFFFF  }
0x98: {  	s19 =	sld [smem:$0x3FDB];
	_ =	sdelay $0x1  }
0x99: {  	s4 =	simm.s32 $_scs_section_size  }
0x9a: {  	s5 =	simm.s32 $_size__tile_overlayer_lowered;
	s6 =	simm.s32 $_tile_overlayer_lowered  }
0x9b: {  	s22 =	simm.s32 $0x1BFF;
	s21 =	sshll.u32 s6, $0x1;
	s3 =	sadd.s32 s4, s19  }
0x9c: {  	s7 =	simm.s32 $0x0;
	s20 =	sshll.u32 s5, $0x1;
	s5 =	sadd.s32 s21, s3  }
0x9d: {  	[timem:s7], [sflag:s22] =	dma.local [hbm:s5], s20  }
0x9e: {  	_ =	swait.ge [sflag:s22], s20  }
0x9f: {  	s4 =	ssub.s32 $0x0, s20;
	[sflag:s22] =	ssyncset.done $0x0  }
0xa0: {  	[sflag:s22] =	ssyncadd.s32 s4;
	_ =	sdelay $0x1  }
0xa1: {  	s23 =	simm.s32 $0x1B8B  }
0xa2: {  	_ =	swait.ge [sflag:s23], $0x1  }
0xa3: {  	[sflag:s23] =	ssyncset.done $0x0  }
0xa4: {  	s25 =	simm.s32 $0x1B8E;
	s24 =	sld [smem:$0x3FFE];
	[sflag:s23] =	ssyncadd.s32 $0xFFFFFFFF  }
0xa5: {  	s26 =	simm.s32 $execute0_lowered;
	[smem:$0x3FD2] =	sst s25  }
0xa6: {  	s5 =	sshll.u32 s26, $0x1;
	_ =	strace $0x8000004C;
	[dreg:$0x1] =	wrdreg $0xFFFFFFFF  }
0xa7: {  	s28 =	simm.s32 $_size_execute0_lowered;
	s3 =	sadd.s32 s3, s5;
	[dreg:$0x0] =	wrdreg $0x0  }
0xa8: {  	s5 =	sshll.u32 s28, $0x1;
	[dreg:$0x2] =	wrdreg s3  }
0xa9: {  	[dreg:$0x3] =	wrdreg s5  }
0xaa: {  	[dreg:$0x4] =	wrdreg $0xC0  }
0xab: {  	_ =	task [dreg:s7], $0x5FFFF  }
0xac: {  	[dreg:$0x1] =	wrdreg $0xFFFFFFFF  }
0xad: {  	[dreg:$0x0] =	wrdreg $0x60  }
0xae: {  	[dreg:$0x2] =	wrdreg s24  }
0xaf: {  	[dreg:$0x3] =	wrdreg s2  }
0xb0: {  	[dreg:$0x4] =	wrdreg $0x82000  }
0xb1: {  	[dreg:$0x5] =	wrdreg $0x9  }
0xb2: {  	_ =	task.clear_ibuf [dreg:s7], $0x6FFFF;
	_ =	strace $0x9000004C  }
0xb3: {  	s29 =	simm.s32 $0x9;
	_ =	strace $0x8000004E  }
0xb4: {  	_ =	swait.ge [sflag:s29], $0x1  }
0xb5: {  	[sflag:s29] =	ssyncadd.s32 $0xFFFFFFFF  }
0xb6: {  	_ =	strace $0x9000004E  }
0xb7: {  	_ =	sfence  }
0xb8: {  	s30 =	sld [smem:$0x0];
	_ =	sdelay $0x2  }
0xb9: {  	s31 =	sshll.u32 s1, $0xD;
	s1 =	sshrl.u32 s1, $0x2  }
0xba: {  	s3 =	sand.u32 $0x4000, s31;
	s1 =	sadd.s32 s1, s30  }
0xbb: {  	s0 =	sor.u32 s3, s0;
	s1 =	sshll.u32 s1, $0x11  }
0xbc: {  	s0 =	sor.u32 s1, s0  }
0xbd: {  	s0 =	sadd.s32 $0x8F2B, s0  }
0xbe: {  	[sflag:s0] =	ssyncadd.remote.s32 $0x1  }
0xbf: {  	_ =	sfence.sel $0xFFFF  }
0xc0: {  	[dreg:$0x0] =	wrdreg $0xFFFFFFFF;
	(pc) =	sbr.abs _section_cstart, $3  }
0xc1: {  	[dreg:$0x1] =	wrdreg $0xFFFFFFFF  }
0xc2: {  	_ =	task.clear_ibuf [dreg:s7], $0x2FFFF;
	_ =	strace $0x9FFFFFFF  }
0xc3: {  	(tm) =	ssettm $0x7FFFFFFF  }
tec
execute0_lowered:
.L_overlay_start_1:
0x0: {  	(tag) =	ssettag $0x1  }
0x1: {  	s0 =	rddreg [dreg:$0x0]  }
0x2: {  	s1 =	rddreg [dreg:$0x1]  }
0x3: {  	s2 =	rddreg [dreg:$0x2];
	s3 =	simm.s32 $0x0  }
0x4: {  	s12 =	stileid.u32;
	s4 =	srdreg.scid;
	s28 =	simm.s32 $0x100  }
0x5: {  	s29 =	simm.s32 $0x180;
	s30 =	simm.s32 $0x4200;
	s31 =	simm.s32 $0x1  }
0x6: {  	[smem:$0x7FF] =	sst s3;
	s6 =	smul.u32 $0x13C00, s12;
	s7 =	sand.u32 $0x1, s4  }
0x7: {  	s4 =	sadd.s32 $0x49800, s0;
	s5 =	sadd.s32 $0x71000, s0;
	s11 =	sadd.s32 $0x2600, s0  }
0x8: {  	s14 =	sadd.s32 $0x16200, s0;
	s15 =	sadd.s32 $0xC400, s0;
	s19 =	smul.u32 $0x4F000, s12  }
0x9: {  	s21 =	sshll.u32 s12, $0x6;
	_ =	strace $0x8000004D;
	s8 =	smul.u32 $0x13C000, s7  }
0xa: {  	s10 =	ssub.s32 $0x2, s7;
	s7 =	smul.u32 $0x4F0, s7;
	s9 =	sshrl.u32 s6, $0x3  }
0xb: {  	s20 =	sshrl.u32 s10, $0x1;
	s6 =	sadd.s32 s6, s8;
	s9 =	sadd.s32 s9, s0  }
0xc: {  	s8 =	sshrl.u32 s19, $0x2;
	s7 =	sor.u32 s12, s7;
	s6 =	sshrl.u32 s6, $0x3  }
0xd: {  	s8 =	sadd.s32 s8, s2;
	s18 =	sshll.u32 s7, $0x4;
	s7 =	sadd.s32 $0x22000, s9  }
0xe: {  	s0 =	sadd.s32 s6, s0;
	s6 =	ssub.s32 s10, s20;
	[dreg:$0x4] =	wrdreg s8  }
0xf: {  	s8 =	sor.u32 $0x1C03, s21;
	s22 =	sadd.s32 s1, s18;
	s23 =	sadd.s32 s11, s18  }
0x10: {  	s12 =	sadd.s32 s14, s18;
	s13 =	sadd.s32 s15, s18;
	s26 =	sadd.s32 $0x100, s18  }
0x11: {  	s24 =	sadd.s32 $0x98800, s0;
	s0 =	sadd.s32 $0xE7800, s0;
	[dreg:$0x5] =	wrdreg s22  }
0x12: {  	s25 =	smax.u32 s6, $0x1;
	s16 =	sadd.s32 $0x200, s22;
	[dreg:$0x6] =	wrdreg s23  }
0x13: {  	s17 =	sadd.s32 $0x200, s23;
	s18 =	sadd.s32 s26, s1;
	s19 =	sadd.s32 s26, s11  }
0x14: {  	s20 =	sadd.s32 $0x200, s12;
	s21 =	sadd.s32 $0x200, s13;
	[dreg:$0x7] =	wrdreg s24  }
0x15: {  	s22 =	sadd.s32 s26, s14;
	s23 =	sadd.s32 s26, s15;
	[dreg:$0x8] =	wrdreg s0  }
0x16: {  	s26 =	simm.s32 $0x200;
	s1 =	simm.s32 $0x0;
	[dreg:$0x9] =	wrdreg s25  }
0x17: {  	s24 =	simm.s32 $0x3;
	s25 =	simm.s32 $0x80;
	s0 =	simm.s32 $0x2  }
.LBB2_1:
0x18: {  	s6 =	rddreg [dreg:$0x4]  }
0x19: {  	s6 =	sshrl.u32 s6, $0x3  }
0x1a: {  	[spmem:s6], [sflag:s8] =	dma.local [hbm:s7], $0x2780  }
0x1b: {  	_ =	swait.ge [sflag:s24], $0x2780  }
0x1c: {  	[sflag:s24] =	ssyncset.done $0x0  }
0x1d: {  	[sflag:s24] =	ssyncadd.s32 $0xFFFFD880  }
0x1e: {  	[bflag:$0x0] =	sbarrier.arrive $0xFFFF  }
0x1f: {  	s9 =	rddreg [dreg:$0x5]  }
0x20: {  	[tilespmem:s3], [sflag:$0x3] =	stream.linear.gather [hbm4b:s9+s3], $0x80, $0x38;
	[tilespmem:$0x1BE00] =	vst v63  }
0x21: {  	_ =	swait.ge [sflag:s24], $0x80  }
0x22: {  	[sflag:s24] =	ssyncset.done $0x0  }
0x23: {  	s15 =	rddreg [dreg:$0x6];
	[sflag:s24] =	ssyncadd.s32 $0xFFFFFF80  }
0x24: {  	[tilespmem:s25], [sflag:$0x3] =	stream.linear.gather [hbm4b:s15+s3], $0x80, $0x38;
	[tilespmem:$0x1BE00] =	vst v63  }
0x25: {  	_ =	swait.ge [sflag:s24], $0x80  }
0x26: {  	[sflag:s24] =	ssyncset.done $0x0  }
0x27: {  	[sflag:s24] =	ssyncadd.s32 $0xFFFFFF80  }
0x28: {  	[tilespmem:s26], [sflag:$0x1] =	stream.indirect.gather [hbm4b:s4+s25], $0x80, s3, s25, $0xb8;
	[tilespmem:$0x1BE00] =	vst v63  }
0x29: {  	s11 =	sadd.s32 $0x0, s18  }
0x2a: {  	[tilespmem:s28], [sflag:$0x3] =	stream.linear.gather [hbm4b:s11+s3], $0x80, $0x38;
	[tilespmem:$0x1BE00] =	vst v63  }
0x2b: {  	_ =	swait.ge [sflag:s24], $0x80  }
0x2c: {  	[sflag:s24] =	ssyncset.done $0x0  }
0x2d: {  	s10 =	sadd.s32 $0x0, s19;
	[sflag:s24] =	ssyncadd.s32 $0xFFFFFF80  }
0x2e: {  	[tilespmem:s29], [sflag:$0x3] =	stream.linear.gather [hbm4b:s10+s3], $0x80, $0x38;
	[tilespmem:$0x1BE00] =	vst v63  }
0x2f: {  	_ =	swait.ge [sflag:s24], $0x80  }
0x30: {  	[sflag:s24] =	ssyncset.done $0x0  }
0x31: {  	[sflag:s24] =	ssyncadd.s32 $0xFFFFFF80  }
0x32: {  	[tilespmem:s30], [sflag:$0x2] =	stream.indirect.gather [hbm4b:s4+s25], $0x80, s28, s25, $0xb8;
	[tilespmem:$0x1BE00] =	vst v63  }
0x33: {  	_ =	swait.ge [sflag:s31], $0x4000  }
0x34: {  	[sflag:s31] =	ssyncset.done $0x0  }
0x35: {  	[sflag:s31] =	ssyncadd.s32 $0xFFFFC000  }
0x36: {  	[spmem:s2] =	stream.indirect.scatter.add.f32 [tilespmem:s26], [sflag:$0x3], $0x80, s25, s25, $0xb8;
	[tilespmem:$0x1BE00] =	vst v63  }
0x37: {  	_ =	swait.ge [sflag:s24], $0x4000  }
0x38: {  	[sflag:s24] =	ssyncset.done $0x0  }
0x39: {  	s14 =	sadd.s32 $0x0, s16;
	[sflag:s24] =	ssyncadd.s32 $0xFFFFC000  }
0x3a: {  	[tilespmem:s3], [sflag:$0x3] =	stream.linear.gather [hbm4b:s14+s3], $0x80, $0x38;
	[tilespmem:$0x1BE00] =	vst v63  }
0x3b: {  	_ =	swait.ge [sflag:s24], $0x80  }
0x3c: {  	[sflag:s24] =	ssyncset.done $0x0  }
0x3d: {  	s15 =	sadd.s32 $0x0, s17;
	[sflag:s24] =	ssyncadd.s32 $0xFFFFFF80  }
0x3e: {  	[tilespmem:s25], [sflag:$0x3] =	stream.linear.gather [hbm4b:s15+s3], $0x80, $0x38;
	[tilespmem:$0x1BE00] =	vst v63  }
0x3f: {  	_ =	swait.ge [sflag:s24], $0x80  }
0x40: {  	[sflag:s24] =	ssyncset.done $0x0  }
0x41: {  	[sflag:s24] =	ssyncadd.s32 $0xFFFFFF80  }
0x42: {  	[tilespmem:s26], [sflag:$0x1] =	stream.indirect.gather [hbm4b:s4+s25], $0x80, s3, s25, $0xb8;
	[tilespmem:$0x1BE00] =	vst v63  }
0x43: {  	_ =	swait.ge [sflag:s0], $0x4000  }
0x44: {  	[sflag:s0] =	ssyncset.done $0x0  }
0x45: {  	[sflag:s0] =	ssyncadd.s32 $0xFFFFC000  }
0x46: {  	[spmem:s2] =	stream.indirect.scatter.add.f32 [tilespmem:s30], [sflag:$0x3], $0x80, s29, s25, $0xb8;
	[tilespmem:$0x1BE00] =	vst v63  }
0x47: {  	_ =	swait.ge [sflag:s24], $0x4000  }
0x48: {  	s11 =	simm.s32 $0x200;
	s14 =	simm.s32 $0x400;
	[sflag:s24] =	ssyncset.done $0x0  }
.LBB2_2:
0x49: {  	s9 =	sadd.s32 s11, s18  }
0x4a: {  	[sflag:s24] =	ssyncadd.s32 $0xFFFFC000;
	s10 =	smov.u32 s14;
	s15 =	sadd.s32 $0x200, s14  }
0x4b: {  	[tilespmem:s28], [sflag:$0x3] =	stream.linear.gather [hbm4b:s9+s3], $0x80, $0x38;
	[tilespmem:$0x1BE00] =	vst v63  }
0x4c: {  	p0 =	sne.s32 s14, $0x4C00;
	_ =	swait.ge [sflag:s24], $0x80  }
0x4d: {  	[sflag:s24] =	ssyncset.done $0x0  }
0x4e: {  	s9 =	sadd.s32 s11, s19;
	[sflag:s24] =	ssyncadd.s32 $0xFFFFFF80  }
0x4f: {  	[tilespmem:s29], [sflag:$0x3] =	stream.linear.gather [hbm4b:s9+s3], $0x80, $0x38;
	[tilespmem:$0x1BE00] =	vst v63  }
0x50: {  	_ =	swait.ge [sflag:s24], $0x80  }
0x51: {  	[sflag:s24] =	ssyncset.done $0x0  }
0x52: {  	[sflag:s24] =	ssyncadd.s32 $0xFFFFFF80  }
0x53: {  	[tilespmem:s30], [sflag:$0x2] =	stream.indirect.gather [hbm4b:s4+s25], $0x80, s28, s25, $0xb8;
	[tilespmem:$0x1BE00] =	vst v63  }
0x54: {  	_ =	swait.ge [sflag:s31], $0x4000  }
0x55: {  	[sflag:s31] =	ssyncset.done $0x0  }
0x56: {  	[sflag:s31] =	ssyncadd.s32 $0xFFFFC000  }
0x57: {  	[spmem:s2] =	stream.indirect.scatter.add.f32 [tilespmem:s26], [sflag:$0x3], $0x80, s25, s25, $0xb8;
	[tilespmem:$0x1BE00] =	vst v63  }
0x58: {  	_ =	swait.ge [sflag:s24], $0x4000  }
0x59: {  	[sflag:s24] =	ssyncset.done $0x0  }
0x5a: {  	s9 =	sadd.s32 s11, s16;
	[sflag:s24] =	ssyncadd.s32 $0xFFFFC000  }
0x5b: {  	[tilespmem:s3], [sflag:$0x3] =	stream.linear.gather [hbm4b:s9+s3], $0x80, $0x38;
	[tilespmem:$0x1BE00] =	vst v63  }
0x5c: {  	_ =	swait.ge [sflag:s24], $0x80  }
0x5d: {  	[sflag:s24] =	ssyncset.done $0x0  }
0x5e: {  	s9 =	sadd.s32 s11, s17;
	s11 =	smov.u32 s10;
	[sflag:s24] =	ssyncadd.s32 $0xFFFFFF80  }
0x5f: {  	[tilespmem:s25], [sflag:$0x3] =	stream.linear.gather [hbm4b:s9+s3], $0x80, $0x38;
	[tilespmem:$0x1BE00] =	vst v63  }
0x60: {  	_ =	swait.ge [sflag:s24], $0x80  }
0x61: {  	[sflag:s24] =	ssyncset.done $0x0  }
0x62: {  	[sflag:s24] =	ssyncadd.s32 $0xFFFFFF80  }
0x63: {  	[tilespmem:s26], [sflag:$0x1] =	stream.indirect.gather [hbm4b:s4+s25], $0x80, s3, s25, $0xb8;
	[tilespmem:$0x1BE00] =	vst v63  }
0x64: {  	_ =	swait.ge [sflag:s0], $0x4000  }
.Ltmp0:
0x65: {  	[sflag:s0] =	ssyncset.done $0x0;
	(pc) =	sbr.rel @p0 .LBB2_2-.Ltmp0, $4  }
0x66: {  	[sflag:s0] =	ssyncadd.s32 $0xFFFFC000  }
0x67: {  	[spmem:s2] =	stream.indirect.scatter.add.f32 [tilespmem:s30], [sflag:$0x3], $0x80, s29, s25, $0xb8;
	[tilespmem:$0x1BE00] =	vst v63  }
0x68: {  	_ =	swait.ge [sflag:s24], $0x4000  }
0x69: {  	s14 =	smov.u32 s15;
	[sflag:s24] =	ssyncset.done $0x0  }
0x6a: {  	s9 =	sadd.s32 s11, s18;
	[sflag:s24] =	ssyncadd.s32 $0xFFFFC000  }
0x6b: {  	[tilespmem:s28], [sflag:$0x3] =	stream.linear.gather [hbm4b:s9+s3], $0x80, $0x38;
	[tilespmem:$0x1BE00] =	vst v63  }
0x6c: {  	_ =	swait.ge [sflag:s24], $0x80  }
0x6d: {  	[sflag:s24] =	ssyncset.done $0x0  }
0x6e: {  	s15 =	sadd.s32 s11, s19;
	[sflag:s24] =	ssyncadd.s32 $0xFFFFFF80  }
0x6f: {  	[tilespmem:s29], [sflag:$0x3] =	stream.linear.gather [hbm4b:s15+s3], $0x80, $0x38;
	[tilespmem:$0x1BE00] =	vst v63  }
0x70: {  	_ =	swait.ge [sflag:s24], $0x80  }
0x71: {  	[sflag:s24] =	ssyncset.done $0x0  }
0x72: {  	[sflag:s24] =	ssyncadd.s32 $0xFFFFFF80  }
0x73: {  	[tilespmem:s30], [sflag:$0x2] =	stream.indirect.gather [hbm4b:s4+s25], $0x80, s28, s25, $0xb8;
	[tilespmem:$0x1BE00] =	vst v63  }
0x74: {  	_ =	swait.ge [sflag:s31], $0x4000  }
0x75: {  	[sflag:s31] =	ssyncset.done $0x0  }
0x76: {  	[sflag:s31] =	ssyncadd.s32 $0xFFFFC000  }
0x77: {  	[spmem:s2] =	stream.indirect.scatter.add.f32 [tilespmem:s26], [sflag:$0x3], $0x80, s25, s25, $0xb8;
	[tilespmem:$0x1BE00] =	vst v63  }
0x78: {  	_ =	swait.ge [sflag:s24], $0x4000  }
0x79: {  	[sflag:s24] =	ssyncset.done $0x0  }
0x7a: {  	s10 =	sadd.s32 s11, s16;
	[sflag:s24] =	ssyncadd.s32 $0xFFFFC000  }
0x7b: {  	[tilespmem:s3], [sflag:$0x3] =	stream.linear.gather [hbm4b:s10+s3], $0x80, $0x38;
	[tilespmem:$0x1BE00] =	vst v63  }
0x7c: {  	_ =	swait.ge [sflag:s24], $0x80  }
0x7d: {  	[sflag:s24] =	ssyncset.done $0x0  }
0x7e: {  	s11 =	sadd.s32 s11, s17;
	[sflag:s24] =	ssyncadd.s32 $0xFFFFFF80  }
0x7f: {  	[tilespmem:s25], [sflag:$0x3] =	stream.linear.gather [hbm4b:s11+s3], $0x80, $0x38;
	[tilespmem:$0x1BE00] =	vst v63  }
0x80: {  	_ =	swait.ge [sflag:s24], $0x80  }
0x81: {  	[sflag:s24] =	ssyncset.done $0x0  }
0x82: {  	[sflag:s24] =	ssyncadd.s32 $0xFFFFFF80  }
0x83: {  	[tilespmem:s26], [sflag:$0x1] =	stream.indirect.gather [hbm4b:s4+s25], $0x80, s3, s25, $0xb8;
	[tilespmem:$0x1BE00] =	vst v63  }
0x84: {  	_ =	swait.ge [sflag:s0], $0x4000  }
0x85: {  	[sflag:s0] =	ssyncset.done $0x0  }
0x86: {  	[sflag:s0] =	ssyncadd.s32 $0xFFFFC000  }
0x87: {  	[spmem:s2] =	stream.indirect.scatter.add.f32 [tilespmem:s30], [sflag:$0x3], $0x80, s29, s25, $0xb8;
	[tilespmem:$0x1BE00] =	vst v63  }
0x88: {  	_ =	swait.ge [sflag:s24], $0x4000  }
0x89: {  	[sflag:s24] =	ssyncset.done $0x0  }
0x8a: {  	[sflag:s24] =	ssyncadd.s32 $0xFFFFC000  }
0x8b: {  	_ =	swait.ge [sflag:s31], $0x4000  }
0x8c: {  	[sflag:s31] =	ssyncset.done $0x0  }
0x8d: {  	[sflag:s31] =	ssyncadd.s32 $0xFFFFC000  }
0x8e: {  	[spmem:s2] =	stream.indirect.scatter.add.f32 [tilespmem:s26], [sflag:$0x3], $0x80, s25, s25, $0xb8;
	[tilespmem:$0x1BE00] =	vst v63  }
0x8f: {  	_ =	swait.ge [sflag:s24], $0x4000  }
0x90: {  	[sflag:s24] =	ssyncset.done $0x0  }
0x91: {  	[sflag:s24] =	ssyncadd.s32 $0xFFFFC000  }
0x92: {  	[bflag:$0x0] =	sbarrier.arrive $0xFFFF  }
0x93: {  	s14 =	rddreg [dreg:$0x7]  }
0x94: {  	[hbm:s14], [sflag:s8] =	dma.local [spmem:s6], $0x2780  }
0x95: {  	_ =	swait.ge [sflag:s24], $0x2780  }
0x96: {  	[sflag:s24] =	ssyncset.done $0x0  }
0x97: {  	[sflag:s24] =	ssyncadd.s32 $0xFFFFD880  }
0x98: {  	[bflag:$0x0] =	sbarrier.arrive $0xFFFF  }
0x99: {  	[spmem:s6], [sflag:s8] =	dma.local [hbm:s7], $0x2780  }
0x9a: {  	_ =	swait.ge [sflag:s24], $0x2780  }
0x9b: {  	[sflag:s24] =	ssyncset.done $0x0  }
0x9c: {  	[sflag:s24] =	ssyncadd.s32 $0xFFFFD880  }
0x9d: {  	s15 =	simm.s32 $0x0;
	[bflag:$0x0] =	sbarrier.arrive $0xFFFF  }
0x9e: {  	[tilespmem:s15], [sflag:$0x3] =	stream.linear.gather [hbm4b:s12+s15], $0x80, $0x38;
	[tilespmem:$0x1BE00] =	vst v63  }
0x9f: {  	_ =	swait.ge [sflag:s24], $0x80  }
0xa0: {  	[sflag:s24] =	ssyncset.done $0x0  }
0xa1: {  	[sflag:s24] =	ssyncadd.s32 $0xFFFFFF80  }
0xa2: {  	[tilespmem:s25], [sflag:$0x3] =	stream.linear.gather [hbm4b:s13+s15], $0x80, $0x38;
	[tilespmem:$0x1BE00] =	vst v63  }
0xa3: {  	_ =	swait.ge [sflag:s24], $0x80  }
0xa4: {  	[sflag:s24] =	ssyncset.done $0x0  }
0xa5: {  	[sflag:s24] =	ssyncadd.s32 $0xFFFFFF80  }
0xa6: {  	[tilespmem:s26], [sflag:$0x1] =	stream.indirect.gather [hbm4b:s5+s25], $0x80, s15, s25, $0xb8;
	[tilespmem:$0x1BE00] =	vst v63  }
0xa7: {  	s10 =	sadd.s32 $0x0, s22  }
0xa8: {  	[tilespmem:s28], [sflag:$0x3] =	stream.linear.gather [hbm4b:s10+s3], $0x80, $0x38;
	[tilespmem:$0x1BE00] =	vst v63  }
0xa9: {  	_ =	swait.ge [sflag:s24], $0x80  }
0xaa: {  	[sflag:s24] =	ssyncset.done $0x0  }
0xab: {  	s11 =	sadd.s32 $0x0, s23;
	[sflag:s24] =	ssyncadd.s32 $0xFFFFFF80  }
0xac: {  	[tilespmem:s29], [sflag:$0x3] =	stream.linear.gather [hbm4b:s11+s3], $0x80, $0x38;
	[tilespmem:$0x1BE00] =	vst v63  }
0xad: {  	_ =	swait.ge [sflag:s24], $0x80  }
0xae: {  	[sflag:s24] =	ssyncset.done $0x0  }
0xaf: {  	[sflag:s24] =	ssyncadd.s32 $0xFFFFFF80  }
0xb0: {  	[tilespmem:s30], [sflag:$0x2] =	stream.indirect.gather [hbm4b:s5+s25], $0x80, s28, s25, $0xb8;
	[tilespmem:$0x1BE00] =	vst v63  }
0xb1: {  	_ =	swait.ge [sflag:s31], $0x4000  }
0xb2: {  	[sflag:s31] =	ssyncset.done $0x0  }
0xb3: {  	[sflag:s31] =	ssyncadd.s32 $0xFFFFC000  }
0xb4: {  	[spmem:s2] =	stream.indirect.scatter.add.f32 [tilespmem:s26], [sflag:$0x3], $0x80, s25, s25, $0xb8;
	[tilespmem:$0x1BE00] =	vst v63  }
0xb5: {  	_ =	swait.ge [sflag:s24], $0x4000  }
0xb6: {  	[sflag:s24] =	ssyncset.done $0x0  }
0xb7: {  	s14 =	sadd.s32 $0x0, s20;
	[sflag:s24] =	ssyncadd.s32 $0xFFFFC000  }
0xb8: {  	[tilespmem:s3], [sflag:$0x3] =	stream.linear.gather [hbm4b:s14+s3], $0x80, $0x38;
	[tilespmem:$0x1BE00] =	vst v63  }
0xb9: {  	_ =	swait.ge [sflag:s24], $0x80  }
0xba: {  	[sflag:s24] =	ssyncset.done $0x0  }
0xbb: {  	s15 =	sadd.s32 $0x0, s21;
	[sflag:s24] =	ssyncadd.s32 $0xFFFFFF80  }
0xbc: {  	[tilespmem:s25], [sflag:$0x3] =	stream.linear.gather [hbm4b:s15+s3], $0x80, $0x38;
	[tilespmem:$0x1BE00] =	vst v63  }
0xbd: {  	_ =	swait.ge [sflag:s24], $0x80  }
0xbe: {  	[sflag:s24] =	ssyncset.done $0x0  }
0xbf: {  	[sflag:s24] =	ssyncadd.s32 $0xFFFFFF80  }
0xc0: {  	[tilespmem:s26], [sflag:$0x1] =	stream.indirect.gather [hbm4b:s5+s25], $0x80, s3, s25, $0xb8;
	[tilespmem:$0x1BE00] =	vst v63  }
0xc1: {  	_ =	swait.ge [sflag:s0], $0x4000  }
0xc2: {  	[sflag:s0] =	ssyncset.done $0x0  }
0xc3: {  	[sflag:s0] =	ssyncadd.s32 $0xFFFFC000  }
0xc4: {  	[spmem:s2] =	stream.indirect.scatter.add.f32 [tilespmem:s30], [sflag:$0x3], $0x80, s29, s25, $0xb8;
	[tilespmem:$0x1BE00] =	vst v63  }
0xc5: {  	_ =	swait.ge [sflag:s24], $0x4000  }
0xc6: {  	s11 =	simm.s32 $0x200;
	s15 =	simm.s32 $0x400;
	[sflag:s24] =	ssyncset.done $0x0  }
.LBB2_4:
0xc7: {  	s9 =	sadd.s32 s11, s22  }
0xc8: {  	[sflag:s24] =	ssyncadd.s32 $0xFFFFC000;
	s10 =	smov.u32 s15;
	s14 =	sadd.s32 $0x200, s15  }
0xc9: {  	[tilespmem:s28], [sflag:$0x3] =	stream.linear.gather [hbm4b:s9+s3], $0x80, $0x38;
	[tilespmem:$0x1BE00] =	vst v63  }
0xca: {  	p0 =	sne.s32 s15, $0x4C00;
	_ =	swait.ge [sflag:s24], $0x80  }
0xcb: {  	[sflag:s24] =	ssyncset.done $0x0  }
0xcc: {  	s9 =	sadd.s32 s11, s23;
	[sflag:s24] =	ssyncadd.s32 $0xFFFFFF80  }
0xcd: {  	[tilespmem:s29], [sflag:$0x3] =	stream.linear.gather [hbm4b:s9+s3], $0x80, $0x38;
	[tilespmem:$0x1BE00] =	vst v63  }
0xce: {  	_ =	swait.ge [sflag:s24], $0x80  }
0xcf: {  	[sflag:s24] =	ssyncset.done $0x0  }
0xd0: {  	[sflag:s24] =	ssyncadd.s32 $0xFFFFFF80  }
0xd1: {  	[tilespmem:s30], [sflag:$0x2] =	stream.indirect.gather [hbm4b:s5+s25], $0x80, s28, s25, $0xb8;
	[tilespmem:$0x1BE00] =	vst v63  }
0xd2: {  	_ =	swait.ge [sflag:s31], $0x4000  }
0xd3: {  	[sflag:s31] =	ssyncset.done $0x0  }
0xd4: {  	[sflag:s31] =	ssyncadd.s32 $0xFFFFC000  }
0xd5: {  	[spmem:s2] =	stream.indirect.scatter.add.f32 [tilespmem:s26], [sflag:$0x3], $0x80, s25, s25, $0xb8;
	[tilespmem:$0x1BE00] =	vst v63  }
0xd6: {  	_ =	swait.ge [sflag:s24], $0x4000  }
0xd7: {  	[sflag:s24] =	ssyncset.done $0x0  }
0xd8: {  	s9 =	sadd.s32 s11, s20;
	[sflag:s24] =	ssyncadd.s32 $0xFFFFC000  }
0xd9: {  	[tilespmem:s3], [sflag:$0x3] =	stream.linear.gather [hbm4b:s9+s3], $0x80, $0x38;
	[tilespmem:$0x1BE00] =	vst v63  }
0xda: {  	_ =	swait.ge [sflag:s24], $0x80  }
0xdb: {  	[sflag:s24] =	ssyncset.done $0x0  }
0xdc: {  	s9 =	sadd.s32 s11, s21;
	s11 =	smov.u32 s10;
	[sflag:s24] =	ssyncadd.s32 $0xFFFFFF80  }
0xdd: {  	[tilespmem:s25], [sflag:$0x3] =	stream.linear.gather [hbm4b:s9+s3], $0x80, $0x38;
	[tilespmem:$0x1BE00] =	vst v63  }
0xde: {  	_ =	swait.ge [sflag:s24], $0x80  }
0xdf: {  	[sflag:s24] =	ssyncset.done $0x0  }
0xe0: {  	[sflag:s24] =	ssyncadd.s32 $0xFFFFFF80  }
0xe1: {  	[tilespmem:s26], [sflag:$0x1] =	stream.indirect.gather [hbm4b:s5+s25], $0x80, s3, s25, $0xb8;
	[tilespmem:$0x1BE00] =	vst v63  }
0xe2: {  	_ =	swait.ge [sflag:s0], $0x4000  }
.Ltmp1:
0xe3: {  	[sflag:s0] =	ssyncset.done $0x0;
	(pc) =	sbr.rel @p0 .LBB2_4-.Ltmp1, $4  }
0xe4: {  	[sflag:s0] =	ssyncadd.s32 $0xFFFFC000  }
0xe5: {  	[spmem:s2] =	stream.indirect.scatter.add.f32 [tilespmem:s30], [sflag:$0x3], $0x80, s29, s25, $0xb8;
	[tilespmem:$0x1BE00] =	vst v63  }
0xe6: {  	_ =	swait.ge [sflag:s24], $0x4000  }
0xe7: {  	s15 =	smov.u32 s14;
	[sflag:s24] =	ssyncset.done $0x0  }
0xe8: {  	s9 =	sadd.s32 s11, s22;
	[sflag:s24] =	ssyncadd.s32 $0xFFFFC000  }
0xe9: {  	[tilespmem:s28], [sflag:$0x3] =	stream.linear.gather [hbm4b:s9+s3], $0x80, $0x38;
	[tilespmem:$0x1BE00] =	vst v63  }
0xea: {  	_ =	swait.ge [sflag:s24], $0x80  }
0xeb: {  	[sflag:s24] =	ssyncset.done $0x0  }
0xec: {  	s15 =	sadd.s32 s11, s23;
	[sflag:s24] =	ssyncadd.s32 $0xFFFFFF80  }
0xed: {  	[tilespmem:s29], [sflag:$0x3] =	stream.linear.gather [hbm4b:s15+s3], $0x80, $0x38;
	[tilespmem:$0x1BE00] =	vst v63  }
0xee: {  	_ =	swait.ge [sflag:s24], $0x80  }
0xef: {  	[sflag:s24] =	ssyncset.done $0x0  }
0xf0: {  	[sflag:s24] =	ssyncadd.s32 $0xFFFFFF80  }
0xf1: {  	[tilespmem:s30], [sflag:$0x2] =	stream.indirect.gather [hbm4b:s5+s25], $0x80, s28, s25, $0xb8;
	[tilespmem:$0x1BE00] =	vst v63  }
0xf2: {  	_ =	swait.ge [sflag:s31], $0x4000  }
0xf3: {  	[sflag:s31] =	ssyncset.done $0x0  }
0xf4: {  	[sflag:s31] =	ssyncadd.s32 $0xFFFFC000  }
0xf5: {  	[spmem:s2] =	stream.indirect.scatter.add.f32 [tilespmem:s26], [sflag:$0x3], $0x80, s25, s25, $0xb8;
	[tilespmem:$0x1BE00] =	vst v63  }
0xf6: {  	_ =	swait.ge [sflag:s24], $0x4000  }
0xf7: {  	[sflag:s24] =	ssyncset.done $0x0  }
0xf8: {  	s10 =	sadd.s32 s11, s20;
	[sflag:s24] =	ssyncadd.s32 $0xFFFFC000  }
0xf9: {  	[tilespmem:s3], [sflag:$0x3] =	stream.linear.gather [hbm4b:s10+s3], $0x80, $0x38;
	[tilespmem:$0x1BE00] =	vst v63  }
0xfa: {  	_ =	swait.ge [sflag:s24], $0x80  }
0xfb: {  	[sflag:s24] =	ssyncset.done $0x0  }
0xfc: {  	s11 =	sadd.s32 s11, s21;
	[sflag:s24] =	ssyncadd.s32 $0xFFFFFF80  }
0xfd: {  	[tilespmem:s25], [sflag:$0x3] =	stream.linear.gather [hbm4b:s11+s3], $0x80, $0x38;
	[tilespmem:$0x1BE00] =	vst v63  }
0xfe: {  	_ =	swait.ge [sflag:s24], $0x80  }
0xff: {  	[sflag:s24] =	ssyncset.done $0x0  }
0x100: {  	[sflag:s24] =	ssyncadd.s32 $0xFFFFFF80  }
0x101: {  	[tilespmem:s26], [sflag:$0x1] =	stream.indirect.gather [hbm4b:s5+s25], $0x80, s3, s25, $0xb8;
	[tilespmem:$0x1BE00] =	vst v63  }
0x102: {  	_ =	swait.ge [sflag:s0], $0x4000  }
0x103: {  	[sflag:s0] =	ssyncset.done $0x0  }
0x104: {  	[sflag:s0] =	ssyncadd.s32 $0xFFFFC000  }
0x105: {  	[spmem:s2] =	stream.indirect.scatter.add.f32 [tilespmem:s30], [sflag:$0x3], $0x80, s29, s25, $0xb8;
	[tilespmem:$0x1BE00] =	vst v63  }
0x106: {  	_ =	swait.ge [sflag:s24], $0x4000  }
0x107: {  	[sflag:s24] =	ssyncset.done $0x0  }
0x108: {  	[sflag:s24] =	ssyncadd.s32 $0xFFFFC000  }
0x109: {  	_ =	swait.ge [sflag:s31], $0x4000  }
0x10a: {  	[sflag:s31] =	ssyncset.done $0x0  }
0x10b: {  	[sflag:s31] =	ssyncadd.s32 $0xFFFFC000  }
0x10c: {  	[spmem:s2] =	stream.indirect.scatter.add.f32 [tilespmem:s26], [sflag:$0x3], $0x80, s25, s25, $0xb8;
	[tilespmem:$0x1BE00] =	vst v63  }
0x10d: {  	_ =	swait.ge [sflag:s24], $0x4000  }
0x10e: {  	[sflag:s24] =	ssyncset.done $0x0  }
0x10f: {  	[sflag:s24] =	ssyncadd.s32 $0xFFFFC000  }
0x110: {  	[bflag:$0x0] =	sbarrier.arrive $0xFFFF  }
0x111: {  	s14 =	rddreg [dreg:$0x8]  }
0x112: {  	[hbm:s14], [sflag:s8] =	dma.local [spmem:s6], $0x2780  }
0x113: {  	_ =	swait.ge [sflag:s24], $0x2780  }
0x114: {  	s1 =	sadd.s32 $0x1, s1;
	s15 =	rddreg [dreg:$0x9]  }
0x115: {  	p0 =	sne.s32 s1, s15  }
.Ltmp2:
0x116: {  	_ = 	snop;
	(pc) =	sbr.rel @p0 .LBB2_1-.Ltmp2, $3  }
0x117: {  	[sflag:s24] =	ssyncset.done $0x0  }
0x118: {  	[sflag:s24] =	ssyncadd.s32 $0xFFFFD880  }
0x119: {  	[bflag:$0x0] =	sbarrier.arrive $0xFFFF;
	_ =	sdelay $0x1  }
0x11a: {  	_ =	sfence.sel $0x180000  }
0x11b: {  	[bflag:$0x0] =	sbarrier.arrive $0xFFFF  }
0x11c: {  	_ =	strace $0x9000004D  }
0x11d: {  	s0 =	stileid.u32;
	[bflag:$0x2] =	sbarrier.arrive $0xFFFF  }
0x11e: {  	p0 =	sne.s32 s0, $0x0;
	s0 =	rddreg [dreg:$0x3]  }
0x11f: {  	s0 =	sadd.s32 @!p0 $0x100000, s0  }
0x120: {  	[sflag:s0] =	ssyncadd.tile.s32 @!p0 $0x1;
	_ =	shalt  }
.Lfunc_end2:
_tile_overlayer_lowered:
.L_overlay_start_2:
0x121: {  	(tag) =	ssettag $0x2  }
0x122: {  	s0 =	rddreg [dreg:$0x0];
	s2 =	stileid.u32  }
0x123: {  	s1 =	rddreg [dreg:$0x1];
	p0 =	sne.s32 s2, $0x0  }
0x124: {  	s3 =	rddreg [dreg:$0x2];
	[bflag:$0x3] =	sbarrier.arrive $0xFFFF;
	s2 =	simm.s32 @!p0 $0x1C03  }
0x125: {  	[timem:s3], [sflag:s2] =	dma.local @!p0 [hbm:s0], s1  }
0x126: {  	s0 =	simm.s32 @!p0 $0x3  }
0x127: {  	_ =	swait.ge @!p0 [sflag:s0], s1  }
0x128: {  	s1 =	ssub.s32 @!p0 $0x0, s1;
	[sflag:s0] =	ssyncset.done @!p0 $0x0  }
0x129: {  	[sflag:s0] =	ssyncadd.s32 @!p0 s1  }
0x12a: {  	[bflag:$0x3] =	sbarrier.arrive $0xFFFF  }
0x12b: {  	_ =	shalt  }

// kernel: kernel.8.cloned.1.call-start
scs
__scs_entry_jumppad:
0x0: {  	(pc) =	sbr.rel $0x88, $3  }
0x1: {  	(tag) =	ssettag $0x0;
	lr =	simm.s32 $0x1  }
0x2: {  	[smem:$0x3F96] =	sst lr;
	_ =	strace $0xD0000000  }
0x3: {  	_ = 	snop  }
0x4: {  	_ = 	snop  }
0x5: {  	_ = 	snop  }
0x6: {  	_ = 	snop  }
0x7: {  	_ = 	snop  }
__scs_overlays_trampoline_lowered:
0x8: {  	[smem:$0x3FA5] =	sst s0  }
0x9: {  	[smem:$0x3FA6] =	sst s1  }
0xa: {  	[smem:$0x3FA7] =	sst s2  }
0xb: {  	[smem:$0x3FA8] =	sst s3  }
0xc: {  	[smem:$0x3FA9] =	sst s4  }
0xd: {  	[smem:$0x3FAA] =	sst s5  }
0xe: {  	[smem:$0x3FAB] =	sst s6  }
0xf: {  	[smem:$0x3FAC] =	sst s7  }
0x10: {  	[smem:$0x3FAD] =	sst s8  }
0x11: {  	[smem:$0x3FAE] =	sst s9;
	s0 =	simm.s32 @!p0 $0x0  }
0x12: {  	s1 =	sld [smem:$0x3F94];
	s0 =	simm.s32 @p0 $0x1  }
0x13: {  	[smem:$0x3FAF] =	sst s0;
	s0 =	simm.s32 @!p1 $0x0  }
0x14: {  	s2 =	sld [smem:$0x3F93];
	s0 =	simm.s32 @p1 $0x1  }
0x15: {  	[smem:$0x3FB0] =	sst s0;
	s0 =	simm.s32 @!p2 $0x0  }
0x16: {  	s3 =	sld [smem:$0x3FDB];
	s0 =	simm.s32 @p2 $0x1  }
0x17: {  	s4 =	simm.s32 $0x1BF5;
	[smem:$0x3FB2] =	sst s0  }
0x18: {  	s0 =	sld [smem:$0x3F95];
	_ =	swait.ge [sflag:s4], $0x0  }
0x19: {  	s7 =	sld [smem:$0x3F96]  }
0x1a: {  	s8 =	sadd.s32 $0xFFFFE003, lr  }
0x1b: {  	s9 =	sadd.s32 $0xFFFFFEF7, lr;
	s5 =	simm.s32 $0xFFFFFFFF;
	p2 =	slt.u32 s8, $0xFFFFF086  }
0x1c: {  	p1 =	slt.u32 s9, $0xF7A;
	s5 =	simm.s32 @!p2 $0x0  }
0x1d: {  	s5 =	simm.s32 @p1 $0x1;
	p0 =	seq.s32 s7, s2  }
0x1e: {  	s7 =	smul.u32 @!p0 $0xF7A, s2;
	p2 =	seq.s32 @!p0 s5, $0x0  }
0x1f: {  	s9 =	smul.u32 $0xF7A, s1;
	s8 =	simm.s32 @!p0 $0x1BF5;
	p2 =	por !p2, p0  }
0x20: {  	[sflag:s8] =	ssyncset.s32 @!p0 $0xFFFFF086;
	s6 =	sadd.s32 @!p0 s3, s7;
	s7 =	simm.s32 @!p0 $0x108  }
0x21: {  	s3 =	sadd.s32 s3, s9;
	s6 =	sadd.s32 @!p0 $0x88, s6;
	s7 =	simm.s32 @p2 $0x1082  }
0x22: {  	[simem:s7], [sflag:s8] =	dma.local @!p0 [hbm:s6], $0xF7A  }
0x23: {  	s9 =	sor.u32 $0xD0000000, s2;
	s6 =	simm.s32 $0x108;
	_ =	swait.ge @!p0 [sflag:s8], $0x0  }
0x24: {  	s3 =	sadd.s32 $0x88, s3;
	s6 =	simm.s32 @!p1 $0x1082;
	[sflag:s4] =	ssyncset.s32 $0xFFFFF086  }
0x25: {  	[simem:s6], [sflag:s4] =	dma.local [hbm:s3], $0xF7A  }
0x26: {  	[smem:$0x3F96] =	sst s1;
	(tag) =	ssettag s2;
	_ =	strace s9  }
0x27: {  	s1 =	sld [smem:$0x3FA6]  }
0x28: {  	s2 =	sld [smem:$0x3FA7]  }
0x29: {  	s4 =	sld [smem:$0x3FA9]  }
0x2a: {  	p0 =	seq.s32 s5, $0x0;
	s5 =	sld [smem:$0x3FAA]  }
0x2b: {  	s6 =	sld [smem:$0x3FAB]  }
0x2c: {  	s7 =	sld [smem:$0x3FAC]  }
0x2d: {  	s3 =	simm.s32 $0x108;
	s8 =	sld [smem:$0x3FAD]  }
0x2e: {  	s3 =	simm.s32 @!p0 $0x1082;
	s9 =	sld [smem:$0x3FAE]  }
0x2f: {  	lr =	sadd.s32 s0, s3;
	s0 =	sld [smem:$0x3FA5]  }
0x30: {  	s3 =	sld [smem:$0x3FA8]  }
0x31: {  	[smem:$0x3FB1] =	sst s10  }
0x32: {  	s10 =	sld [smem:$0x3FAF];
	_ =	sdelay $0x3  }
0x33: {  	p0 =	seq.s32 s10, $0x1;
	s10 =	sld [smem:$0x3FB1];
	_ =	sdelay $0x3  }
0x34: {  	[smem:$0x3FB1] =	sst s10  }
0x35: {  	s10 =	sld [smem:$0x3FB0];
	_ =	sdelay $0x3  }
0x36: {  	p1 =	seq.s32 s10, $0x1;
	s10 =	sld [smem:$0x3FB1];
	_ =	sdelay $0x3  }
0x37: {  	[smem:$0x3FB1] =	sst s10  }
0x38: {  	s10 =	sld [smem:$0x3FB2]  }
0x39: {  	_ = 	snop;
	(pc) =	sbr.ind lr, $3  }
0x3a: {  	_ = 	snop  }
0x3b: {  	_ = 	snop  }
0x3c: {  	p2 =	seq.s32 s10, $0x1;
	s10 =	sld [smem:$0x3FB1]  }
0x3d: {  	_ =	shalt  }
0x3e: {  	_ =	shalt  }
0x3f: {  	_ =	shalt  }
0x40: {  	_ =	shalt  }
0x41: {  	_ =	shalt  }
0x42: {  	_ =	shalt  }
0x43: {  	_ =	shalt  }
0x44: {  	_ =	shalt  }
0x45: {  	_ =	shalt  }
0x46: {  	_ =	shalt  }
0x47: {  	_ =	shalt  }
0x48: {  	_ =	shalt  }
0x49: {  	_ =	shalt  }
0x4a: {  	_ =	shalt  }
0x4b: {  	_ =	shalt  }
0x4c: {  	_ =	shalt  }
0x4d: {  	_ =	shalt  }
0x4e: {  	_ =	shalt  }
0x4f: {  	_ =	shalt  }
0x50: {  	_ =	shalt  }
0x51: {  	_ =	shalt  }
0x52: {  	_ =	shalt  }
0x53: {  	_ =	shalt  }
0x54: {  	_ =	shalt  }
0x55: {  	_ =	shalt  }
0x56: {  	_ =	shalt  }
0x57: {  	_ =	shalt  }
0x58: {  	_ =	shalt  }
0x59: {  	_ =	shalt  }
0x5a: {  	_ =	shalt  }
0x5b: {  	_ =	shalt  }
0x5c: {  	_ =	shalt  }
0x5d: {  	_ =	shalt  }
0x5e: {  	_ =	shalt  }
0x5f: {  	_ =	shalt  }
0x60: {  	_ =	shalt  }
0x61: {  	_ =	shalt  }
0x62: {  	_ =	shalt  }
0x63: {  	_ =	shalt  }
0x64: {  	_ =	shalt  }
0x65: {  	_ =	shalt  }
0x66: {  	_ =	shalt  }
0x67: {  	_ =	shalt  }
0x68: {  	_ =	shalt  }
0x69: {  	_ =	shalt  }
0x6a: {  	_ =	shalt  }
0x6b: {  	_ =	shalt  }
0x6c: {  	_ =	shalt  }
0x6d: {  	_ =	shalt  }
0x6e: {  	_ =	shalt  }
0x6f: {  	_ =	shalt  }
0x70: {  	_ =	shalt  }
0x71: {  	_ =	shalt  }
0x72: {  	_ =	shalt  }
0x73: {  	_ =	shalt  }
0x74: {  	_ =	shalt  }
0x75: {  	_ =	shalt  }
0x76: {  	_ =	shalt  }
0x77: {  	_ =	shalt  }
0x78: {  	_ =	shalt  }
0x79: {  	_ =	shalt  }
0x7a: {  	_ =	shalt  }
0x7b: {  	_ =	shalt  }
0x7c: {  	_ =	shalt  }
0x7d: {  	_ =	shalt  }
0x7e: {  	_ =	shalt  }
0x7f: {  	_ =	shalt  }
0x80: {  	_ =	shalt  }
0x81: {  	_ =	shalt  }
0x82: {  	_ =	shalt  }
0x83: {  	_ =	shalt  }
0x84: {  	_ =	shalt  }
0x85: {  	_ =	shalt  }
0x86: {  	_ =	shalt  }
0x87: {  	_ =	shalt  }
.Lfunc_end0:
.L_simem_size_0:
called_computation_lowered:
.L_overlay_start_0:
0x88: {  	s2 =	sld [smem:$0x3FD9]  }
0x89: {  	s3 =	sld [smem:$0x3FFE];
	_ =	sdelay $0x1  }
0x8a: {  	s1 =	srdreg.scid  }
0x8b: {  	s0 =	sand.u32 $0x1, s1  }
0x8c: {  	s17 =	sshll.u32 s0, $0xA;
	s2 =	sadd.s32 s3, s2  }
0x8d: {  	s2 =	sadd.s32 s2, s17  }
0x8e: {  	[smem:$0x3FBD] =	sst s2  }
0x8f: {  	_ = 	snop  }
0x90: {  	s2 =	sld [smem:$0x3FD0];
	(tm) =	ssettm $0x1  }
0x91: {  	s18 =	sld [smem:$0x3FFB];
	_ =	sdelay $0x3  }
0x92: {  	_ =	strace s18  }
0x93: {  	s3 =	sld [smem:$0x3FFC];
	_ =	sdelay $0x3  }
0x94: {  	_ =	strace s3  }
0x95: {  	s3 =	sld [smem:$0x3FFD];
	_ =	sdelay $0x3  }
0x96: {  	_ =	strace s3  }
0x97: {  	_ =	strace $0x8FFFFFFF  }
0x98: {  	s19 =	sld [smem:$0x3FDB];
	_ =	sdelay $0x1  }
0x99: {  	s4 =	simm.s32 $_scs_section_size  }
0x9a: {  	s5 =	simm.s32 $_size__tile_overlayer_lowered;
	s6 =	simm.s32 $_tile_overlayer_lowered  }
0x9b: {  	s22 =	simm.s32 $0x1BFF;
	s21 =	sshll.u32 s6, $0x1;
	s3 =	sadd.s32 s4, s19  }
0x9c: {  	s7 =	simm.s32 $0x0;
	s20 =	sshll.u32 s5, $0x1;
	s5 =	sadd.s32 s21, s3  }
0x9d: {  	[timem:s7], [sflag:s22] =	dma.local [hbm:s5], s20  }
0x9e: {  	_ =	swait.ge [sflag:s22], s20  }
0x9f: {  	s4 =	ssub.s32 $0x0, s20;
	[sflag:s22] =	ssyncset.done $0x0  }
0xa0: {  	[sflag:s22] =	ssyncadd.s32 s4;
	_ =	sdelay $0x1  }
0xa1: {  	s23 =	simm.s32 $0x1B8B  }
0xa2: {  	_ =	swait.ge [sflag:s23], $0x1  }
0xa3: {  	[sflag:s23] =	ssyncset.done $0x0  }
0xa4: {  	s25 =	simm.s32 $0x1B8E;
	s24 =	sld [smem:$0x3FFE];
	[sflag:s23] =	ssyncadd.s32 $0xFFFFFFFF  }
0xa5: {  	s26 =	simm.s32 $execute0_lowered;
	[smem:$0x3FD2] =	sst s25  }
0xa6: {  	s5 =	sshll.u32 s26, $0x1;
	_ =	strace $0x80000046;
	[dreg:$0x1] =	wrdreg $0xFFFFFFFF  }
0xa7: {  	s28 =	simm.s32 $_size_execute0_lowered;
	s3 =	sadd.s32 s3, s5;
	[dreg:$0x0] =	wrdreg $0x0  }
0xa8: {  	s5 =	sshll.u32 s28, $0x1;
	[dreg:$0x2] =	wrdreg s3  }
0xa9: {  	[dreg:$0x3] =	wrdreg s5  }
0xaa: {  	[dreg:$0x4] =	wrdreg $0xC0  }
0xab: {  	_ =	task [dreg:s7], $0x5FFFF  }
0xac: {  	[dreg:$0x1] =	wrdreg $0xFFFFFFFF  }
0xad: {  	[dreg:$0x0] =	wrdreg $0x60  }
0xae: {  	[dreg:$0x2] =	wrdreg s2  }
0xaf: {  	[dreg:$0x3] =	wrdreg s24  }
0xb0: {  	[dreg:$0x4] =	wrdreg $0x41000  }
0xb1: {  	[dreg:$0x5] =	wrdreg $0x9  }
0xb2: {  	_ =	task.clear_ibuf [dreg:s7], $0x6FFFF;
	_ =	strace $0x90000046  }
0xb3: {  	s29 =	simm.s32 $0x9;
	_ =	strace $0x80000048  }
0xb4: {  	_ =	swait.ge [sflag:s29], $0x1  }
0xb5: {  	[sflag:s29] =	ssyncadd.s32 $0xFFFFFFFF  }
0xb6: {  	_ =	strace $0x90000048  }
0xb7: {  	_ =	sfence  }
0xb8: {  	s30 =	sld [smem:$0x0];
	_ =	sdelay $0x2  }
0xb9: {  	s31 =	sshll.u32 s1, $0xD;
	s1 =	sshrl.u32 s1, $0x2  }
0xba: {  	s3 =	sand.u32 $0x4000, s31;
	s1 =	sadd.s32 s1, s30  }
0xbb: {  	s0 =	sor.u32 s3, s0;
	s1 =	sshll.u32 s1, $0x11  }
0xbc: {  	s0 =	sor.u32 s1, s0  }
0xbd: {  	s0 =	sadd.s32 $0x8F2B, s0  }
0xbe: {  	[sflag:s0] =	ssyncadd.remote.s32 $0x1  }
0xbf: {  	_ =	sfence.sel $0xFFFF  }
0xc0: {  	[dreg:$0x0] =	wrdreg $0xFFFFFFFF;
	(pc) =	sbr.abs _section_cstart, $3  }
0xc1: {  	[dreg:$0x1] =	wrdreg $0xFFFFFFFF  }
0xc2: {  	_ =	task.clear_ibuf [dreg:s7], $0x2FFFF;
	_ =	strace $0x9FFFFFFF  }
0xc3: {  	(tm) =	ssettm $0x7FFFFFFF  }
tec
execute0_lowered:
.L_overlay_start_1:
0x0: {  	(tag) =	ssettag $0x1  }
0x1: {  	s12 =	rddreg [dreg:$0x0]  }
0x2: {  	s9 =	rddreg [dreg:$0x1]  }
0x3: {  	s1 =	srdreg.scid;
	s0 =	stileid.u32  }
0x4: {  	s2 =	rddreg [dreg:$0x2];
	s3 =	simm.s32 $0x0;
	s18 =	simm.s32 $0x100  }
0x5: {  	s19 =	simm.s32 $0x80;
	s20 =	simm.s32 $0x0;
	s5 =	smul.u32 $0x13C00, s0  }
0x6: {  	s4 =	sand.u32 $0x1, s1;
	s1 =	rddreg [dreg:$0x3];
	s8 =	smul.u32 $0x4F000, s0  }
0x7: {  	[smem:$0x7FF] =	sst s3;
	s30 =	sshll.u32 s0, $0x6;
	s13 =	smul.u32 $0x4F00, s4  }
0x8: {  	s17 =	sshll.u32 s0, $0x4;
	s7 =	smul.u32 $0x13C000, s4;
	_ =	strace $0x80000047  }
0x9: {  	s28 =	ssub.s32 $0x2, s4;
	s4 =	sadd.s32 $0x20000, s9;
	s6 =	sshrl.u32 s5, $0x3  }
0xa: {  	s10 =	sshrl.u32 s28, $0x1;
	s29 =	sshrl.u32 s8, $0x2;
	s8 =	sadd.s32 $0x21000, s9  }
0xb: {  	s14 =	sadd.s32 s13, s9;
	s6 =	sadd.s32 s6, s9;
	s5 =	sadd.s32 s5, s7  }
0xc: {  	s15 =	ssub.s32 s28, s10;
	s16 =	sadd.s32 s29, s2;
	s7 =	sadd.s32 $0x20800, s9  }
0xd: {  	s12 =	sadd.s32 s13, s12;
	s5 =	sshrl.u32 s5, $0x3;
	s31 =	sadd.s32 s17, s14  }
0xe: {  	s12 =	sadd.s32 s17, s12;
	s16 =	sshrl.u32 s16, $0x3;
	s17 =	simm.s32 $0x1  }
0xf: {  	s11 =	sadd.s32 s5, s9;
	s5 =	sadd.s32 $0x22000, s6;
	s6 =	sor.u32 $0x1C01, s30  }
0x10: {  	s9 =	sadd.s32 $0x21800, s9;
	s13 =	sadd.s32 $0x2600, s31;
	s14 =	sadd.s32 $0x16200, s31  }
0x11: {  	s10 =	sadd.s32 $0x49800, s11;
	s11 =	smax.u32 s15, $0x1;
	s15 =	sadd.s32 $0xC400, s31  }
.LBB2_1:
0x12: {  	[spmem:s16], [sflag:s6] =	dma.local [hbm:s5], $0x2780  }
0x13: {  	_ =	swait.ge [sflag:s17], $0x2780  }
0x14: {  	[sflag:s17] =	ssyncset.done $0x0  }
0x15: {  	[sflag:s17] =	ssyncadd.s32 $0xFFFFD880  }
0x16: {  	[bflag:$0x0] =	sbarrier.arrive $0xFFFF  }
0x17: {  	[tilespmem:s18], [sflag:$0x1] =	stream.linear.gather [hbm4b:s4+s3], $0x4000, $0x38;
	[tilespmem:$0x17D00] =	vst v63  }
0x18: {  	_ =	swait.ge [sflag:s17], $0x4000  }
0x19: {  	[sflag:s17] =	ssyncset.done $0x0  }
0x1a: {  	s21 =	sadd.s32 $0x0, s12;
	[sflag:s17] =	ssyncadd.s32 $0xFFFFC000  }
0x1b: {  	[tilespmem:s3], [sflag:$0x1] =	stream.linear.gather [hbm4b:s21+s3], $0x80, $0x38;
	[tilespmem:$0x17D00] =	vst v63  }
0x1c: {  	_ =	swait.ge [sflag:s17], $0x80  }
0x1d: {  	[sflag:s17] =	ssyncset.done $0x0  }
0x1e: {  	[sflag:s17] =	ssyncadd.s32 $0xFFFFFF80  }
0x1f: {  	[spmem:s2] =	stream.indirect.scatter.add.f32 [tilespmem:s18], [sflag:$0x1], $0x80, s3, s19, $0xb8;
	[tilespmem:$0x17D00] =	vst v63  }
0x20: {  	_ =	swait.ge [sflag:s17], $0x4000  }
0x21: {  	s22 =	simm.s32 $0x200;
	s21 =	simm.s32 $0x100;
	[sflag:s17] =	ssyncset.done $0x0  }
.LBB2_2:
0x22: {  	s23 =	sadd.s32 s21, s12  }
0x23: {  	[sflag:s17] =	ssyncadd.s32 $0xFFFFC000;
	s21 =	smov.u32 s22;
	s24 =	sadd.s32 $0x100, s22  }
0x24: {  	[tilespmem:s3], [sflag:$0x1] =	stream.linear.gather [hbm4b:s23+s3], $0x80, $0x38;
	[tilespmem:$0x17D00] =	vst v63  }
0x25: {  	p0 =	sne.s32 s22, $0x4E00;
	_ =	swait.ge [sflag:s17], $0x80  }
.Ltmp0:
0x26: {  	[sflag:s17] =	ssyncset.done $0x0;
	(pc) =	sbr.rel @p0 .LBB2_2-.Ltmp0, $4  }
0x27: {  	[sflag:s17] =	ssyncadd.s32 $0xFFFFFF80  }
0x28: {  	[spmem:s2] =	stream.indirect.scatter.add.f32 [tilespmem:s18], [sflag:$0x1], $0x80, s3, s19, $0xb8;
	[tilespmem:$0x17D00] =	vst v63  }
0x29: {  	_ =	swait.ge [sflag:s17], $0x4000  }
0x2a: {  	s22 =	smov.u32 s24;
	[sflag:s17] =	ssyncset.done $0x0  }
0x2b: {  	s21 =	sadd.s32 s21, s12;
	[sflag:s17] =	ssyncadd.s32 $0xFFFFC000  }
0x2c: {  	[tilespmem:s3], [sflag:$0x1] =	stream.linear.gather [hbm4b:s21+s3], $0x80, $0x38;
	[tilespmem:$0x17D00] =	vst v63  }
0x2d: {  	_ =	swait.ge [sflag:s17], $0x80  }
0x2e: {  	[sflag:s17] =	ssyncset.done $0x0  }
0x2f: {  	[sflag:s17] =	ssyncadd.s32 $0xFFFFFF80  }
0x30: {  	[spmem:s2] =	stream.indirect.scatter.add.f32 [tilespmem:s18], [sflag:$0x1], $0x80, s3, s19, $0xb8;
	[tilespmem:$0x17D00] =	vst v63  }
0x31: {  	_ =	swait.ge [sflag:s17], $0x4000  }
0x32: {  	[sflag:s17] =	ssyncset.done $0x0  }
0x33: {  	s30 =	simm.s32 $0x0;
	[sflag:s17] =	ssyncadd.s32 $0xFFFFC000  }
0x34: {  	[tilespmem:s18], [sflag:$0x1] =	stream.linear.gather [hbm4b:s7+s30], $0x4000, $0x38;
	[tilespmem:$0x17D00] =	vst v63  }
0x35: {  	_ =	swait.ge [sflag:s17], $0x4000  }
0x36: {  	[sflag:s17] =	ssyncset.done $0x0  }
0x37: {  	s31 =	sadd.s32 $0x0, s13;
	[sflag:s17] =	ssyncadd.s32 $0xFFFFC000  }
0x38: {  	[tilespmem:s3], [sflag:$0x1] =	stream.linear.gather [hbm4b:s31+s3], $0x80, $0x38;
	[tilespmem:$0x17D00] =	vst v63  }
0x39: {  	_ =	swait.ge [sflag:s17], $0x80  }
0x3a: {  	[sflag:s17] =	ssyncset.done $0x0  }
0x3b: {  	[sflag:s17] =	ssyncadd.s32 $0xFFFFFF80  }
0x3c: {  	[spmem:s2] =	stream.indirect.scatter.add.f32 [tilespmem:s18], [sflag:$0x1], $0x80, s3, s19, $0xb8;
	[tilespmem:$0x17D00] =	vst v63  }
0x3d: {  	_ =	swait.ge [sflag:s17], $0x4000  }
0x3e: {  	s22 =	simm.s32 $0x200;
	s21 =	simm.s32 $0x100;
	[sflag:s17] =	ssyncset.done $0x0  }
.LBB2_4:
0x3f: {  	s23 =	sadd.s32 s21, s13  }
0x40: {  	[sflag:s17] =	ssyncadd.s32 $0xFFFFC000;
	s21 =	smov.u32 s22;
	s24 =	sadd.s32 $0x100, s22  }
0x41: {  	[tilespmem:s3], [sflag:$0x1] =	stream.linear.gather [hbm4b:s23+s3], $0x80, $0x38;
	[tilespmem:$0x17D00] =	vst v63  }
0x42: {  	p0 =	sne.s32 s22, $0x4E00;
	_ =	swait.ge [sflag:s17], $0x80  }
.Ltmp1:
0x43: {  	[sflag:s17] =	ssyncset.done $0x0;
	(pc) =	sbr.rel @p0 .LBB2_4-.Ltmp1, $4  }
0x44: {  	[sflag:s17] =	ssyncadd.s32 $0xFFFFFF80  }
0x45: {  	[spmem:s2] =	stream.indirect.scatter.add.f32 [tilespmem:s18], [sflag:$0x1], $0x80, s3, s19, $0xb8;
	[tilespmem:$0x17D00] =	vst v63  }
0x46: {  	_ =	swait.ge [sflag:s17], $0x4000  }
0x47: {  	s22 =	smov.u32 s24;
	[sflag:s17] =	ssyncset.done $0x0  }
0x48: {  	s21 =	sadd.s32 s21, s13;
	[sflag:s17] =	ssyncadd.s32 $0xFFFFC000  }
0x49: {  	[tilespmem:s3], [sflag:$0x1] =	stream.linear.gather [hbm4b:s21+s3], $0x80, $0x38;
	[tilespmem:$0x17D00] =	vst v63  }
0x4a: {  	_ =	swait.ge [sflag:s17], $0x80  }
0x4b: {  	[sflag:s17] =	ssyncset.done $0x0  }
0x4c: {  	[sflag:s17] =	ssyncadd.s32 $0xFFFFFF80  }
0x4d: {  	[spmem:s2] =	stream.indirect.scatter.add.f32 [tilespmem:s18], [sflag:$0x1], $0x80, s3, s19, $0xb8;
	[tilespmem:$0x17D00] =	vst v63  }
0x4e: {  	_ =	swait.ge [sflag:s17], $0x4000  }
0x4f: {  	[sflag:s17] =	ssyncset.done $0x0  }
0x50: {  	s30 =	simm.s32 $0x0;
	[sflag:s17] =	ssyncadd.s32 $0xFFFFC000  }
0x51: {  	[tilespmem:s18], [sflag:$0x1] =	stream.linear.gather [hbm4b:s8+s30], $0x4000, $0x38;
	[tilespmem:$0x17D00] =	vst v63  }
0x52: {  	_ =	swait.ge [sflag:s17], $0x4000  }
0x53: {  	[sflag:s17] =	ssyncset.done $0x0  }
0x54: {  	s31 =	sadd.s32 $0x0, s14;
	[sflag:s17] =	ssyncadd.s32 $0xFFFFC000  }
0x55: {  	[tilespmem:s3], [sflag:$0x1] =	stream.linear.gather [hbm4b:s31+s3], $0x80, $0x38;
	[tilespmem:$0x17D00] =	vst v63  }
0x56: {  	_ =	swait.ge [sflag:s17], $0x80  }
0x57: {  	[sflag:s17] =	ssyncset.done $0x0  }
0x58: {  	[sflag:s17] =	ssyncadd.s32 $0xFFFFFF80  }
0x59: {  	[spmem:s2] =	stream.indirect.scatter.add.f32 [tilespmem:s18], [sflag:$0x1], $0x80, s3, s19, $0xb8;
	[tilespmem:$0x17D00] =	vst v63  }
0x5a: {  	_ =	swait.ge [sflag:s17], $0x4000  }
0x5b: {  	s22 =	simm.s32 $0x200;
	s21 =	simm.s32 $0x100;
	[sflag:s17] =	ssyncset.done $0x0  }
.LBB2_6:
0x5c: {  	s23 =	sadd.s32 s21, s14  }
0x5d: {  	[sflag:s17] =	ssyncadd.s32 $0xFFFFC000;
	s21 =	smov.u32 s22;
	s24 =	sadd.s32 $0x100, s22  }
0x5e: {  	[tilespmem:s3], [sflag:$0x1] =	stream.linear.gather [hbm4b:s23+s3], $0x80, $0x38;
	[tilespmem:$0x17D00] =	vst v63  }
0x5f: {  	p0 =	sne.s32 s22, $0x4E00;
	_ =	swait.ge [sflag:s17], $0x80  }
.Ltmp2:
0x60: {  	[sflag:s17] =	ssyncset.done $0x0;
	(pc) =	sbr.rel @p0 .LBB2_6-.Ltmp2, $4  }
0x61: {  	[sflag:s17] =	ssyncadd.s32 $0xFFFFFF80  }
0x62: {  	[spmem:s2] =	stream.indirect.scatter.add.f32 [tilespmem:s18], [sflag:$0x1], $0x80, s3, s19, $0xb8;
	[tilespmem:$0x17D00] =	vst v63  }
0x63: {  	_ =	swait.ge [sflag:s17], $0x4000  }
0x64: {  	s22 =	smov.u32 s24;
	[sflag:s17] =	ssyncset.done $0x0  }
0x65: {  	s21 =	sadd.s32 s21, s14;
	[sflag:s17] =	ssyncadd.s32 $0xFFFFC000  }
0x66: {  	[tilespmem:s3], [sflag:$0x1] =	stream.linear.gather [hbm4b:s21+s3], $0x80, $0x38;
	[tilespmem:$0x17D00] =	vst v63  }
0x67: {  	_ =	swait.ge [sflag:s17], $0x80  }
0x68: {  	[sflag:s17] =	ssyncset.done $0x0  }
0x69: {  	[sflag:s17] =	ssyncadd.s32 $0xFFFFFF80  }
0x6a: {  	[spmem:s2] =	stream.indirect.scatter.add.f32 [tilespmem:s18], [sflag:$0x1], $0x80, s3, s19, $0xb8;
	[tilespmem:$0x17D00] =	vst v63  }
0x6b: {  	_ =	swait.ge [sflag:s17], $0x4000  }
0x6c: {  	[sflag:s17] =	ssyncset.done $0x0  }
0x6d: {  	s30 =	simm.s32 $0x0;
	[sflag:s17] =	ssyncadd.s32 $0xFFFFC000  }
0x6e: {  	[tilespmem:s18], [sflag:$0x1] =	stream.linear.gather [hbm4b:s9+s30], $0x4000, $0x38;
	[tilespmem:$0x17D00] =	vst v63  }
0x6f: {  	_ =	swait.ge [sflag:s17], $0x4000  }
0x70: {  	[sflag:s17] =	ssyncset.done $0x0  }
0x71: {  	s31 =	sadd.s32 $0x0, s15;
	[sflag:s17] =	ssyncadd.s32 $0xFFFFC000  }
0x72: {  	[tilespmem:s3], [sflag:$0x1] =	stream.linear.gather [hbm4b:s31+s3], $0x80, $0x38;
	[tilespmem:$0x17D00] =	vst v63  }
0x73: {  	_ =	swait.ge [sflag:s17], $0x80  }
0x74: {  	[sflag:s17] =	ssyncset.done $0x0  }
0x75: {  	[sflag:s17] =	ssyncadd.s32 $0xFFFFFF80  }
0x76: {  	[spmem:s2] =	stream.indirect.scatter.add.f32 [tilespmem:s18], [sflag:$0x1], $0x80, s3, s19, $0xb8;
	[tilespmem:$0x17D00] =	vst v63  }
0x77: {  	_ =	swait.ge [sflag:s17], $0x4000  }
0x78: {  	s22 =	simm.s32 $0x200;
	s21 =	simm.s32 $0x100;
	[sflag:s17] =	ssyncset.done $0x0  }
.LBB2_8:
0x79: {  	s23 =	sadd.s32 s21, s15  }
0x7a: {  	[sflag:s17] =	ssyncadd.s32 $0xFFFFC000;
	s21 =	smov.u32 s22;
	s24 =	sadd.s32 $0x100, s22  }
0x7b: {  	[tilespmem:s3], [sflag:$0x1] =	stream.linear.gather [hbm4b:s23+s3], $0x80, $0x38;
	[tilespmem:$0x17D00] =	vst v63  }
0x7c: {  	p0 =	sne.s32 s22, $0x4E00;
	_ =	swait.ge [sflag:s17], $0x80  }
.Ltmp3:
0x7d: {  	[sflag:s17] =	ssyncset.done $0x0;
	(pc) =	sbr.rel @p0 .LBB2_8-.Ltmp3, $4  }
0x7e: {  	[sflag:s17] =	ssyncadd.s32 $0xFFFFFF80  }
0x7f: {  	[spmem:s2] =	stream.indirect.scatter.add.f32 [tilespmem:s18], [sflag:$0x1], $0x80, s3, s19, $0xb8;
	[tilespmem:$0x17D00] =	vst v63  }
0x80: {  	_ =	swait.ge [sflag:s17], $0x4000  }
0x81: {  	s22 =	smov.u32 s24;
	[sflag:s17] =	ssyncset.done $0x0  }
0x82: {  	s21 =	sadd.s32 s21, s15;
	[sflag:s17] =	ssyncadd.s32 $0xFFFFC000  }
0x83: {  	[tilespmem:s3], [sflag:$0x1] =	stream.linear.gather [hbm4b:s21+s3], $0x80, $0x38;
	[tilespmem:$0x17D00] =	vst v63  }
0x84: {  	_ =	swait.ge [sflag:s17], $0x80  }
0x85: {  	[sflag:s17] =	ssyncset.done $0x0  }
0x86: {  	[sflag:s17] =	ssyncadd.s32 $0xFFFFFF80  }
0x87: {  	[spmem:s2] =	stream.indirect.scatter.add.f32 [tilespmem:s18], [sflag:$0x1], $0x80, s3, s19, $0xb8;
	[tilespmem:$0x17D00] =	vst v63  }
0x88: {  	_ =	swait.ge [sflag:s17], $0x4000  }
0x89: {  	s20 =	sadd.s32 $0x1, s20;
	[sflag:s17] =	ssyncset.done $0x0  }
0x8a: {  	p0 =	sne.s32 s20, s11;
	[sflag:s17] =	ssyncadd.s32 $0xFFFFC000  }
.Ltmp4:
0x8b: {  	[bflag:$0x0] =	sbarrier.arrive $0xFFFF;
	(pc) =	sbr.rel @p0 .LBB2_1-.Ltmp4, $4  }
0x8c: {  	[hbm:s10], [sflag:s6] =	dma.local [spmem:s16], $0x2780  }
0x8d: {  	_ =	swait.ge [sflag:s17], $0x2780  }
0x8e: {  	[sflag:s17] =	ssyncset.done $0x0  }
0x8f: {  	[sflag:s17] =	ssyncadd.s32 $0xFFFFD880  }
0x90: {  	_ =	sfence.sel $0x180000  }
0x91: {  	[bflag:$0x0] =	sbarrier.arrive $0xFFFF  }
0x92: {  	p0 =	sne.s32 s0, $0x0;
	_ =	strace $0x90000047  }
0x93: {  	s0 =	sadd.s32 @!p0 $0x100000, s1;
	[bflag:$0x2] =	sbarrier.arrive $0xFFFF  }
0x94: {  	[sflag:s0] =	ssyncadd.tile.s32 @!p0 $0x1;
	_ =	shalt  }
.Lfunc_end2:
_tile_overlayer_lowered:
.L_overlay_start_2:
0x95: {  	(tag) =	ssettag $0x2  }
0x96: {  	s0 =	rddreg [dreg:$0x0];
	s2 =	stileid.u32  }
0x97: {  	s1 =	rddreg [dreg:$0x1];
	p0 =	sne.s32 s2, $0x0  }
0x98: {  	s3 =	rddreg [dreg:$0x2];
	[bflag:$0x3] =	sbarrier.arrive $0xFFFF;
	s2 =	simm.s32 @!p0 $0x1C01  }
0x99: {  	[timem:s3], [sflag:s2] =	dma.local @!p0 [hbm:s0], s1  }
0x9a: {  	s0 =	simm.s32 @!p0 $0x1  }
0x9b: {  	_ =	swait.ge @!p0 [sflag:s0], s1  }
0x9c: {  	s1 =	ssub.s32 @!p0 $0x0, s1;
	[sflag:s0] =	ssyncset.done @!p0 $0x0  }
0x9d: {  	[sflag:s0] =	ssyncadd.s32 @!p0 s1  }
0x9e: {  	[bflag:$0x3] =	sbarrier.arrive $0xFFFF  }
0x9f: {  	_ =	shalt  }

</sc_bundles>
